<compile_context>
chip_gen: v7x
topology: tpu7x:2x2x1
jax: 0.10.2.dev20260603
libtpu: 0.0.44.dev20260713+nightly
codegen_flags: <defaults>
</compile_context>

<pallas_src>
import functools

import jax
import jax.numpy as jnp
from jax import lax
from jax.experimental import pallas as pl
from jax.experimental.pallas import tpu as pltpu
from jax.experimental.pallas import tpu_sc as plsc

_NC = 2
_NS = 16
_NW = _NC * _NS
_CH = 128
_SPLIT0 = 0.5


@functools.lru_cache(maxsize=None)
def _make_sc_agg(sr, nch0, nch1, d):
    assert nch0 % 2 == 0 and nch1 % 2 == 0
    nchm = max(nch0, nch1)
    zc = sr // _NS // _CH
    mesh = plsc.VectorSubcoreMesh(core_axis_name="c", subcore_axis_name="s", num_cores=_NC, num_subcores=_NS)

    out_type = jax.ShapeDtypeStruct((_NC, sr, d), jnp.float32)
    scratch = [
        pltpu.VMEM((nchm, _CH), jnp.int32),
        [pltpu.VMEM((1, _CH), jnp.int32)] * 2,
        [pltpu.VMEM((_CH, d), jnp.float32)] * 2,
        pltpu.VMEM_SHARED((sr, d), jnp.float32),
        [pltpu.SemaphoreType.DMA] * 2,
        [pltpu.SemaphoreType.DMA] * 2,
    ]

    def body(h_hbm, src_hbm, dst_hbm, z_hbm, agg_out,
             src_v, dstb, rows, agg_sh, sem_d, sem_r):
        cid = lax.axis_index("c")
        sid = lax.axis_index("s")
        wid = cid * _NS + sid
        gbound = jnp.where(cid == 0, nch0 // 2, nch1 // 2)

        pltpu.sync_copy(src_hbm.at[wid], src_v)
        pltpu.sync_copy(z_hbm, rows[0])
        for k in range(zc):
            pltpu.sync_copy(rows[0], agg_sh.at[pl.ds((sid * zc + k) * _CH, _CH), :])
        plsc.subcore_barrier()

        pltpu.async_copy(h_hbm.at[src_v.at[0]], rows[0], sem_r[0])
        pltpu.async_copy(dst_hbm.at[wid, pl.ds(0, 1)], dstb[0], sem_d[0])
        pltpu.async_copy(dst_hbm.at[wid, pl.ds(1, 1)], dstb[1], sem_d[1])

        def wait_dst(p):
            pltpu.make_async_copy(dst_hbm.at[wid, pl.ds(0, 1)], dstb[p], sem_d[p]).wait()

        def wait_row(p):
            pltpu.make_async_copy(z_hbm, rows[p], sem_r[p]).wait()

        def pair(g, carry):
            for b in (0, 1):
                j = 2 * g + b
                p0, p1 = b, 1 - b
                if b == 0:
                    pltpu.async_copy(h_hbm.at[src_v.at[j + 1]], rows[p1], sem_r[p1])
                else:
                    @pl.when(g < gbound - 1)
                    def _():
                        pltpu.async_copy(h_hbm.at[src_v.at[j + 1]], rows[p1], sem_r[p1])
                wait_row(p0)
                wait_dst(p0)
                pltpu.sync_copy(rows[p0], agg_sh.at[dstb[p0].at[0]], add=True)
                @pl.when(g < gbound - 1)
                def _():
                    pltpu.async_copy(dst_hbm.at[wid, pl.ds(j + 2, 1)], dstb[p0], sem_d[p0])
            return carry

        lax.fori_loop(0, gbound, pair, 0)
        plsc.subcore_barrier()

        for k in range(zc):
            p = k % 2
            if k >= 2:
                pltpu.make_async_copy(z_hbm, rows[p], sem_r[p]).wait()
            r0 = (sid * zc + k) * _CH
            pltpu.sync_copy(agg_sh.at[pl.ds(r0, _CH), :], rows[p])
            pltpu.async_copy(rows[p], agg_out.at[cid, pl.ds(r0, _CH), :], sem_r[p])
        for k in range(max(zc - 2, 0), zc):
            pltpu.make_async_copy(z_hbm, rows[k % 2], sem_r[k % 2]).wait()

    return pl.kernel(body, out_type=out_type, mesh=mesh, scratch_types=scratch)


@functools.lru_cache(maxsize=None)
def _make_sc_deg(sr, nch0, nch1, d):
    zc = sr // _NS // _CH
    nchm = max(nch0, nch1)
    mesh = plsc.VectorSubcoreMesh(core_axis_name="c", subcore_axis_name="s", num_cores=_NC, num_subcores=_NS)

    out_type = jax.ShapeDtypeStruct((_NC, sr, d), jnp.float32)
    scratch = [
        pltpu.VMEM((nchm, _CH), jnp.int32),
        pltpu.VMEM((_CH, d), jnp.float32),
        pltpu.VMEM((_CH, d), jnp.float32),
        pltpu.VMEM_SHARED((sr, d), jnp.float32),
    ]

    def body(dst_hbm, z_hbm, ones_hbm, deg_out, dst_v, ones_v, zb_v, deg_sh):
        cid = lax.axis_index("c")
        sid = lax.axis_index("s")
        wid = cid * _NS + sid
        bound = jnp.where(cid == 0, nch0, nch1)

        pltpu.sync_copy(dst_hbm.at[wid], dst_v)
        pltpu.sync_copy(z_hbm, zb_v)
        for k in range(zc):
            pltpu.sync_copy(zb_v, deg_sh.at[pl.ds((sid * zc + k) * _CH, _CH), :])
        pltpu.sync_copy(ones_hbm, ones_v)
        plsc.subcore_barrier()

        def step(j, carry):
            pltpu.sync_copy(ones_v, deg_sh.at[dst_v.at[j]], add=True)
            return carry

        lax.fori_loop(0, bound, step, 0)
        plsc.subcore_barrier()

        for k in range(zc):
            r0 = (sid * zc + k) * _CH
            pltpu.sync_copy(deg_sh.at[pl.ds(r0, _CH), :], zb_v)
            pltpu.sync_copy(zb_v, deg_out.at[cid, pl.ds(r0, _CH), :])

    return pl.kernel(body, out_type=out_type, mesh=mesh, scratch_types=scratch)


_TC_PARAMS = pltpu.CompilerParams(vmem_limit_bytes=100 * 1024 * 1024)


def _emb(x, w, b):
    def body(x_ref, w_ref, b_ref, o_ref):
        o_ref[...] = (
            jnp.dot(x_ref[...], w_ref[...], preferred_element_type=jnp.float32)
            + b_ref[...]
        )

    return pl.pallas_call(
        body,
        out_shape=jax.ShapeDtypeStruct((x.shape[0], w.shape[1]), jnp.float32),
        compiler_params=_TC_PARAMS,
    )(x, w, b)


def _layer_math(h, ap_ref, dp_ref, ws, wn, bias, gam, bet, n):
    psum = ap_ref[0, :n, :] + ap_ref[1, :n, :]
    deg = jnp.maximum(dp_ref[0, :n, 0:1] + dp_ref[1, :n, 0:1], 1.0)
    agg = psum / deg
    hh = (
        jnp.dot(h, ws, preferred_element_type=jnp.float32)
        + jnp.dot(agg, wn, preferred_element_type=jnp.float32)
        + bias
    )
    mean = jnp.mean(hh, axis=0, keepdims=True)
    c = hh - mean
    var = jnp.mean(c * c, axis=0, keepdims=True)
    hh = gam * c * lax.rsqrt(var + 1e-5) + bet
    return h + jnp.maximum(hh, 0.0)


def _layer(h, agg_p, deg_p, ws, wn, bias, gam, bet):
    n = h.shape[0]

    def body(h_ref, ap_ref, dp_ref, ws_ref, wn_ref, b_ref, g_ref, be_ref, o_ref):
        o_ref[...] = _layer_math(
            h_ref[...], ap_ref, dp_ref, ws_ref[...], wn_ref[...],
            b_ref[...], g_ref[...], be_ref[...], n,
        )

    return pl.pallas_call(
        body,
        out_shape=jax.ShapeDtypeStruct(h.shape, jnp.float32),
        compiler_params=_TC_PARAMS,
    )(h, agg_p, deg_p, ws, wn, bias, gam, bet)


def _final(h, agg_p, deg_p, ws, wn, bias, gam, bet, batch2d, ng, mlp):
    n = h.shape[0]
    nc_out = mlp[2][0].shape[1]

    def body(h_ref, ap_ref, dp_ref, ws_ref, wn_ref, b_ref, g_ref, be_ref,
             batch_ref, w1_ref, b1_ref, w2_ref, b2_ref, w3_ref, b3_ref, o_ref):
        h4 = _layer_math(
            h_ref[...], ap_ref, dp_ref, ws_ref[...], wn_ref[...],
            b_ref[...], g_ref[...], be_ref[...], n,
        )
        groups = lax.broadcasted_iota(jnp.int32, (ng, n), 0)
        m = (batch_ref[...] == groups).astype(jnp.float32)
        g = jnp.dot(m, h4, preferred_element_type=jnp.float32)
        g = jnp.maximum(
            jnp.dot(g, w1_ref[...], preferred_element_type=jnp.float32)
            + b1_ref[...], 0.0)
        g = jnp.maximum(
            jnp.dot(g, w2_ref[...], preferred_element_type=jnp.float32)
            + b2_ref[...], 0.0)
        o_ref[...] = (
            jnp.dot(g, w3_ref[...], preferred_element_type=jnp.float32)
            + b3_ref[...]
        )

    return pl.pallas_call(
        body,
        out_shape=jax.ShapeDtypeStruct((ng, nc_out), jnp.float32),
        compiler_params=_TC_PARAMS,
    )(h, agg_p, deg_p, ws, wn, bias, gam, bet, batch2d,
      mlp[0][0], mlp[0][1].reshape(1, -1),
      mlp[1][0], mlp[1][1].reshape(1, -1),
      mlp[2][0], mlp[2][1].reshape(1, -1))


def kernel(x, edge_index, batch, params):
    n, _ = x.shape
    e = edge_index.shape[1]
    d = params["emb_W"].shape[1]
    ng = 64

    tch = -(-e // (_NS * 2 * _CH)) * 2
    nch0 = max(2, 2 * round(tch * _SPLIT0 / 2))
    nch1 = tch - nch0
    nchm = max(nch0, nch1)
    cap = _NS * (nch0 + nch1) * _CH
    epad = cap - e
    src = jnp.concatenate([edge_index[0], jnp.zeros((epad,), jnp.int32)])
    dst = jnp.concatenate([edge_index[1], jnp.full((epad,), n, jnp.int32)])
    e0 = _NS * nch0 * _CH

    def _chunked(a, lo, hi, c):
        a3 = a[lo:hi].reshape(_NS, c, _CH)
        if c < nchm:
            a3 = jnp.pad(a3, ((0, 0), (0, nchm - c), (0, 0)))
        return a3

    src3 = jnp.concatenate([_chunked(src, 0, e0, nch0),
                            _chunked(src, e0, cap, nch1)], axis=0)
    dst3 = jnp.concatenate([_chunked(dst, 0, e0, nch0),
                            _chunked(dst, e0, cap, nch1)], axis=0)

    sr = -(-(n + 1) // (_NS * _CH)) * (_NS * _CH)
    z128 = jnp.zeros((_CH, d), jnp.float32)
    ones128 = jnp.ones((_CH, d), jnp.float32)

    h = _emb(x, params["emb_W"], params["emb_b"].reshape(1, -1))

    sc = _make_sc_agg(sr, nch0, nch1, d)
    deg_p = _make_sc_deg(sr, nch0, nch1, d)(dst3, z128, ones128)
    batch2d = batch.reshape(1, n)

    out = None
    for li, lp in enumerate(params["layers"]):
        bias = (lp["b_self"] + lp["b_neigh"]).reshape(1, -1)
        gam = lp["gamma"].reshape(1, -1)
        bet = lp["beta"].reshape(1, -1)
        agg_p = sc(h, src3, dst3, z128)
        if li < len(params["layers"]) - 1:
            h = _layer(h, agg_p, deg_p, lp["W_self"], lp["W_neigh"], bias, gam, bet)
        else:
            out = _final(h, agg_p, deg_p, lp["W_self"], lp["W_neigh"], bias,
                         gam, bet, batch2d, ng, params["mlp"])
    return out

# --- scband reference (transcript-rebuilt; emitter-appended) ---
"""Pipeline reference for scband-sage-29781303231107 (READ-ONLY COPY).

The authoritative reference and input builder live on the scoring server;
editing this copy changes nothing except your own understanding.
"""

import jax, jax.numpy as jnp
import numpy as np

N = 10000
E = 320000
D_IN = 128
H = 128
OUT = 128
L = 4
NG = 64
NC = 40


def _lin(key, fan_in, fan_out):
    return jax.random.normal(key, (fan_in, fan_out), jnp.float32) * (1.0 / np.sqrt(fan_in))


def setup_inputs(seed: int = 0) -> dict:
    key = jax.random.key(seed)
    ks = jax.random.split(key, 40)
    x = jax.random.normal(ks[0], (N, D_IN), jnp.float32)
    edge_index = jax.random.randint(ks[1], (2, E), 0, N, dtype=jnp.int32)
    batch = jnp.sort(jax.random.randint(ks[2], (N,), 0, NG, dtype=jnp.int32))
    params = {
        "emb_W": _lin(ks[3], D_IN, H),
        "emb_b": jnp.zeros((H,), jnp.float32),
        "layers": [],
        "mlp": [],
    }
    dims = [H] * (L - 1) + [OUT]
    d_prev = H
    ki = 4
    for li in range(L):
        d_out = dims[li]
        lp = {
            "W_self": _lin(ks[ki], d_prev, d_out),
            "b_self": jnp.zeros((d_out,), jnp.float32),
            "W_neigh": _lin(ks[ki + 1], d_prev, d_out),
            "b_neigh": jnp.zeros((d_out,), jnp.float32),
            "gamma": jnp.ones((d_out,), jnp.float32),
            "beta": jnp.zeros((d_out,), jnp.float32),
        }
        ki += 2
        params["layers"].append(lp)
        d_prev = d_out
    # MLPReadout: OUT -> OUT//2 -> OUT//4 -> NC
    mlp_dims = [OUT, OUT // 2, OUT // 4, NC]
    for i in range(3):
        params["mlp"].append((_lin(ks[ki], mlp_dims[i], mlp_dims[i + 1]), jnp.zeros((mlp_dims[i + 1],), jnp.float32)))
        ki += 1
    return {"x": x, "edge_index": edge_index, "batch": batch, "params": params}


def _forward(x, params, edge_index, batch):
    h = x @ params["emb_W"] + params["emb_b"]
    # in_feat_dropout = 0.0 -> identity (eval)
    src = edge_index[0]
    dst = edge_index[1]
    deg = jax.ops.segment_sum(jnp.ones((E,), jnp.float32), dst, num_segments=N)
    deg = jnp.maximum(deg, 1.0)[:, None]
    for lp in params["layers"]:
        h_in = h
        agg = jax.ops.segment_sum(jnp.take(h, src, axis=0), dst, num_segments=N) / deg
        hh = h @ lp["W_self"] + lp["b_self"] + agg @ lp["W_neigh"] + lp["b_neigh"]
        mean = hh.mean(axis=0)
        var = hh.var(axis=0)
        hh = lp["gamma"] * (hh - mean) / jnp.sqrt(var + 1e-5) + lp["beta"]
        hh = jax.nn.relu(hh)
        h = h_in + hh  # residual (dims match: H == OUT == 128)
    # readout == 'mean' maps to global_add_pool in the original code (faithful quirk)
    g = jax.ops.segment_sum(h, batch, num_segments=NG)
    n_mlp = len(params["mlp"])
    for i, (W, b) in enumerate(params["mlp"]):
        g = g @ W + b
        if i < n_mlp - 1:
            g = jax.nn.relu(g)
    return g


def reference(x, edge_index, batch, params):
    return _forward(x, params, edge_index, batch)

if __name__ == "__main__":
    import jax
    _d = setup_inputs()
    print(jax.jit(kernel)(*tuple(_d.values())))

</pallas_src>

<mosaic_0001>
#map = affine_map<(d0, d1) -> (0, 0)>
#map1 = affine_map<(d0, d1) -> (0, 0, 0)>
module attributes {stable_mosaic.version = 14 : i64} {
  func.func @body(%arg0: i32, %arg1: i32, %arg2: memref<10000x128xf32, #tpu.memory_space<hbm>>, %arg3: memref<32x80x128xi32, #tpu.memory_space<hbm>>, %arg4: memref<32x80x128xi32, #tpu.memory_space<hbm>>, %arg5: memref<128x128xf32, #tpu.memory_space<hbm>>, %arg6: memref<2x10240x128xf32, #tpu.memory_space<hbm>>, %arg7: memref<80x128xi32, #tpu.memory_space<vmem>>, %arg8: memref<1x128xi32, #tpu.memory_space<vmem>>, %arg9: memref<1x128xi32, #tpu.memory_space<vmem>>, %arg10: memref<128x128xf32, #tpu.memory_space<vmem>>, %arg11: memref<128x128xf32, #tpu.memory_space<vmem>>, %arg12: memref<10240x128xf32, #tpu.memory_space<vmem_shared>>, %arg13: memref<!tpu.dma_semaphore, #tpu.memory_space<semaphore_mem>>, %arg14: memref<!tpu.dma_semaphore, #tpu.memory_space<semaphore_mem>>, %arg15: memref<!tpu.dma_semaphore, #tpu.memory_space<semaphore_mem>>, %arg16: memref<!tpu.dma_semaphore, #tpu.memory_space<semaphore_mem>>) attributes {dimension_semantics = [#tpu.dimension_semantics<core_parallel>, #tpu.dimension_semantics<subcore_parallel>], iteration_bounds = array<i64: 2, 16>, scalar_prefetch = 0 : i64, scratch_operands = 10 : i64, tpu.core_type = #tpu.core_type<sc_vector_subcore>, window_params = [{transform_indices = #map}, {transform_indices = #map1}, {transform_indices = #map1}, {transform_indices = #map}, {transform_indices = #map1}]} {
    %mul3A = arith.constant 16 : i32
    %mul3A_0 = arith.muli %arg0, %mul3A : i32
    %add3A = arith.addi %mul3A_0, %arg1 : i32
    %eq3A = arith.constant 0 : i32
    %eq3A_1 = arith.cmpi eq, %arg0, %eq3A : i32
    %jit3A = arith.constant 40 : i32
    %jit3A_2 = arith.constant 39 : i32
    %select_n3A = arith.select %eq3A_1, %jit3A, %jit3A_2 : i32
    "tpu.region"() ({
      %run_scoped3A = tpu.sem_alloc : memref<!tpu.dma_semaphore, #tpu.memory_space<semaphore_mem>>
      %dma_start3A_125 = arith.constant 0 : i32
      %dma_start3A_126 = arith.constant 0 : i32
      %dma_start3A_127 = tpu.memref_slice %arg3[%add3A, %dma_start3A_125, %dma_start3A_126] : memref<32x80x128xi32, #tpu.memory_space<hbm>> -> memref<1x80x128xi32, #tpu.memory_space<hbm>>
      %dma_start3A_128 = tpu.memref_squeeze %dma_start3A_127 : memref<1x80x128xi32, #tpu.memory_space<hbm>> -> memref<80x128xi32, #tpu.memory_space<hbm>>
      %dma_start3A_129 = arith.constant 0 : i32
      %dma_start3A_130 = arith.constant 0 : i32
      %dma_start3A_131 = tpu.memref_slice %arg3[%add3A, %dma_start3A_129, %dma_start3A_130] : memref<32x80x128xi32, #tpu.memory_space<hbm>> -> memref<1x80x128xi32, #tpu.memory_space<hbm>>
      %dma_start3A_132 = tpu.memref_squeeze %dma_start3A_131 : memref<1x80x128xi32, #tpu.memory_space<hbm>> -> memref<80x128xi32, #tpu.memory_space<hbm>>
      tpu.enqueue_dma source(%dma_start3A_132 : memref<80x128xi32, #tpu.memory_space<hbm>>) target(%arg7 : memref<80x128xi32, #tpu.memory_space<vmem>>) target_semaphore(%run_scoped3A : memref<!tpu.dma_semaphore, #tpu.memory_space<semaphore_mem>>)
      %dma_wait3A = arith.constant 0 : i32
      %dma_wait3A_133 = arith.constant 0 : i32
      %dma_wait3A_134 = tpu.memref_slice %arg3[%add3A, %dma_wait3A, %dma_wait3A_133] : memref<32x80x128xi32, #tpu.memory_space<hbm>> -> memref<1x80x128xi32, #tpu.memory_space<hbm>>
      %dma_wait3A_135 = tpu.memref_squeeze %dma_wait3A_134 : memref<1x80x128xi32, #tpu.memory_space<hbm>> -> memref<80x128xi32, #tpu.memory_space<hbm>>
      %dma_wait3A_136 = arith.constant 0 : i32
      %dma_wait3A_137 = arith.constant 0 : i32
      %dma_wait3A_138 = tpu.memref_slice %arg3[%add3A, %dma_wait3A_136, %dma_wait3A_137] : memref<32x80x128xi32, #tpu.memory_space<hbm>> -> memref<1x80x128xi32, #tpu.memory_space<hbm>>
      %dma_wait3A_139 = tpu.memref_squeeze %dma_wait3A_138 : memref<1x80x128xi32, #tpu.memory_space<hbm>> -> memref<80x128xi32, #tpu.memory_space<hbm>>
      tpu.wait_dma2 semaphore(%run_scoped3A : memref<!tpu.dma_semaphore, #tpu.memory_space<semaphore_mem>>) src(%dma_wait3A_139 : memref<80x128xi32, #tpu.memory_space<hbm>>) dst(%arg7 : memref<80x128xi32, #tpu.memory_space<vmem>>)
      tpu.yield
    }) : () -> ()
    "tpu.region"() ({
      %run_scoped3A = tpu.sem_alloc : memref<!tpu.dma_semaphore, #tpu.memory_space<semaphore_mem>>
      tpu.enqueue_dma source(%arg5 : memref<128x128xf32, #tpu.memory_space<hbm>>) target(%arg10 : memref<128x128xf32, #tpu.memory_space<vmem>>) target_semaphore(%run_scoped3A : memref<!tpu.dma_semaphore, #tpu.memory_space<semaphore_mem>>)
      tpu.wait_dma2 semaphore(%run_scoped3A : memref<!tpu.dma_semaphore, #tpu.memory_space<semaphore_mem>>) src(%arg5 : memref<128x128xf32, #tpu.memory_space<hbm>>) dst(%arg10 : memref<128x128xf32, #tpu.memory_space<vmem>>)
      tpu.yield
    }) : () -> ()
    %mul3A_3 = arith.constant 5 : i32
    %mul3A_4 = arith.muli %arg1, %mul3A_3 : i32
    %add3A_5 = arith.constant 0 : i32
    %add3A_6 = arith.addi %mul3A_4, %add3A_5 : i32
    %mul3A_7 = arith.constant 128 : i32
    %mul3A_8 = arith.muli %add3A_6, %mul3A_7 : i32
    "tpu.region"() ({
      %run_scoped3A = tpu.sem_alloc : memref<!tpu.dma_semaphore, #tpu.memory_space<semaphore_mem>>
      %dma_start3A_125 = arith.constant 0 : i32
      %dma_start3A_126 = tpu.memref_slice %arg12[%mul3A_8, %dma_start3A_125] : memref<10240x128xf32, #tpu.memory_space<vmem_shared>> -> memref<128x128xf32, #tpu.memory_space<vmem_shared>>
      %dma_start3A_127 = arith.constant 0 : i32
      %dma_start3A_128 = tpu.memref_slice %arg12[%mul3A_8, %dma_start3A_127] : memref<10240x128xf32, #tpu.memory_space<vmem_shared>> -> memref<128x128xf32, #tpu.memory_space<vmem_shared>>
      tpu.enqueue_dma source(%arg10 : memref<128x128xf32, #tpu.memory_space<vmem>>) target(%dma_start3A_128 : memref<128x128xf32, #tpu.memory_space<vmem_shared>>) target_semaphore(%run_scoped3A : memref<!tpu.dma_semaphore, #tpu.memory_space<semaphore_mem>>)
      %dma_wait3A = arith.constant 0 : i32
      %dma_wait3A_129 = tpu.memref_slice %arg12[%mul3A_8, %dma_wait3A] : memref<10240x128xf32, #tpu.memory_space<vmem_shared>> -> memref<128x128xf32, #tpu.memory_space<vmem_shared>>
      %dma_wait3A_130 = arith.constant 0 : i32
      %dma_wait3A_131 = tpu.memref_slice %arg12[%mul3A_8, %dma_wait3A_130] : memref<10240x128xf32, #tpu.memory_space<vmem_shared>> -> memref<128x128xf32, #tpu.memory_space<vmem_shared>>
      tpu.wait_dma2 semaphore(%run_scoped3A : memref<!tpu.dma_semaphore, #tpu.memory_space<semaphore_mem>>) src(%arg10 : memref<128x128xf32, #tpu.memory_space<vmem>>) dst(%dma_wait3A_131 : memref<128x128xf32, #tpu.memory_space<vmem_shared>>)
      tpu.yield
    }) : () -> ()
    %mul3A_9 = arith.constant 5 : i32
    %mul3A_10 = arith.muli %arg1, %mul3A_9 : i32
    %add3A_11 = arith.constant 1 : i32
    %add3A_12 = arith.addi %mul3A_10, %add3A_11 : i32
    %mul3A_13 = arith.constant 128 : i32
    %mul3A_14 = arith.muli %add3A_12, %mul3A_13 : i32
    "tpu.region"() ({
      %run_scoped3A = tpu.sem_alloc : memref<!tpu.dma_semaphore, #tpu.memory_space<semaphore_mem>>
      %dma_start3A_125 = arith.constant 0 : i32
      %dma_start3A_126 = tpu.memref_slice %arg12[%mul3A_14, %dma_start3A_125] : memref<10240x128xf32, #tpu.memory_space<vmem_shared>> -> memref<128x128xf32, #tpu.memory_space<vmem_shared>>
      %dma_start3A_127 = arith.constant 0 : i32
      %dma_start3A_128 = tpu.memref_slice %arg12[%mul3A_14, %dma_start3A_127] : memref<10240x128xf32, #tpu.memory_space<vmem_shared>> -> memref<128x128xf32, #tpu.memory_space<vmem_shared>>
      tpu.enqueue_dma source(%arg10 : memref<128x128xf32, #tpu.memory_space<vmem>>) target(%dma_start3A_128 : memref<128x128xf32, #tpu.memory_space<vmem_shared>>) target_semaphore(%run_scoped3A : memref<!tpu.dma_semaphore, #tpu.memory_space<semaphore_mem>>)
      %dma_wait3A = arith.constant 0 : i32
      %dma_wait3A_129 = tpu.memref_slice %arg12[%mul3A_14, %dma_wait3A] : memref<10240x128xf32, #tpu.memory_space<vmem_shared>> -> memref<128x128xf32, #tpu.memory_space<vmem_shared>>
      %dma_wait3A_130 = arith.constant 0 : i32
      %dma_wait3A_131 = tpu.memref_slice %arg12[%mul3A_14, %dma_wait3A_130] : memref<10240x128xf32, #tpu.memory_space<vmem_shared>> -> memref<128x128xf32, #tpu.memory_space<vmem_shared>>
      tpu.wait_dma2 semaphore(%run_scoped3A : memref<!tpu.dma_semaphore, #tpu.memory_space<semaphore_mem>>) src(%arg10 : memref<128x128xf32, #tpu.memory_space<vmem>>) dst(%dma_wait3A_131 : memref<128x128xf32, #tpu.memory_space<vmem_shared>>)
      tpu.yield
    }) : () -> ()
    %mul3A_15 = arith.constant 5 : i32
    %mul3A_16 = arith.muli %arg1, %mul3A_15 : i32
    %add3A_17 = arith.constant 2 : i32
    %add3A_18 = arith.addi %mul3A_16, %add3A_17 : i32
    %mul3A_19 = arith.constant 128 : i32
    %mul3A_20 = arith.muli %add3A_18, %mul3A_19 : i32
    "tpu.region"() ({
      %run_scoped3A = tpu.sem_alloc : memref<!tpu.dma_semaphore, #tpu.memory_space<semaphore_mem>>
      %dma_start3A_125 = arith.constant 0 : i32
      %dma_start3A_126 = tpu.memref_slice %arg12[%mul3A_20, %dma_start3A_125] : memref<10240x128xf32, #tpu.memory_space<vmem_shared>> -> memref<128x128xf32, #tpu.memory_space<vmem_shared>>
      %dma_start3A_127 = arith.constant 0 : i32
      %dma_start3A_128 = tpu.memref_slice %arg12[%mul3A_20, %dma_start3A_127] : memref<10240x128xf32, #tpu.memory_space<vmem_shared>> -> memref<128x128xf32, #tpu.memory_space<vmem_shared>>
      tpu.enqueue_dma source(%arg10 : memref<128x128xf32, #tpu.memory_space<vmem>>) target(%dma_start3A_128 : memref<128x128xf32, #tpu.memory_space<vmem_shared>>) target_semaphore(%run_scoped3A : memref<!tpu.dma_semaphore, #tpu.memory_space<semaphore_mem>>)
      %dma_wait3A = arith.constant 0 : i32
      %dma_wait3A_129 = tpu.memref_slice %arg12[%mul3A_20, %dma_wait3A] : memref<10240x128xf32, #tpu.memory_space<vmem_shared>> -> memref<128x128xf32, #tpu.memory_space<vmem_shared>>
      %dma_wait3A_130 = arith.constant 0 : i32
      %dma_wait3A_131 = tpu.memref_slice %arg12[%mul3A_20, %dma_wait3A_130] : memref<10240x128xf32, #tpu.memory_space<vmem_shared>> -> memref<128x128xf32, #tpu.memory_space<vmem_shared>>
      tpu.wait_dma2 semaphore(%run_scoped3A : memref<!tpu.dma_semaphore, #tpu.memory_space<semaphore_mem>>) src(%arg10 : memref<128x128xf32, #tpu.memory_space<vmem>>) dst(%dma_wait3A_131 : memref<128x128xf32, #tpu.memory_space<vmem_shared>>)
      tpu.yield
    }) : () -> ()
    %mul3A_21 = arith.constant 5 : i32
    %mul3A_22 = arith.muli %arg1, %mul3A_21 : i32
    %add3A_23 = arith.constant 3 : i32
    %add3A_24 = arith.addi %mul3A_22, %add3A_23 : i32
    %mul3A_25 = arith.constant 128 : i32
    %mul3A_26 = arith.muli %add3A_24, %mul3A_25 : i32
    "tpu.region"() ({
      %run_scoped3A = tpu.sem_alloc : memref<!tpu.dma_semaphore, #tpu.memory_space<semaphore_mem>>
      %dma_start3A_125 = arith.constant 0 : i32
      %dma_start3A_126 = tpu.memref_slice %arg12[%mul3A_26, %dma_start3A_125] : memref<10240x128xf32, #tpu.memory_space<vmem_shared>> -> memref<128x128xf32, #tpu.memory_space<vmem_shared>>
      %dma_start3A_127 = arith.constant 0 : i32
      %dma_start3A_128 = tpu.memref_slice %arg12[%mul3A_26, %dma_start3A_127] : memref<10240x128xf32, #tpu.memory_space<vmem_shared>> -> memref<128x128xf32, #tpu.memory_space<vmem_shared>>
      tpu.enqueue_dma source(%arg10 : memref<128x128xf32, #tpu.memory_space<vmem>>) target(%dma_start3A_128 : memref<128x128xf32, #tpu.memory_space<vmem_shared>>) target_semaphore(%run_scoped3A : memref<!tpu.dma_semaphore, #tpu.memory_space<semaphore_mem>>)
      %dma_wait3A = arith.constant 0 : i32
      %dma_wait3A_129 = tpu.memref_slice %arg12[%mul3A_26, %dma_wait3A] : memref<10240x128xf32, #tpu.memory_space<vmem_shared>> -> memref<128x128xf32, #tpu.memory_space<vmem_shared>>
      %dma_wait3A_130 = arith.constant 0 : i32
      %dma_wait3A_131 = tpu.memref_slice %arg12[%mul3A_26, %dma_wait3A_130] : memref<10240x128xf32, #tpu.memory_space<vmem_shared>> -> memref<128x128xf32, #tpu.memory_space<vmem_shared>>
      tpu.wait_dma2 semaphore(%run_scoped3A : memref<!tpu.dma_semaphore, #tpu.memory_space<semaphore_mem>>) src(%arg10 : memref<128x128xf32, #tpu.memory_space<vmem>>) dst(%dma_wait3A_131 : memref<128x128xf32, #tpu.memory_space<vmem_shared>>)
      tpu.yield
    }) : () -> ()
    %mul3A_27 = arith.constant 5 : i32
    %mul3A_28 = arith.muli %arg1, %mul3A_27 : i32
    %add3A_29 = arith.constant 4 : i32
    %add3A_30 = arith.addi %mul3A_28, %add3A_29 : i32
    %mul3A_31 = arith.constant 128 : i32
    %mul3A_32 = arith.muli %add3A_30, %mul3A_31 : i32
    "tpu.region"() ({
      %run_scoped3A = tpu.sem_alloc : memref<!tpu.dma_semaphore, #tpu.memory_space<semaphore_mem>>
      %dma_start3A_125 = arith.constant 0 : i32
      %dma_start3A_126 = tpu.memref_slice %arg12[%mul3A_32, %dma_start3A_125] : memref<10240x128xf32, #tpu.memory_space<vmem_shared>> -> memref<128x128xf32, #tpu.memory_space<vmem_shared>>
      %dma_start3A_127 = arith.constant 0 : i32
      %dma_start3A_128 = tpu.memref_slice %arg12[%mul3A_32, %dma_start3A_127] : memref<10240x128xf32, #tpu.memory_space<vmem_shared>> -> memref<128x128xf32, #tpu.memory_space<vmem_shared>>
      tpu.enqueue_dma source(%arg10 : memref<128x128xf32, #tpu.memory_space<vmem>>) target(%dma_start3A_128 : memref<128x128xf32, #tpu.memory_space<vmem_shared>>) target_semaphore(%run_scoped3A : memref<!tpu.dma_semaphore, #tpu.memory_space<semaphore_mem>>)
      %dma_wait3A = arith.constant 0 : i32
      %dma_wait3A_129 = tpu.memref_slice %arg12[%mul3A_32, %dma_wait3A] : memref<10240x128xf32, #tpu.memory_space<vmem_shared>> -> memref<128x128xf32, #tpu.memory_space<vmem_shared>>
      %dma_wait3A_130 = arith.constant 0 : i32
      %dma_wait3A_131 = tpu.memref_slice %arg12[%mul3A_32, %dma_wait3A_130] : memref<10240x128xf32, #tpu.memory_space<vmem_shared>> -> memref<128x128xf32, #tpu.memory_space<vmem_shared>>
      tpu.wait_dma2 semaphore(%run_scoped3A : memref<!tpu.dma_semaphore, #tpu.memory_space<semaphore_mem>>) src(%arg10 : memref<128x128xf32, #tpu.memory_space<vmem>>) dst(%dma_wait3A_131 : memref<128x128xf32, #tpu.memory_space<vmem_shared>>)
      tpu.yield
    }) : () -> ()
    %barrier3A = arith.constant 0 : index
    tpu.barrier barrier_id(%barrier3A)
    %dma_start3A = arith.constant 0 : i32
    %dma_start3A_33 = arith.constant 0 : i32
    %dma_start3A_34 = tpu.memref_slice %arg7[%dma_start3A, %dma_start3A_33] : memref<80x128xi32, #tpu.memory_space<vmem>> -> memref<1x128xi32, #tpu.memory_space<vmem>>
    %dma_start3A_35 = tpu.memref_squeeze %dma_start3A_34 : memref<1x128xi32, #tpu.memory_space<vmem>> -> memref<128xi32, #tpu.memory_space<vmem>>
    %dma_start3A_36 = arith.constant 0 : i32
    %dma_start3A_37 = arith.constant 0 : i32
    %dma_start3A_38 = tpu.memref_slice %arg2[%dma_start3A_36, %dma_start3A_37] : memref<10000x128xf32, #tpu.memory_space<hbm>> -> memref<10000x128xf32, #tpu.memory_space<hbm>>
    tpu.enqueue_indirect_dma source(%dma_start3A_38 : memref<10000x128xf32, #tpu.memory_space<hbm>>) target(%arg10 : memref<128x128xf32, #tpu.memory_space<vmem>>) offsets(%dma_start3A_35 : memref<128xi32, #tpu.memory_space<vmem>>) semaphore(%arg15 : memref<!tpu.dma_semaphore, #tpu.memory_space<semaphore_mem>>)
    %dma_start3A_39 = arith.constant 0 : i32
    %dma_start3A_40 = arith.constant 0 : i32
    %dma_start3A_41 = tpu.memref_slice %arg4[%add3A, %dma_start3A_39, %dma_start3A_40] : memref<32x80x128xi32, #tpu.memory_space<hbm>> -> memref<1x1x128xi32, #tpu.memory_space<hbm>>
    %dma_start3A_42 = tpu.memref_squeeze %dma_start3A_41 : memref<1x1x128xi32, #tpu.memory_space<hbm>> -> memref<1x128xi32, #tpu.memory_space<hbm>>
    %dma_start3A_43 = arith.constant 0 : i32
    %dma_start3A_44 = arith.constant 0 : i32
    %dma_start3A_45 = tpu.memref_slice %arg4[%add3A, %dma_start3A_43, %dma_start3A_44] : memref<32x80x128xi32, #tpu.memory_space<hbm>> -> memref<1x1x128xi32, #tpu.memory_space<hbm>>
    %dma_start3A_46 = tpu.memref_squeeze %dma_start3A_45 : memref<1x1x128xi32, #tpu.memory_space<hbm>> -> memref<1x128xi32, #tpu.memory_space<hbm>>
    tpu.enqueue_dma source(%dma_start3A_46 : memref<1x128xi32, #tpu.memory_space<hbm>>) target(%arg8 : memref<1x128xi32, #tpu.memory_space<vmem>>) target_semaphore(%arg13 : memref<!tpu.dma_semaphore, #tpu.memory_space<semaphore_mem>>)
    %dma_start3A_47 = arith.constant 1 : i32
    %dma_start3A_48 = arith.constant 0 : i32
    %dma_start3A_49 = tpu.memref_slice %arg4[%add3A, %dma_start3A_47, %dma_start3A_48] : memref<32x80x128xi32, #tpu.memory_space<hbm>> -> memref<1x1x128xi32, #tpu.memory_space<hbm>>
    %dma_start3A_50 = tpu.memref_squeeze %dma_start3A_49 : memref<1x1x128xi32, #tpu.memory_space<hbm>> -> memref<1x128xi32, #tpu.memory_space<hbm>>
    %dma_start3A_51 = arith.constant 1 : i32
    %dma_start3A_52 = arith.constant 0 : i32
    %dma_start3A_53 = tpu.memref_slice %arg4[%add3A, %dma_start3A_51, %dma_start3A_52] : memref<32x80x128xi32, #tpu.memory_space<hbm>> -> memref<1x1x128xi32, #tpu.memory_space<hbm>>
    %dma_start3A_54 = tpu.memref_squeeze %dma_start3A_53 : memref<1x1x128xi32, #tpu.memory_space<hbm>> -> memref<1x128xi32, #tpu.memory_space<hbm>>
    tpu.enqueue_dma source(%dma_start3A_54 : memref<1x128xi32, #tpu.memory_space<hbm>>) target(%arg9 : memref<1x128xi32, #tpu.memory_space<vmem>>) target_semaphore(%arg14 : memref<!tpu.dma_semaphore, #tpu.memory_space<semaphore_mem>>)
    %while3A = arith.constant 0 : i32
    %while3A_55 = arith.constant 0 : i32
    %while3A_56 = arith.subi %select_n3A, %while3A_55 : i32
    %while3A_57 = arith.addi %while3A_55, %while3A_56 : i32
    %while3A_58 = arith.constant 1 : i32
    %while3A_59 = arith.divsi %while3A_56, %while3A_58 : i32
    %while3A_60 = arith.muli %while3A_59, %while3A_58 : i32
    %while3A_61 = arith.addi %while3A_55, %while3A_60 : i32
    %while3A_62 = arith.constant 1 : i32
    scf.for %while3A_125 = %while3A_55 to %while3A_61 step %while3A_62  : i32 {
      %mul3A_126 = arith.constant 2 : i32
      %mul3A_127 = arith.muli %mul3A_126, %while3A_125 : i32
      %add3A_128 = arith.constant 0 : i32
      %add3A_129 = arith.addi %mul3A_127, %add3A_128 : i32
      %add3A_130 = arith.constant 1 : i32
      %add3A_131 = arith.addi %add3A_129, %add3A_130 : i32
      %dma_start3A_132 = arith.constant 0 : i32
      %dma_start3A_133 = tpu.memref_slice %arg7[%add3A_131, %dma_start3A_132] : memref<80x128xi32, #tpu.memory_space<vmem>> -> memref<1x128xi32, #tpu.memory_space<vmem>>
      %dma_start3A_134 = tpu.memref_squeeze %dma_start3A_133 : memref<1x128xi32, #tpu.memory_space<vmem>> -> memref<128xi32, #tpu.memory_space<vmem>>
      %dma_start3A_135 = arith.constant 0 : i32
      %dma_start3A_136 = arith.constant 0 : i32
      %dma_start3A_137 = tpu.memref_slice %arg2[%dma_start3A_135, %dma_start3A_136] : memref<10000x128xf32, #tpu.memory_space<hbm>> -> memref<10000x128xf32, #tpu.memory_space<hbm>>
      tpu.enqueue_indirect_dma source(%dma_start3A_137 : memref<10000x128xf32, #tpu.memory_space<hbm>>) target(%arg11 : memref<128x128xf32, #tpu.memory_space<vmem>>) offsets(%dma_start3A_134 : memref<128xi32, #tpu.memory_space<vmem>>) semaphore(%arg16 : memref<!tpu.dma_semaphore, #tpu.memory_space<semaphore_mem>>)
      tpu.wait_dma2 semaphore(%arg15 : memref<!tpu.dma_semaphore, #tpu.memory_space<semaphore_mem>>) src(%arg5 : memref<128x128xf32, #tpu.memory_space<hbm>>) dst(%arg10 : memref<128x128xf32, #tpu.memory_space<vmem>>)
      %dma_wait3A = arith.constant 0 : i32
      %dma_wait3A_138 = arith.constant 0 : i32
      %dma_wait3A_139 = tpu.memref_slice %arg4[%add3A, %dma_wait3A, %dma_wait3A_138] : memref<32x80x128xi32, #tpu.memory_space<hbm>> -> memref<1x1x128xi32, #tpu.memory_space<hbm>>
      %dma_wait3A_140 = tpu.memref_squeeze %dma_wait3A_139 : memref<1x1x128xi32, #tpu.memory_space<hbm>> -> memref<1x128xi32, #tpu.memory_space<hbm>>
      %dma_wait3A_141 = arith.constant 0 : i32
      %dma_wait3A_142 = arith.constant 0 : i32
      %dma_wait3A_143 = tpu.memref_slice %arg4[%add3A, %dma_wait3A_141, %dma_wait3A_142] : memref<32x80x128xi32, #tpu.memory_space<hbm>> -> memref<1x1x128xi32, #tpu.memory_space<hbm>>
      %dma_wait3A_144 = tpu.memref_squeeze %dma_wait3A_143 : memref<1x1x128xi32, #tpu.memory_space<hbm>> -> memref<1x128xi32, #tpu.memory_space<hbm>>
      tpu.wait_dma2 semaphore(%arg13 : memref<!tpu.dma_semaphore, #tpu.memory_space<semaphore_mem>>) src(%dma_wait3A_144 : memref<1x128xi32, #tpu.memory_space<hbm>>) dst(%arg8 : memref<1x128xi32, #tpu.memory_space<vmem>>)
      %run_scoped3A = arith.constant 0 : i32
      "tpu.region"() ({
        %run_scoped3A_172 = tpu.sem_alloc : memref<!tpu.dma_semaphore, #tpu.memory_space<semaphore_mem>>
        %dma_start3A_173 = arith.constant 0 : i32
        %dma_start3A_174 = tpu.memref_slice %arg8[%run_scoped3A, %dma_start3A_173] : memref<1x128xi32, #tpu.memory_space<vmem>> -> memref<1x128xi32, #tpu.memory_space<vmem>>
        %dma_start3A_175 = tpu.memref_squeeze %dma_start3A_174 : memref<1x128xi32, #tpu.memory_space<vmem>> -> memref<128xi32, #tpu.memory_space<vmem>>
        %dma_start3A_176 = arith.constant 0 : i32
        %dma_start3A_177 = arith.constant 0 : i32
        %dma_start3A_178 = tpu.memref_slice %arg12[%dma_start3A_176, %dma_start3A_177] : memref<10240x128xf32, #tpu.memory_space<vmem_shared>> -> memref<10240x128xf32, #tpu.memory_space<vmem_shared>>
        tpu.enqueue_indirect_dma source(%arg10 : memref<128x128xf32, #tpu.memory_space<vmem>>) target(%dma_start3A_178 : memref<10240x128xf32, #tpu.memory_space<vmem_shared>>) offsets(%dma_start3A_175 : memref<128xi32, #tpu.memory_space<vmem>>) semaphore(%run_scoped3A_172 : memref<!tpu.dma_semaphore, #tpu.memory_space<semaphore_mem>>) {add = true}
        %dma_wait3A_179 = arith.constant 0 : i32
        %dma_wait3A_180 = tpu.memref_slice %arg8[%run_scoped3A, %dma_wait3A_179] : memref<1x128xi32, #tpu.memory_space<vmem>> -> memref<1x128xi32, #tpu.memory_space<vmem>>
        %dma_wait3A_181 = tpu.memref_squeeze %dma_wait3A_180 : memref<1x128xi32, #tpu.memory_space<vmem>> -> memref<128xi32, #tpu.memory_space<vmem>>
        %dma_wait3A_182 = arith.constant 0 : i32
        %dma_wait3A_183 = arith.constant 0 : i32
        %dma_wait3A_184 = tpu.memref_slice %arg12[%dma_wait3A_182, %dma_wait3A_183] : memref<10240x128xf32, #tpu.memory_space<vmem_shared>> -> memref<10240x128xf32, #tpu.memory_space<vmem_shared>>
        tpu.wait_indirect_dma semaphore(%run_scoped3A_172 : memref<!tpu.dma_semaphore, #tpu.memory_space<semaphore_mem>>) src(%arg10 : memref<128x128xf32, #tpu.memory_space<vmem>>) dst(%dma_wait3A_184 : memref<10240x128xf32, #tpu.memory_space<vmem_shared>>)
        tpu.yield
      }) : () -> ()
      %sub3A = arith.constant 1 : i32
      %sub3A_145 = arith.subi %select_n3A, %sub3A : i32
      %lt3A = arith.cmpi slt, %while3A_125, %sub3A_145 : i32
      %convert_element_type3A = arith.extui %lt3A : i1 to i32
      %cond3A = arith.constant 0 : i32
      %cond3A_146 = arith.cmpi ne, %convert_element_type3A, %cond3A : i32
      scf.if %cond3A_146 {
        %add3A_172 = arith.constant 2 : i32
        %add3A_173 = arith.addi %add3A_129, %add3A_172 : i32
        %dma_start3A_174 = arith.constant 0 : i32
        %dma_start3A_175 = tpu.memref_slice %arg4[%add3A, %add3A_173, %dma_start3A_174] : memref<32x80x128xi32, #tpu.memory_space<hbm>> -> memref<1x1x128xi32, #tpu.memory_space<hbm>>
        %dma_start3A_176 = tpu.memref_squeeze %dma_start3A_175 : memref<1x1x128xi32, #tpu.memory_space<hbm>> -> memref<1x128xi32, #tpu.memory_space<hbm>>
        %dma_start3A_177 = arith.constant 0 : i32
        %dma_start3A_178 = tpu.memref_slice %arg4[%add3A, %add3A_173, %dma_start3A_177] : memref<32x80x128xi32, #tpu.memory_space<hbm>> -> memref<1x1x128xi32, #tpu.memory_space<hbm>>
        %dma_start3A_179 = tpu.memref_squeeze %dma_start3A_178 : memref<1x1x128xi32, #tpu.memory_space<hbm>> -> memref<1x128xi32, #tpu.memory_space<hbm>>
        tpu.enqueue_dma source(%dma_start3A_179 : memref<1x128xi32, #tpu.memory_space<hbm>>) target(%arg8 : memref<1x128xi32, #tpu.memory_space<vmem>>) target_semaphore(%arg13 : memref<!tpu.dma_semaphore, #tpu.memory_space<semaphore_mem>>)
      } else {
      }
      %mul3A_147 = arith.constant 2 : i32
      %mul3A_148 = arith.muli %mul3A_147, %while3A_125 : i32
      %add3A_149 = arith.constant 1 : i32
      %add3A_150 = arith.addi %mul3A_148, %add3A_149 : i32
      %sub3A_151 = arith.constant 1 : i32
      %sub3A_152 = arith.subi %select_n3A, %sub3A_151 : i32
      %lt3A_153 = arith.cmpi slt, %while3A_125, %sub3A_152 : i32
      %convert_element_type3A_154 = arith.extui %lt3A_153 : i1 to i32
      %cond3A_155 = arith.constant 0 : i32
      %cond3A_156 = arith.cmpi ne, %convert_element_type3A_154, %cond3A_155 : i32
      scf.if %cond3A_156 {
        %add3A_172 = arith.constant 1 : i32
        %add3A_173 = arith.addi %add3A_150, %add3A_172 : i32
        %dma_start3A_174 = arith.constant 0 : i32
        %dma_start3A_175 = tpu.memref_slice %arg7[%add3A_173, %dma_start3A_174] : memref<80x128xi32, #tpu.memory_space<vmem>> -> memref<1x128xi32, #tpu.memory_space<vmem>>
        %dma_start3A_176 = tpu.memref_squeeze %dma_start3A_175 : memref<1x128xi32, #tpu.memory_space<vmem>> -> memref<128xi32, #tpu.memory_space<vmem>>
        %dma_start3A_177 = arith.constant 0 : i32
        %dma_start3A_178 = arith.constant 0 : i32
        %dma_start3A_179 = tpu.memref_slice %arg2[%dma_start3A_177, %dma_start3A_178] : memref<10000x128xf32, #tpu.memory_space<hbm>> -> memref<10000x128xf32, #tpu.memory_space<hbm>>
        tpu.enqueue_indirect_dma source(%dma_start3A_179 : memref<10000x128xf32, #tpu.memory_space<hbm>>) target(%arg10 : memref<128x128xf32, #tpu.memory_space<vmem>>) offsets(%dma_start3A_176 : memref<128xi32, #tpu.memory_space<vmem>>) semaphore(%arg15 : memref<!tpu.dma_semaphore, #tpu.memory_space<semaphore_mem>>)
      } else {
      }
      tpu.wait_dma2 semaphore(%arg16 : memref<!tpu.dma_semaphore, #tpu.memory_space<semaphore_mem>>) src(%arg5 : memref<128x128xf32, #tpu.memory_space<hbm>>) dst(%arg11 : memref<128x128xf32, #tpu.memory_space<vmem>>)
      %dma_wait3A_157 = arith.constant 0 : i32
      %dma_wait3A_158 = arith.constant 0 : i32
      %dma_wait3A_159 = tpu.memref_slice %arg4[%add3A, %dma_wait3A_157, %dma_wait3A_158] : memref<32x80x128xi32, #tpu.memory_space<hbm>> -> memref<1x1x128xi32, #tpu.memory_space<hbm>>
      %dma_wait3A_160 = tpu.memref_squeeze %dma_wait3A_159 : memref<1x1x128xi32, #tpu.memory_space<hbm>> -> memref<1x128xi32, #tpu.memory_space<hbm>>
      %dma_wait3A_161 = arith.constant 0 : i32
      %dma_wait3A_162 = arith.constant 0 : i32
      %dma_wait3A_163 = tpu.memref_slice %arg4[%add3A, %dma_wait3A_161, %dma_wait3A_162] : memref<32x80x128xi32, #tpu.memory_space<hbm>> -> memref<1x1x128xi32, #tpu.memory_space<hbm>>
      %dma_wait3A_164 = tpu.memref_squeeze %dma_wait3A_163 : memref<1x1x128xi32, #tpu.memory_space<hbm>> -> memref<1x128xi32, #tpu.memory_space<hbm>>
      tpu.wait_dma2 semaphore(%arg14 : memref<!tpu.dma_semaphore, #tpu.memory_space<semaphore_mem>>) src(%dma_wait3A_164 : memref<1x128xi32, #tpu.memory_space<hbm>>) dst(%arg9 : memref<1x128xi32, #tpu.memory_space<vmem>>)
      %run_scoped3A_165 = arith.constant 0 : i32
      "tpu.region"() ({
        %run_scoped3A_172 = tpu.sem_alloc : memref<!tpu.dma_semaphore, #tpu.memory_space<semaphore_mem>>
        %dma_start3A_173 = arith.constant 0 : i32
        %dma_start3A_174 = tpu.memref_slice %arg9[%run_scoped3A_165, %dma_start3A_173] : memref<1x128xi32, #tpu.memory_space<vmem>> -> memref<1x128xi32, #tpu.memory_space<vmem>>
        %dma_start3A_175 = tpu.memref_squeeze %dma_start3A_174 : memref<1x128xi32, #tpu.memory_space<vmem>> -> memref<128xi32, #tpu.memory_space<vmem>>
        %dma_start3A_176 = arith.constant 0 : i32
        %dma_start3A_177 = arith.constant 0 : i32
        %dma_start3A_178 = tpu.memref_slice %arg12[%dma_start3A_176, %dma_start3A_177] : memref<10240x128xf32, #tpu.memory_space<vmem_shared>> -> memref<10240x128xf32, #tpu.memory_space<vmem_shared>>
        tpu.enqueue_indirect_dma source(%arg11 : memref<128x128xf32, #tpu.memory_space<vmem>>) target(%dma_start3A_178 : memref<10240x128xf32, #tpu.memory_space<vmem_shared>>) offsets(%dma_start3A_175 : memref<128xi32, #tpu.memory_space<vmem>>) semaphore(%run_scoped3A_172 : memref<!tpu.dma_semaphore, #tpu.memory_space<semaphore_mem>>) {add = true}
        %dma_wait3A_179 = arith.constant 0 : i32
        %dma_wait3A_180 = tpu.memref_slice %arg9[%run_scoped3A_165, %dma_wait3A_179] : memref<1x128xi32, #tpu.memory_space<vmem>> -> memref<1x128xi32, #tpu.memory_space<vmem>>
        %dma_wait3A_181 = tpu.memref_squeeze %dma_wait3A_180 : memref<1x128xi32, #tpu.memory_space<vmem>> -> memref<128xi32, #tpu.memory_space<vmem>>
        %dma_wait3A_182 = arith.constant 0 : i32
        %dma_wait3A_183 = arith.constant 0 : i32
        %dma_wait3A_184 = tpu.memref_slice %arg12[%dma_wait3A_182, %dma_wait3A_183] : memref<10240x128xf32, #tpu.memory_space<vmem_shared>> -> memref<10240x128xf32, #tpu.memory_space<vmem_shared>>
        tpu.wait_indirect_dma semaphore(%run_scoped3A_172 : memref<!tpu.dma_semaphore, #tpu.memory_space<semaphore_mem>>) src(%arg11 : memref<128x128xf32, #tpu.memory_space<vmem>>) dst(%dma_wait3A_184 : memref<10240x128xf32, #tpu.memory_space<vmem_shared>>)
        tpu.yield
      }) : () -> ()
      %sub3A_166 = arith.constant 1 : i32
      %sub3A_167 = arith.subi %select_n3A, %sub3A_166 : i32
      %lt3A_168 = arith.cmpi slt, %while3A_125, %sub3A_167 : i32
      %convert_element_type3A_169 = arith.extui %lt3A_168 : i1 to i32
      %cond3A_170 = arith.constant 0 : i32
      %cond3A_171 = arith.cmpi ne, %convert_element_type3A_169, %cond3A_170 : i32
      scf.if %cond3A_171 {
        %add3A_172 = arith.constant 2 : i32
        %add3A_173 = arith.addi %add3A_150, %add3A_172 : i32
        %dma_start3A_174 = arith.constant 0 : i32
        %dma_start3A_175 = tpu.memref_slice %arg4[%add3A, %add3A_173, %dma_start3A_174] : memref<32x80x128xi32, #tpu.memory_space<hbm>> -> memref<1x1x128xi32, #tpu.memory_space<hbm>>
        %dma_start3A_176 = tpu.memref_squeeze %dma_start3A_175 : memref<1x1x128xi32, #tpu.memory_space<hbm>> -> memref<1x128xi32, #tpu.memory_space<hbm>>
        %dma_start3A_177 = arith.constant 0 : i32
        %dma_start3A_178 = tpu.memref_slice %arg4[%add3A, %add3A_173, %dma_start3A_177] : memref<32x80x128xi32, #tpu.memory_space<hbm>> -> memref<1x1x128xi32, #tpu.memory_space<hbm>>
        %dma_start3A_179 = tpu.memref_squeeze %dma_start3A_178 : memref<1x1x128xi32, #tpu.memory_space<hbm>> -> memref<1x128xi32, #tpu.memory_space<hbm>>
        tpu.enqueue_dma source(%dma_start3A_179 : memref<1x128xi32, #tpu.memory_space<hbm>>) target(%arg9 : memref<1x128xi32, #tpu.memory_space<vmem>>) target_semaphore(%arg14 : memref<!tpu.dma_semaphore, #tpu.memory_space<semaphore_mem>>)
      } else {
      }
    }
    %while3A_63 = arith.constant 1 : i32
    scf.for %while3A_125 = %while3A_61 to %while3A_57 step %while3A_63  : i32 {
      %mul3A_126 = arith.constant 2 : i32
      %mul3A_127 = arith.muli %mul3A_126, %while3A_125 : i32
      %add3A_128 = arith.constant 0 : i32
      %add3A_129 = arith.addi %mul3A_127, %add3A_128 : i32
      %add3A_130 = arith.constant 1 : i32
      %add3A_131 = arith.addi %add3A_129, %add3A_130 : i32
      %dma_start3A_132 = arith.constant 0 : i32
      %dma_start3A_133 = tpu.memref_slice %arg7[%add3A_131, %dma_start3A_132] : memref<80x128xi32, #tpu.memory_space<vmem>> -> memref<1x128xi32, #tpu.memory_space<vmem>>
      %dma_start3A_134 = tpu.memref_squeeze %dma_start3A_133 : memref<1x128xi32, #tpu.memory_space<vmem>> -> memref<128xi32, #tpu.memory_space<vmem>>
      %dma_start3A_135 = arith.constant 0 : i32
      %dma_start3A_136 = arith.constant 0 : i32
      %dma_start3A_137 = tpu.memref_slice %arg2[%dma_start3A_135, %dma_start3A_136] : memref<10000x128xf32, #tpu.memory_space<hbm>> -> memref<10000x128xf32, #tpu.memory_space<hbm>>
      tpu.enqueue_indirect_dma source(%dma_start3A_137 : memref<10000x128xf32, #tpu.memory_space<hbm>>) target(%arg11 : memref<128x128xf32, #tpu.memory_space<vmem>>) offsets(%dma_start3A_134 : memref<128xi32, #tpu.memory_space<vmem>>) semaphore(%arg16 : memref<!tpu.dma_semaphore, #tpu.memory_space<semaphore_mem>>)
      tpu.wait_dma2 semaphore(%arg15 : memref<!tpu.dma_semaphore, #tpu.memory_space<semaphore_mem>>) src(%arg5 : memref<128x128xf32, #tpu.memory_space<hbm>>) dst(%arg10 : memref<128x128xf32, #tpu.memory_space<vmem>>)
      %dma_wait3A = arith.constant 0 : i32
      %dma_wait3A_138 = arith.constant 0 : i32
      %dma_wait3A_139 = tpu.memref_slice %arg4[%add3A, %dma_wait3A, %dma_wait3A_138] : memref<32x80x128xi32, #tpu.memory_space<hbm>> -> memref<1x1x128xi32, #tpu.memory_space<hbm>>
      %dma_wait3A_140 = tpu.memref_squeeze %dma_wait3A_139 : memref<1x1x128xi32, #tpu.memory_space<hbm>> -> memref<1x128xi32, #tpu.memory_space<hbm>>
      %dma_wait3A_141 = arith.constant 0 : i32
      %dma_wait3A_142 = arith.constant 0 : i32
      %dma_wait3A_143 = tpu.memref_slice %arg4[%add3A, %dma_wait3A_141, %dma_wait3A_142] : memref<32x80x128xi32, #tpu.memory_space<hbm>> -> memref<1x1x128xi32, #tpu.memory_space<hbm>>
      %dma_wait3A_144 = tpu.memref_squeeze %dma_wait3A_143 : memref<1x1x128xi32, #tpu.memory_space<hbm>> -> memref<1x128xi32, #tpu.memory_space<hbm>>
      tpu.wait_dma2 semaphore(%arg13 : memref<!tpu.dma_semaphore, #tpu.memory_space<semaphore_mem>>) src(%dma_wait3A_144 : memref<1x128xi32, #tpu.memory_space<hbm>>) dst(%arg8 : memref<1x128xi32, #tpu.memory_space<vmem>>)
      %run_scoped3A = arith.constant 0 : i32
      "tpu.region"() ({
        %run_scoped3A_172 = tpu.sem_alloc : memref<!tpu.dma_semaphore, #tpu.memory_space<semaphore_mem>>
        %dma_start3A_173 = arith.constant 0 : i32
        %dma_start3A_174 = tpu.memref_slice %arg8[%run_scoped3A, %dma_start3A_173] : memref<1x128xi32, #tpu.memory_space<vmem>> -> memref<1x128xi32, #tpu.memory_space<vmem>>
        %dma_start3A_175 = tpu.memref_squeeze %dma_start3A_174 : memref<1x128xi32, #tpu.memory_space<vmem>> -> memref<128xi32, #tpu.memory_space<vmem>>
        %dma_start3A_176 = arith.constant 0 : i32
        %dma_start3A_177 = arith.constant 0 : i32
        %dma_start3A_178 = tpu.memref_slice %arg12[%dma_start3A_176, %dma_start3A_177] : memref<10240x128xf32, #tpu.memory_space<vmem_shared>> -> memref<10240x128xf32, #tpu.memory_space<vmem_shared>>
        tpu.enqueue_indirect_dma source(%arg10 : memref<128x128xf32, #tpu.memory_space<vmem>>) target(%dma_start3A_178 : memref<10240x128xf32, #tpu.memory_space<vmem_shared>>) offsets(%dma_start3A_175 : memref<128xi32, #tpu.memory_space<vmem>>) semaphore(%run_scoped3A_172 : memref<!tpu.dma_semaphore, #tpu.memory_space<semaphore_mem>>) {add = true}
        %dma_wait3A_179 = arith.constant 0 : i32
        %dma_wait3A_180 = tpu.memref_slice %arg8[%run_scoped3A, %dma_wait3A_179] : memref<1x128xi32, #tpu.memory_space<vmem>> -> memref<1x128xi32, #tpu.memory_space<vmem>>
        %dma_wait3A_181 = tpu.memref_squeeze %dma_wait3A_180 : memref<1x128xi32, #tpu.memory_space<vmem>> -> memref<128xi32, #tpu.memory_space<vmem>>
        %dma_wait3A_182 = arith.constant 0 : i32
        %dma_wait3A_183 = arith.constant 0 : i32
        %dma_wait3A_184 = tpu.memref_slice %arg12[%dma_wait3A_182, %dma_wait3A_183] : memref<10240x128xf32, #tpu.memory_space<vmem_shared>> -> memref<10240x128xf32, #tpu.memory_space<vmem_shared>>
        tpu.wait_indirect_dma semaphore(%run_scoped3A_172 : memref<!tpu.dma_semaphore, #tpu.memory_space<semaphore_mem>>) src(%arg10 : memref<128x128xf32, #tpu.memory_space<vmem>>) dst(%dma_wait3A_184 : memref<10240x128xf32, #tpu.memory_space<vmem_shared>>)
        tpu.yield
      }) : () -> ()
      %sub3A = arith.constant 1 : i32
      %sub3A_145 = arith.subi %select_n3A, %sub3A : i32
      %lt3A = arith.cmpi slt, %while3A_125, %sub3A_145 : i32
      %convert_element_type3A = arith.extui %lt3A : i1 to i32
      %cond3A = arith.constant 0 : i32
      %cond3A_146 = arith.cmpi ne, %convert_element_type3A, %cond3A : i32
      scf.if %cond3A_146 {
        %add3A_172 = arith.constant 2 : i32
        %add3A_173 = arith.addi %add3A_129, %add3A_172 : i32
        %dma_start3A_174 = arith.constant 0 : i32
        %dma_start3A_175 = tpu.memref_slice %arg4[%add3A, %add3A_173, %dma_start3A_174] : memref<32x80x128xi32, #tpu.memory_space<hbm>> -> memref<1x1x128xi32, #tpu.memory_space<hbm>>
        %dma_start3A_176 = tpu.memref_squeeze %dma_start3A_175 : memref<1x1x128xi32, #tpu.memory_space<hbm>> -> memref<1x128xi32, #tpu.memory_space<hbm>>
        %dma_start3A_177 = arith.constant 0 : i32
        %dma_start3A_178 = tpu.memref_slice %arg4[%add3A, %add3A_173, %dma_start3A_177] : memref<32x80x128xi32, #tpu.memory_space<hbm>> -> memref<1x1x128xi32, #tpu.memory_space<hbm>>
        %dma_start3A_179 = tpu.memref_squeeze %dma_start3A_178 : memref<1x1x128xi32, #tpu.memory_space<hbm>> -> memref<1x128xi32, #tpu.memory_space<hbm>>
        tpu.enqueue_dma source(%dma_start3A_179 : memref<1x128xi32, #tpu.memory_space<hbm>>) target(%arg8 : memref<1x128xi32, #tpu.memory_space<vmem>>) target_semaphore(%arg13 : memref<!tpu.dma_semaphore, #tpu.memory_space<semaphore_mem>>)
      } else {
      }
      %mul3A_147 = arith.constant 2 : i32
      %mul3A_148 = arith.muli %mul3A_147, %while3A_125 : i32
      %add3A_149 = arith.constant 1 : i32
      %add3A_150 = arith.addi %mul3A_148, %add3A_149 : i32
      %sub3A_151 = arith.constant 1 : i32
      %sub3A_152 = arith.subi %select_n3A, %sub3A_151 : i32
      %lt3A_153 = arith.cmpi slt, %while3A_125, %sub3A_152 : i32
      %convert_element_type3A_154 = arith.extui %lt3A_153 : i1 to i32
      %cond3A_155 = arith.constant 0 : i32
      %cond3A_156 = arith.cmpi ne, %convert_element_type3A_154, %cond3A_155 : i32
      scf.if %cond3A_156 {
        %add3A_172 = arith.constant 1 : i32
        %add3A_173 = arith.addi %add3A_150, %add3A_172 : i32
        %dma_start3A_174 = arith.constant 0 : i32
        %dma_start3A_175 = tpu.memref_slice %arg7[%add3A_173, %dma_start3A_174] : memref<80x128xi32, #tpu.memory_space<vmem>> -> memref<1x128xi32, #tpu.memory_space<vmem>>
        %dma_start3A_176 = tpu.memref_squeeze %dma_start3A_175 : memref<1x128xi32, #tpu.memory_space<vmem>> -> memref<128xi32, #tpu.memory_space<vmem>>
        %dma_start3A_177 = arith.constant 0 : i32
        %dma_start3A_178 = arith.constant 0 : i32
        %dma_start3A_179 = tpu.memref_slice %arg2[%dma_start3A_177, %dma_start3A_178] : memref<10000x128xf32, #tpu.memory_space<hbm>> -> memref<10000x128xf32, #tpu.memory_space<hbm>>
        tpu.enqueue_indirect_dma source(%dma_start3A_179 : memref<10000x128xf32, #tpu.memory_space<hbm>>) target(%arg10 : memref<128x128xf32, #tpu.memory_space<vmem>>) offsets(%dma_start3A_176 : memref<128xi32, #tpu.memory_space<vmem>>) semaphore(%arg15 : memref<!tpu.dma_semaphore, #tpu.memory_space<semaphore_mem>>)
      } else {
      }
      tpu.wait_dma2 semaphore(%arg16 : memref<!tpu.dma_semaphore, #tpu.memory_space<semaphore_mem>>) src(%arg5 : memref<128x128xf32, #tpu.memory_space<hbm>>) dst(%arg11 : memref<128x128xf32, #tpu.memory_space<vmem>>)
      %dma_wait3A_157 = arith.constant 0 : i32
      %dma_wait3A_158 = arith.constant 0 : i32
      %dma_wait3A_159 = tpu.memref_slice %arg4[%add3A, %dma_wait3A_157, %dma_wait3A_158] : memref<32x80x128xi32, #tpu.memory_space<hbm>> -> memref<1x1x128xi32, #tpu.memory_space<hbm>>
      %dma_wait3A_160 = tpu.memref_squeeze %dma_wait3A_159 : memref<1x1x128xi32, #tpu.memory_space<hbm>> -> memref<1x128xi32, #tpu.memory_space<hbm>>
      %dma_wait3A_161 = arith.constant 0 : i32
      %dma_wait3A_162 = arith.constant 0 : i32
      %dma_wait3A_163 = tpu.memref_slice %arg4[%add3A, %dma_wait3A_161, %dma_wait3A_162] : memref<32x80x128xi32, #tpu.memory_space<hbm>> -> memref<1x1x128xi32, #tpu.memory_space<hbm>>
      %dma_wait3A_164 = tpu.memref_squeeze %dma_wait3A_163 : memref<1x1x128xi32, #tpu.memory_space<hbm>> -> memref<1x128xi32, #tpu.memory_space<hbm>>
      tpu.wait_dma2 semaphore(%arg14 : memref<!tpu.dma_semaphore, #tpu.memory_space<semaphore_mem>>) src(%dma_wait3A_164 : memref<1x128xi32, #tpu.memory_space<hbm>>) dst(%arg9 : memref<1x128xi32, #tpu.memory_space<vmem>>)
      %run_scoped3A_165 = arith.constant 0 : i32
      "tpu.region"() ({
        %run_scoped3A_172 = tpu.sem_alloc : memref<!tpu.dma_semaphore, #tpu.memory_space<semaphore_mem>>
        %dma_start3A_173 = arith.constant 0 : i32
        %dma_start3A_174 = tpu.memref_slice %arg9[%run_scoped3A_165, %dma_start3A_173] : memref<1x128xi32, #tpu.memory_space<vmem>> -> memref<1x128xi32, #tpu.memory_space<vmem>>
        %dma_start3A_175 = tpu.memref_squeeze %dma_start3A_174 : memref<1x128xi32, #tpu.memory_space<vmem>> -> memref<128xi32, #tpu.memory_space<vmem>>
        %dma_start3A_176 = arith.constant 0 : i32
        %dma_start3A_177 = arith.constant 0 : i32
        %dma_start3A_178 = tpu.memref_slice %arg12[%dma_start3A_176, %dma_start3A_177] : memref<10240x128xf32, #tpu.memory_space<vmem_shared>> -> memref<10240x128xf32, #tpu.memory_space<vmem_shared>>
        tpu.enqueue_indirect_dma source(%arg11 : memref<128x128xf32, #tpu.memory_space<vmem>>) target(%dma_start3A_178 : memref<10240x128xf32, #tpu.memory_space<vmem_shared>>) offsets(%dma_start3A_175 : memref<128xi32, #tpu.memory_space<vmem>>) semaphore(%run_scoped3A_172 : memref<!tpu.dma_semaphore, #tpu.memory_space<semaphore_mem>>) {add = true}
        %dma_wait3A_179 = arith.constant 0 : i32
        %dma_wait3A_180 = tpu.memref_slice %arg9[%run_scoped3A_165, %dma_wait3A_179] : memref<1x128xi32, #tpu.memory_space<vmem>> -> memref<1x128xi32, #tpu.memory_space<vmem>>
        %dma_wait3A_181 = tpu.memref_squeeze %dma_wait3A_180 : memref<1x128xi32, #tpu.memory_space<vmem>> -> memref<128xi32, #tpu.memory_space<vmem>>
        %dma_wait3A_182 = arith.constant 0 : i32
        %dma_wait3A_183 = arith.constant 0 : i32
        %dma_wait3A_184 = tpu.memref_slice %arg12[%dma_wait3A_182, %dma_wait3A_183] : memref<10240x128xf32, #tpu.memory_space<vmem_shared>> -> memref<10240x128xf32, #tpu.memory_space<vmem_shared>>
        tpu.wait_indirect_dma semaphore(%run_scoped3A_172 : memref<!tpu.dma_semaphore, #tpu.memory_space<semaphore_mem>>) src(%arg11 : memref<128x128xf32, #tpu.memory_space<vmem>>) dst(%dma_wait3A_184 : memref<10240x128xf32, #tpu.memory_space<vmem_shared>>)
        tpu.yield
      }) : () -> ()
      %sub3A_166 = arith.constant 1 : i32
      %sub3A_167 = arith.subi %select_n3A, %sub3A_166 : i32
      %lt3A_168 = arith.cmpi slt, %while3A_125, %sub3A_167 : i32
      %convert_element_type3A_169 = arith.extui %lt3A_168 : i1 to i32
      %cond3A_170 = arith.constant 0 : i32
      %cond3A_171 = arith.cmpi ne, %convert_element_type3A_169, %cond3A_170 : i32
      scf.if %cond3A_171 {
        %add3A_172 = arith.constant 2 : i32
        %add3A_173 = arith.addi %add3A_150, %add3A_172 : i32
        %dma_start3A_174 = arith.constant 0 : i32
        %dma_start3A_175 = tpu.memref_slice %arg4[%add3A, %add3A_173, %dma_start3A_174] : memref<32x80x128xi32, #tpu.memory_space<hbm>> -> memref<1x1x128xi32, #tpu.memory_space<hbm>>
        %dma_start3A_176 = tpu.memref_squeeze %dma_start3A_175 : memref<1x1x128xi32, #tpu.memory_space<hbm>> -> memref<1x128xi32, #tpu.memory_space<hbm>>
        %dma_start3A_177 = arith.constant 0 : i32
        %dma_start3A_178 = tpu.memref_slice %arg4[%add3A, %add3A_173, %dma_start3A_177] : memref<32x80x128xi32, #tpu.memory_space<hbm>> -> memref<1x1x128xi32, #tpu.memory_space<hbm>>
        %dma_start3A_179 = tpu.memref_squeeze %dma_start3A_178 : memref<1x1x128xi32, #tpu.memory_space<hbm>> -> memref<1x128xi32, #tpu.memory_space<hbm>>
        tpu.enqueue_dma source(%dma_start3A_179 : memref<1x128xi32, #tpu.memory_space<hbm>>) target(%arg9 : memref<1x128xi32, #tpu.memory_space<vmem>>) target_semaphore(%arg14 : memref<!tpu.dma_semaphore, #tpu.memory_space<semaphore_mem>>)
      } else {
      }
    }
    %barrier3A_64 = arith.constant 0 : index
    tpu.barrier barrier_id(%barrier3A_64)
    %mul3A_65 = arith.constant 5 : i32
    %mul3A_66 = arith.muli %arg1, %mul3A_65 : i32
    %add3A_67 = arith.constant 0 : i32
    %add3A_68 = arith.addi %mul3A_66, %add3A_67 : i32
    %mul3A_69 = arith.constant 128 : i32
    %mul3A_70 = arith.muli %add3A_68, %mul3A_69 : i32
    "tpu.region"() ({
      %run_scoped3A = tpu.sem_alloc : memref<!tpu.dma_semaphore, #tpu.memory_space<semaphore_mem>>
      %dma_start3A_125 = arith.constant 0 : i32
      %dma_start3A_126 = tpu.memref_slice %arg12[%mul3A_70, %dma_start3A_125] : memref<10240x128xf32, #tpu.memory_space<vmem_shared>> -> memref<128x128xf32, #tpu.memory_space<vmem_shared>>
      %dma_start3A_127 = arith.constant 0 : i32
      %dma_start3A_128 = tpu.memref_slice %arg12[%mul3A_70, %dma_start3A_127] : memref<10240x128xf32, #tpu.memory_space<vmem_shared>> -> memref<128x128xf32, #tpu.memory_space<vmem_shared>>
      tpu.enqueue_dma source(%dma_start3A_128 : memref<128x128xf32, #tpu.memory_space<vmem_shared>>) target(%arg10 : memref<128x128xf32, #tpu.memory_space<vmem>>) target_semaphore(%run_scoped3A : memref<!tpu.dma_semaphore, #tpu.memory_space<semaphore_mem>>)
      %dma_wait3A = arith.constant 0 : i32
      %dma_wait3A_129 = tpu.memref_slice %arg12[%mul3A_70, %dma_wait3A] : memref<10240x128xf32, #tpu.memory_space<vmem_shared>> -> memref<128x128xf32, #tpu.memory_space<vmem_shared>>
      %dma_wait3A_130 = arith.constant 0 : i32
      %dma_wait3A_131 = tpu.memref_slice %arg12[%mul3A_70, %dma_wait3A_130] : memref<10240x128xf32, #tpu.memory_space<vmem_shared>> -> memref<128x128xf32, #tpu.memory_space<vmem_shared>>
      tpu.wait_dma2 semaphore(%run_scoped3A : memref<!tpu.dma_semaphore, #tpu.memory_space<semaphore_mem>>) src(%dma_wait3A_131 : memref<128x128xf32, #tpu.memory_space<vmem_shared>>) dst(%arg10 : memref<128x128xf32, #tpu.memory_space<vmem>>)
      tpu.yield
    }) : () -> ()
    %dma_start3A_71 = arith.constant 0 : i32
    %dma_start3A_72 = tpu.memref_slice %arg6[%arg0, %mul3A_70, %dma_start3A_71] : memref<2x10240x128xf32, #tpu.memory_space<hbm>> -> memref<1x128x128xf32, #tpu.memory_space<hbm>>
    %dma_start3A_73 = tpu.memref_squeeze %dma_start3A_72 : memref<1x128x128xf32, #tpu.memory_space<hbm>> -> memref<128x128xf32, #tpu.memory_space<hbm>>
    %dma_start3A_74 = arith.constant 0 : i32
    %dma_start3A_75 = tpu.memref_slice %arg6[%arg0, %mul3A_70, %dma_start3A_74] : memref<2x10240x128xf32, #tpu.memory_space<hbm>> -> memref<1x128x128xf32, #tpu.memory_space<hbm>>
    %dma_start3A_76 = tpu.memref_squeeze %dma_start3A_75 : memref<1x128x128xf32, #tpu.memory_space<hbm>> -> memref<128x128xf32, #tpu.memory_space<hbm>>
    tpu.enqueue_dma source(%arg10 : memref<128x128xf32, #tpu.memory_space<vmem>>) target(%dma_start3A_76 : memref<128x128xf32, #tpu.memory_space<hbm>>) target_semaphore(%arg15 : memref<!tpu.dma_semaphore, #tpu.memory_space<semaphore_mem>>)
    %mul3A_77 = arith.constant 5 : i32
    %mul3A_78 = arith.muli %arg1, %mul3A_77 : i32
    %add3A_79 = arith.constant 1 : i32
    %add3A_80 = arith.addi %mul3A_78, %add3A_79 : i32
    %mul3A_81 = arith.constant 128 : i32
    %mul3A_82 = arith.muli %add3A_80, %mul3A_81 : i32
    "tpu.region"() ({
      %run_scoped3A = tpu.sem_alloc : memref<!tpu.dma_semaphore, #tpu.memory_space<semaphore_mem>>
      %dma_start3A_125 = arith.constant 0 : i32
      %dma_start3A_126 = tpu.memref_slice %arg12[%mul3A_82, %dma_start3A_125] : memref<10240x128xf32, #tpu.memory_space<vmem_shared>> -> memref<128x128xf32, #tpu.memory_space<vmem_shared>>
      %dma_start3A_127 = arith.constant 0 : i32
      %dma_start3A_128 = tpu.memref_slice %arg12[%mul3A_82, %dma_start3A_127] : memref<10240x128xf32, #tpu.memory_space<vmem_shared>> -> memref<128x128xf32, #tpu.memory_space<vmem_shared>>
      tpu.enqueue_dma source(%dma_start3A_128 : memref<128x128xf32, #tpu.memory_space<vmem_shared>>) target(%arg11 : memref<128x128xf32, #tpu.memory_space<vmem>>) target_semaphore(%run_scoped3A : memref<!tpu.dma_semaphore, #tpu.memory_space<semaphore_mem>>)
      %dma_wait3A = arith.constant 0 : i32
      %dma_wait3A_129 = tpu.memref_slice %arg12[%mul3A_82, %dma_wait3A] : memref<10240x128xf32, #tpu.memory_space<vmem_shared>> -> memref<128x128xf32, #tpu.memory_space<vmem_shared>>
      %dma_wait3A_130 = arith.constant 0 : i32
      %dma_wait3A_131 = tpu.memref_slice %arg12[%mul3A_82, %dma_wait3A_130] : memref<10240x128xf32, #tpu.memory_space<vmem_shared>> -> memref<128x128xf32, #tpu.memory_space<vmem_shared>>
      tpu.wait_dma2 semaphore(%run_scoped3A : memref<!tpu.dma_semaphore, #tpu.memory_space<semaphore_mem>>) src(%dma_wait3A_131 : memref<128x128xf32, #tpu.memory_space<vmem_shared>>) dst(%arg11 : memref<128x128xf32, #tpu.memory_space<vmem>>)
      tpu.yield
    }) : () -> ()
    %dma_start3A_83 = arith.constant 0 : i32
    %dma_start3A_84 = tpu.memref_slice %arg6[%arg0, %mul3A_82, %dma_start3A_83] : memref<2x10240x128xf32, #tpu.memory_space<hbm>> -> memref<1x128x128xf32, #tpu.memory_space<hbm>>
    %dma_start3A_85 = tpu.memref_squeeze %dma_start3A_84 : memref<1x128x128xf32, #tpu.memory_space<hbm>> -> memref<128x128xf32, #tpu.memory_space<hbm>>
    %dma_start3A_86 = arith.constant 0 : i32
    %dma_start3A_87 = tpu.memref_slice %arg6[%arg0, %mul3A_82, %dma_start3A_86] : memref<2x10240x128xf32, #tpu.memory_space<hbm>> -> memref<1x128x128xf32, #tpu.memory_space<hbm>>
    %dma_start3A_88 = tpu.memref_squeeze %dma_start3A_87 : memref<1x128x128xf32, #tpu.memory_space<hbm>> -> memref<128x128xf32, #tpu.memory_space<hbm>>
    tpu.enqueue_dma source(%arg11 : memref<128x128xf32, #tpu.memory_space<vmem>>) target(%dma_start3A_88 : memref<128x128xf32, #tpu.memory_space<hbm>>) target_semaphore(%arg16 : memref<!tpu.dma_semaphore, #tpu.memory_space<semaphore_mem>>)
    tpu.wait_dma2 semaphore(%arg15 : memref<!tpu.dma_semaphore, #tpu.memory_space<semaphore_mem>>) src(%arg5 : memref<128x128xf32, #tpu.memory_space<hbm>>) dst(%arg10 : memref<128x128xf32, #tpu.memory_space<vmem>>)
    %mul3A_89 = arith.constant 5 : i32
    %mul3A_90 = arith.muli %arg1, %mul3A_89 : i32
    %add3A_91 = arith.constant 2 : i32
    %add3A_92 = arith.addi %mul3A_90, %add3A_91 : i32
    %mul3A_93 = arith.constant 128 : i32
    %mul3A_94 = arith.muli %add3A_92, %mul3A_93 : i32
    "tpu.region"() ({
      %run_scoped3A = tpu.sem_alloc : memref<!tpu.dma_semaphore, #tpu.memory_space<semaphore_mem>>
      %dma_start3A_125 = arith.constant 0 : i32
      %dma_start3A_126 = tpu.memref_slice %arg12[%mul3A_94, %dma_start3A_125] : memref<10240x128xf32, #tpu.memory_space<vmem_shared>> -> memref<128x128xf32, #tpu.memory_space<vmem_shared>>
      %dma_start3A_127 = arith.constant 0 : i32
      %dma_start3A_128 = tpu.memref_slice %arg12[%mul3A_94, %dma_start3A_127] : memref<10240x128xf32, #tpu.memory_space<vmem_shared>> -> memref<128x128xf32, #tpu.memory_space<vmem_shared>>
      tpu.enqueue_dma source(%dma_start3A_128 : memref<128x128xf32, #tpu.memory_space<vmem_shared>>) target(%arg10 : memref<128x128xf32, #tpu.memory_space<vmem>>) target_semaphore(%run_scoped3A : memref<!tpu.dma_semaphore, #tpu.memory_space<semaphore_mem>>)
      %dma_wait3A = arith.constant 0 : i32
      %dma_wait3A_129 = tpu.memref_slice %arg12[%mul3A_94, %dma_wait3A] : memref<10240x128xf32, #tpu.memory_space<vmem_shared>> -> memref<128x128xf32, #tpu.memory_space<vmem_shared>>
      %dma_wait3A_130 = arith.constant 0 : i32
      %dma_wait3A_131 = tpu.memref_slice %arg12[%mul3A_94, %dma_wait3A_130] : memref<10240x128xf32, #tpu.memory_space<vmem_shared>> -> memref<128x128xf32, #tpu.memory_space<vmem_shared>>
      tpu.wait_dma2 semaphore(%run_scoped3A : memref<!tpu.dma_semaphore, #tpu.memory_space<semaphore_mem>>) src(%dma_wait3A_131 : memref<128x128xf32, #tpu.memory_space<vmem_shared>>) dst(%arg10 : memref<128x128xf32, #tpu.memory_space<vmem>>)
      tpu.yield
    }) : () -> ()
    %dma_start3A_95 = arith.constant 0 : i32
    %dma_start3A_96 = tpu.memref_slice %arg6[%arg0, %mul3A_94, %dma_start3A_95] : memref<2x10240x128xf32, #tpu.memory_space<hbm>> -> memref<1x128x128xf32, #tpu.memory_space<hbm>>
    %dma_start3A_97 = tpu.memref_squeeze %dma_start3A_96 : memref<1x128x128xf32, #tpu.memory_space<hbm>> -> memref<128x128xf32, #tpu.memory_space<hbm>>
    %dma_start3A_98 = arith.constant 0 : i32
    %dma_start3A_99 = tpu.memref_slice %arg6[%arg0, %mul3A_94, %dma_start3A_98] : memref<2x10240x128xf32, #tpu.memory_space<hbm>> -> memref<1x128x128xf32, #tpu.memory_space<hbm>>
    %dma_start3A_100 = tpu.memref_squeeze %dma_start3A_99 : memref<1x128x128xf32, #tpu.memory_space<hbm>> -> memref<128x128xf32, #tpu.memory_space<hbm>>
    tpu.enqueue_dma source(%arg10 : memref<128x128xf32, #tpu.memory_space<vmem>>) target(%dma_start3A_100 : memref<128x128xf32, #tpu.memory_space<hbm>>) target_semaphore(%arg15 : memref<!tpu.dma_semaphore, #tpu.memory_space<semaphore_mem>>)
    tpu.wait_dma2 semaphore(%arg16 : memref<!tpu.dma_semaphore, #tpu.memory_space<semaphore_mem>>) src(%arg5 : memref<128x128xf32, #tpu.memory_space<hbm>>) dst(%arg11 : memref<128x128xf32, #tpu.memory_space<vmem>>)
    %mul3A_101 = arith.constant 5 : i32
    %mul3A_102 = arith.muli %arg1, %mul3A_101 : i32
    %add3A_103 = arith.constant 3 : i32
    %add3A_104 = arith.addi %mul3A_102, %add3A_103 : i32
    %mul3A_105 = arith.constant 128 : i32
    %mul3A_106 = arith.muli %add3A_104, %mul3A_105 : i32
    "tpu.region"() ({
      %run_scoped3A = tpu.sem_alloc : memref<!tpu.dma_semaphore, #tpu.memory_space<semaphore_mem>>
      %dma_start3A_125 = arith.constant 0 : i32
      %dma_start3A_126 = tpu.memref_slice %arg12[%mul3A_106, %dma_start3A_125] : memref<10240x128xf32, #tpu.memory_space<vmem_shared>> -> memref<128x128xf32, #tpu.memory_space<vmem_shared>>
      %dma_start3A_127 = arith.constant 0 : i32
      %dma_start3A_128 = tpu.memref_slice %arg12[%mul3A_106, %dma_start3A_127] : memref<10240x128xf32, #tpu.memory_space<vmem_shared>> -> memref<128x128xf32, #tpu.memory_space<vmem_shared>>
      tpu.enqueue_dma source(%dma_start3A_128 : memref<128x128xf32, #tpu.memory_space<vmem_shared>>) target(%arg11 : memref<128x128xf32, #tpu.memory_space<vmem>>) target_semaphore(%run_scoped3A : memref<!tpu.dma_semaphore, #tpu.memory_space<semaphore_mem>>)
      %dma_wait3A = arith.constant 0 : i32
      %dma_wait3A_129 = tpu.memref_slice %arg12[%mul3A_106, %dma_wait3A] : memref<10240x128xf32, #tpu.memory_space<vmem_shared>> -> memref<128x128xf32, #tpu.memory_space<vmem_shared>>
      %dma_wait3A_130 = arith.constant 0 : i32
      %dma_wait3A_131 = tpu.memref_slice %arg12[%mul3A_106, %dma_wait3A_130] : memref<10240x128xf32, #tpu.memory_space<vmem_shared>> -> memref<128x128xf32, #tpu.memory_space<vmem_shared>>
      tpu.wait_dma2 semaphore(%run_scoped3A : memref<!tpu.dma_semaphore, #tpu.memory_space<semaphore_mem>>) src(%dma_wait3A_131 : memref<128x128xf32, #tpu.memory_space<vmem_shared>>) dst(%arg11 : memref<128x128xf32, #tpu.memory_space<vmem>>)
      tpu.yield
    }) : () -> ()
    %dma_start3A_107 = arith.constant 0 : i32
    %dma_start3A_108 = tpu.memref_slice %arg6[%arg0, %mul3A_106, %dma_start3A_107] : memref<2x10240x128xf32, #tpu.memory_space<hbm>> -> memref<1x128x128xf32, #tpu.memory_space<hbm>>
    %dma_start3A_109 = tpu.memref_squeeze %dma_start3A_108 : memref<1x128x128xf32, #tpu.memory_space<hbm>> -> memref<128x128xf32, #tpu.memory_space<hbm>>
    %dma_start3A_110 = arith.constant 0 : i32
    %dma_start3A_111 = tpu.memref_slice %arg6[%arg0, %mul3A_106, %dma_start3A_110] : memref<2x10240x128xf32, #tpu.memory_space<hbm>> -> memref<1x128x128xf32, #tpu.memory_space<hbm>>
    %dma_start3A_112 = tpu.memref_squeeze %dma_start3A_111 : memref<1x128x128xf32, #tpu.memory_space<hbm>> -> memref<128x128xf32, #tpu.memory_space<hbm>>
    tpu.enqueue_dma source(%arg11 : memref<128x128xf32, #tpu.memory_space<vmem>>) target(%dma_start3A_112 : memref<128x128xf32, #tpu.memory_space<hbm>>) target_semaphore(%arg16 : memref<!tpu.dma_semaphore, #tpu.memory_space<semaphore_mem>>)
    tpu.wait_dma2 semaphore(%arg15 : memref<!tpu.dma_semaphore, #tpu.memory_space<semaphore_mem>>) src(%arg5 : memref<128x128xf32, #tpu.memory_space<hbm>>) dst(%arg10 : memref<128x128xf32, #tpu.memory_space<vmem>>)
    %mul3A_113 = arith.constant 5 : i32
    %mul3A_114 = arith.muli %arg1, %mul3A_113 : i32
    %add3A_115 = arith.constant 4 : i32
    %add3A_116 = arith.addi %mul3A_114, %add3A_115 : i32
    %mul3A_117 = arith.constant 128 : i32
    %mul3A_118 = arith.muli %add3A_116, %mul3A_117 : i32
    "tpu.region"() ({
      %run_scoped3A = tpu.sem_alloc : memref<!tpu.dma_semaphore, #tpu.memory_space<semaphore_mem>>
      %dma_start3A_125 = arith.constant 0 : i32
      %dma_start3A_126 = tpu.memref_slice %arg12[%mul3A_118, %dma_start3A_125] : memref<10240x128xf32, #tpu.memory_space<vmem_shared>> -> memref<128x128xf32, #tpu.memory_space<vmem_shared>>
      %dma_start3A_127 = arith.constant 0 : i32
      %dma_start3A_128 = tpu.memref_slice %arg12[%mul3A_118, %dma_start3A_127] : memref<10240x128xf32, #tpu.memory_space<vmem_shared>> -> memref<128x128xf32, #tpu.memory_space<vmem_shared>>
      tpu.enqueue_dma source(%dma_start3A_128 : memref<128x128xf32, #tpu.memory_space<vmem_shared>>) target(%arg10 : memref<128x128xf32, #tpu.memory_space<vmem>>) target_semaphore(%run_scoped3A : memref<!tpu.dma_semaphore, #tpu.memory_space<semaphore_mem>>)
      %dma_wait3A = arith.constant 0 : i32
      %dma_wait3A_129 = tpu.memref_slice %arg12[%mul3A_118, %dma_wait3A] : memref<10240x128xf32, #tpu.memory_space<vmem_shared>> -> memref<128x128xf32, #tpu.memory_space<vmem_shared>>
      %dma_wait3A_130 = arith.constant 0 : i32
      %dma_wait3A_131 = tpu.memref_slice %arg12[%mul3A_118, %dma_wait3A_130] : memref<10240x128xf32, #tpu.memory_space<vmem_shared>> -> memref<128x128xf32, #tpu.memory_space<vmem_shared>>
      tpu.wait_dma2 semaphore(%run_scoped3A : memref<!tpu.dma_semaphore, #tpu.memory_space<semaphore_mem>>) src(%dma_wait3A_131 : memref<128x128xf32, #tpu.memory_space<vmem_shared>>) dst(%arg10 : memref<128x128xf32, #tpu.memory_space<vmem>>)
      tpu.yield
    }) : () -> ()
    %dma_start3A_119 = arith.constant 0 : i32
    %dma_start3A_120 = tpu.memref_slice %arg6[%arg0, %mul3A_118, %dma_start3A_119] : memref<2x10240x128xf32, #tpu.memory_space<hbm>> -> memref<1x128x128xf32, #tpu.memory_space<hbm>>
    %dma_start3A_121 = tpu.memref_squeeze %dma_start3A_120 : memref<1x128x128xf32, #tpu.memory_space<hbm>> -> memref<128x128xf32, #tpu.memory_space<hbm>>
    %dma_start3A_122 = arith.constant 0 : i32
    %dma_start3A_123 = tpu.memref_slice %arg6[%arg0, %mul3A_118, %dma_start3A_122] : memref<2x10240x128xf32, #tpu.memory_space<hbm>> -> memref<1x128x128xf32, #tpu.memory_space<hbm>>
    %dma_start3A_124 = tpu.memref_squeeze %dma_start3A_123 : memref<1x128x128xf32, #tpu.memory_space<hbm>> -> memref<128x128xf32, #tpu.memory_space<hbm>>
    tpu.enqueue_dma source(%arg10 : memref<128x128xf32, #tpu.memory_space<vmem>>) target(%dma_start3A_124 : memref<128x128xf32, #tpu.memory_space<hbm>>) target_semaphore(%arg15 : memref<!tpu.dma_semaphore, #tpu.memory_space<semaphore_mem>>)
    tpu.wait_dma2 semaphore(%arg16 : memref<!tpu.dma_semaphore, #tpu.memory_space<semaphore_mem>>) src(%arg5 : memref<128x128xf32, #tpu.memory_space<hbm>>) dst(%arg11 : memref<128x128xf32, #tpu.memory_space<vmem>>)
    tpu.wait_dma2 semaphore(%arg15 : memref<!tpu.dma_semaphore, #tpu.memory_space<semaphore_mem>>) src(%arg5 : memref<128x128xf32, #tpu.memory_space<hbm>>) dst(%arg10 : memref<128x128xf32, #tpu.memory_space<vmem>>)
    return
  }
}

#map = affine_map<(d0, d1) -> (0, 0)>
#map1 = affine_map<(d0, d1) -> (0, 0, 0)>
module attributes {stable_mosaic.version = 14 : i64} {
  func.func @body(%arg0: i32, %arg1: i32, %arg2: memref<10000x128xf32, #tpu.memory_space<hbm>>, %arg3: memref<32x80x128xi32, #tpu.memory_space<hbm>>, %arg4: memref<32x80x128xi32, #tpu.memory_space<hbm>>, %arg5: memref<128x128xf32, #tpu.memory_space<hbm>>, %arg6: memref<2x10240x128xf32, #tpu.memory_space<hbm>>, %arg7: memref<80x128xi32, #tpu.memory_space<vmem>>, %arg8: memref<1x128xi32, #tpu.memory_space<vmem>>, %arg9: memref<1x128xi32, #tpu.memory_space<vmem>>, %arg10: memref<128x128xf32, #tpu.memory_space<vmem>>, %arg11: memref<128x128xf32, #tpu.memory_space<vmem>>, %arg12: memref<10240x128xf32, #tpu.memory_space<vmem_shared>>, %arg13: memref<!tpu.dma_semaphore, #tpu.memory_space<semaphore_mem>>, %arg14: memref<!tpu.dma_semaphore, #tpu.memory_space<semaphore_mem>>, %arg15: memref<!tpu.dma_semaphore, #tpu.memory_space<semaphore_mem>>, %arg16: memref<!tpu.dma_semaphore, #tpu.memory_space<semaphore_mem>>) attributes {dimension_semantics = [#tpu.dimension_semantics<core_parallel>, #tpu.dimension_semantics<subcore_parallel>], iteration_bounds = array<i64: 2, 16>, scalar_prefetch = 0 : i64, scratch_operands = 10 : i64, tpu.core_type = #tpu.core_type<sc_vector_subcore>, window_params = [{transform_indices = #map}, {transform_indices = #map1}, {transform_indices = #map1}, {transform_indices = #map}, {transform_indices = #map1}]} {
    %mul3A = arith.constant 16 : i32
    %mul3A_0 = arith.muli %arg0, %mul3A : i32
    %add3A = arith.addi %mul3A_0, %arg1 : i32
    %eq3A = arith.constant 0 : i32
    %eq3A_1 = arith.cmpi eq, %arg0, %eq3A : i32
    %jit3A = arith.constant 40 : i32
    %jit3A_2 = arith.constant 39 : i32
    %select_n3A = arith.select %eq3A_1, %jit3A, %jit3A_2 : i32
    "tpu.region"() ({
      %run_scoped3A = tpu.sem_alloc : memref<!tpu.dma_semaphore, #tpu.memory_space<semaphore_mem>>
      %dma_start3A_125 = arith.constant 0 : i32
      %dma_start3A_126 = arith.constant 0 : i32
      %dma_start3A_127 = tpu.memref_slice %arg3[%add3A, %dma_start3A_125, %dma_start3A_126] : memref<32x80x128xi32, #tpu.memory_space<hbm>> -> memref<1x80x128xi32, #tpu.memory_space<hbm>>
      %dma_start3A_128 = tpu.memref_squeeze %dma_start3A_127 : memref<1x80x128xi32, #tpu.memory_space<hbm>> -> memref<80x128xi32, #tpu.memory_space<hbm>>
      %dma_start3A_129 = arith.constant 0 : i32
      %dma_start3A_130 = arith.constant 0 : i32
      %dma_start3A_131 = tpu.memref_slice %arg3[%add3A, %dma_start3A_129, %dma_start3A_130] : memref<32x80x128xi32, #tpu.memory_space<hbm>> -> memref<1x80x128xi32, #tpu.memory_space<hbm>>
      %dma_start3A_132 = tpu.memref_squeeze %dma_start3A_131 : memref<1x80x128xi32, #tpu.memory_space<hbm>> -> memref<80x128xi32, #tpu.memory_space<hbm>>
      tpu.enqueue_dma source(%dma_start3A_132 : memref<80x128xi32, #tpu.memory_space<hbm>>) target(%arg7 : memref<80x128xi32, #tpu.memory_space<vmem>>) target_semaphore(%run_scoped3A : memref<!tpu.dma_semaphore, #tpu.memory_space<semaphore_mem>>)
      %dma_wait3A = arith.constant 0 : i32
      %dma_wait3A_133 = arith.constant 0 : i32
      %dma_wait3A_134 = tpu.memref_slice %arg3[%add3A, %dma_wait3A, %dma_wait3A_133] : memref<32x80x128xi32, #tpu.memory_space<hbm>> -> memref<1x80x128xi32, #tpu.memory_space<hbm>>
      %dma_wait3A_135 = tpu.memref_squeeze %dma_wait3A_134 : memref<1x80x128xi32, #tpu.memory_space<hbm>> -> memref<80x128xi32, #tpu.memory_space<hbm>>
      %dma_wait3A_136 = arith.constant 0 : i32
      %dma_wait3A_137 = arith.constant 0 : i32
      %dma_wait3A_138 = tpu.memref_slice %arg3[%add3A, %dma_wait3A_136, %dma_wait3A_137] : memref<32x80x128xi32, #tpu.memory_space<hbm>> -> memref<1x80x128xi32, #tpu.memory_space<hbm>>
      %dma_wait3A_139 = tpu.memref_squeeze %dma_wait3A_138 : memref<1x80x128xi32, #tpu.memory_space<hbm>> -> memref<80x128xi32, #tpu.memory_space<hbm>>
      tpu.wait_dma2 semaphore(%run_scoped3A : memref<!tpu.dma_semaphore, #tpu.memory_space<semaphore_mem>>) src(%dma_wait3A_139 : memref<80x128xi32, #tpu.memory_space<hbm>>) dst(%arg7 : memref<80x128xi32, #tpu.memory_space<vmem>>)
      tpu.yield
    }) : () -> ()
    "tpu.region"() ({
      %run_scoped3A = tpu.sem_alloc : memref<!tpu.dma_semaphore, #tpu.memory_space<semaphore_mem>>
      tpu.enqueue_dma source(%arg5 : memref<128x128xf32, #tpu.memory_space<hbm>>) target(%arg10 : memref<128x128xf32, #tpu.memory_space<vmem>>) target_semaphore(%run_scoped3A : memref<!tpu.dma_semaphore, #tpu.memory_space<semaphore_mem>>)
      tpu.wait_dma2 semaphore(%run_scoped3A : memref<!tpu.dma_semaphore, #tpu.memory_space<semaphore_mem>>) src(%arg5 : memref<128x128xf32, #tpu.memory_space<hbm>>) dst(%arg10 : memref<128x128xf32, #tpu.memory_space<vmem>>)
      tpu.yield
    }) : () -> ()
    %mul3A_3 = arith.constant 5 : i32
    %mul3A_4 = arith.muli %arg1, %mul3A_3 : i32
    %add3A_5 = arith.constant 0 : i32
    %add3A_6 = arith.addi %mul3A_4, %add3A_5 : i32
    %mul3A_7 = arith.constant 128 : i32
    %mul3A_8 = arith.muli %add3A_6, %mul3A_7 : i32
    "tpu.region"() ({
      %run_scoped3A = tpu.sem_alloc : memref<!tpu.dma_semaphore, #tpu.memory_space<semaphore_mem>>
      %dma_start3A_125 = arith.constant 0 : i32
      %dma_start3A_126 = tpu.memref_slice %arg12[%mul3A_8, %dma_start3A_125] : memref<10240x128xf32, #tpu.memory_space<vmem_shared>> -> memref<128x128xf32, #tpu.memory_space<vmem_shared>>
      %dma_start3A_127 = arith.constant 0 : i32
      %dma_start3A_128 = tpu.memref_slice %arg12[%mul3A_8, %dma_start3A_127] : memref<10240x128xf32, #tpu.memory_space<vmem_shared>> -> memref<128x128xf32, #tpu.memory_space<vmem_shared>>
      tpu.enqueue_dma source(%arg10 : memref<128x128xf32, #tpu.memory_space<vmem>>) target(%dma_start3A_128 : memref<128x128xf32, #tpu.memory_space<vmem_shared>>) target_semaphore(%run_scoped3A : memref<!tpu.dma_semaphore, #tpu.memory_space<semaphore_mem>>)
      %dma_wait3A = arith.constant 0 : i32
      %dma_wait3A_129 = tpu.memref_slice %arg12[%mul3A_8, %dma_wait3A] : memref<10240x128xf32, #tpu.memory_space<vmem_shared>> -> memref<128x128xf32, #tpu.memory_space<vmem_shared>>
      %dma_wait3A_130 = arith.constant 0 : i32
      %dma_wait3A_131 = tpu.memref_slice %arg12[%mul3A_8, %dma_wait3A_130] : memref<10240x128xf32, #tpu.memory_space<vmem_shared>> -> memref<128x128xf32, #tpu.memory_space<vmem_shared>>
      tpu.wait_dma2 semaphore(%run_scoped3A : memref<!tpu.dma_semaphore, #tpu.memory_space<semaphore_mem>>) src(%arg10 : memref<128x128xf32, #tpu.memory_space<vmem>>) dst(%dma_wait3A_131 : memref<128x128xf32, #tpu.memory_space<vmem_shared>>)
      tpu.yield
    }) : () -> ()
    %mul3A_9 = arith.constant 5 : i32
    %mul3A_10 = arith.muli %arg1, %mul3A_9 : i32
    %add3A_11 = arith.constant 1 : i32
    %add3A_12 = arith.addi %mul3A_10, %add3A_11 : i32
    %mul3A_13 = arith.constant 128 : i32
    %mul3A_14 = arith.muli %add3A_12, %mul3A_13 : i32
    "tpu.region"() ({
      %run_scoped3A = tpu.sem_alloc : memref<!tpu.dma_semaphore, #tpu.memory_space<semaphore_mem>>
      %dma_start3A_125 = arith.constant 0 : i32
      %dma_start3A_126 = tpu.memref_slice %arg12[%mul3A_14, %dma_start3A_125] : memref<10240x128xf32, #tpu.memory_space<vmem_shared>> -> memref<128x128xf32, #tpu.memory_space<vmem_shared>>
      %dma_start3A_127 = arith.constant 0 : i32
      %dma_start3A_128 = tpu.memref_slice %arg12[%mul3A_14, %dma_start3A_127] : memref<10240x128xf32, #tpu.memory_space<vmem_shared>> -> memref<128x128xf32, #tpu.memory_space<vmem_shared>>
      tpu.enqueue_dma source(%arg10 : memref<128x128xf32, #tpu.memory_space<vmem>>) target(%dma_start3A_128 : memref<128x128xf32, #tpu.memory_space<vmem_shared>>) target_semaphore(%run_scoped3A : memref<!tpu.dma_semaphore, #tpu.memory_space<semaphore_mem>>)
      %dma_wait3A = arith.constant 0 : i32
      %dma_wait3A_129 = tpu.memref_slice %arg12[%mul3A_14, %dma_wait3A] : memref<10240x128xf32, #tpu.memory_space<vmem_shared>> -> memref<128x128xf32, #tpu.memory_space<vmem_shared>>
      %dma_wait3A_130 = arith.constant 0 : i32
      %dma_wait3A_131 = tpu.memref_slice %arg12[%mul3A_14, %dma_wait3A_130] : memref<10240x128xf32, #tpu.memory_space<vmem_shared>> -> memref<128x128xf32, #tpu.memory_space<vmem_shared>>
      tpu.wait_dma2 semaphore(%run_scoped3A : memref<!tpu.dma_semaphore, #tpu.memory_space<semaphore_mem>>) src(%arg10 : memref<128x128xf32, #tpu.memory_space<vmem>>) dst(%dma_wait3A_131 : memref<128x128xf32, #tpu.memory_space<vmem_shared>>)
      tpu.yield
    }) : () -> ()
    %mul3A_15 = arith.constant 5 : i32
    %mul3A_16 = arith.muli %arg1, %mul3A_15 : i32
    %add3A_17 = arith.constant 2 : i32
    %add3A_18 = arith.addi %mul3A_16, %add3A_17 : i32
    %mul3A_19 = arith.constant 128 : i32
    %mul3A_20 = arith.muli %add3A_18, %mul3A_19 : i32
    "tpu.region"() ({
      %run_scoped3A = tpu.sem_alloc : memref<!tpu.dma_semaphore, #tpu.memory_space<semaphore_mem>>
      %dma_start3A_125 = arith.constant 0 : i32
      %dma_start3A_126 = tpu.memref_slice %arg12[%mul3A_20, %dma_start3A_125] : memref<10240x128xf32, #tpu.memory_space<vmem_shared>> -> memref<128x128xf32, #tpu.memory_space<vmem_shared>>
      %dma_start3A_127 = arith.constant 0 : i32
      %dma_start3A_128 = tpu.memref_slice %arg12[%mul3A_20, %dma_start3A_127] : memref<10240x128xf32, #tpu.memory_space<vmem_shared>> -> memref<128x128xf32, #tpu.memory_space<vmem_shared>>
      tpu.enqueue_dma source(%arg10 : memref<128x128xf32, #tpu.memory_space<vmem>>) target(%dma_start3A_128 : memref<128x128xf32, #tpu.memory_space<vmem_shared>>) target_semaphore(%run_scoped3A : memref<!tpu.dma_semaphore, #tpu.memory_space<semaphore_mem>>)
      %dma_wait3A = arith.constant 0 : i32
      %dma_wait3A_129 = tpu.memref_slice %arg12[%mul3A_20, %dma_wait3A] : memref<10240x128xf32, #tpu.memory_space<vmem_shared>> -> memref<128x128xf32, #tpu.memory_space<vmem_shared>>
      %dma_wait3A_130 = arith.constant 0 : i32
      %dma_wait3A_131 = tpu.memref_slice %arg12[%mul3A_20, %dma_wait3A_130] : memref<10240x128xf32, #tpu.memory_space<vmem_shared>> -> memref<128x128xf32, #tpu.memory_space<vmem_shared>>
      tpu.wait_dma2 semaphore(%run_scoped3A : memref<!tpu.dma_semaphore, #tpu.memory_space<semaphore_mem>>) src(%arg10 : memref<128x128xf32, #tpu.memory_space<vmem>>) dst(%dma_wait3A_131 : memref<128x128xf32, #tpu.memory_space<vmem_shared>>)
      tpu.yield
    }) : () -> ()
    %mul3A_21 = arith.constant 5 : i32
    %mul3A_22 = arith.muli %arg1, %mul3A_21 : i32
    %add3A_23 = arith.constant 3 : i32
    %add3A_24 = arith.addi %mul3A_22, %add3A_23 : i32
    %mul3A_25 = arith.constant 128 : i32
    %mul3A_26 = arith.muli %add3A_24, %mul3A_25 : i32
    "tpu.region"() ({
      %run_scoped3A = tpu.sem_alloc : memref<!tpu.dma_semaphore, #tpu.memory_space<semaphore_mem>>
      %dma_start3A_125 = arith.constant 0 : i32
      %dma_start3A_126 = tpu.memref_slice %arg12[%mul3A_26, %dma_start3A_125] : memref<10240x128xf32, #tpu.memory_space<vmem_shared>> -> memref<128x128xf32, #tpu.memory_space<vmem_shared>>
      %dma_start3A_127 = arith.constant 0 : i32
      %dma_start3A_128 = tpu.memref_slice %arg12[%mul3A_26, %dma_start3A_127] : memref<10240x128xf32, #tpu.memory_space<vmem_shared>> -> memref<128x128xf32, #tpu.memory_space<vmem_shared>>
      tpu.enqueue_dma source(%arg10 : memref<128x128xf32, #tpu.memory_space<vmem>>) target(%dma_start3A_128 : memref<128x128xf32, #tpu.memory_space<vmem_shared>>) target_semaphore(%run_scoped3A : memref<!tpu.dma_semaphore, #tpu.memory_space<semaphore_mem>>)
      %dma_wait3A = arith.constant 0 : i32
      %dma_wait3A_129 = tpu.memref_slice %arg12[%mul3A_26, %dma_wait3A] : memref<10240x128xf32, #tpu.memory_space<vmem_shared>> -> memref<128x128xf32, #tpu.memory_space<vmem_shared>>
      %dma_wait3A_130 = arith.constant 0 : i32
      %dma_wait3A_131 = tpu.memref_slice %arg12[%mul3A_26, %dma_wait3A_130] : memref<10240x128xf32, #tpu.memory_space<vmem_shared>> -> memref<128x128xf32, #tpu.memory_space<vmem_shared>>
      tpu.wait_dma2 semaphore(%run_scoped3A : memref<!tpu.dma_semaphore, #tpu.memory_space<semaphore_mem>>) src(%arg10 : memref<128x128xf32, #tpu.memory_space<vmem>>) dst(%dma_wait3A_131 : memref<128x128xf32, #tpu.memory_space<vmem_shared>>)
      tpu.yield
    }) : () -> ()
    %mul3A_27 = arith.constant 5 : i32
    %mul3A_28 = arith.muli %arg1, %mul3A_27 : i32
    %add3A_29 = arith.constant 4 : i32
    %add3A_30 = arith.addi %mul3A_28, %add3A_29 : i32
    %mul3A_31 = arith.constant 128 : i32
    %mul3A_32 = arith.muli %add3A_30, %mul3A_31 : i32
    "tpu.region"() ({
      %run_scoped3A = tpu.sem_alloc : memref<!tpu.dma_semaphore, #tpu.memory_space<semaphore_mem>>
      %dma_start3A_125 = arith.constant 0 : i32
      %dma_start3A_126 = tpu.memref_slice %arg12[%mul3A_32, %dma_start3A_125] : memref<10240x128xf32, #tpu.memory_space<vmem_shared>> -> memref<128x128xf32, #tpu.memory_space<vmem_shared>>
      %dma_start3A_127 = arith.constant 0 : i32
      %dma_start3A_128 = tpu.memref_slice %arg12[%mul3A_32, %dma_start3A_127] : memref<10240x128xf32, #tpu.memory_space<vmem_shared>> -> memref<128x128xf32, #tpu.memory_space<vmem_shared>>
      tpu.enqueue_dma source(%arg10 : memref<128x128xf32, #tpu.memory_space<vmem>>) target(%dma_start3A_128 : memref<128x128xf32, #tpu.memory_space<vmem_shared>>) target_semaphore(%run_scoped3A : memref<!tpu.dma_semaphore, #tpu.memory_space<semaphore_mem>>)
      %dma_wait3A = arith.constant 0 : i32
      %dma_wait3A_129 = tpu.memref_slice %arg12[%mul3A_32, %dma_wait3A] : memref<10240x128xf32, #tpu.memory_space<vmem_shared>> -> memref<128x128xf32, #tpu.memory_space<vmem_shared>>
      %dma_wait3A_130 = arith.constant 0 : i32
      %dma_wait3A_131 = tpu.memref_slice %arg12[%mul3A_32, %dma_wait3A_130] : memref<10240x128xf32, #tpu.memory_space<vmem_shared>> -> memref<128x128xf32, #tpu.memory_space<vmem_shared>>
      tpu.wait_dma2 semaphore(%run_scoped3A : memref<!tpu.dma_semaphore, #tpu.memory_space<semaphore_mem>>) src(%arg10 : memref<128x128xf32, #tpu.memory_space<vmem>>) dst(%dma_wait3A_131 : memref<128x128xf32, #tpu.memory_space<vmem_shared>>)
      tpu.yield
    }) : () -> ()
    %barrier3A = arith.constant 0 : index
    tpu.barrier barrier_id(%barrier3A)
    %dma_start3A = arith.constant 0 : i32
    %dma_start3A_33 = arith.constant 0 : i32
    %dma_start3A_34 = tpu.memref_slice %arg7[%dma_start3A, %dma_start3A_33] : memref<80x128xi32, #tpu.memory_space<vmem>> -> memref<1x128xi32, #tpu.memory_space<vmem>>
    %dma_start3A_35 = tpu.memref_squeeze %dma_start3A_34 : memref<1x128xi32, #tpu.memory_space<vmem>> -> memref<128xi32, #tpu.memory_space<vmem>>
    %dma_start3A_36 = arith.constant 0 : i32
    %dma_start3A_37 = arith.constant 0 : i32
    %dma_start3A_38 = tpu.memref_slice %arg2[%dma_start3A_36, %dma_start3A_37] : memref<10000x128xf32, #tpu.memory_space<hbm>> -> memref<10000x128xf32, #tpu.memory_space<hbm>>
    tpu.enqueue_indirect_dma source(%dma_start3A_38 : memref<10000x128xf32, #tpu.memory_space<hbm>>) target(%arg10 : memref<128x128xf32, #tpu.memory_space<vmem>>) offsets(%dma_start3A_35 : memref<128xi32, #tpu.memory_space<vmem>>) semaphore(%arg15 : memref<!tpu.dma_semaphore, #tpu.memory_space<semaphore_mem>>)
    %dma_start3A_39 = arith.constant 0 : i32
    %dma_start3A_40 = arith.constant 0 : i32
    %dma_start3A_41 = tpu.memref_slice %arg4[%add3A, %dma_start3A_39, %dma_start3A_40] : memref<32x80x128xi32, #tpu.memory_space<hbm>> -> memref<1x1x128xi32, #tpu.memory_space<hbm>>
    %dma_start3A_42 = tpu.memref_squeeze %dma_start3A_41 : memref<1x1x128xi32, #tpu.memory_space<hbm>> -> memref<1x128xi32, #tpu.memory_space<hbm>>
    %dma_start3A_43 = arith.constant 0 : i32
    %dma_start3A_44 = arith.constant 0 : i32
    %dma_start3A_45 = tpu.memref_slice %arg4[%add3A, %dma_start3A_43, %dma_start3A_44] : memref<32x80x128xi32, #tpu.memory_space<hbm>> -> memref<1x1x128xi32, #tpu.memory_space<hbm>>
    %dma_start3A_46 = tpu.memref_squeeze %dma_start3A_45 : memref<1x1x128xi32, #tpu.memory_space<hbm>> -> memref<1x128xi32, #tpu.memory_space<hbm>>
    tpu.enqueue_dma source(%dma_start3A_46 : memref<1x128xi32, #tpu.memory_space<hbm>>) target(%arg8 : memref<1x128xi32, #tpu.memory_space<vmem>>) target_semaphore(%arg13 : memref<!tpu.dma_semaphore, #tpu.memory_space<semaphore_mem>>)
    %dma_start3A_47 = arith.constant 1 : i32
    %dma_start3A_48 = arith.constant 0 : i32
    %dma_start3A_49 = tpu.memref_slice %arg4[%add3A, %dma_start3A_47, %dma_start3A_48] : memref<32x80x128xi32, #tpu.memory_space<hbm>> -> memref<1x1x128xi32, #tpu.memory_space<hbm>>
    %dma_start3A_50 = tpu.memref_squeeze %dma_start3A_49 : memref<1x1x128xi32, #tpu.memory_space<hbm>> -> memref<1x128xi32, #tpu.memory_space<hbm>>
    %dma_start3A_51 = arith.constant 1 : i32
    %dma_start3A_52 = arith.constant 0 : i32
    %dma_start3A_53 = tpu.memref_slice %arg4[%add3A, %dma_start3A_51, %dma_start3A_52] : memref<32x80x128xi32, #tpu.memory_space<hbm>> -> memref<1x1x128xi32, #tpu.memory_space<hbm>>
    %dma_start3A_54 = tpu.memref_squeeze %dma_start3A_53 : memref<1x1x128xi32, #tpu.memory_space<hbm>> -> memref<1x128xi32, #tpu.memory_space<hbm>>
    tpu.enqueue_dma source(%dma_start3A_54 : memref<1x128xi32, #tpu.memory_space<hbm>>) target(%arg9 : memref<1x128xi32, #tpu.memory_space<vmem>>) target_semaphore(%arg14 : memref<!tpu.dma_semaphore, #tpu.memory_space<semaphore_mem>>)
    %while3A = arith.constant 0 : i32
    %while3A_55 = arith.constant 0 : i32
    %while3A_56 = arith.subi %select_n3A, %while3A_55 : i32
    %while3A_57 = arith.addi %while3A_55, %while3A_56 : i32
    %while3A_58 = arith.constant 1 : i32
    %while3A_59 = arith.divsi %while3A_56, %while3A_58 : i32
    %while3A_60 = arith.muli %while3A_59, %while3A_58 : i32
    %while3A_61 = arith.addi %while3A_55, %while3A_60 : i32
    %while3A_62 = arith.constant 1 : i32
    scf.for %while3A_125 = %while3A_55 to %while3A_61 step %while3A_62  : i32 {
      %mul3A_126 = arith.constant 2 : i32
      %mul3A_127 = arith.muli %mul3A_126, %while3A_125 : i32
      %add3A_128 = arith.constant 0 : i32
      %add3A_129 = arith.addi %mul3A_127, %add3A_128 : i32
      %add3A_130 = arith.constant 1 : i32
      %add3A_131 = arith.addi %add3A_129, %add3A_130 : i32
      %dma_start3A_132 = arith.constant 0 : i32
      %dma_start3A_133 = tpu.memref_slice %arg7[%add3A_131, %dma_start3A_132] : memref<80x128xi32, #tpu.memory_space<vmem>> -> memref<1x128xi32, #tpu.memory_space<vmem>>
      %dma_start3A_134 = tpu.memref_squeeze %dma_start3A_133 : memref<1x128xi32, #tpu.memory_space<vmem>> -> memref<128xi32, #tpu.memory_space<vmem>>
      %dma_start3A_135 = arith.constant 0 : i32
      %dma_start3A_136 = arith.constant 0 : i32
      %dma_start3A_137 = tpu.memref_slice %arg2[%dma_start3A_135, %dma_start3A_136] : memref<10000x128xf32, #tpu.memory_space<hbm>> -> memref<10000x128xf32, #tpu.memory_space<hbm>>
      tpu.enqueue_indirect_dma source(%dma_start3A_137 : memref<10000x128xf32, #tpu.memory_space<hbm>>) target(%arg11 : memref<128x128xf32, #tpu.memory_space<vmem>>) offsets(%dma_start3A_134 : memref<128xi32, #tpu.memory_space<vmem>>) semaphore(%arg16 : memref<!tpu.dma_semaphore, #tpu.memory_space<semaphore_mem>>)
      tpu.wait_dma2 semaphore(%arg15 : memref<!tpu.dma_semaphore, #tpu.memory_space<semaphore_mem>>) src(%arg5 : memref<128x128xf32, #tpu.memory_space<hbm>>) dst(%arg10 : memref<128x128xf32, #tpu.memory_space<vmem>>)
      %dma_wait3A = arith.constant 0 : i32
      %dma_wait3A_138 = arith.constant 0 : i32
      %dma_wait3A_139 = tpu.memref_slice %arg4[%add3A, %dma_wait3A, %dma_wait3A_138] : memref<32x80x128xi32, #tpu.memory_space<hbm>> -> memref<1x1x128xi32, #tpu.memory_space<hbm>>
      %dma_wait3A_140 = tpu.memref_squeeze %dma_wait3A_139 : memref<1x1x128xi32, #tpu.memory_space<hbm>> -> memref<1x128xi32, #tpu.memory_space<hbm>>
      %dma_wait3A_141 = arith.constant 0 : i32
      %dma_wait3A_142 = arith.constant 0 : i32
      %dma_wait3A_143 = tpu.memref_slice %arg4[%add3A, %dma_wait3A_141, %dma_wait3A_142] : memref<32x80x128xi32, #tpu.memory_space<hbm>> -> memref<1x1x128xi32, #tpu.memory_space<hbm>>
      %dma_wait3A_144 = tpu.memref_squeeze %dma_wait3A_143 : memref<1x1x128xi32, #tpu.memory_space<hbm>> -> memref<1x128xi32, #tpu.memory_space<hbm>>
      tpu.wait_dma2 semaphore(%arg13 : memref<!tpu.dma_semaphore, #tpu.memory_space<semaphore_mem>>) src(%dma_wait3A_144 : memref<1x128xi32, #tpu.memory_space<hbm>>) dst(%arg8 : memref<1x128xi32, #tpu.memory_space<vmem>>)
      %run_scoped3A = arith.constant 0 : i32
      "tpu.region"() ({
        %run_scoped3A_172 = tpu.sem_alloc : memref<!tpu.dma_semaphore, #tpu.memory_space<semaphore_mem>>
        %dma_start3A_173 = arith.constant 0 : i32
        %dma_start3A_174 = tpu.memref_slice %arg8[%run_scoped3A, %dma_start3A_173] : memref<1x128xi32, #tpu.memory_space<vmem>> -> memref<1x128xi32, #tpu.memory_space<vmem>>
        %dma_start3A_175 = tpu.memref_squeeze %dma_start3A_174 : memref<1x128xi32, #tpu.memory_space<vmem>> -> memref<128xi32, #tpu.memory_space<vmem>>
        %dma_start3A_176 = arith.constant 0 : i32
        %dma_start3A_177 = arith.constant 0 : i32
        %dma_start3A_178 = tpu.memref_slice %arg12[%dma_start3A_176, %dma_start3A_177] : memref<10240x128xf32, #tpu.memory_space<vmem_shared>> -> memref<10240x128xf32, #tpu.memory_space<vmem_shared>>
        tpu.enqueue_indirect_dma source(%arg10 : memref<128x128xf32, #tpu.memory_space<vmem>>) target(%dma_start3A_178 : memref<10240x128xf32, #tpu.memory_space<vmem_shared>>) offsets(%dma_start3A_175 : memref<128xi32, #tpu.memory_space<vmem>>) semaphore(%run_scoped3A_172 : memref<!tpu.dma_semaphore, #tpu.memory_space<semaphore_mem>>) {add = true}
        %dma_wait3A_179 = arith.constant 0 : i32
        %dma_wait3A_180 = tpu.memref_slice %arg8[%run_scoped3A, %dma_wait3A_179] : memref<1x128xi32, #tpu.memory_space<vmem>> -> memref<1x128xi32, #tpu.memory_space<vmem>>
        %dma_wait3A_181 = tpu.memref_squeeze %dma_wait3A_180 : memref<1x128xi32, #tpu.memory_space<vmem>> -> memref<128xi32, #tpu.memory_space<vmem>>
        %dma_wait3A_182 = arith.constant 0 : i32
        %dma_wait3A_183 = arith.constant 0 : i32
        %dma_wait3A_184 = tpu.memref_slice %arg12[%dma_wait3A_182, %dma_wait3A_183] : memref<10240x128xf32, #tpu.memory_space<vmem_shared>> -> memref<10240x128xf32, #tpu.memory_space<vmem_shared>>
        tpu.wait_indirect_dma semaphore(%run_scoped3A_172 : memref<!tpu.dma_semaphore, #tpu.memory_space<semaphore_mem>>) src(%arg10 : memref<128x128xf32, #tpu.memory_space<vmem>>) dst(%dma_wait3A_184 : memref<10240x128xf32, #tpu.memory_space<vmem_shared>>)
        tpu.yield
      }) : () -> ()
      %sub3A = arith.constant 1 : i32
      %sub3A_145 = arith.subi %select_n3A, %sub3A : i32
      %lt3A = arith.cmpi slt, %while3A_125, %sub3A_145 : i32
      %convert_element_type3A = arith.extui %lt3A : i1 to i32
      %cond3A = arith.constant 0 : i32
      %cond3A_146 = arith.cmpi ne, %convert_element_type3A, %cond3A : i32
      scf.if %cond3A_146 {
        %add3A_172 = arith.constant 2 : i32
        %add3A_173 = arith.addi %add3A_129, %add3A_172 : i32
        %dma_start3A_174 = arith.constant 0 : i32
        %dma_start3A_175 = tpu.memref_slice %arg4[%add3A, %add3A_173, %dma_start3A_174] : memref<32x80x128xi32, #tpu.memory_space<hbm>> -> memref<1x1x128xi32, #tpu.memory_space<hbm>>
        %dma_start3A_176 = tpu.memref_squeeze %dma_start3A_175 : memref<1x1x128xi32, #tpu.memory_space<hbm>> -> memref<1x128xi32, #tpu.memory_space<hbm>>
        %dma_start3A_177 = arith.constant 0 : i32
        %dma_start3A_178 = tpu.memref_slice %arg4[%add3A, %add3A_173, %dma_start3A_177] : memref<32x80x128xi32, #tpu.memory_space<hbm>> -> memref<1x1x128xi32, #tpu.memory_space<hbm>>
        %dma_start3A_179 = tpu.memref_squeeze %dma_start3A_178 : memref<1x1x128xi32, #tpu.memory_space<hbm>> -> memref<1x128xi32, #tpu.memory_space<hbm>>
        tpu.enqueue_dma source(%dma_start3A_179 : memref<1x128xi32, #tpu.memory_space<hbm>>) target(%arg8 : memref<1x128xi32, #tpu.memory_space<vmem>>) target_semaphore(%arg13 : memref<!tpu.dma_semaphore, #tpu.memory_space<semaphore_mem>>)
      } else {
      }
      %mul3A_147 = arith.constant 2 : i32
      %mul3A_148 = arith.muli %mul3A_147, %while3A_125 : i32
      %add3A_149 = arith.constant 1 : i32
      %add3A_150 = arith.addi %mul3A_148, %add3A_149 : i32
      %sub3A_151 = arith.constant 1 : i32
      %sub3A_152 = arith.subi %select_n3A, %sub3A_151 : i32
      %lt3A_153 = arith.cmpi slt, %while3A_125, %sub3A_152 : i32
      %convert_element_type3A_154 = arith.extui %lt3A_153 : i1 to i32
      %cond3A_155 = arith.constant 0 : i32
      %cond3A_156 = arith.cmpi ne, %convert_element_type3A_154, %cond3A_155 : i32
      scf.if %cond3A_156 {
        %add3A_172 = arith.constant 1 : i32
        %add3A_173 = arith.addi %add3A_150, %add3A_172 : i32
        %dma_start3A_174 = arith.constant 0 : i32
        %dma_start3A_175 = tpu.memref_slice %arg7[%add3A_173, %dma_start3A_174] : memref<80x128xi32, #tpu.memory_space<vmem>> -> memref<1x128xi32, #tpu.memory_space<vmem>>
        %dma_start3A_176 = tpu.memref_squeeze %dma_start3A_175 : memref<1x128xi32, #tpu.memory_space<vmem>> -> memref<128xi32, #tpu.memory_space<vmem>>
        %dma_start3A_177 = arith.constant 0 : i32
        %dma_start3A_178 = arith.constant 0 : i32
        %dma_start3A_179 = tpu.memref_slice %arg2[%dma_start3A_177, %dma_start3A_178] : memref<10000x128xf32, #tpu.memory_space<hbm>> -> memref<10000x128xf32, #tpu.memory_space<hbm>>
        tpu.enqueue_indirect_dma source(%dma_start3A_179 : memref<10000x128xf32, #tpu.memory_space<hbm>>) target(%arg10 : memref<128x128xf32, #tpu.memory_space<vmem>>) offsets(%dma_start3A_176 : memref<128xi32, #tpu.memory_space<vmem>>) semaphore(%arg15 : memref<!tpu.dma_semaphore, #tpu.memory_space<semaphore_mem>>)
      } else {
      }
      tpu.wait_dma2 semaphore(%arg16 : memref<!tpu.dma_semaphore, #tpu.memory_space<semaphore_mem>>) src(%arg5 : memref<128x128xf32, #tpu.memory_space<hbm>>) dst(%arg11 : memref<128x128xf32, #tpu.memory_space<vmem>>)
      %dma_wait3A_157 = arith.constant 0 : i32
      %dma_wait3A_158 = arith.constant 0 : i32
      %dma_wait3A_159 = tpu.memref_slice %arg4[%add3A, %dma_wait3A_157, %dma_wait3A_158] : memref<32x80x128xi32, #tpu.memory_space<hbm>> -> memref<1x1x128xi32, #tpu.memory_space<hbm>>
      %dma_wait3A_160 = tpu.memref_squeeze %dma_wait3A_159 : memref<1x1x128xi32, #tpu.memory_space<hbm>> -> memref<1x128xi32, #tpu.memory_space<hbm>>
      %dma_wait3A_161 = arith.constant 0 : i32
      %dma_wait3A_162 = arith.constant 0 : i32
      %dma_wait3A_163 = tpu.memref_slice %arg4[%add3A, %dma_wait3A_161, %dma_wait3A_162] : memref<32x80x128xi32, #tpu.memory_space<hbm>> -> memref<1x1x128xi32, #tpu.memory_space<hbm>>
      %dma_wait3A_164 = tpu.memref_squeeze %dma_wait3A_163 : memref<1x1x128xi32, #tpu.memory_space<hbm>> -> memref<1x128xi32, #tpu.memory_space<hbm>>
      tpu.wait_dma2 semaphore(%arg14 : memref<!tpu.dma_semaphore, #tpu.memory_space<semaphore_mem>>) src(%dma_wait3A_164 : memref<1x128xi32, #tpu.memory_space<hbm>>) dst(%arg9 : memref<1x128xi32, #tpu.memory_space<vmem>>)
      %run_scoped3A_165 = arith.constant 0 : i32
      "tpu.region"() ({
        %run_scoped3A_172 = tpu.sem_alloc : memref<!tpu.dma_semaphore, #tpu.memory_space<semaphore_mem>>
        %dma_start3A_173 = arith.constant 0 : i32
        %dma_start3A_174 = tpu.memref_slice %arg9[%run_scoped3A_165, %dma_start3A_173] : memref<1x128xi32, #tpu.memory_space<vmem>> -> memref<1x128xi32, #tpu.memory_space<vmem>>
        %dma_start3A_175 = tpu.memref_squeeze %dma_start3A_174 : memref<1x128xi32, #tpu.memory_space<vmem>> -> memref<128xi32, #tpu.memory_space<vmem>>
        %dma_start3A_176 = arith.constant 0 : i32
        %dma_start3A_177 = arith.constant 0 : i32
        %dma_start3A_178 = tpu.memref_slice %arg12[%dma_start3A_176, %dma_start3A_177] : memref<10240x128xf32, #tpu.memory_space<vmem_shared>> -> memref<10240x128xf32, #tpu.memory_space<vmem_shared>>
        tpu.enqueue_indirect_dma source(%arg11 : memref<128x128xf32, #tpu.memory_space<vmem>>) target(%dma_start3A_178 : memref<10240x128xf32, #tpu.memory_space<vmem_shared>>) offsets(%dma_start3A_175 : memref<128xi32, #tpu.memory_space<vmem>>) semaphore(%run_scoped3A_172 : memref<!tpu.dma_semaphore, #tpu.memory_space<semaphore_mem>>) {add = true}
        %dma_wait3A_179 = arith.constant 0 : i32
        %dma_wait3A_180 = tpu.memref_slice %arg9[%run_scoped3A_165, %dma_wait3A_179] : memref<1x128xi32, #tpu.memory_space<vmem>> -> memref<1x128xi32, #tpu.memory_space<vmem>>
        %dma_wait3A_181 = tpu.memref_squeeze %dma_wait3A_180 : memref<1x128xi32, #tpu.memory_space<vmem>> -> memref<128xi32, #tpu.memory_space<vmem>>
        %dma_wait3A_182 = arith.constant 0 : i32
        %dma_wait3A_183 = arith.constant 0 : i32
        %dma_wait3A_184 = tpu.memref_slice %arg12[%dma_wait3A_182, %dma_wait3A_183] : memref<10240x128xf32, #tpu.memory_space<vmem_shared>> -> memref<10240x128xf32, #tpu.memory_space<vmem_shared>>
        tpu.wait_indirect_dma semaphore(%run_scoped3A_172 : memref<!tpu.dma_semaphore, #tpu.memory_space<semaphore_mem>>) src(%arg11 : memref<128x128xf32, #tpu.memory_space<vmem>>) dst(%dma_wait3A_184 : memref<10240x128xf32, #tpu.memory_space<vmem_shared>>)
        tpu.yield
      }) : () -> ()
      %sub3A_166 = arith.constant 1 : i32
      %sub3A_167 = arith.subi %select_n3A, %sub3A_166 : i32
      %lt3A_168 = arith.cmpi slt, %while3A_125, %sub3A_167 : i32
      %convert_element_type3A_169 = arith.extui %lt3A_168 : i1 to i32
      %cond3A_170 = arith.constant 0 : i32
      %cond3A_171 = arith.cmpi ne, %convert_element_type3A_169, %cond3A_170 : i32
      scf.if %cond3A_171 {
        %add3A_172 = arith.constant 2 : i32
        %add3A_173 = arith.addi %add3A_150, %add3A_172 : i32
        %dma_start3A_174 = arith.constant 0 : i32
        %dma_start3A_175 = tpu.memref_slice %arg4[%add3A, %add3A_173, %dma_start3A_174] : memref<32x80x128xi32, #tpu.memory_space<hbm>> -> memref<1x1x128xi32, #tpu.memory_space<hbm>>
        %dma_start3A_176 = tpu.memref_squeeze %dma_start3A_175 : memref<1x1x128xi32, #tpu.memory_space<hbm>> -> memref<1x128xi32, #tpu.memory_space<hbm>>
        %dma_start3A_177 = arith.constant 0 : i32
        %dma_start3A_178 = tpu.memref_slice %arg4[%add3A, %add3A_173, %dma_start3A_177] : memref<32x80x128xi32, #tpu.memory_space<hbm>> -> memref<1x1x128xi32, #tpu.memory_space<hbm>>
        %dma_start3A_179 = tpu.memref_squeeze %dma_start3A_178 : memref<1x1x128xi32, #tpu.memory_space<hbm>> -> memref<1x128xi32, #tpu.memory_space<hbm>>
        tpu.enqueue_dma source(%dma_start3A_179 : memref<1x128xi32, #tpu.memory_space<hbm>>) target(%arg9 : memref<1x128xi32, #tpu.memory_space<vmem>>) target_semaphore(%arg14 : memref<!tpu.dma_semaphore, #tpu.memory_space<semaphore_mem>>)
      } else {
      }
    }
    %while3A_63 = arith.constant 1 : i32
    scf.for %while3A_125 = %while3A_61 to %while3A_57 step %while3A_63  : i32 {
      %mul3A_126 = arith.constant 2 : i32
      %mul3A_127 = arith.muli %mul3A_126, %while3A_125 : i32
      %add3A_128 = arith.constant 0 : i32
      %add3A_129 = arith.addi %mul3A_127, %add3A_128 : i32
      %add3A_130 = arith.constant 1 : i32
      %add3A_131 = arith.addi %add3A_129, %add3A_130 : i32
      %dma_start3A_132 = arith.constant 0 : i32
      %dma_start3A_133 = tpu.memref_slice %arg7[%add3A_131, %dma_start3A_132] : memref<80x128xi32, #tpu.memory_space<vmem>> -> memref<1x128xi32, #tpu.memory_space<vmem>>
      %dma_start3A_134 = tpu.memref_squeeze %dma_start3A_133 : memref<1x128xi32, #tpu.memory_space<vmem>> -> memref<128xi32, #tpu.memory_space<vmem>>
      %dma_start3A_135 = arith.constant 0 : i32
      %dma_start3A_136 = arith.constant 0 : i32
      %dma_start3A_137 = tpu.memref_slice %arg2[%dma_start3A_135, %dma_start3A_136] : memref<10000x128xf32, #tpu.memory_space<hbm>> -> memref<10000x128xf32, #tpu.memory_space<hbm>>
      tpu.enqueue_indirect_dma source(%dma_start3A_137 : memref<10000x128xf32, #tpu.memory_space<hbm>>) target(%arg11 : memref<128x128xf32, #tpu.memory_space<vmem>>) offsets(%dma_start3A_134 : memref<128xi32, #tpu.memory_space<vmem>>) semaphore(%arg16 : memref<!tpu.dma_semaphore, #tpu.memory_space<semaphore_mem>>)
      tpu.wait_dma2 semaphore(%arg15 : memref<!tpu.dma_semaphore, #tpu.memory_space<semaphore_mem>>) src(%arg5 : memref<128x128xf32, #tpu.memory_space<hbm>>) dst(%arg10 : memref<128x128xf32, #tpu.memory_space<vmem>>)
      %dma_wait3A = arith.constant 0 : i32
      %dma_wait3A_138 = arith.constant 0 : i32
      %dma_wait3A_139 = tpu.memref_slice %arg4[%add3A, %dma_wait3A, %dma_wait3A_138] : memref<32x80x128xi32, #tpu.memory_space<hbm>> -> memref<1x1x128xi32, #tpu.memory_space<hbm>>
      %dma_wait3A_140 = tpu.memref_squeeze %dma_wait3A_139 : memref<1x1x128xi32, #tpu.memory_space<hbm>> -> memref<1x128xi32, #tpu.memory_space<hbm>>
      %dma_wait3A_141 = arith.constant 0 : i32
      %dma_wait3A_142 = arith.constant 0 : i32
      %dma_wait3A_143 = tpu.memref_slice %arg4[%add3A, %dma_wait3A_141, %dma_wait3A_142] : memref<32x80x128xi32, #tpu.memory_space<hbm>> -> memref<1x1x128xi32, #tpu.memory_space<hbm>>
      %dma_wait3A_144 = tpu.memref_squeeze %dma_wait3A_143 : memref<1x1x128xi32, #tpu.memory_space<hbm>> -> memref<1x128xi32, #tpu.memory_space<hbm>>
      tpu.wait_dma2 semaphore(%arg13 : memref<!tpu.dma_semaphore, #tpu.memory_space<semaphore_mem>>) src(%dma_wait3A_144 : memref<1x128xi32, #tpu.memory_space<hbm>>) dst(%arg8 : memref<1x128xi32, #tpu.memory_space<vmem>>)
      %run_scoped3A = arith.constant 0 : i32
      "tpu.region"() ({
        %run_scoped3A_172 = tpu.sem_alloc : memref<!tpu.dma_semaphore, #tpu.memory_space<semaphore_mem>>
        %dma_start3A_173 = arith.constant 0 : i32
        %dma_start3A_174 = tpu.memref_slice %arg8[%run_scoped3A, %dma_start3A_173] : memref<1x128xi32, #tpu.memory_space<vmem>> -> memref<1x128xi32, #tpu.memory_space<vmem>>
        %dma_start3A_175 = tpu.memref_squeeze %dma_start3A_174 : memref<1x128xi32, #tpu.memory_space<vmem>> -> memref<128xi32, #tpu.memory_space<vmem>>
        %dma_start3A_176 = arith.constant 0 : i32
        %dma_start3A_177 = arith.constant 0 : i32
        %dma_start3A_178 = tpu.memref_slice %arg12[%dma_start3A_176, %dma_start3A_177] : memref<10240x128xf32, #tpu.memory_space<vmem_shared>> -> memref<10240x128xf32, #tpu.memory_space<vmem_shared>>
        tpu.enqueue_indirect_dma source(%arg10 : memref<128x128xf32, #tpu.memory_space<vmem>>) target(%dma_start3A_178 : memref<10240x128xf32, #tpu.memory_space<vmem_shared>>) offsets(%dma_start3A_175 : memref<128xi32, #tpu.memory_space<vmem>>) semaphore(%run_scoped3A_172 : memref<!tpu.dma_semaphore, #tpu.memory_space<semaphore_mem>>) {add = true}
        %dma_wait3A_179 = arith.constant 0 : i32
        %dma_wait3A_180 = tpu.memref_slice %arg8[%run_scoped3A, %dma_wait3A_179] : memref<1x128xi32, #tpu.memory_space<vmem>> -> memref<1x128xi32, #tpu.memory_space<vmem>>
        %dma_wait3A_181 = tpu.memref_squeeze %dma_wait3A_180 : memref<1x128xi32, #tpu.memory_space<vmem>> -> memref<128xi32, #tpu.memory_space<vmem>>
        %dma_wait3A_182 = arith.constant 0 : i32
        %dma_wait3A_183 = arith.constant 0 : i32
        %dma_wait3A_184 = tpu.memref_slice %arg12[%dma_wait3A_182, %dma_wait3A_183] : memref<10240x128xf32, #tpu.memory_space<vmem_shared>> -> memref<10240x128xf32, #tpu.memory_space<vmem_shared>>
        tpu.wait_indirect_dma semaphore(%run_scoped3A_172 : memref<!tpu.dma_semaphore, #tpu.memory_space<semaphore_mem>>) src(%arg10 : memref<128x128xf32, #tpu.memory_space<vmem>>) dst(%dma_wait3A_184 : memref<10240x128xf32, #tpu.memory_space<vmem_shared>>)
        tpu.yield
      }) : () -> ()
      %sub3A = arith.constant 1 : i32
      %sub3A_145 = arith.subi %select_n3A, %sub3A : i32
      %lt3A = arith.cmpi slt, %while3A_125, %sub3A_145 : i32
      %convert_element_type3A = arith.extui %lt3A : i1 to i32
      %cond3A = arith.constant 0 : i32
      %cond3A_146 = arith.cmpi ne, %convert_element_type3A, %cond3A : i32
      scf.if %cond3A_146 {
        %add3A_172 = arith.constant 2 : i32
        %add3A_173 = arith.addi %add3A_129, %add3A_172 : i32
        %dma_start3A_174 = arith.constant 0 : i32
        %dma_start3A_175 = tpu.memref_slice %arg4[%add3A, %add3A_173, %dma_start3A_174] : memref<32x80x128xi32, #tpu.memory_space<hbm>> -> memref<1x1x128xi32, #tpu.memory_space<hbm>>
        %dma_start3A_176 = tpu.memref_squeeze %dma_start3A_175 : memref<1x1x128xi32, #tpu.memory_space<hbm>> -> memref<1x128xi32, #tpu.memory_space<hbm>>
        %dma_start3A_177 = arith.constant 0 : i32
        %dma_start3A_178 = tpu.memref_slice %arg4[%add3A, %add3A_173, %dma_start3A_177] : memref<32x80x128xi32, #tpu.memory_space<hbm>> -> memref<1x1x128xi32, #tpu.memory_space<hbm>>
        %dma_start3A_179 = tpu.memref_squeeze %dma_start3A_178 : memref<1x1x128xi32, #tpu.memory_space<hbm>> -> memref<1x128xi32, #tpu.memory_space<hbm>>
        tpu.enqueue_dma source(%dma_start3A_179 : memref<1x128xi32, #tpu.memory_space<hbm>>) target(%arg8 : memref<1x128xi32, #tpu.memory_space<vmem>>) target_semaphore(%arg13 : memref<!tpu.dma_semaphore, #tpu.memory_space<semaphore_mem>>)
      } else {
      }
      %mul3A_147 = arith.constant 2 : i32
      %mul3A_148 = arith.muli %mul3A_147, %while3A_125 : i32
      %add3A_149 = arith.constant 1 : i32
      %add3A_150 = arith.addi %mul3A_148, %add3A_149 : i32
      %sub3A_151 = arith.constant 1 : i32
      %sub3A_152 = arith.subi %select_n3A, %sub3A_151 : i32
      %lt3A_153 = arith.cmpi slt, %while3A_125, %sub3A_152 : i32
      %convert_element_type3A_154 = arith.extui %lt3A_153 : i1 to i32
      %cond3A_155 = arith.constant 0 : i32
      %cond3A_156 = arith.cmpi ne, %convert_element_type3A_154, %cond3A_155 : i32
      scf.if %cond3A_156 {
        %add3A_172 = arith.constant 1 : i32
        %add3A_173 = arith.addi %add3A_150, %add3A_172 : i32
        %dma_start3A_174 = arith.constant 0 : i32
        %dma_start3A_175 = tpu.memref_slice %arg7[%add3A_173, %dma_start3A_174] : memref<80x128xi32, #tpu.memory_space<vmem>> -> memref<1x128xi32, #tpu.memory_space<vmem>>
        %dma_start3A_176 = tpu.memref_squeeze %dma_start3A_175 : memref<1x128xi32, #tpu.memory_space<vmem>> -> memref<128xi32, #tpu.memory_space<vmem>>
        %dma_start3A_177 = arith.constant 0 : i32
        %dma_start3A_178 = arith.constant 0 : i32
        %dma_start3A_179 = tpu.memref_slice %arg2[%dma_start3A_177, %dma_start3A_178] : memref<10000x128xf32, #tpu.memory_space<hbm>> -> memref<10000x128xf32, #tpu.memory_space<hbm>>
        tpu.enqueue_indirect_dma source(%dma_start3A_179 : memref<10000x128xf32, #tpu.memory_space<hbm>>) target(%arg10 : memref<128x128xf32, #tpu.memory_space<vmem>>) offsets(%dma_start3A_176 : memref<128xi32, #tpu.memory_space<vmem>>) semaphore(%arg15 : memref<!tpu.dma_semaphore, #tpu.memory_space<semaphore_mem>>)
      } else {
      }
      tpu.wait_dma2 semaphore(%arg16 : memref<!tpu.dma_semaphore, #tpu.memory_space<semaphore_mem>>) src(%arg5 : memref<128x128xf32, #tpu.memory_space<hbm>>) dst(%arg11 : memref<128x128xf32, #tpu.memory_space<vmem>>)
      %dma_wait3A_157 = arith.constant 0 : i32
      %dma_wait3A_158 = arith.constant 0 : i32
      %dma_wait3A_159 = tpu.memref_slice %arg4[%add3A, %dma_wait3A_157, %dma_wait3A_158] : memref<32x80x128xi32, #tpu.memory_space<hbm>> -> memref<1x1x128xi32, #tpu.memory_space<hbm>>
      %dma_wait3A_160 = tpu.memref_squeeze %dma_wait3A_159 : memref<1x1x128xi32, #tpu.memory_space<hbm>> -> memref<1x128xi32, #tpu.memory_space<hbm>>
      %dma_wait3A_161 = arith.constant 0 : i32
      %dma_wait3A_162 = arith.constant 0 : i32
      %dma_wait3A_163 = tpu.memref_slice %arg4[%add3A, %dma_wait3A_161, %dma_wait3A_162] : memref<32x80x128xi32, #tpu.memory_space<hbm>> -> memref<1x1x128xi32, #tpu.memory_space<hbm>>
      %dma_wait3A_164 = tpu.memref_squeeze %dma_wait3A_163 : memref<1x1x128xi32, #tpu.memory_space<hbm>> -> memref<1x128xi32, #tpu.memory_space<hbm>>
      tpu.wait_dma2 semaphore(%arg14 : memref<!tpu.dma_semaphore, #tpu.memory_space<semaphore_mem>>) src(%dma_wait3A_164 : memref<1x128xi32, #tpu.memory_space<hbm>>) dst(%arg9 : memref<1x128xi32, #tpu.memory_space<vmem>>)
      %run_scoped3A_165 = arith.constant 0 : i32
      "tpu.region"() ({
        %run_scoped3A_172 = tpu.sem_alloc : memref<!tpu.dma_semaphore, #tpu.memory_space<semaphore_mem>>
        %dma_start3A_173 = arith.constant 0 : i32
        %dma_start3A_174 = tpu.memref_slice %arg9[%run_scoped3A_165, %dma_start3A_173] : memref<1x128xi32, #tpu.memory_space<vmem>> -> memref<1x128xi32, #tpu.memory_space<vmem>>
        %dma_start3A_175 = tpu.memref_squeeze %dma_start3A_174 : memref<1x128xi32, #tpu.memory_space<vmem>> -> memref<128xi32, #tpu.memory_space<vmem>>
        %dma_start3A_176 = arith.constant 0 : i32
        %dma_start3A_177 = arith.constant 0 : i32
        %dma_start3A_178 = tpu.memref_slice %arg12[%dma_start3A_176, %dma_start3A_177] : memref<10240x128xf32, #tpu.memory_space<vmem_shared>> -> memref<10240x128xf32, #tpu.memory_space<vmem_shared>>
        tpu.enqueue_indirect_dma source(%arg11 : memref<128x128xf32, #tpu.memory_space<vmem>>) target(%dma_start3A_178 : memref<10240x128xf32, #tpu.memory_space<vmem_shared>>) offsets(%dma_start3A_175 : memref<128xi32, #tpu.memory_space<vmem>>) semaphore(%run_scoped3A_172 : memref<!tpu.dma_semaphore, #tpu.memory_space<semaphore_mem>>) {add = true}
        %dma_wait3A_179 = arith.constant 0 : i32
        %dma_wait3A_180 = tpu.memref_slice %arg9[%run_scoped3A_165, %dma_wait3A_179] : memref<1x128xi32, #tpu.memory_space<vmem>> -> memref<1x128xi32, #tpu.memory_space<vmem>>
        %dma_wait3A_181 = tpu.memref_squeeze %dma_wait3A_180 : memref<1x128xi32, #tpu.memory_space<vmem>> -> memref<128xi32, #tpu.memory_space<vmem>>
        %dma_wait3A_182 = arith.constant 0 : i32
        %dma_wait3A_183 = arith.constant 0 : i32
        %dma_wait3A_184 = tpu.memref_slice %arg12[%dma_wait3A_182, %dma_wait3A_183] : memref<10240x128xf32, #tpu.memory_space<vmem_shared>> -> memref<10240x128xf32, #tpu.memory_space<vmem_shared>>
        tpu.wait_indirect_dma semaphore(%run_scoped3A_172 : memref<!tpu.dma_semaphore, #tpu.memory_space<semaphore_mem>>) src(%arg11 : memref<128x128xf32, #tpu.memory_space<vmem>>) dst(%dma_wait3A_184 : memref<10240x128xf32, #tpu.memory_space<vmem_shared>>)
        tpu.yield
      }) : () -> ()
      %sub3A_166 = arith.constant 1 : i32
      %sub3A_167 = arith.subi %select_n3A, %sub3A_166 : i32
      %lt3A_168 = arith.cmpi slt, %while3A_125, %sub3A_167 : i32
      %convert_element_type3A_169 = arith.extui %lt3A_168 : i1 to i32
      %cond3A_170 = arith.constant 0 : i32
      %cond3A_171 = arith.cmpi ne, %convert_element_type3A_169, %cond3A_170 : i32
      scf.if %cond3A_171 {
        %add3A_172 = arith.constant 2 : i32
        %add3A_173 = arith.addi %add3A_150, %add3A_172 : i32
        %dma_start3A_174 = arith.constant 0 : i32
        %dma_start3A_175 = tpu.memref_slice %arg4[%add3A, %add3A_173, %dma_start3A_174] : memref<32x80x128xi32, #tpu.memory_space<hbm>> -> memref<1x1x128xi32, #tpu.memory_space<hbm>>
        %dma_start3A_176 = tpu.memref_squeeze %dma_start3A_175 : memref<1x1x128xi32, #tpu.memory_space<hbm>> -> memref<1x128xi32, #tpu.memory_space<hbm>>
        %dma_start3A_177 = arith.constant 0 : i32
        %dma_start3A_178 = tpu.memref_slice %arg4[%add3A, %add3A_173, %dma_start3A_177] : memref<32x80x128xi32, #tpu.memory_space<hbm>> -> memref<1x1x128xi32, #tpu.memory_space<hbm>>
        %dma_start3A_179 = tpu.memref_squeeze %dma_start3A_178 : memref<1x1x128xi32, #tpu.memory_space<hbm>> -> memref<1x128xi32, #tpu.memory_space<hbm>>
        tpu.enqueue_dma source(%dma_start3A_179 : memref<1x128xi32, #tpu.memory_space<hbm>>) target(%arg9 : memref<1x128xi32, #tpu.memory_space<vmem>>) target_semaphore(%arg14 : memref<!tpu.dma_semaphore, #tpu.memory_space<semaphore_mem>>)
      } else {
      }
    }
    %barrier3A_64 = arith.constant 0 : index
    tpu.barrier barrier_id(%barrier3A_64)
    %mul3A_65 = arith.constant 5 : i32
    %mul3A_66 = arith.muli %arg1, %mul3A_65 : i32
    %add3A_67 = arith.constant 0 : i32
    %add3A_68 = arith.addi %mul3A_66, %add3A_67 : i32
    %mul3A_69 = arith.constant 128 : i32
    %mul3A_70 = arith.muli %add3A_68, %mul3A_69 : i32
    "tpu.region"() ({
      %run_scoped3A = tpu.sem_alloc : memref<!tpu.dma_semaphore, #tpu.memory_space<semaphore_mem>>
      %dma_start3A_125 = arith.constant 0 : i32
      %dma_start3A_126 = tpu.memref_slice %arg12[%mul3A_70, %dma_start3A_125] : memref<10240x128xf32, #tpu.memory_space<vmem_shared>> -> memref<128x128xf32, #tpu.memory_space<vmem_shared>>
      %dma_start3A_127 = arith.constant 0 : i32
      %dma_start3A_128 = tpu.memref_slice %arg12[%mul3A_70, %dma_start3A_127] : memref<10240x128xf32, #tpu.memory_space<vmem_shared>> -> memref<128x128xf32, #tpu.memory_space<vmem_shared>>
      tpu.enqueue_dma source(%dma_start3A_128 : memref<128x128xf32, #tpu.memory_space<vmem_shared>>) target(%arg10 : memref<128x128xf32, #tpu.memory_space<vmem>>) target_semaphore(%run_scoped3A : memref<!tpu.dma_semaphore, #tpu.memory_space<semaphore_mem>>)
      %dma_wait3A = arith.constant 0 : i32
      %dma_wait3A_129 = tpu.memref_slice %arg12[%mul3A_70, %dma_wait3A] : memref<10240x128xf32, #tpu.memory_space<vmem_shared>> -> memref<128x128xf32, #tpu.memory_space<vmem_shared>>
      %dma_wait3A_130 = arith.constant 0 : i32
      %dma_wait3A_131 = tpu.memref_slice %arg12[%mul3A_70, %dma_wait3A_130] : memref<10240x128xf32, #tpu.memory_space<vmem_shared>> -> memref<128x128xf32, #tpu.memory_space<vmem_shared>>
      tpu.wait_dma2 semaphore(%run_scoped3A : memref<!tpu.dma_semaphore, #tpu.memory_space<semaphore_mem>>) src(%dma_wait3A_131 : memref<128x128xf32, #tpu.memory_space<vmem_shared>>) dst(%arg10 : memref<128x128xf32, #tpu.memory_space<vmem>>)
      tpu.yield
    }) : () -> ()
    %dma_start3A_71 = arith.constant 0 : i32
    %dma_start3A_72 = tpu.memref_slice %arg6[%arg0, %mul3A_70, %dma_start3A_71] : memref<2x10240x128xf32, #tpu.memory_space<hbm>> -> memref<1x128x128xf32, #tpu.memory_space<hbm>>
    %dma_start3A_73 = tpu.memref_squeeze %dma_start3A_72 : memref<1x128x128xf32, #tpu.memory_space<hbm>> -> memref<128x128xf32, #tpu.memory_space<hbm>>
    %dma_start3A_74 = arith.constant 0 : i32
    %dma_start3A_75 = tpu.memref_slice %arg6[%arg0, %mul3A_70, %dma_start3A_74] : memref<2x10240x128xf32, #tpu.memory_space<hbm>> -> memref<1x128x128xf32, #tpu.memory_space<hbm>>
    %dma_start3A_76 = tpu.memref_squeeze %dma_start3A_75 : memref<1x128x128xf32, #tpu.memory_space<hbm>> -> memref<128x128xf32, #tpu.memory_space<hbm>>
    tpu.enqueue_dma source(%arg10 : memref<128x128xf32, #tpu.memory_space<vmem>>) target(%dma_start3A_76 : memref<128x128xf32, #tpu.memory_space<hbm>>) target_semaphore(%arg15 : memref<!tpu.dma_semaphore, #tpu.memory_space<semaphore_mem>>)
    %mul3A_77 = arith.constant 5 : i32
    %mul3A_78 = arith.muli %arg1, %mul3A_77 : i32
    %add3A_79 = arith.constant 1 : i32
    %add3A_80 = arith.addi %mul3A_78, %add3A_79 : i32
    %mul3A_81 = arith.constant 128 : i32
    %mul3A_82 = arith.muli %add3A_80, %mul3A_81 : i32
    "tpu.region"() ({
      %run_scoped3A = tpu.sem_alloc : memref<!tpu.dma_semaphore, #tpu.memory_space<semaphore_mem>>
      %dma_start3A_125 = arith.constant 0 : i32
      %dma_start3A_126 = tpu.memref_slice %arg12[%mul3A_82, %dma_start3A_125] : memref<10240x128xf32, #tpu.memory_space<vmem_shared>> -> memref<128x128xf32, #tpu.memory_space<vmem_shared>>
      %dma_start3A_127 = arith.constant 0 : i32
      %dma_start3A_128 = tpu.memref_slice %arg12[%mul3A_82, %dma_start3A_127] : memref<10240x128xf32, #tpu.memory_space<vmem_shared>> -> memref<128x128xf32, #tpu.memory_space<vmem_shared>>
      tpu.enqueue_dma source(%dma_start3A_128 : memref<128x128xf32, #tpu.memory_space<vmem_shared>>) target(%arg11 : memref<128x128xf32, #tpu.memory_space<vmem>>) target_semaphore(%run_scoped3A : memref<!tpu.dma_semaphore, #tpu.memory_space<semaphore_mem>>)
      %dma_wait3A = arith.constant 0 : i32
      %dma_wait3A_129 = tpu.memref_slice %arg12[%mul3A_82, %dma_wait3A] : memref<10240x128xf32, #tpu.memory_space<vmem_shared>> -> memref<128x128xf32, #tpu.memory_space<vmem_shared>>
      %dma_wait3A_130 = arith.constant 0 : i32
      %dma_wait3A_131 = tpu.memref_slice %arg12[%mul3A_82, %dma_wait3A_130] : memref<10240x128xf32, #tpu.memory_space<vmem_shared>> -> memref<128x128xf32, #tpu.memory_space<vmem_shared>>
      tpu.wait_dma2 semaphore(%run_scoped3A : memref<!tpu.dma_semaphore, #tpu.memory_space<semaphore_mem>>) src(%dma_wait3A_131 : memref<128x128xf32, #tpu.memory_space<vmem_shared>>) dst(%arg11 : memref<128x128xf32, #tpu.memory_space<vmem>>)
      tpu.yield
    }) : () -> ()
    %dma_start3A_83 = arith.constant 0 : i32
    %dma_start3A_84 = tpu.memref_slice %arg6[%arg0, %mul3A_82, %dma_start3A_83] : memref<2x10240x128xf32, #tpu.memory_space<hbm>> -> memref<1x128x128xf32, #tpu.memory_space<hbm>>
    %dma_start3A_85 = tpu.memref_squeeze %dma_start3A_84 : memref<1x128x128xf32, #tpu.memory_space<hbm>> -> memref<128x128xf32, #tpu.memory_space<hbm>>
    %dma_start3A_86 = arith.constant 0 : i32
    %dma_start3A_87 = tpu.memref_slice %arg6[%arg0, %mul3A_82, %dma_start3A_86] : memref<2x10240x128xf32, #tpu.memory_space<hbm>> -> memref<1x128x128xf32, #tpu.memory_space<hbm>>
    %dma_start3A_88 = tpu.memref_squeeze %dma_start3A_87 : memref<1x128x128xf32, #tpu.memory_space<hbm>> -> memref<128x128xf32, #tpu.memory_space<hbm>>
    tpu.enqueue_dma source(%arg11 : memref<128x128xf32, #tpu.memory_space<vmem>>) target(%dma_start3A_88 : memref<128x128xf32, #tpu.memory_space<hbm>>) target_semaphore(%arg16 : memref<!tpu.dma_semaphore, #tpu.memory_space<semaphore_mem>>)
    tpu.wait_dma2 semaphore(%arg15 : memref<!tpu.dma_semaphore, #tpu.memory_space<semaphore_mem>>) src(%arg5 : memref<128x128xf32, #tpu.memory_space<hbm>>) dst(%arg10 : memref<128x128xf32, #tpu.memory_space<vmem>>)
    %mul3A_89 = arith.constant 5 : i32
    %mul3A_90 = arith.muli %arg1, %mul3A_89 : i32
    %add3A_91 = arith.constant 2 : i32
    %add3A_92 = arith.addi %mul3A_90, %add3A_91 : i32
    %mul3A_93 = arith.constant 128 : i32
    %mul3A_94 = arith.muli %add3A_92, %mul3A_93 : i32
    "tpu.region"() ({
      %run_scoped3A = tpu.sem_alloc : memref<!tpu.dma_semaphore, #tpu.memory_space<semaphore_mem>>
      %dma_start3A_125 = arith.constant 0 : i32
      %dma_start3A_126 = tpu.memref_slice %arg12[%mul3A_94, %dma_start3A_125] : memref<10240x128xf32, #tpu.memory_space<vmem_shared>> -> memref<128x128xf32, #tpu.memory_space<vmem_shared>>
      %dma_start3A_127 = arith.constant 0 : i32
      %dma_start3A_128 = tpu.memref_slice %arg12[%mul3A_94, %dma_start3A_127] : memref<10240x128xf32, #tpu.memory_space<vmem_shared>> -> memref<128x128xf32, #tpu.memory_space<vmem_shared>>
      tpu.enqueue_dma source(%dma_start3A_128 : memref<128x128xf32, #tpu.memory_space<vmem_shared>>) target(%arg10 : memref<128x128xf32, #tpu.memory_space<vmem>>) target_semaphore(%run_scoped3A : memref<!tpu.dma_semaphore, #tpu.memory_space<semaphore_mem>>)
      %dma_wait3A = arith.constant 0 : i32
      %dma_wait3A_129 = tpu.memref_slice %arg12[%mul3A_94, %dma_wait3A] : memref<10240x128xf32, #tpu.memory_space<vmem_shared>> -> memref<128x128xf32, #tpu.memory_space<vmem_shared>>
      %dma_wait3A_130 = arith.constant 0 : i32
      %dma_wait3A_131 = tpu.memref_slice %arg12[%mul3A_94, %dma_wait3A_130] : memref<10240x128xf32, #tpu.memory_space<vmem_shared>> -> memref<128x128xf32, #tpu.memory_space<vmem_shared>>
      tpu.wait_dma2 semaphore(%run_scoped3A : memref<!tpu.dma_semaphore, #tpu.memory_space<semaphore_mem>>) src(%dma_wait3A_131 : memref<128x128xf32, #tpu.memory_space<vmem_shared>>) dst(%arg10 : memref<128x128xf32, #tpu.memory_space<vmem>>)
      tpu.yield
    }) : () -> ()
    %dma_start3A_95 = arith.constant 0 : i32
    %dma_start3A_96 = tpu.memref_slice %arg6[%arg0, %mul3A_94, %dma_start3A_95] : memref<2x10240x128xf32, #tpu.memory_space<hbm>> -> memref<1x128x128xf32, #tpu.memory_space<hbm>>
    %dma_start3A_97 = tpu.memref_squeeze %dma_start3A_96 : memref<1x128x128xf32, #tpu.memory_space<hbm>> -> memref<128x128xf32, #tpu.memory_space<hbm>>
    %dma_start3A_98 = arith.constant 0 : i32
    %dma_start3A_99 = tpu.memref_slice %arg6[%arg0, %mul3A_94, %dma_start3A_98] : memref<2x10240x128xf32, #tpu.memory_space<hbm>> -> memref<1x128x128xf32, #tpu.memory_space<hbm>>
    %dma_start3A_100 = tpu.memref_squeeze %dma_start3A_99 : memref<1x128x128xf32, #tpu.memory_space<hbm>> -> memref<128x128xf32, #tpu.memory_space<hbm>>
    tpu.enqueue_dma source(%arg10 : memref<128x128xf32, #tpu.memory_space<vmem>>) target(%dma_start3A_100 : memref<128x128xf32, #tpu.memory_space<hbm>>) target_semaphore(%arg15 : memref<!tpu.dma_semaphore, #tpu.memory_space<semaphore_mem>>)
    tpu.wait_dma2 semaphore(%arg16 : memref<!tpu.dma_semaphore, #tpu.memory_space<semaphore_mem>>) src(%arg5 : memref<128x128xf32, #tpu.memory_space<hbm>>) dst(%arg11 : memref<128x128xf32, #tpu.memory_space<vmem>>)
    %mul3A_101 = arith.constant 5 : i32
    %mul3A_102 = arith.muli %arg1, %mul3A_101 : i32
    %add3A_103 = arith.constant 3 : i32
    %add3A_104 = arith.addi %mul3A_102, %add3A_103 : i32
    %mul3A_105 = arith.constant 128 : i32
    %mul3A_106 = arith.muli %add3A_104, %mul3A_105 : i32
    "tpu.region"() ({
      %run_scoped3A = tpu.sem_alloc : memref<!tpu.dma_semaphore, #tpu.memory_space<semaphore_mem>>
      %dma_start3A_125 = arith.constant 0 : i32
      %dma_start3A_126 = tpu.memref_slice %arg12[%mul3A_106, %dma_start3A_125] : memref<10240x128xf32, #tpu.memory_space<vmem_shared>> -> memref<128x128xf32, #tpu.memory_space<vmem_shared>>
      %dma_start3A_127 = arith.constant 0 : i32
      %dma_start3A_128 = tpu.memref_slice %arg12[%mul3A_106, %dma_start3A_127] : memref<10240x128xf32, #tpu.memory_space<vmem_shared>> -> memref<128x128xf32, #tpu.memory_space<vmem_shared>>
      tpu.enqueue_dma source(%dma_start3A_128 : memref<128x128xf32, #tpu.memory_space<vmem_shared>>) target(%arg11 : memref<128x128xf32, #tpu.memory_space<vmem>>) target_semaphore(%run_scoped3A : memref<!tpu.dma_semaphore, #tpu.memory_space<semaphore_mem>>)
      %dma_wait3A = arith.constant 0 : i32
      %dma_wait3A_129 = tpu.memref_slice %arg12[%mul3A_106, %dma_wait3A] : memref<10240x128xf32, #tpu.memory_space<vmem_shared>> -> memref<128x128xf32, #tpu.memory_space<vmem_shared>>
      %dma_wait3A_130 = arith.constant 0 : i32
      %dma_wait3A_131 = tpu.memref_slice %arg12[%mul3A_106, %dma_wait3A_130] : memref<10240x128xf32, #tpu.memory_space<vmem_shared>> -> memref<128x128xf32, #tpu.memory_space<vmem_shared>>
      tpu.wait_dma2 semaphore(%run_scoped3A : memref<!tpu.dma_semaphore, #tpu.memory_space<semaphore_mem>>) src(%dma_wait3A_131 : memref<128x128xf32, #tpu.memory_space<vmem_shared>>) dst(%arg11 : memref<128x128xf32, #tpu.memory_space<vmem>>)
      tpu.yield
    }) : () -> ()
    %dma_start3A_107 = arith.constant 0 : i32
    %dma_start3A_108 = tpu.memref_slice %arg6[%arg0, %mul3A_106, %dma_start3A_107] : memref<2x10240x128xf32, #tpu.memory_space<hbm>> -> memref<1x128x128xf32, #tpu.memory_space<hbm>>
    %dma_start3A_109 = tpu.memref_squeeze %dma_start3A_108 : memref<1x128x128xf32, #tpu.memory_space<hbm>> -> memref<128x128xf32, #tpu.memory_space<hbm>>
    %dma_start3A_110 = arith.constant 0 : i32
    %dma_start3A_111 = tpu.memref_slice %arg6[%arg0, %mul3A_106, %dma_start3A_110] : memref<2x10240x128xf32, #tpu.memory_space<hbm>> -> memref<1x128x128xf32, #tpu.memory_space<hbm>>
    %dma_start3A_112 = tpu.memref_squeeze %dma_start3A_111 : memref<1x128x128xf32, #tpu.memory_space<hbm>> -> memref<128x128xf32, #tpu.memory_space<hbm>>
    tpu.enqueue_dma source(%arg11 : memref<128x128xf32, #tpu.memory_space<vmem>>) target(%dma_start3A_112 : memref<128x128xf32, #tpu.memory_space<hbm>>) target_semaphore(%arg16 : memref<!tpu.dma_semaphore, #tpu.memory_space<semaphore_mem>>)
    tpu.wait_dma2 semaphore(%arg15 : memref<!tpu.dma_semaphore, #tpu.memory_space<semaphore_mem>>) src(%arg5 : memref<128x128xf32, #tpu.memory_space<hbm>>) dst(%arg10 : memref<128x128xf32, #tpu.memory_space<vmem>>)
    %mul3A_113 = arith.constant 5 : i32
    %mul3A_114 = arith.muli %arg1, %mul3A_113 : i32
    %add3A_115 = arith.constant 4 : i32
    %add3A_116 = arith.addi %mul3A_114, %add3A_115 : i32
    %mul3A_117 = arith.constant 128 : i32
    %mul3A_118 = arith.muli %add3A_116, %mul3A_117 : i32
    "tpu.region"() ({
      %run_scoped3A = tpu.sem_alloc : memref<!tpu.dma_semaphore, #tpu.memory_space<semaphore_mem>>
      %dma_start3A_125 = arith.constant 0 : i32
      %dma_start3A_126 = tpu.memref_slice %arg12[%mul3A_118, %dma_start3A_125] : memref<10240x128xf32, #tpu.memory_space<vmem_shared>> -> memref<128x128xf32, #tpu.memory_space<vmem_shared>>
      %dma_start3A_127 = arith.constant 0 : i32
      %dma_start3A_128 = tpu.memref_slice %arg12[%mul3A_118, %dma_start3A_127] : memref<10240x128xf32, #tpu.memory_space<vmem_shared>> -> memref<128x128xf32, #tpu.memory_space<vmem_shared>>
      tpu.enqueue_dma source(%dma_start3A_128 : memref<128x128xf32, #tpu.memory_space<vmem_shared>>) target(%arg10 : memref<128x128xf32, #tpu.memory_space<vmem>>) target_semaphore(%run_scoped3A : memref<!tpu.dma_semaphore, #tpu.memory_space<semaphore_mem>>)
      %dma_wait3A = arith.constant 0 : i32
      %dma_wait3A_129 = tpu.memref_slice %arg12[%mul3A_118, %dma_wait3A] : memref<10240x128xf32, #tpu.memory_space<vmem_shared>> -> memref<128x128xf32, #tpu.memory_space<vmem_shared>>
      %dma_wait3A_130 = arith.constant 0 : i32
      %dma_wait3A_131 = tpu.memref_slice %arg12[%mul3A_118, %dma_wait3A_130] : memref<10240x128xf32, #tpu.memory_space<vmem_shared>> -> memref<128x128xf32, #tpu.memory_space<vmem_shared>>
      tpu.wait_dma2 semaphore(%run_scoped3A : memref<!tpu.dma_semaphore, #tpu.memory_space<semaphore_mem>>) src(%dma_wait3A_131 : memref<128x128xf32, #tpu.memory_space<vmem_shared>>) dst(%arg10 : memref<128x128xf32, #tpu.memory_space<vmem>>)
      tpu.yield
    }) : () -> ()
    %dma_start3A_119 = arith.constant 0 : i32
    %dma_start3A_120 = tpu.memref_slice %arg6[%arg0, %mul3A_118, %dma_start3A_119] : memref<2x10240x128xf32, #tpu.memory_space<hbm>> -> memref<1x128x128xf32, #tpu.memory_space<hbm>>
    %dma_start3A_121 = tpu.memref_squeeze %dma_start3A_120 : memref<1x128x128xf32, #tpu.memory_space<hbm>> -> memref<128x128xf32, #tpu.memory_space<hbm>>
    %dma_start3A_122 = arith.constant 0 : i32
    %dma_start3A_123 = tpu.memref_slice %arg6[%arg0, %mul3A_118, %dma_start3A_122] : memref<2x10240x128xf32, #tpu.memory_space<hbm>> -> memref<1x128x128xf32, #tpu.memory_space<hbm>>
    %dma_start3A_124 = tpu.memref_squeeze %dma_start3A_123 : memref<1x128x128xf32, #tpu.memory_space<hbm>> -> memref<128x128xf32, #tpu.memory_space<hbm>>
    tpu.enqueue_dma source(%arg10 : memref<128x128xf32, #tpu.memory_space<vmem>>) target(%dma_start3A_124 : memref<128x128xf32, #tpu.memory_space<hbm>>) target_semaphore(%arg15 : memref<!tpu.dma_semaphore, #tpu.memory_space<semaphore_mem>>)
    tpu.wait_dma2 semaphore(%arg16 : memref<!tpu.dma_semaphore, #tpu.memory_space<semaphore_mem>>) src(%arg5 : memref<128x128xf32, #tpu.memory_space<hbm>>) dst(%arg11 : memref<128x128xf32, #tpu.memory_space<vmem>>)
    tpu.wait_dma2 semaphore(%arg15 : memref<!tpu.dma_semaphore, #tpu.memory_space<semaphore_mem>>) src(%arg5 : memref<128x128xf32, #tpu.memory_space<hbm>>) dst(%arg10 : memref<128x128xf32, #tpu.memory_space<vmem>>)
    return
  }
}

#map = affine_map<(d0, d1) -> (0, 0, 0)>
#map1 = affine_map<(d0, d1) -> (0, 0)>
module attributes {stable_mosaic.version = 14 : i64} {
  func.func @body(%arg0: i32, %arg1: i32, %arg2: memref<32x80x128xi32, #tpu.memory_space<hbm>>, %arg3: memref<128x128xf32, #tpu.memory_space<hbm>>, %arg4: memref<128x128xf32, #tpu.memory_space<hbm>>, %arg5: memref<2x10240x128xf32, #tpu.memory_space<hbm>>, %arg6: memref<80x128xi32, #tpu.memory_space<vmem>>, %arg7: memref<128x128xf32, #tpu.memory_space<vmem>>, %arg8: memref<128x128xf32, #tpu.memory_space<vmem>>, %arg9: memref<10240x128xf32, #tpu.memory_space<vmem_shared>>) attributes {dimension_semantics = [#tpu.dimension_semantics<core_parallel>, #tpu.dimension_semantics<subcore_parallel>], iteration_bounds = array<i64: 2, 16>, scalar_prefetch = 0 : i64, scratch_operands = 4 : i64, tpu.core_type = #tpu.core_type<sc_vector_subcore>, window_params = [{transform_indices = #map}, {transform_indices = #map1}, {transform_indices = #map1}, {transform_indices = #map}]} {
    %mul3A = arith.constant 16 : i32
    %mul3A_0 = arith.muli %arg0, %mul3A : i32
    %add3A = arith.addi %mul3A_0, %arg1 : i32
    %eq3A = arith.constant 0 : i32
    %eq3A_1 = arith.cmpi eq, %arg0, %eq3A : i32
    %jit3A = arith.constant 80 : i32
    %jit3A_2 = arith.constant 78 : i32
    %select_n3A = arith.select %eq3A_1, %jit3A, %jit3A_2 : i32
    "tpu.region"() ({
      %run_scoped3A = tpu.sem_alloc : memref<!tpu.dma_semaphore, #tpu.memory_space<semaphore_mem>>
      %dma_start3A = arith.constant 0 : i32
      %dma_start3A_73 = arith.constant 0 : i32
      %dma_start3A_74 = tpu.memref_slice %arg2[%add3A, %dma_start3A, %dma_start3A_73] : memref<32x80x128xi32, #tpu.memory_space<hbm>> -> memref<1x80x128xi32, #tpu.memory_space<hbm>>
      %dma_start3A_75 = tpu.memref_squeeze %dma_start3A_74 : memref<1x80x128xi32, #tpu.memory_space<hbm>> -> memref<80x128xi32, #tpu.memory_space<hbm>>
      %dma_start3A_76 = arith.constant 0 : i32
      %dma_start3A_77 = arith.constant 0 : i32
      %dma_start3A_78 = tpu.memref_slice %arg2[%add3A, %dma_start3A_76, %dma_start3A_77] : memref<32x80x128xi32, #tpu.memory_space<hbm>> -> memref<1x80x128xi32, #tpu.memory_space<hbm>>
      %dma_start3A_79 = tpu.memref_squeeze %dma_start3A_78 : memref<1x80x128xi32, #tpu.memory_space<hbm>> -> memref<80x128xi32, #tpu.memory_space<hbm>>
      tpu.enqueue_dma source(%dma_start3A_79 : memref<80x128xi32, #tpu.memory_space<hbm>>) target(%arg6 : memref<80x128xi32, #tpu.memory_space<vmem>>) target_semaphore(%run_scoped3A : memref<!tpu.dma_semaphore, #tpu.memory_space<semaphore_mem>>)
      %dma_wait3A = arith.constant 0 : i32
      %dma_wait3A_80 = arith.constant 0 : i32
      %dma_wait3A_81 = tpu.memref_slice %arg2[%add3A, %dma_wait3A, %dma_wait3A_80] : memref<32x80x128xi32, #tpu.memory_space<hbm>> -> memref<1x80x128xi32, #tpu.memory_space<hbm>>
      %dma_wait3A_82 = tpu.memref_squeeze %dma_wait3A_81 : memref<1x80x128xi32, #tpu.memory_space<hbm>> -> memref<80x128xi32, #tpu.memory_space<hbm>>
      %dma_wait3A_83 = arith.constant 0 : i32
      %dma_wait3A_84 = arith.constant 0 : i32
      %dma_wait3A_85 = tpu.memref_slice %arg2[%add3A, %dma_wait3A_83, %dma_wait3A_84] : memref<32x80x128xi32, #tpu.memory_space<hbm>> -> memref<1x80x128xi32, #tpu.memory_space<hbm>>
      %dma_wait3A_86 = tpu.memref_squeeze %dma_wait3A_85 : memref<1x80x128xi32, #tpu.memory_space<hbm>> -> memref<80x128xi32, #tpu.memory_space<hbm>>
      tpu.wait_dma2 semaphore(%run_scoped3A : memref<!tpu.dma_semaphore, #tpu.memory_space<semaphore_mem>>) src(%dma_wait3A_86 : memref<80x128xi32, #tpu.memory_space<hbm>>) dst(%arg6 : memref<80x128xi32, #tpu.memory_space<vmem>>)
      tpu.yield
    }) : () -> ()
    "tpu.region"() ({
      %run_scoped3A = tpu.sem_alloc : memref<!tpu.dma_semaphore, #tpu.memory_space<semaphore_mem>>
      tpu.enqueue_dma source(%arg3 : memref<128x128xf32, #tpu.memory_space<hbm>>) target(%arg8 : memref<128x128xf32, #tpu.memory_space<vmem>>) target_semaphore(%run_scoped3A : memref<!tpu.dma_semaphore, #tpu.memory_space<semaphore_mem>>)
      tpu.wait_dma2 semaphore(%run_scoped3A : memref<!tpu.dma_semaphore, #tpu.memory_space<semaphore_mem>>) src(%arg3 : memref<128x128xf32, #tpu.memory_space<hbm>>) dst(%arg8 : memref<128x128xf32, #tpu.memory_space<vmem>>)
      tpu.yield
    }) : () -> ()
    %mul3A_3 = arith.constant 5 : i32
    %mul3A_4 = arith.muli %arg1, %mul3A_3 : i32
    %add3A_5 = arith.constant 0 : i32
    %add3A_6 = arith.addi %mul3A_4, %add3A_5 : i32
    %mul3A_7 = arith.constant 128 : i32
    %mul3A_8 = arith.muli %add3A_6, %mul3A_7 : i32
    "tpu.region"() ({
      %run_scoped3A = tpu.sem_alloc : memref<!tpu.dma_semaphore, #tpu.memory_space<semaphore_mem>>
      %dma_start3A = arith.constant 0 : i32
      %dma_start3A_73 = tpu.memref_slice %arg9[%mul3A_8, %dma_start3A] : memref<10240x128xf32, #tpu.memory_space<vmem_shared>> -> memref<128x128xf32, #tpu.memory_space<vmem_shared>>
      %dma_start3A_74 = arith.constant 0 : i32
      %dma_start3A_75 = tpu.memref_slice %arg9[%mul3A_8, %dma_start3A_74] : memref<10240x128xf32, #tpu.memory_space<vmem_shared>> -> memref<128x128xf32, #tpu.memory_space<vmem_shared>>
      tpu.enqueue_dma source(%arg8 : memref<128x128xf32, #tpu.memory_space<vmem>>) target(%dma_start3A_75 : memref<128x128xf32, #tpu.memory_space<vmem_shared>>) target_semaphore(%run_scoped3A : memref<!tpu.dma_semaphore, #tpu.memory_space<semaphore_mem>>)
      %dma_wait3A = arith.constant 0 : i32
      %dma_wait3A_76 = tpu.memref_slice %arg9[%mul3A_8, %dma_wait3A] : memref<10240x128xf32, #tpu.memory_space<vmem_shared>> -> memref<128x128xf32, #tpu.memory_space<vmem_shared>>
      %dma_wait3A_77 = arith.constant 0 : i32
      %dma_wait3A_78 = tpu.memref_slice %arg9[%mul3A_8, %dma_wait3A_77] : memref<10240x128xf32, #tpu.memory_space<vmem_shared>> -> memref<128x128xf32, #tpu.memory_space<vmem_shared>>
      tpu.wait_dma2 semaphore(%run_scoped3A : memref<!tpu.dma_semaphore, #tpu.memory_space<semaphore_mem>>) src(%arg8 : memref<128x128xf32, #tpu.memory_space<vmem>>) dst(%dma_wait3A_78 : memref<128x128xf32, #tpu.memory_space<vmem_shared>>)
      tpu.yield
    }) : () -> ()
    %mul3A_9 = arith.constant 5 : i32
    %mul3A_10 = arith.muli %arg1, %mul3A_9 : i32
    %add3A_11 = arith.constant 1 : i32
    %add3A_12 = arith.addi %mul3A_10, %add3A_11 : i32
    %mul3A_13 = arith.constant 128 : i32
    %mul3A_14 = arith.muli %add3A_12, %mul3A_13 : i32
    "tpu.region"() ({
      %run_scoped3A = tpu.sem_alloc : memref<!tpu.dma_semaphore, #tpu.memory_space<semaphore_mem>>
      %dma_start3A = arith.constant 0 : i32
      %dma_start3A_73 = tpu.memref_slice %arg9[%mul3A_14, %dma_start3A] : memref<10240x128xf32, #tpu.memory_space<vmem_shared>> -> memref<128x128xf32, #tpu.memory_space<vmem_shared>>
      %dma_start3A_74 = arith.constant 0 : i32
      %dma_start3A_75 = tpu.memref_slice %arg9[%mul3A_14, %dma_start3A_74] : memref<10240x128xf32, #tpu.memory_space<vmem_shared>> -> memref<128x128xf32, #tpu.memory_space<vmem_shared>>
      tpu.enqueue_dma source(%arg8 : memref<128x128xf32, #tpu.memory_space<vmem>>) target(%dma_start3A_75 : memref<128x128xf32, #tpu.memory_space<vmem_shared>>) target_semaphore(%run_scoped3A : memref<!tpu.dma_semaphore, #tpu.memory_space<semaphore_mem>>)
      %dma_wait3A = arith.constant 0 : i32
      %dma_wait3A_76 = tpu.memref_slice %arg9[%mul3A_14, %dma_wait3A] : memref<10240x128xf32, #tpu.memory_space<vmem_shared>> -> memref<128x128xf32, #tpu.memory_space<vmem_shared>>
      %dma_wait3A_77 = arith.constant 0 : i32
      %dma_wait3A_78 = tpu.memref_slice %arg9[%mul3A_14, %dma_wait3A_77] : memref<10240x128xf32, #tpu.memory_space<vmem_shared>> -> memref<128x128xf32, #tpu.memory_space<vmem_shared>>
      tpu.wait_dma2 semaphore(%run_scoped3A : memref<!tpu.dma_semaphore, #tpu.memory_space<semaphore_mem>>) src(%arg8 : memref<128x128xf32, #tpu.memory_space<vmem>>) dst(%dma_wait3A_78 : memref<128x128xf32, #tpu.memory_space<vmem_shared>>)
      tpu.yield
    }) : () -> ()
    %mul3A_15 = arith.constant 5 : i32
    %mul3A_16 = arith.muli %arg1, %mul3A_15 : i32
    %add3A_17 = arith.constant 2 : i32
    %add3A_18 = arith.addi %mul3A_16, %add3A_17 : i32
    %mul3A_19 = arith.constant 128 : i32
    %mul3A_20 = arith.muli %add3A_18, %mul3A_19 : i32
    "tpu.region"() ({
      %run_scoped3A = tpu.sem_alloc : memref<!tpu.dma_semaphore, #tpu.memory_space<semaphore_mem>>
      %dma_start3A = arith.constant 0 : i32
      %dma_start3A_73 = tpu.memref_slice %arg9[%mul3A_20, %dma_start3A] : memref<10240x128xf32, #tpu.memory_space<vmem_shared>> -> memref<128x128xf32, #tpu.memory_space<vmem_shared>>
      %dma_start3A_74 = arith.constant 0 : i32
      %dma_start3A_75 = tpu.memref_slice %arg9[%mul3A_20, %dma_start3A_74] : memref<10240x128xf32, #tpu.memory_space<vmem_shared>> -> memref<128x128xf32, #tpu.memory_space<vmem_shared>>
      tpu.enqueue_dma source(%arg8 : memref<128x128xf32, #tpu.memory_space<vmem>>) target(%dma_start3A_75 : memref<128x128xf32, #tpu.memory_space<vmem_shared>>) target_semaphore(%run_scoped3A : memref<!tpu.dma_semaphore, #tpu.memory_space<semaphore_mem>>)
      %dma_wait3A = arith.constant 0 : i32
      %dma_wait3A_76 = tpu.memref_slice %arg9[%mul3A_20, %dma_wait3A] : memref<10240x128xf32, #tpu.memory_space<vmem_shared>> -> memref<128x128xf32, #tpu.memory_space<vmem_shared>>
      %dma_wait3A_77 = arith.constant 0 : i32
      %dma_wait3A_78 = tpu.memref_slice %arg9[%mul3A_20, %dma_wait3A_77] : memref<10240x128xf32, #tpu.memory_space<vmem_shared>> -> memref<128x128xf32, #tpu.memory_space<vmem_shared>>
      tpu.wait_dma2 semaphore(%run_scoped3A : memref<!tpu.dma_semaphore, #tpu.memory_space<semaphore_mem>>) src(%arg8 : memref<128x128xf32, #tpu.memory_space<vmem>>) dst(%dma_wait3A_78 : memref<128x128xf32, #tpu.memory_space<vmem_shared>>)
      tpu.yield
    }) : () -> ()
    %mul3A_21 = arith.constant 5 : i32
    %mul3A_22 = arith.muli %arg1, %mul3A_21 : i32
    %add3A_23 = arith.constant 3 : i32
    %add3A_24 = arith.addi %mul3A_22, %add3A_23 : i32
    %mul3A_25 = arith.constant 128 : i32
    %mul3A_26 = arith.muli %add3A_24, %mul3A_25 : i32
    "tpu.region"() ({
      %run_scoped3A = tpu.sem_alloc : memref<!tpu.dma_semaphore, #tpu.memory_space<semaphore_mem>>
      %dma_start3A = arith.constant 0 : i32
      %dma_start3A_73 = tpu.memref_slice %arg9[%mul3A_26, %dma_start3A] : memref<10240x128xf32, #tpu.memory_space<vmem_shared>> -> memref<128x128xf32, #tpu.memory_space<vmem_shared>>
      %dma_start3A_74 = arith.constant 0 : i32
      %dma_start3A_75 = tpu.memref_slice %arg9[%mul3A_26, %dma_start3A_74] : memref<10240x128xf32, #tpu.memory_space<vmem_shared>> -> memref<128x128xf32, #tpu.memory_space<vmem_shared>>
      tpu.enqueue_dma source(%arg8 : memref<128x128xf32, #tpu.memory_space<vmem>>) target(%dma_start3A_75 : memref<128x128xf32, #tpu.memory_space<vmem_shared>>) target_semaphore(%run_scoped3A : memref<!tpu.dma_semaphore, #tpu.memory_space<semaphore_mem>>)
      %dma_wait3A = arith.constant 0 : i32
      %dma_wait3A_76 = tpu.memref_slice %arg9[%mul3A_26, %dma_wait3A] : memref<10240x128xf32, #tpu.memory_space<vmem_shared>> -> memref<128x128xf32, #tpu.memory_space<vmem_shared>>
      %dma_wait3A_77 = arith.constant 0 : i32
      %dma_wait3A_78 = tpu.memref_slice %arg9[%mul3A_26, %dma_wait3A_77] : memref<10240x128xf32, #tpu.memory_space<vmem_shared>> -> memref<128x128xf32, #tpu.memory_space<vmem_shared>>
      tpu.wait_dma2 semaphore(%run_scoped3A : memref<!tpu.dma_semaphore, #tpu.memory_space<semaphore_mem>>) src(%arg8 : memref<128x128xf32, #tpu.memory_space<vmem>>) dst(%dma_wait3A_78 : memref<128x128xf32, #tpu.memory_space<vmem_shared>>)
      tpu.yield
    }) : () -> ()
    %mul3A_27 = arith.constant 5 : i32
    %mul3A_28 = arith.muli %arg1, %mul3A_27 : i32
    %add3A_29 = arith.constant 4 : i32
    %add3A_30 = arith.addi %mul3A_28, %add3A_29 : i32
    %mul3A_31 = arith.constant 128 : i32
    %mul3A_32 = arith.muli %add3A_30, %mul3A_31 : i32
    "tpu.region"() ({
      %run_scoped3A = tpu.sem_alloc : memref<!tpu.dma_semaphore, #tpu.memory_space<semaphore_mem>>
      %dma_start3A = arith.constant 0 : i32
      %dma_start3A_73 = tpu.memref_slice %arg9[%mul3A_32, %dma_start3A] : memref<10240x128xf32, #tpu.memory_space<vmem_shared>> -> memref<128x128xf32, #tpu.memory_space<vmem_shared>>
      %dma_start3A_74 = arith.constant 0 : i32
      %dma_start3A_75 = tpu.memref_slice %arg9[%mul3A_32, %dma_start3A_74] : memref<10240x128xf32, #tpu.memory_space<vmem_shared>> -> memref<128x128xf32, #tpu.memory_space<vmem_shared>>
      tpu.enqueue_dma source(%arg8 : memref<128x128xf32, #tpu.memory_space<vmem>>) target(%dma_start3A_75 : memref<128x128xf32, #tpu.memory_space<vmem_shared>>) target_semaphore(%run_scoped3A : memref<!tpu.dma_semaphore, #tpu.memory_space<semaphore_mem>>)
      %dma_wait3A = arith.constant 0 : i32
      %dma_wait3A_76 = tpu.memref_slice %arg9[%mul3A_32, %dma_wait3A] : memref<10240x128xf32, #tpu.memory_space<vmem_shared>> -> memref<128x128xf32, #tpu.memory_space<vmem_shared>>
      %dma_wait3A_77 = arith.constant 0 : i32
      %dma_wait3A_78 = tpu.memref_slice %arg9[%mul3A_32, %dma_wait3A_77] : memref<10240x128xf32, #tpu.memory_space<vmem_shared>> -> memref<128x128xf32, #tpu.memory_space<vmem_shared>>
      tpu.wait_dma2 semaphore(%run_scoped3A : memref<!tpu.dma_semaphore, #tpu.memory_space<semaphore_mem>>) src(%arg8 : memref<128x128xf32, #tpu.memory_space<vmem>>) dst(%dma_wait3A_78 : memref<128x128xf32, #tpu.memory_space<vmem_shared>>)
      tpu.yield
    }) : () -> ()
    "tpu.region"() ({
      %run_scoped3A = tpu.sem_alloc : memref<!tpu.dma_semaphore, #tpu.memory_space<semaphore_mem>>
      tpu.enqueue_dma source(%arg4 : memref<128x128xf32, #tpu.memory_space<hbm>>) target(%arg7 : memref<128x128xf32, #tpu.memory_space<vmem>>) target_semaphore(%run_scoped3A : memref<!tpu.dma_semaphore, #tpu.memory_space<semaphore_mem>>)
      tpu.wait_dma2 semaphore(%run_scoped3A : memref<!tpu.dma_semaphore, #tpu.memory_space<semaphore_mem>>) src(%arg4 : memref<128x128xf32, #tpu.memory_space<hbm>>) dst(%arg7 : memref<128x128xf32, #tpu.memory_space<vmem>>)
      tpu.yield
    }) : () -> ()
    %barrier3A = arith.constant 0 : index
    tpu.barrier barrier_id(%barrier3A)
    %while3A = arith.constant 0 : i32
    %while3A_33 = arith.constant 0 : i32
    %while3A_34 = arith.subi %select_n3A, %while3A_33 : i32
    %while3A_35 = arith.addi %while3A_33, %while3A_34 : i32
    %while3A_36 = arith.constant 1 : i32
    %while3A_37 = arith.divsi %while3A_34, %while3A_36 : i32
    %while3A_38 = arith.muli %while3A_37, %while3A_36 : i32
    %while3A_39 = arith.addi %while3A_33, %while3A_38 : i32
    %while3A_40 = arith.constant 1 : i32
    scf.for %while3A_73 = %while3A_33 to %while3A_39 step %while3A_40  : i32 {
      "tpu.region"() ({
        %run_scoped3A = tpu.sem_alloc : memref<!tpu.dma_semaphore, #tpu.memory_space<semaphore_mem>>
        %dma_start3A = arith.constant 0 : i32
        %dma_start3A_74 = tpu.memref_slice %arg6[%while3A_73, %dma_start3A] : memref<80x128xi32, #tpu.memory_space<vmem>> -> memref<1x128xi32, #tpu.memory_space<vmem>>
        %dma_start3A_75 = tpu.memref_squeeze %dma_start3A_74 : memref<1x128xi32, #tpu.memory_space<vmem>> -> memref<128xi32, #tpu.memory_space<vmem>>
        %dma_start3A_76 = arith.constant 0 : i32
        %dma_start3A_77 = arith.constant 0 : i32
        %dma_start3A_78 = tpu.memref_slice %arg9[%dma_start3A_76, %dma_start3A_77] : memref<10240x128xf32, #tpu.memory_space<vmem_shared>> -> memref<10240x128xf32, #tpu.memory_space<vmem_shared>>
        tpu.enqueue_indirect_dma source(%arg7 : memref<128x128xf32, #tpu.memory_space<vmem>>) target(%dma_start3A_78 : memref<10240x128xf32, #tpu.memory_space<vmem_shared>>) offsets(%dma_start3A_75 : memref<128xi32, #tpu.memory_space<vmem>>) semaphore(%run_scoped3A : memref<!tpu.dma_semaphore, #tpu.memory_space<semaphore_mem>>) {add = true}
        %dma_wait3A = arith.constant 0 : i32
        %dma_wait3A_79 = tpu.memref_slice %arg6[%while3A_73, %dma_wait3A] : memref<80x128xi32, #tpu.memory_space<vmem>> -> memref<1x128xi32, #tpu.memory_space<vmem>>
        %dma_wait3A_80 = tpu.memref_squeeze %dma_wait3A_79 : memref<1x128xi32, #tpu.memory_space<vmem>> -> memref<128xi32, #tpu.memory_space<vmem>>
        %dma_wait3A_81 = arith.constant 0 : i32
        %dma_wait3A_82 = arith.constant 0 : i32
        %dma_wait3A_83 = tpu.memref_slice %arg9[%dma_wait3A_81, %dma_wait3A_82] : memref<10240x128xf32, #tpu.memory_space<vmem_shared>> -> memref<10240x128xf32, #tpu.memory_space<vmem_shared>>
        tpu.wait_indirect_dma semaphore(%run_scoped3A : memref<!tpu.dma_semaphore, #tpu.memory_space<semaphore_mem>>) src(%arg7 : memref<128x128xf32, #tpu.memory_space<vmem>>) dst(%dma_wait3A_83 : memref<10240x128xf32, #tpu.memory_space<vmem_shared>>)
        tpu.yield
      }) : () -> ()
    }
    %while3A_41 = arith.constant 1 : i32
    scf.for %while3A_73 = %while3A_39 to %while3A_35 step %while3A_41  : i32 {
      "tpu.region"() ({
        %run_scoped3A = tpu.sem_alloc : memref<!tpu.dma_semaphore, #tpu.memory_space<semaphore_mem>>
        %dma_start3A = arith.constant 0 : i32
        %dma_start3A_74 = tpu.memref_slice %arg6[%while3A_73, %dma_start3A] : memref<80x128xi32, #tpu.memory_space<vmem>> -> memref<1x128xi32, #tpu.memory_space<vmem>>
        %dma_start3A_75 = tpu.memref_squeeze %dma_start3A_74 : memref<1x128xi32, #tpu.memory_space<vmem>> -> memref<128xi32, #tpu.memory_space<vmem>>
        %dma_start3A_76 = arith.constant 0 : i32
        %dma_start3A_77 = arith.constant 0 : i32
        %dma_start3A_78 = tpu.memref_slice %arg9[%dma_start3A_76, %dma_start3A_77] : memref<10240x128xf32, #tpu.memory_space<vmem_shared>> -> memref<10240x128xf32, #tpu.memory_space<vmem_shared>>
        tpu.enqueue_indirect_dma source(%arg7 : memref<128x128xf32, #tpu.memory_space<vmem>>) target(%dma_start3A_78 : memref<10240x128xf32, #tpu.memory_space<vmem_shared>>) offsets(%dma_start3A_75 : memref<128xi32, #tpu.memory_space<vmem>>) semaphore(%run_scoped3A : memref<!tpu.dma_semaphore, #tpu.memory_space<semaphore_mem>>) {add = true}
        %dma_wait3A = arith.constant 0 : i32
        %dma_wait3A_79 = tpu.memref_slice %arg6[%while3A_73, %dma_wait3A] : memref<80x128xi32, #tpu.memory_space<vmem>> -> memref<1x128xi32, #tpu.memory_space<vmem>>
        %dma_wait3A_80 = tpu.memref_squeeze %dma_wait3A_79 : memref<1x128xi32, #tpu.memory_space<vmem>> -> memref<128xi32, #tpu.memory_space<vmem>>
        %dma_wait3A_81 = arith.constant 0 : i32
        %dma_wait3A_82 = arith.constant 0 : i32
        %dma_wait3A_83 = tpu.memref_slice %arg9[%dma_wait3A_81, %dma_wait3A_82] : memref<10240x128xf32, #tpu.memory_space<vmem_shared>> -> memref<10240x128xf32, #tpu.memory_space<vmem_shared>>
        tpu.wait_indirect_dma semaphore(%run_scoped3A : memref<!tpu.dma_semaphore, #tpu.memory_space<semaphore_mem>>) src(%arg7 : memref<128x128xf32, #tpu.memory_space<vmem>>) dst(%dma_wait3A_83 : memref<10240x128xf32, #tpu.memory_space<vmem_shared>>)
        tpu.yield
      }) : () -> ()
    }
    %barrier3A_42 = arith.constant 0 : index
    tpu.barrier barrier_id(%barrier3A_42)
    %mul3A_43 = arith.constant 5 : i32
    %mul3A_44 = arith.muli %arg1, %mul3A_43 : i32
    %add3A_45 = arith.constant 0 : i32
    %add3A_46 = arith.addi %mul3A_44, %add3A_45 : i32
    %mul3A_47 = arith.constant 128 : i32
    %mul3A_48 = arith.muli %add3A_46, %mul3A_47 : i32
    "tpu.region"() ({
      %run_scoped3A = tpu.sem_alloc : memref<!tpu.dma_semaphore, #tpu.memory_space<semaphore_mem>>
      %dma_start3A = arith.constant 0 : i32
      %dma_start3A_73 = tpu.memref_slice %arg9[%mul3A_48, %dma_start3A] : memref<10240x128xf32, #tpu.memory_space<vmem_shared>> -> memref<128x128xf32, #tpu.memory_space<vmem_shared>>
      %dma_start3A_74 = arith.constant 0 : i32
      %dma_start3A_75 = tpu.memref_slice %arg9[%mul3A_48, %dma_start3A_74] : memref<10240x128xf32, #tpu.memory_space<vmem_shared>> -> memref<128x128xf32, #tpu.memory_space<vmem_shared>>
      tpu.enqueue_dma source(%dma_start3A_75 : memref<128x128xf32, #tpu.memory_space<vmem_shared>>) target(%arg8 : memref<128x128xf32, #tpu.memory_space<vmem>>) target_semaphore(%run_scoped3A : memref<!tpu.dma_semaphore, #tpu.memory_space<semaphore_mem>>)
      %dma_wait3A = arith.constant 0 : i32
      %dma_wait3A_76 = tpu.memref_slice %arg9[%mul3A_48, %dma_wait3A] : memref<10240x128xf32, #tpu.memory_space<vmem_shared>> -> memref<128x128xf32, #tpu.memory_space<vmem_shared>>
      %dma_wait3A_77 = arith.constant 0 : i32
      %dma_wait3A_78 = tpu.memref_slice %arg9[%mul3A_48, %dma_wait3A_77] : memref<10240x128xf32, #tpu.memory_space<vmem_shared>> -> memref<128x128xf32, #tpu.memory_space<vmem_shared>>
      tpu.wait_dma2 semaphore(%run_scoped3A : memref<!tpu.dma_semaphore, #tpu.memory_space<semaphore_mem>>) src(%dma_wait3A_78 : memref<128x128xf32, #tpu.memory_space<vmem_shared>>) dst(%arg8 : memref<128x128xf32, #tpu.memory_space<vmem>>)
      tpu.yield
    }) : () -> ()
    "tpu.region"() ({
      %run_scoped3A = tpu.sem_alloc : memref<!tpu.dma_semaphore, #tpu.memory_space<semaphore_mem>>
      %dma_start3A = arith.constant 0 : i32
      %dma_start3A_73 = tpu.memref_slice %arg5[%arg0, %mul3A_48, %dma_start3A] : memref<2x10240x128xf32, #tpu.memory_space<hbm>> -> memref<1x128x128xf32, #tpu.memory_space<hbm>>
      %dma_start3A_74 = tpu.memref_squeeze %dma_start3A_73 : memref<1x128x128xf32, #tpu.memory_space<hbm>> -> memref<128x128xf32, #tpu.memory_space<hbm>>
      %dma_start3A_75 = arith.constant 0 : i32
      %dma_start3A_76 = tpu.memref_slice %arg5[%arg0, %mul3A_48, %dma_start3A_75] : memref<2x10240x128xf32, #tpu.memory_space<hbm>> -> memref<1x128x128xf32, #tpu.memory_space<hbm>>
      %dma_start3A_77 = tpu.memref_squeeze %dma_start3A_76 : memref<1x128x128xf32, #tpu.memory_space<hbm>> -> memref<128x128xf32, #tpu.memory_space<hbm>>
      tpu.enqueue_dma source(%arg8 : memref<128x128xf32, #tpu.memory_space<vmem>>) target(%dma_start3A_77 : memref<128x128xf32, #tpu.memory_space<hbm>>) target_semaphore(%run_scoped3A : memref<!tpu.dma_semaphore, #tpu.memory_space<semaphore_mem>>)
      %dma_wait3A = arith.constant 0 : i32
      %dma_wait3A_78 = tpu.memref_slice %arg5[%arg0, %mul3A_48, %dma_wait3A] : memref<2x10240x128xf32, #tpu.memory_space<hbm>> -> memref<1x128x128xf32, #tpu.memory_space<hbm>>
      %dma_wait3A_79 = tpu.memref_squeeze %dma_wait3A_78 : memref<1x128x128xf32, #tpu.memory_space<hbm>> -> memref<128x128xf32, #tpu.memory_space<hbm>>
      %dma_wait3A_80 = arith.constant 0 : i32
      %dma_wait3A_81 = tpu.memref_slice %arg5[%arg0, %mul3A_48, %dma_wait3A_80] : memref<2x10240x128xf32, #tpu.memory_space<hbm>> -> memref<1x128x128xf32, #tpu.memory_space<hbm>>
      %dma_wait3A_82 = tpu.memref_squeeze %dma_wait3A_81 : memref<1x128x128xf32, #tpu.memory_space<hbm>> -> memref<128x128xf32, #tpu.memory_space<hbm>>
      tpu.wait_dma2 semaphore(%run_scoped3A : memref<!tpu.dma_semaphore, #tpu.memory_space<semaphore_mem>>) src(%arg8 : memref<128x128xf32, #tpu.memory_space<vmem>>) dst(%dma_wait3A_82 : memref<128x128xf32, #tpu.memory_space<hbm>>)
      tpu.yield
    }) : () -> ()
    %mul3A_49 = arith.constant 5 : i32
    %mul3A_50 = arith.muli %arg1, %mul3A_49 : i32
    %add3A_51 = arith.constant 1 : i32
    %add3A_52 = arith.addi %mul3A_50, %add3A_51 : i32
    %mul3A_53 = arith.constant 128 : i32
    %mul3A_54 = arith.muli %add3A_52, %mul3A_53 : i32
    "tpu.region"() ({
      %run_scoped3A = tpu.sem_alloc : memref<!tpu.dma_semaphore, #tpu.memory_space<semaphore_mem>>
      %dma_start3A = arith.constant 0 : i32
      %dma_start3A_73 = tpu.memref_slice %arg9[%mul3A_54, %dma_start3A] : memref<10240x128xf32, #tpu.memory_space<vmem_shared>> -> memref<128x128xf32, #tpu.memory_space<vmem_shared>>
      %dma_start3A_74 = arith.constant 0 : i32
      %dma_start3A_75 = tpu.memref_slice %arg9[%mul3A_54, %dma_start3A_74] : memref<10240x128xf32, #tpu.memory_space<vmem_shared>> -> memref<128x128xf32, #tpu.memory_space<vmem_shared>>
      tpu.enqueue_dma source(%dma_start3A_75 : memref<128x128xf32, #tpu.memory_space<vmem_shared>>) target(%arg8 : memref<128x128xf32, #tpu.memory_space<vmem>>) target_semaphore(%run_scoped3A : memref<!tpu.dma_semaphore, #tpu.memory_space<semaphore_mem>>)
      %dma_wait3A = arith.constant 0 : i32
      %dma_wait3A_76 = tpu.memref_slice %arg9[%mul3A_54, %dma_wait3A] : memref<10240x128xf32, #tpu.memory_space<vmem_shared>> -> memref<128x128xf32, #tpu.memory_space<vmem_shared>>
      %dma_wait3A_77 = arith.constant 0 : i32
      %dma_wait3A_78 = tpu.memref_slice %arg9[%mul3A_54, %dma_wait3A_77] : memref<10240x128xf32, #tpu.memory_space<vmem_shared>> -> memref<128x128xf32, #tpu.memory_space<vmem_shared>>
      tpu.wait_dma2 semaphore(%run_scoped3A : memref<!tpu.dma_semaphore, #tpu.memory_space<semaphore_mem>>) src(%dma_wait3A_78 : memref<128x128xf32, #tpu.memory_space<vmem_shared>>) dst(%arg8 : memref<128x128xf32, #tpu.memory_space<vmem>>)
      tpu.yield
    }) : () -> ()
    "tpu.region"() ({
      %run_scoped3A = tpu.sem_alloc : memref<!tpu.dma_semaphore, #tpu.memory_space<semaphore_mem>>
      %dma_start3A = arith.constant 0 : i32
      %dma_start3A_73 = tpu.memref_slice %arg5[%arg0, %mul3A_54, %dma_start3A] : memref<2x10240x128xf32, #tpu.memory_space<hbm>> -> memref<1x128x128xf32, #tpu.memory_space<hbm>>
      %dma_start3A_74 = tpu.memref_squeeze %dma_start3A_73 : memref<1x128x128xf32, #tpu.memory_space<hbm>> -> memref<128x128xf32, #tpu.memory_space<hbm>>
      %dma_start3A_75 = arith.constant 0 : i32
      %dma_start3A_76 = tpu.memref_slice %arg5[%arg0, %mul3A_54, %dma_start3A_75] : memref<2x10240x128xf32, #tpu.memory_space<hbm>> -> memref<1x128x128xf32, #tpu.memory_space<hbm>>
      %dma_start3A_77 = tpu.memref_squeeze %dma_start3A_76 : memref<1x128x128xf32, #tpu.memory_space<hbm>> -> memref<128x128xf32, #tpu.memory_space<hbm>>
      tpu.enqueue_dma source(%arg8 : memref<128x128xf32, #tpu.memory_space<vmem>>) target(%dma_start3A_77 : memref<128x128xf32, #tpu.memory_space<hbm>>) target_semaphore(%run_scoped3A : memref<!tpu.dma_semaphore, #tpu.memory_space<semaphore_mem>>)
      %dma_wait3A = arith.constant 0 : i32
      %dma_wait3A_78 = tpu.memref_slice %arg5[%arg0, %mul3A_54, %dma_wait3A] : memref<2x10240x128xf32, #tpu.memory_space<hbm>> -> memref<1x128x128xf32, #tpu.memory_space<hbm>>
      %dma_wait3A_79 = tpu.memref_squeeze %dma_wait3A_78 : memref<1x128x128xf32, #tpu.memory_space<hbm>> -> memref<128x128xf32, #tpu.memory_space<hbm>>
      %dma_wait3A_80 = arith.constant 0 : i32
      %dma_wait3A_81 = tpu.memref_slice %arg5[%arg0, %mul3A_54, %dma_wait3A_80] : memref<2x10240x128xf32, #tpu.memory_space<hbm>> -> memref<1x128x128xf32, #tpu.memory_space<hbm>>
      %dma_wait3A_82 = tpu.memref_squeeze %dma_wait3A_81 : memref<1x128x128xf32, #tpu.memory_space<hbm>> -> memref<128x128xf32, #tpu.memory_space<hbm>>
      tpu.wait_dma2 semaphore(%run_scoped3A : memref<!tpu.dma_semaphore, #tpu.memory_space<semaphore_mem>>) src(%arg8 : memref<128x128xf32, #tpu.memory_space<vmem>>) dst(%dma_wait3A_82 : memref<128x128xf32, #tpu.memory_space<hbm>>)
      tpu.yield
    }) : () -> ()
    %mul3A_55 = arith.constant 5 : i32
    %mul3A_56 = arith.muli %arg1, %mul3A_55 : i32
    %add3A_57 = arith.constant 2 : i32
    %add3A_58 = arith.addi %mul3A_56, %add3A_57 : i32
    %mul3A_59 = arith.constant 128 : i32
    %mul3A_60 = arith.muli %add3A_58, %mul3A_59 : i32
    "tpu.region"() ({
      %run_scoped3A = tpu.sem_alloc : memref<!tpu.dma_semaphore, #tpu.memory_space<semaphore_mem>>
      %dma_start3A = arith.constant 0 : i32
      %dma_start3A_73 = tpu.memref_slice %arg9[%mul3A_60, %dma_start3A] : memref<10240x128xf32, #tpu.memory_space<vmem_shared>> -> memref<128x128xf32, #tpu.memory_space<vmem_shared>>
      %dma_start3A_74 = arith.constant 0 : i32
      %dma_start3A_75 = tpu.memref_slice %arg9[%mul3A_60, %dma_start3A_74] : memref<10240x128xf32, #tpu.memory_space<vmem_shared>> -> memref<128x128xf32, #tpu.memory_space<vmem_shared>>
      tpu.enqueue_dma source(%dma_start3A_75 : memref<128x128xf32, #tpu.memory_space<vmem_shared>>) target(%arg8 : memref<128x128xf32, #tpu.memory_space<vmem>>) target_semaphore(%run_scoped3A : memref<!tpu.dma_semaphore, #tpu.memory_space<semaphore_mem>>)
      %dma_wait3A = arith.constant 0 : i32
      %dma_wait3A_76 = tpu.memref_slice %arg9[%mul3A_60, %dma_wait3A] : memref<10240x128xf32, #tpu.memory_space<vmem_shared>> -> memref<128x128xf32, #tpu.memory_space<vmem_shared>>
      %dma_wait3A_77 = arith.constant 0 : i32
      %dma_wait3A_78 = tpu.memref_slice %arg9[%mul3A_60, %dma_wait3A_77] : memref<10240x128xf32, #tpu.memory_space<vmem_shared>> -> memref<128x128xf32, #tpu.memory_space<vmem_shared>>
      tpu.wait_dma2 semaphore(%run_scoped3A : memref<!tpu.dma_semaphore, #tpu.memory_space<semaphore_mem>>) src(%dma_wait3A_78 : memref<128x128xf32, #tpu.memory_space<vmem_shared>>) dst(%arg8 : memref<128x128xf32, #tpu.memory_space<vmem>>)
      tpu.yield
    }) : () -> ()
    "tpu.region"() ({
      %run_scoped3A = tpu.sem_alloc : memref<!tpu.dma_semaphore, #tpu.memory_space<semaphore_mem>>
      %dma_start3A = arith.constant 0 : i32
      %dma_start3A_73 = tpu.memref_slice %arg5[%arg0, %mul3A_60, %dma_start3A] : memref<2x10240x128xf32, #tpu.memory_space<hbm>> -> memref<1x128x128xf32, #tpu.memory_space<hbm>>
      %dma_start3A_74 = tpu.memref_squeeze %dma_start3A_73 : memref<1x128x128xf32, #tpu.memory_space<hbm>> -> memref<128x128xf32, #tpu.memory_space<hbm>>
      %dma_start3A_75 = arith.constant 0 : i32
      %dma_start3A_76 = tpu.memref_slice %arg5[%arg0, %mul3A_60, %dma_start3A_75] : memref<2x10240x128xf32, #tpu.memory_space<hbm>> -> memref<1x128x128xf32, #tpu.memory_space<hbm>>
      %dma_start3A_77 = tpu.memref_squeeze %dma_start3A_76 : memref<1x128x128xf32, #tpu.memory_space<hbm>> -> memref<128x128xf32, #tpu.memory_space<hbm>>
      tpu.enqueue_dma source(%arg8 : memref<128x128xf32, #tpu.memory_space<vmem>>) target(%dma_start3A_77 : memref<128x128xf32, #tpu.memory_space<hbm>>) target_semaphore(%run_scoped3A : memref<!tpu.dma_semaphore, #tpu.memory_space<semaphore_mem>>)
      %dma_wait3A = arith.constant 0 : i32
      %dma_wait3A_78 = tpu.memref_slice %arg5[%arg0, %mul3A_60, %dma_wait3A] : memref<2x10240x128xf32, #tpu.memory_space<hbm>> -> memref<1x128x128xf32, #tpu.memory_space<hbm>>
      %dma_wait3A_79 = tpu.memref_squeeze %dma_wait3A_78 : memref<1x128x128xf32, #tpu.memory_space<hbm>> -> memref<128x128xf32, #tpu.memory_space<hbm>>
      %dma_wait3A_80 = arith.constant 0 : i32
      %dma_wait3A_81 = tpu.memref_slice %arg5[%arg0, %mul3A_60, %dma_wait3A_80] : memref<2x10240x128xf32, #tpu.memory_space<hbm>> -> memref<1x128x128xf32, #tpu.memory_space<hbm>>
      %dma_wait3A_82 = tpu.memref_squeeze %dma_wait3A_81 : memref<1x128x128xf32, #tpu.memory_space<hbm>> -> memref<128x128xf32, #tpu.memory_space<hbm>>
      tpu.wait_dma2 semaphore(%run_scoped3A : memref<!tpu.dma_semaphore, #tpu.memory_space<semaphore_mem>>) src(%arg8 : memref<128x128xf32, #tpu.memory_space<vmem>>) dst(%dma_wait3A_82 : memref<128x128xf32, #tpu.memory_space<hbm>>)
      tpu.yield
    }) : () -> ()
    %mul3A_61 = arith.constant 5 : i32
    %mul3A_62 = arith.muli %arg1, %mul3A_61 : i32
    %add3A_63 = arith.constant 3 : i32
    %add3A_64 = arith.addi %mul3A_62, %add3A_63 : i32
    %mul3A_65 = arith.constant 128 : i32
    %mul3A_66 = arith.muli %add3A_64, %mul3A_65 : i32
    "tpu.region"() ({
      %run_scoped3A = tpu.sem_alloc : memref<!tpu.dma_semaphore, #tpu.memory_space<semaphore_mem>>
      %dma_start3A = arith.constant 0 : i32
      %dma_start3A_73 = tpu.memref_slice %arg9[%mul3A_66, %dma_start3A] : memref<10240x128xf32, #tpu.memory_space<vmem_shared>> -> memref<128x128xf32, #tpu.memory_space<vmem_shared>>
      %dma_start3A_74 = arith.constant 0 : i32
      %dma_start3A_75 = tpu.memref_slice %arg9[%mul3A_66, %dma_start3A_74] : memref<10240x128xf32, #tpu.memory_space<vmem_shared>> -> memref<128x128xf32, #tpu.memory_space<vmem_shared>>
      tpu.enqueue_dma source(%dma_start3A_75 : memref<128x128xf32, #tpu.memory_space<vmem_shared>>) target(%arg8 : memref<128x128xf32, #tpu.memory_space<vmem>>) target_semaphore(%run_scoped3A : memref<!tpu.dma_semaphore, #tpu.memory_space<semaphore_mem>>)
      %dma_wait3A = arith.constant 0 : i32
      %dma_wait3A_76 = tpu.memref_slice %arg9[%mul3A_66, %dma_wait3A] : memref<10240x128xf32, #tpu.memory_space<vmem_shared>> -> memref<128x128xf32, #tpu.memory_space<vmem_shared>>
      %dma_wait3A_77 = arith.constant 0 : i32
      %dma_wait3A_78 = tpu.memref_slice %arg9[%mul3A_66, %dma_wait3A_77] : memref<10240x128xf32, #tpu.memory_space<vmem_shared>> -> memref<128x128xf32, #tpu.memory_space<vmem_shared>>
      tpu.wait_dma2 semaphore(%run_scoped3A : memref<!tpu.dma_semaphore, #tpu.memory_space<semaphore_mem>>) src(%dma_wait3A_78 : memref<128x128xf32, #tpu.memory_space<vmem_shared>>) dst(%arg8 : memref<128x128xf32, #tpu.memory_space<vmem>>)
      tpu.yield
    }) : () -> ()
    "tpu.region"() ({
      %run_scoped3A = tpu.sem_alloc : memref<!tpu.dma_semaphore, #tpu.memory_space<semaphore_mem>>
      %dma_start3A = arith.constant 0 : i32
      %dma_start3A_73 = tpu.memref_slice %arg5[%arg0, %mul3A_66, %dma_start3A] : memref<2x10240x128xf32, #tpu.memory_space<hbm>> -> memref<1x128x128xf32, #tpu.memory_space<hbm>>
      %dma_start3A_74 = tpu.memref_squeeze %dma_start3A_73 : memref<1x128x128xf32, #tpu.memory_space<hbm>> -> memref<128x128xf32, #tpu.memory_space<hbm>>
      %dma_start3A_75 = arith.constant 0 : i32
      %dma_start3A_76 = tpu.memref_slice %arg5[%arg0, %mul3A_66, %dma_start3A_75] : memref<2x10240x128xf32, #tpu.memory_space<hbm>> -> memref<1x128x128xf32, #tpu.memory_space<hbm>>
      %dma_start3A_77 = tpu.memref_squeeze %dma_start3A_76 : memref<1x128x128xf32, #tpu.memory_space<hbm>> -> memref<128x128xf32, #tpu.memory_space<hbm>>
      tpu.enqueue_dma source(%arg8 : memref<128x128xf32, #tpu.memory_space<vmem>>) target(%dma_start3A_77 : memref<128x128xf32, #tpu.memory_space<hbm>>) target_semaphore(%run_scoped3A : memref<!tpu.dma_semaphore, #tpu.memory_space<semaphore_mem>>)
      %dma_wait3A = arith.constant 0 : i32
      %dma_wait3A_78 = tpu.memref_slice %arg5[%arg0, %mul3A_66, %dma_wait3A] : memref<2x10240x128xf32, #tpu.memory_space<hbm>> -> memref<1x128x128xf32, #tpu.memory_space<hbm>>
      %dma_wait3A_79 = tpu.memref_squeeze %dma_wait3A_78 : memref<1x128x128xf32, #tpu.memory_space<hbm>> -> memref<128x128xf32, #tpu.memory_space<hbm>>
      %dma_wait3A_80 = arith.constant 0 : i32
      %dma_wait3A_81 = tpu.memref_slice %arg5[%arg0, %mul3A_66, %dma_wait3A_80] : memref<2x10240x128xf32, #tpu.memory_space<hbm>> -> memref<1x128x128xf32, #tpu.memory_space<hbm>>
      %dma_wait3A_82 = tpu.memref_squeeze %dma_wait3A_81 : memref<1x128x128xf32, #tpu.memory_space<hbm>> -> memref<128x128xf32, #tpu.memory_space<hbm>>
      tpu.wait_dma2 semaphore(%run_scoped3A : memref<!tpu.dma_semaphore, #tpu.memory_space<semaphore_mem>>) src(%arg8 : memref<128x128xf32, #tpu.memory_space<vmem>>) dst(%dma_wait3A_82 : memref<128x128xf32, #tpu.memory_space<hbm>>)
      tpu.yield
    }) : () -> ()
    %mul3A_67 = arith.constant 5 : i32
    %mul3A_68 = arith.muli %arg1, %mul3A_67 : i32
    %add3A_69 = arith.constant 4 : i32
    %add3A_70 = arith.addi %mul3A_68, %add3A_69 : i32
    %mul3A_71 = arith.constant 128 : i32
    %mul3A_72 = arith.muli %add3A_70, %mul3A_71 : i32
    "tpu.region"() ({
      %run_scoped3A = tpu.sem_alloc : memref<!tpu.dma_semaphore, #tpu.memory_space<semaphore_mem>>
      %dma_start3A = arith.constant 0 : i32
      %dma_start3A_73 = tpu.memref_slice %arg9[%mul3A_72, %dma_start3A] : memref<10240x128xf32, #tpu.memory_space<vmem_shared>> -> memref<128x128xf32, #tpu.memory_space<vmem_shared>>
      %dma_start3A_74 = arith.constant 0 : i32
      %dma_start3A_75 = tpu.memref_slice %arg9[%mul3A_72, %dma_start3A_74] : memref<10240x128xf32, #tpu.memory_space<vmem_shared>> -> memref<128x128xf32, #tpu.memory_space<vmem_shared>>
      tpu.enqueue_dma source(%dma_start3A_75 : memref<128x128xf32, #tpu.memory_space<vmem_shared>>) target(%arg8 : memref<128x128xf32, #tpu.memory_space<vmem>>) target_semaphore(%run_scoped3A : memref<!tpu.dma_semaphore, #tpu.memory_space<semaphore_mem>>)
      %dma_wait3A = arith.constant 0 : i32
      %dma_wait3A_76 = tpu.memref_slice %arg9[%mul3A_72, %dma_wait3A] : memref<10240x128xf32, #tpu.memory_space<vmem_shared>> -> memref<128x128xf32, #tpu.memory_space<vmem_shared>>
      %dma_wait3A_77 = arith.constant 0 : i32
      %dma_wait3A_78 = tpu.memref_slice %arg9[%mul3A_72, %dma_wait3A_77] : memref<10240x128xf32, #tpu.memory_space<vmem_shared>> -> memref<128x128xf32, #tpu.memory_space<vmem_shared>>
      tpu.wait_dma2 semaphore(%run_scoped3A : memref<!tpu.dma_semaphore, #tpu.memory_space<semaphore_mem>>) src(%dma_wait3A_78 : memref<128x128xf32, #tpu.memory_space<vmem_shared>>) dst(%arg8 : memref<128x128xf32, #tpu.memory_space<vmem>>)
      tpu.yield
    }) : () -> ()
    "tpu.region"() ({
      %run_scoped3A = tpu.sem_alloc : memref<!tpu.dma_semaphore, #tpu.memory_space<semaphore_mem>>
      %dma_start3A = arith.constant 0 : i32
      %dma_start3A_73 = tpu.memref_slice %arg5[%arg0, %mul3A_72, %dma_start3A] : memref<2x10240x128xf32, #tpu.memory_space<hbm>> -> memref<1x128x128xf32, #tpu.memory_space<hbm>>
      %dma_start3A_74 = tpu.memref_squeeze %dma_start3A_73 : memref<1x128x128xf32, #tpu.memory_space<hbm>> -> memref<128x128xf32, #tpu.memory_space<hbm>>
      %dma_start3A_75 = arith.constant 0 : i32
      %dma_start3A_76 = tpu.memref_slice %arg5[%arg0, %mul3A_72, %dma_start3A_75] : memref<2x10240x128xf32, #tpu.memory_space<hbm>> -> memref<1x128x128xf32, #tpu.memory_space<hbm>>
      %dma_start3A_77 = tpu.memref_squeeze %dma_start3A_76 : memref<1x128x128xf32, #tpu.memory_space<hbm>> -> memref<128x128xf32, #tpu.memory_space<hbm>>
      tpu.enqueue_dma source(%arg8 : memref<128x128xf32, #tpu.memory_space<vmem>>) target(%dma_start3A_77 : memref<128x128xf32, #tpu.memory_space<hbm>>) target_semaphore(%run_scoped3A : memref<!tpu.dma_semaphore, #tpu.memory_space<semaphore_mem>>)
      %dma_wait3A = arith.constant 0 : i32
      %dma_wait3A_78 = tpu.memref_slice %arg5[%arg0, %mul3A_72, %dma_wait3A] : memref<2x10240x128xf32, #tpu.memory_space<hbm>> -> memref<1x128x128xf32, #tpu.memory_space<hbm>>
      %dma_wait3A_79 = tpu.memref_squeeze %dma_wait3A_78 : memref<1x128x128xf32, #tpu.memory_space<hbm>> -> memref<128x128xf32, #tpu.memory_space<hbm>>
      %dma_wait3A_80 = arith.constant 0 : i32
      %dma_wait3A_81 = tpu.memref_slice %arg5[%arg0, %mul3A_72, %dma_wait3A_80] : memref<2x10240x128xf32, #tpu.memory_space<hbm>> -> memref<1x128x128xf32, #tpu.memory_space<hbm>>
      %dma_wait3A_82 = tpu.memref_squeeze %dma_wait3A_81 : memref<1x128x128xf32, #tpu.memory_space<hbm>> -> memref<128x128xf32, #tpu.memory_space<hbm>>
      tpu.wait_dma2 semaphore(%run_scoped3A : memref<!tpu.dma_semaphore, #tpu.memory_space<semaphore_mem>>) src(%arg8 : memref<128x128xf32, #tpu.memory_space<vmem>>) dst(%dma_wait3A_82 : memref<128x128xf32, #tpu.memory_space<hbm>>)
      tpu.yield
    }) : () -> ()
    return
  }
}

#map = affine_map<(d0, d1) -> (0, 0)>
#map1 = affine_map<(d0, d1) -> (0, 0, 0)>
module attributes {stable_mosaic.version = 14 : i64} {
  func.func @body(%arg0: i32, %arg1: i32, %arg2: memref<10000x128xf32, #tpu.memory_space<hbm>>, %arg3: memref<32x80x128xi32, #tpu.memory_space<hbm>>, %arg4: memref<32x80x128xi32, #tpu.memory_space<hbm>>, %arg5: memref<128x128xf32, #tpu.memory_space<hbm>>, %arg6: memref<2x10240x128xf32, #tpu.memory_space<hbm>>, %arg7: memref<80x128xi32, #tpu.memory_space<vmem>>, %arg8: memref<1x128xi32, #tpu.memory_space<vmem>>, %arg9: memref<1x128xi32, #tpu.memory_space<vmem>>, %arg10: memref<128x128xf32, #tpu.memory_space<vmem>>, %arg11: memref<128x128xf32, #tpu.memory_space<vmem>>, %arg12: memref<10240x128xf32, #tpu.memory_space<vmem_shared>>, %arg13: memref<!tpu.dma_semaphore, #tpu.memory_space<semaphore_mem>>, %arg14: memref<!tpu.dma_semaphore, #tpu.memory_space<semaphore_mem>>, %arg15: memref<!tpu.dma_semaphore, #tpu.memory_space<semaphore_mem>>, %arg16: memref<!tpu.dma_semaphore, #tpu.memory_space<semaphore_mem>>) attributes {dimension_semantics = [#tpu.dimension_semantics<core_parallel>, #tpu.dimension_semantics<subcore_parallel>], iteration_bounds = array<i64: 2, 16>, scalar_prefetch = 0 : i64, scratch_operands = 10 : i64, tpu.core_type = #tpu.core_type<sc_vector_subcore>, window_params = [{transform_indices = #map}, {transform_indices = #map1}, {transform_indices = #map1}, {transform_indices = #map}, {transform_indices = #map1}]} {
    %mul3A = arith.constant 16 : i32
    %mul3A_0 = arith.muli %arg0, %mul3A : i32
    %add3A = arith.addi %mul3A_0, %arg1 : i32
    %eq3A = arith.constant 0 : i32
    %eq3A_1 = arith.cmpi eq, %arg0, %eq3A : i32
    %jit3A = arith.constant 40 : i32
    %jit3A_2 = arith.constant 39 : i32
    %select_n3A = arith.select %eq3A_1, %jit3A, %jit3A_2 : i32
    "tpu.region"() ({
      %run_scoped3A = tpu.sem_alloc : memref<!tpu.dma_semaphore, #tpu.memory_space<semaphore_mem>>
      %dma_start3A_125 = arith.constant 0 : i32
      %dma_start3A_126 = arith.constant 0 : i32
      %dma_start3A_127 = tpu.memref_slice %arg3[%add3A, %dma_start3A_125, %dma_start3A_126] : memref<32x80x128xi32, #tpu.memory_space<hbm>> -> memref<1x80x128xi32, #tpu.memory_space<hbm>>
      %dma_start3A_128 = tpu.memref_squeeze %dma_start3A_127 : memref<1x80x128xi32, #tpu.memory_space<hbm>> -> memref<80x128xi32, #tpu.memory_space<hbm>>
      %dma_start3A_129 = arith.constant 0 : i32
      %dma_start3A_130 = arith.constant 0 : i32
      %dma_start3A_131 = tpu.memref_slice %arg3[%add3A, %dma_start3A_129, %dma_start3A_130] : memref<32x80x128xi32, #tpu.memory_space<hbm>> -> memref<1x80x128xi32, #tpu.memory_space<hbm>>
      %dma_start3A_132 = tpu.memref_squeeze %dma_start3A_131 : memref<1x80x128xi32, #tpu.memory_space<hbm>> -> memref<80x128xi32, #tpu.memory_space<hbm>>
      tpu.enqueue_dma source(%dma_start3A_132 : memref<80x128xi32, #tpu.memory_space<hbm>>) target(%arg7 : memref<80x128xi32, #tpu.memory_space<vmem>>) target_semaphore(%run_scoped3A : memref<!tpu.dma_semaphore, #tpu.memory_space<semaphore_mem>>)
      %dma_wait3A = arith.constant 0 : i32
      %dma_wait3A_133 = arith.constant 0 : i32
      %dma_wait3A_134 = tpu.memref_slice %arg3[%add3A, %dma_wait3A, %dma_wait3A_133] : memref<32x80x128xi32, #tpu.memory_space<hbm>> -> memref<1x80x128xi32, #tpu.memory_space<hbm>>
      %dma_wait3A_135 = tpu.memref_squeeze %dma_wait3A_134 : memref<1x80x128xi32, #tpu.memory_space<hbm>> -> memref<80x128xi32, #tpu.memory_space<hbm>>
      %dma_wait3A_136 = arith.constant 0 : i32
      %dma_wait3A_137 = arith.constant 0 : i32
      %dma_wait3A_138 = tpu.memref_slice %arg3[%add3A, %dma_wait3A_136, %dma_wait3A_137] : memref<32x80x128xi32, #tpu.memory_space<hbm>> -> memref<1x80x128xi32, #tpu.memory_space<hbm>>
      %dma_wait3A_139 = tpu.memref_squeeze %dma_wait3A_138 : memref<1x80x128xi32, #tpu.memory_space<hbm>> -> memref<80x128xi32, #tpu.memory_space<hbm>>
      tpu.wait_dma2 semaphore(%run_scoped3A : memref<!tpu.dma_semaphore, #tpu.memory_space<semaphore_mem>>) src(%dma_wait3A_139 : memref<80x128xi32, #tpu.memory_space<hbm>>) dst(%arg7 : memref<80x128xi32, #tpu.memory_space<vmem>>)
      tpu.yield
    }) : () -> ()
    "tpu.region"() ({
      %run_scoped3A = tpu.sem_alloc : memref<!tpu.dma_semaphore, #tpu.memory_space<semaphore_mem>>
      tpu.enqueue_dma source(%arg5 : memref<128x128xf32, #tpu.memory_space<hbm>>) target(%arg10 : memref<128x128xf32, #tpu.memory_space<vmem>>) target_semaphore(%run_scoped3A : memref<!tpu.dma_semaphore, #tpu.memory_space<semaphore_mem>>)
      tpu.wait_dma2 semaphore(%run_scoped3A : memref<!tpu.dma_semaphore, #tpu.memory_space<semaphore_mem>>) src(%arg5 : memref<128x128xf32, #tpu.memory_space<hbm>>) dst(%arg10 : memref<128x128xf32, #tpu.memory_space<vmem>>)
      tpu.yield
    }) : () -> ()
    %mul3A_3 = arith.constant 5 : i32
    %mul3A_4 = arith.muli %arg1, %mul3A_3 : i32
    %add3A_5 = arith.constant 0 : i32
    %add3A_6 = arith.addi %mul3A_4, %add3A_5 : i32
    %mul3A_7 = arith.constant 128 : i32
    %mul3A_8 = arith.muli %add3A_6, %mul3A_7 : i32
    "tpu.region"() ({
      %run_scoped3A = tpu.sem_alloc : memref<!tpu.dma_semaphore, #tpu.memory_space<semaphore_mem>>
      %dma_start3A_125 = arith.constant 0 : i32
      %dma_start3A_126 = tpu.memref_slice %arg12[%mul3A_8, %dma_start3A_125] : memref<10240x128xf32, #tpu.memory_space<vmem_shared>> -> memref<128x128xf32, #tpu.memory_space<vmem_shared>>
      %dma_start3A_127 = arith.constant 0 : i32
      %dma_start3A_128 = tpu.memref_slice %arg12[%mul3A_8, %dma_start3A_127] : memref<10240x128xf32, #tpu.memory_space<vmem_shared>> -> memref<128x128xf32, #tpu.memory_space<vmem_shared>>
      tpu.enqueue_dma source(%arg10 : memref<128x128xf32, #tpu.memory_space<vmem>>) target(%dma_start3A_128 : memref<128x128xf32, #tpu.memory_space<vmem_shared>>) target_semaphore(%run_scoped3A : memref<!tpu.dma_semaphore, #tpu.memory_space<semaphore_mem>>)
      %dma_wait3A = arith.constant 0 : i32
      %dma_wait3A_129 = tpu.memref_slice %arg12[%mul3A_8, %dma_wait3A] : memref<10240x128xf32, #tpu.memory_space<vmem_shared>> -> memref<128x128xf32, #tpu.memory_space<vmem_shared>>
      %dma_wait3A_130 = arith.constant 0 : i32
      %dma_wait3A_131 = tpu.memref_slice %arg12[%mul3A_8, %dma_wait3A_130] : memref<10240x128xf32, #tpu.memory_space<vmem_shared>> -> memref<128x128xf32, #tpu.memory_space<vmem_shared>>
      tpu.wait_dma2 semaphore(%run_scoped3A : memref<!tpu.dma_semaphore, #tpu.memory_space<semaphore_mem>>) src(%arg10 : memref<128x128xf32, #tpu.memory_space<vmem>>) dst(%dma_wait3A_131 : memref<128x128xf32, #tpu.memory_space<vmem_shared>>)
      tpu.yield
    }) : () -> ()
    %mul3A_9 = arith.constant 5 : i32
    %mul3A_10 = arith.muli %arg1, %mul3A_9 : i32
    %add3A_11 = arith.constant 1 : i32
    %add3A_12 = arith.addi %mul3A_10, %add3A_11 : i32
    %mul3A_13 = arith.constant 128 : i32
    %mul3A_14 = arith.muli %add3A_12, %mul3A_13 : i32
    "tpu.region"() ({
      %run_scoped3A = tpu.sem_alloc : memref<!tpu.dma_semaphore, #tpu.memory_space<semaphore_mem>>
      %dma_start3A_125 = arith.constant 0 : i32
      %dma_start3A_126 = tpu.memref_slice %arg12[%mul3A_14, %dma_start3A_125] : memref<10240x128xf32, #tpu.memory_space<vmem_shared>> -> memref<128x128xf32, #tpu.memory_space<vmem_shared>>
      %dma_start3A_127 = arith.constant 0 : i32
      %dma_start3A_128 = tpu.memref_slice %arg12[%mul3A_14, %dma_start3A_127] : memref<10240x128xf32, #tpu.memory_space<vmem_shared>> -> memref<128x128xf32, #tpu.memory_space<vmem_shared>>
      tpu.enqueue_dma source(%arg10 : memref<128x128xf32, #tpu.memory_space<vmem>>) target(%dma_start3A_128 : memref<128x128xf32, #tpu.memory_space<vmem_shared>>) target_semaphore(%run_scoped3A : memref<!tpu.dma_semaphore, #tpu.memory_space<semaphore_mem>>)
      %dma_wait3A = arith.constant 0 : i32
      %dma_wait3A_129 = tpu.memref_slice %arg12[%mul3A_14, %dma_wait3A] : memref<10240x128xf32, #tpu.memory_space<vmem_shared>> -> memref<128x128xf32, #tpu.memory_space<vmem_shared>>
      %dma_wait3A_130 = arith.constant 0 : i32
      %dma_wait3A_131 = tpu.memref_slice %arg12[%mul3A_14, %dma_wait3A_130] : memref<10240x128xf32, #tpu.memory_space<vmem_shared>> -> memref<128x128xf32, #tpu.memory_space<vmem_shared>>
      tpu.wait_dma2 semaphore(%run_scoped3A : memref<!tpu.dma_semaphore, #tpu.memory_space<semaphore_mem>>) src(%arg10 : memref<128x128xf32, #tpu.memory_space<vmem>>) dst(%dma_wait3A_131 : memref<128x128xf32, #tpu.memory_space<vmem_shared>>)
      tpu.yield
    }) : () -> ()
    %mul3A_15 = arith.constant 5 : i32
    %mul3A_16 = arith.muli %arg1, %mul3A_15 : i32
    %add3A_17 = arith.constant 2 : i32
    %add3A_18 = arith.addi %mul3A_16, %add3A_17 : i32
    %mul3A_19 = arith.constant 128 : i32
    %mul3A_20 = arith.muli %add3A_18, %mul3A_19 : i32
    "tpu.region"() ({
      %run_scoped3A = tpu.sem_alloc : memref<!tpu.dma_semaphore, #tpu.memory_space<semaphore_mem>>
      %dma_start3A_125 = arith.constant 0 : i32
      %dma_start3A_126 = tpu.memref_slice %arg12[%mul3A_20, %dma_start3A_125] : memref<10240x128xf32, #tpu.memory_space<vmem_shared>> -> memref<128x128xf32, #tpu.memory_space<vmem_shared>>
      %dma_start3A_127 = arith.constant 0 : i32
      %dma_start3A_128 = tpu.memref_slice %arg12[%mul3A_20, %dma_start3A_127] : memref<10240x128xf32, #tpu.memory_space<vmem_shared>> -> memref<128x128xf32, #tpu.memory_space<vmem_shared>>
      tpu.enqueue_dma source(%arg10 : memref<128x128xf32, #tpu.memory_space<vmem>>) target(%dma_start3A_128 : memref<128x128xf32, #tpu.memory_space<vmem_shared>>) target_semaphore(%run_scoped3A : memref<!tpu.dma_semaphore, #tpu.memory_space<semaphore_mem>>)
      %dma_wait3A = arith.constant 0 : i32
      %dma_wait3A_129 = tpu.memref_slice %arg12[%mul3A_20, %dma_wait3A] : memref<10240x128xf32, #tpu.memory_space<vmem_shared>> -> memref<128x128xf32, #tpu.memory_space<vmem_shared>>
      %dma_wait3A_130 = arith.constant 0 : i32
      %dma_wait3A_131 = tpu.memref_slice %arg12[%mul3A_20, %dma_wait3A_130] : memref<10240x128xf32, #tpu.memory_space<vmem_shared>> -> memref<128x128xf32, #tpu.memory_space<vmem_shared>>
      tpu.wait_dma2 semaphore(%run_scoped3A : memref<!tpu.dma_semaphore, #tpu.memory_space<semaphore_mem>>) src(%arg10 : memref<128x128xf32, #tpu.memory_space<vmem>>) dst(%dma_wait3A_131 : memref<128x128xf32, #tpu.memory_space<vmem_shared>>)
      tpu.yield
    }) : () -> ()
    %mul3A_21 = arith.constant 5 : i32
    %mul3A_22 = arith.muli %arg1, %mul3A_21 : i32
    %add3A_23 = arith.constant 3 : i32
    %add3A_24 = arith.addi %mul3A_22, %add3A_23 : i32
    %mul3A_25 = arith.constant 128 : i32
    %mul3A_26 = arith.muli %add3A_24, %mul3A_25 : i32
    "tpu.region"() ({
      %run_scoped3A = tpu.sem_alloc : memref<!tpu.dma_semaphore, #tpu.memory_space<semaphore_mem>>
      %dma_start3A_125 = arith.constant 0 : i32
      %dma_start3A_126 = tpu.memref_slice %arg12[%mul3A_26, %dma_start3A_125] : memref<10240x128xf32, #tpu.memory_space<vmem_shared>> -> memref<128x128xf32, #tpu.memory_space<vmem_shared>>
      %dma_start3A_127 = arith.constant 0 : i32
      %dma_start3A_128 = tpu.memref_slice %arg12[%mul3A_26, %dma_start3A_127] : memref<10240x128xf32, #tpu.memory_space<vmem_shared>> -> memref<128x128xf32, #tpu.memory_space<vmem_shared>>
      tpu.enqueue_dma source(%arg10 : memref<128x128xf32, #tpu.memory_space<vmem>>) target(%dma_start3A_128 : memref<128x128xf32, #tpu.memory_space<vmem_shared>>) target_semaphore(%run_scoped3A : memref<!tpu.dma_semaphore, #tpu.memory_space<semaphore_mem>>)
      %dma_wait3A = arith.constant 0 : i32
      %dma_wait3A_129 = tpu.memref_slice %arg12[%mul3A_26, %dma_wait3A] : memref<10240x128xf32, #tpu.memory_space<vmem_shared>> -> memref<128x128xf32, #tpu.memory_space<vmem_shared>>
      %dma_wait3A_130 = arith.constant 0 : i32
      %dma_wait3A_131 = tpu.memref_slice %arg12[%mul3A_26, %dma_wait3A_130] : memref<10240x128xf32, #tpu.memory_space<vmem_shared>> -> memref<128x128xf32, #tpu.memory_space<vmem_shared>>
      tpu.wait_dma2 semaphore(%run_scoped3A : memref<!tpu.dma_semaphore, #tpu.memory_space<semaphore_mem>>) src(%arg10 : memref<128x128xf32, #tpu.memory_space<vmem>>) dst(%dma_wait3A_131 : memref<128x128xf32, #tpu.memory_space<vmem_shared>>)
      tpu.yield
    }) : () -> ()
    %mul3A_27 = arith.constant 5 : i32
    %mul3A_28 = arith.muli %arg1, %mul3A_27 : i32
    %add3A_29 = arith.constant 4 : i32
    %add3A_30 = arith.addi %mul3A_28, %add3A_29 : i32
    %mul3A_31 = arith.constant 128 : i32
    %mul3A_32 = arith.muli %add3A_30, %mul3A_31 : i32
    "tpu.region"() ({
      %run_scoped3A = tpu.sem_alloc : memref<!tpu.dma_semaphore, #tpu.memory_space<semaphore_mem>>
      %dma_start3A_125 = arith.constant 0 : i32
      %dma_start3A_126 = tpu.memref_slice %arg12[%mul3A_32, %dma_start3A_125] : memref<10240x128xf32, #tpu.memory_space<vmem_shared>> -> memref<128x128xf32, #tpu.memory_space<vmem_shared>>
      %dma_start3A_127 = arith.constant 0 : i32
      %dma_start3A_128 = tpu.memref_slice %arg12[%mul3A_32, %dma_start3A_127] : memref<10240x128xf32, #tpu.memory_space<vmem_shared>> -> memref<128x128xf32, #tpu.memory_space<vmem_shared>>
      tpu.enqueue_dma source(%arg10 : memref<128x128xf32, #tpu.memory_space<vmem>>) target(%dma_start3A_128 : memref<128x128xf32, #tpu.memory_space<vmem_shared>>) target_semaphore(%run_scoped3A : memref<!tpu.dma_semaphore, #tpu.memory_space<semaphore_mem>>)
      %dma_wait3A = arith.constant 0 : i32
      %dma_wait3A_129 = tpu.memref_slice %arg12[%mul3A_32, %dma_wait3A] : memref<10240x128xf32, #tpu.memory_space<vmem_shared>> -> memref<128x128xf32, #tpu.memory_space<vmem_shared>>
      %dma_wait3A_130 = arith.constant 0 : i32
      %dma_wait3A_131 = tpu.memref_slice %arg12[%mul3A_32, %dma_wait3A_130] : memref<10240x128xf32, #tpu.memory_space<vmem_shared>> -> memref<128x128xf32, #tpu.memory_space<vmem_shared>>
      tpu.wait_dma2 semaphore(%run_scoped3A : memref<!tpu.dma_semaphore, #tpu.memory_space<semaphore_mem>>) src(%arg10 : memref<128x128xf32, #tpu.memory_space<vmem>>) dst(%dma_wait3A_131 : memref<128x128xf32, #tpu.memory_space<vmem_shared>>)
      tpu.yield
    }) : () -> ()
    %barrier3A = arith.constant 0 : index
    tpu.barrier barrier_id(%barrier3A)
    %dma_start3A = arith.constant 0 : i32
    %dma_start3A_33 = arith.constant 0 : i32
    %dma_start3A_34 = tpu.memref_slice %arg7[%dma_start3A, %dma_start3A_33] : memref<80x128xi32, #tpu.memory_space<vmem>> -> memref<1x128xi32, #tpu.memory_space<vmem>>
    %dma_start3A_35 = tpu.memref_squeeze %dma_start3A_34 : memref<1x128xi32, #tpu.memory_space<vmem>> -> memref<128xi32, #tpu.memory_space<vmem>>
    %dma_start3A_36 = arith.constant 0 : i32
    %dma_start3A_37 = arith.constant 0 : i32
    %dma_start3A_38 = tpu.memref_slice %arg2[%dma_start3A_36, %dma_start3A_37] : memref<10000x128xf32, #tpu.memory_space<hbm>> -> memref<10000x128xf32, #tpu.memory_space<hbm>>
    tpu.enqueue_indirect_dma source(%dma_start3A_38 : memref<10000x128xf32, #tpu.memory_space<hbm>>) target(%arg10 : memref<128x128xf32, #tpu.memory_space<vmem>>) offsets(%dma_start3A_35 : memref<128xi32, #tpu.memory_space<vmem>>) semaphore(%arg15 : memref<!tpu.dma_semaphore, #tpu.memory_space<semaphore_mem>>)
    %dma_start3A_39 = arith.constant 0 : i32
    %dma_start3A_40 = arith.constant 0 : i32
    %dma_start3A_41 = tpu.memref_slice %arg4[%add3A, %dma_start3A_39, %dma_start3A_40] : memref<32x80x128xi32, #tpu.memory_space<hbm>> -> memref<1x1x128xi32, #tpu.memory_space<hbm>>
    %dma_start3A_42 = tpu.memref_squeeze %dma_start3A_41 : memref<1x1x128xi32, #tpu.memory_space<hbm>> -> memref<1x128xi32, #tpu.memory_space<hbm>>
    %dma_start3A_43 = arith.constant 0 : i32
    %dma_start3A_44 = arith.constant 0 : i32
    %dma_start3A_45 = tpu.memref_slice %arg4[%add3A, %dma_start3A_43, %dma_start3A_44] : memref<32x80x128xi32, #tpu.memory_space<hbm>> -> memref<1x1x128xi32, #tpu.memory_space<hbm>>
    %dma_start3A_46 = tpu.memref_squeeze %dma_start3A_45 : memref<1x1x128xi32, #tpu.memory_space<hbm>> -> memref<1x128xi32, #tpu.memory_space<hbm>>
    tpu.enqueue_dma source(%dma_start3A_46 : memref<1x128xi32, #tpu.memory_space<hbm>>) target(%arg8 : memref<1x128xi32, #tpu.memory_space<vmem>>) target_semaphore(%arg13 : memref<!tpu.dma_semaphore, #tpu.memory_space<semaphore_mem>>)
    %dma_start3A_47 = arith.constant 1 : i32
    %dma_start3A_48 = arith.constant 0 : i32
    %dma_start3A_49 = tpu.memref_slice %arg4[%add3A, %dma_start3A_47, %dma_start3A_48] : memref<32x80x128xi32, #tpu.memory_space<hbm>> -> memref<1x1x128xi32, #tpu.memory_space<hbm>>
    %dma_start3A_50 = tpu.memref_squeeze %dma_start3A_49 : memref<1x1x128xi32, #tpu.memory_space<hbm>> -> memref<1x128xi32, #tpu.memory_space<hbm>>
    %dma_start3A_51 = arith.constant 1 : i32
    %dma_start3A_52 = arith.constant 0 : i32
    %dma_start3A_53 = tpu.memref_slice %arg4[%add3A, %dma_start3A_51, %dma_start3A_52] : memref<32x80x128xi32, #tpu.memory_space<hbm>> -> memref<1x1x128xi32, #tpu.memory_space<hbm>>
    %dma_start3A_54 = tpu.memref_squeeze %dma_start3A_53 : memref<1x1x128xi32, #tpu.memory_space<hbm>> -> memref<1x128xi32, #tpu.memory_space<hbm>>
    tpu.enqueue_dma source(%dma_start3A_54 : memref<1x128xi32, #tpu.memory_space<hbm>>) target(%arg9 : memref<1x128xi32, #tpu.memory_space<vmem>>) target_semaphore(%arg14 : memref<!tpu.dma_semaphore, #tpu.memory_space<semaphore_mem>>)
    %while3A = arith.constant 0 : i32
    %while3A_55 = arith.constant 0 : i32
    %while3A_56 = arith.subi %select_n3A, %while3A_55 : i32
    %while3A_57 = arith.addi %while3A_55, %while3A_56 : i32
    %while3A_58 = arith.constant 1 : i32
    %while3A_59 = arith.divsi %while3A_56, %while3A_58 : i32
    %while3A_60 = arith.muli %while3A_59, %while3A_58 : i32
    %while3A_61 = arith.addi %while3A_55, %while3A_60 : i32
    %while3A_62 = arith.constant 1 : i32
    scf.for %while3A_125 = %while3A_55 to %while3A_61 step %while3A_62  : i32 {
      %mul3A_126 = arith.constant 2 : i32
      %mul3A_127 = arith.muli %mul3A_126, %while3A_125 : i32
      %add3A_128 = arith.constant 0 : i32
      %add3A_129 = arith.addi %mul3A_127, %add3A_128 : i32
      %add3A_130 = arith.constant 1 : i32
      %add3A_131 = arith.addi %add3A_129, %add3A_130 : i32
      %dma_start3A_132 = arith.constant 0 : i32
      %dma_start3A_133 = tpu.memref_slice %arg7[%add3A_131, %dma_start3A_132] : memref<80x128xi32, #tpu.memory_space<vmem>> -> memref<1x128xi32, #tpu.memory_space<vmem>>
      %dma_start3A_134 = tpu.memref_squeeze %dma_start3A_133 : memref<1x128xi32, #tpu.memory_space<vmem>> -> memref<128xi32, #tpu.memory_space<vmem>>
      %dma_start3A_135 = arith.constant 0 : i32
      %dma_start3A_136 = arith.constant 0 : i32
      %dma_start3A_137 = tpu.memref_slice %arg2[%dma_start3A_135, %dma_start3A_136] : memref<10000x128xf32, #tpu.memory_space<hbm>> -> memref<10000x128xf32, #tpu.memory_space<hbm>>
      tpu.enqueue_indirect_dma source(%dma_start3A_137 : memref<10000x128xf32, #tpu.memory_space<hbm>>) target(%arg11 : memref<128x128xf32, #tpu.memory_space<vmem>>) offsets(%dma_start3A_134 : memref<128xi32, #tpu.memory_space<vmem>>) semaphore(%arg16 : memref<!tpu.dma_semaphore, #tpu.memory_space<semaphore_mem>>)
      tpu.wait_dma2 semaphore(%arg15 : memref<!tpu.dma_semaphore, #tpu.memory_space<semaphore_mem>>) src(%arg5 : memref<128x128xf32, #tpu.memory_space<hbm>>) dst(%arg10 : memref<128x128xf32, #tpu.memory_space<vmem>>)
      %dma_wait3A = arith.constant 0 : i32
      %dma_wait3A_138 = arith.constant 0 : i32
      %dma_wait3A_139 = tpu.memref_slice %arg4[%add3A, %dma_wait3A, %dma_wait3A_138] : memref<32x80x128xi32, #tpu.memory_space<hbm>> -> memref<1x1x128xi32, #tpu.memory_space<hbm>>
      %dma_wait3A_140 = tpu.memref_squeeze %dma_wait3A_139 : memref<1x1x128xi32, #tpu.memory_space<hbm>> -> memref<1x128xi32, #tpu.memory_space<hbm>>
      %dma_wait3A_141 = arith.constant 0 : i32
      %dma_wait3A_142 = arith.constant 0 : i32
      %dma_wait3A_143 = tpu.memref_slice %arg4[%add3A, %dma_wait3A_141, %dma_wait3A_142] : memref<32x80x128xi32, #tpu.memory_space<hbm>> -> memref<1x1x128xi32, #tpu.memory_space<hbm>>
      %dma_wait3A_144 = tpu.memref_squeeze %dma_wait3A_143 : memref<1x1x128xi32, #tpu.memory_space<hbm>> -> memref<1x128xi32, #tpu.memory_space<hbm>>
      tpu.wait_dma2 semaphore(%arg13 : memref<!tpu.dma_semaphore, #tpu.memory_space<semaphore_mem>>) src(%dma_wait3A_144 : memref<1x128xi32, #tpu.memory_space<hbm>>) dst(%arg8 : memref<1x128xi32, #tpu.memory_space<vmem>>)
      %run_scoped3A = arith.constant 0 : i32
      "tpu.region"() ({
        %run_scoped3A_172 = tpu.sem_alloc : memref<!tpu.dma_semaphore, #tpu.memory_space<semaphore_mem>>
        %dma_start3A_173 = arith.constant 0 : i32
        %dma_start3A_174 = tpu.memref_slice %arg8[%run_scoped3A, %dma_start3A_173] : memref<1x128xi32, #tpu.memory_space<vmem>> -> memref<1x128xi32, #tpu.memory_space<vmem>>
        %dma_start3A_175 = tpu.memref_squeeze %dma_start3A_174 : memref<1x128xi32, #tpu.memory_space<vmem>> -> memref<128xi32, #tpu.memory_space<vmem>>
        %dma_start3A_176 = arith.constant 0 : i32
        %dma_start3A_177 = arith.constant 0 : i32
        %dma_start3A_178 = tpu.memref_slice %arg12[%dma_start3A_176, %dma_start3A_177] : memref<10240x128xf32, #tpu.memory_space<vmem_shared>> -> memref<10240x128xf32, #tpu.memory_space<vmem_shared>>
        tpu.enqueue_indirect_dma source(%arg10 : memref<128x128xf32, #tpu.memory_space<vmem>>) target(%dma_start3A_178 : memref<10240x128xf32, #tpu.memory_space<vmem_shared>>) offsets(%dma_start3A_175 : memref<128xi32, #tpu.memory_space<vmem>>) semaphore(%run_scoped3A_172 : memref<!tpu.dma_semaphore, #tpu.memory_space<semaphore_mem>>) {add = true}
        %dma_wait3A_179 = arith.constant 0 : i32
        %dma_wait3A_180 = tpu.memref_slice %arg8[%run_scoped3A, %dma_wait3A_179] : memref<1x128xi32, #tpu.memory_space<vmem>> -> memref<1x128xi32, #tpu.memory_space<vmem>>
        %dma_wait3A_181 = tpu.memref_squeeze %dma_wait3A_180 : memref<1x128xi32, #tpu.memory_space<vmem>> -> memref<128xi32, #tpu.memory_space<vmem>>
        %dma_wait3A_182 = arith.constant 0 : i32
        %dma_wait3A_183 = arith.constant 0 : i32
        %dma_wait3A_184 = tpu.memref_slice %arg12[%dma_wait3A_182, %dma_wait3A_183] : memref<10240x128xf32, #tpu.memory_space<vmem_shared>> -> memref<10240x128xf32, #tpu.memory_space<vmem_shared>>
        tpu.wait_indirect_dma semaphore(%run_scoped3A_172 : memref<!tpu.dma_semaphore, #tpu.memory_space<semaphore_mem>>) src(%arg10 : memref<128x128xf32, #tpu.memory_space<vmem>>) dst(%dma_wait3A_184 : memref<10240x128xf32, #tpu.memory_space<vmem_shared>>)
        tpu.yield
      }) : () -> ()
      %sub3A = arith.constant 1 : i32
      %sub3A_145 = arith.subi %select_n3A, %sub3A : i32
      %lt3A = arith.cmpi slt, %while3A_125, %sub3A_145 : i32
      %convert_element_type3A = arith.extui %lt3A : i1 to i32
      %cond3A = arith.constant 0 : i32
      %cond3A_146 = arith.cmpi ne, %convert_element_type3A, %cond3A : i32
      scf.if %cond3A_146 {
        %add3A_172 = arith.constant 2 : i32
        %add3A_173 = arith.addi %add3A_129, %add3A_172 : i32
        %dma_start3A_174 = arith.constant 0 : i32
        %dma_start3A_175 = tpu.memref_slice %arg4[%add3A, %add3A_173, %dma_start3A_174] : memref<32x80x128xi32, #tpu.memory_space<hbm>> -> memref<1x1x128xi32, #tpu.memory_space<hbm>>
        %dma_start3A_176 = tpu.memref_squeeze %dma_start3A_175 : memref<1x1x128xi32, #tpu.memory_space<hbm>> -> memref<1x128xi32, #tpu.memory_space<hbm>>
        %dma_start3A_177 = arith.constant 0 : i32
        %dma_start3A_178 = tpu.memref_slice %arg4[%add3A, %add3A_173, %dma_start3A_177] : memref<32x80x128xi32, #tpu.memory_space<hbm>> -> memref<1x1x128xi32, #tpu.memory_space<hbm>>
        %dma_start3A_179 = tpu.memref_squeeze %dma_start3A_178 : memref<1x1x128xi32, #tpu.memory_space<hbm>> -> memref<1x128xi32, #tpu.memory_space<hbm>>
        tpu.enqueue_dma source(%dma_start3A_179 : memref<1x128xi32, #tpu.memory_space<hbm>>) target(%arg8 : memref<1x128xi32, #tpu.memory_space<vmem>>) target_semaphore(%arg13 : memref<!tpu.dma_semaphore, #tpu.memory_space<semaphore_mem>>)
      } else {
      }
      %mul3A_147 = arith.constant 2 : i32
      %mul3A_148 = arith.muli %mul3A_147, %while3A_125 : i32
      %add3A_149 = arith.constant 1 : i32
      %add3A_150 = arith.addi %mul3A_148, %add3A_149 : i32
      %sub3A_151 = arith.constant 1 : i32
      %sub3A_152 = arith.subi %select_n3A, %sub3A_151 : i32
      %lt3A_153 = arith.cmpi slt, %while3A_125, %sub3A_152 : i32
      %convert_element_type3A_154 = arith.extui %lt3A_153 : i1 to i32
      %cond3A_155 = arith.constant 0 : i32
      %cond3A_156 = arith.cmpi ne, %convert_element_type3A_154, %cond3A_155 : i32
      scf.if %cond3A_156 {
        %add3A_172 = arith.constant 1 : i32
        %add3A_173 = arith.addi %add3A_150, %add3A_172 : i32
        %dma_start3A_174 = arith.constant 0 : i32
        %dma_start3A_175 = tpu.memref_slice %arg7[%add3A_173, %dma_start3A_174] : memref<80x128xi32, #tpu.memory_space<vmem>> -> memref<1x128xi32, #tpu.memory_space<vmem>>
        %dma_start3A_176 = tpu.memref_squeeze %dma_start3A_175 : memref<1x128xi32, #tpu.memory_space<vmem>> -> memref<128xi32, #tpu.memory_space<vmem>>
        %dma_start3A_177 = arith.constant 0 : i32
        %dma_start3A_178 = arith.constant 0 : i32
        %dma_start3A_179 = tpu.memref_slice %arg2[%dma_start3A_177, %dma_start3A_178] : memref<10000x128xf32, #tpu.memory_space<hbm>> -> memref<10000x128xf32, #tpu.memory_space<hbm>>
        tpu.enqueue_indirect_dma source(%dma_start3A_179 : memref<10000x128xf32, #tpu.memory_space<hbm>>) target(%arg10 : memref<128x128xf32, #tpu.memory_space<vmem>>) offsets(%dma_start3A_176 : memref<128xi32, #tpu.memory_space<vmem>>) semaphore(%arg15 : memref<!tpu.dma_semaphore, #tpu.memory_space<semaphore_mem>>)
      } else {
      }
      tpu.wait_dma2 semaphore(%arg16 : memref<!tpu.dma_semaphore, #tpu.memory_space<semaphore_mem>>) src(%arg5 : memref<128x128xf32, #tpu.memory_space<hbm>>) dst(%arg11 : memref<128x128xf32, #tpu.memory_space<vmem>>)
      %dma_wait3A_157 = arith.constant 0 : i32
      %dma_wait3A_158 = arith.constant 0 : i32
      %dma_wait3A_159 = tpu.memref_slice %arg4[%add3A, %dma_wait3A_157, %dma_wait3A_158] : memref<32x80x128xi32, #tpu.memory_space<hbm>> -> memref<1x1x128xi32, #tpu.memory_space<hbm>>
      %dma_wait3A_160 = tpu.memref_squeeze %dma_wait3A_159 : memref<1x1x128xi32, #tpu.memory_space<hbm>> -> memref<1x128xi32, #tpu.memory_space<hbm>>
      %dma_wait3A_161 = arith.constant 0 : i32
      %dma_wait3A_162 = arith.constant 0 : i32
      %dma_wait3A_163 = tpu.memref_slice %arg4[%add3A, %dma_wait3A_161, %dma_wait3A_162] : memref<32x80x128xi32, #tpu.memory_space<hbm>> -> memref<1x1x128xi32, #tpu.memory_space<hbm>>
      %dma_wait3A_164 = tpu.memref_squeeze %dma_wait3A_163 : memref<1x1x128xi32, #tpu.memory_space<hbm>> -> memref<1x128xi32, #tpu.memory_space<hbm>>
      tpu.wait_dma2 semaphore(%arg14 : memref<!tpu.dma_semaphore, #tpu.memory_space<semaphore_mem>>) src(%dma_wait3A_164 : memref<1x128xi32, #tpu.memory_space<hbm>>) dst(%arg9 : memref<1x128xi32, #tpu.memory_space<vmem>>)
      %run_scoped3A_165 = arith.constant 0 : i32
      "tpu.region"() ({
        %run_scoped3A_172 = tpu.sem_alloc : memref<!tpu.dma_semaphore, #tpu.memory_space<semaphore_mem>>
        %dma_start3A_173 = arith.constant 0 : i32
        %dma_start3A_174 = tpu.memref_slice %arg9[%run_scoped3A_165, %dma_start3A_173] : memref<1x128xi32, #tpu.memory_space<vmem>> -> memref<1x128xi32, #tpu.memory_space<vmem>>
        %dma_start3A_175 = tpu.memref_squeeze %dma_start3A_174 : memref<1x128xi32, #tpu.memory_space<vmem>> -> memref<128xi32, #tpu.memory_space<vmem>>
        %dma_start3A_176 = arith.constant 0 : i32
        %dma_start3A_177 = arith.constant 0 : i32
        %dma_start3A_178 = tpu.memref_slice %arg12[%dma_start3A_176, %dma_start3A_177] : memref<10240x128xf32, #tpu.memory_space<vmem_shared>> -> memref<10240x128xf32, #tpu.memory_space<vmem_shared>>
        tpu.enqueue_indirect_dma source(%arg11 : memref<128x128xf32, #tpu.memory_space<vmem>>) target(%dma_start3A_178 : memref<10240x128xf32, #tpu.memory_space<vmem_shared>>) offsets(%dma_start3A_175 : memref<128xi32, #tpu.memory_space<vmem>>) semaphore(%run_scoped3A_172 : memref<!tpu.dma_semaphore, #tpu.memory_space<semaphore_mem>>) {add = true}
        %dma_wait3A_179 = arith.constant 0 : i32
        %dma_wait3A_180 = tpu.memref_slice %arg9[%run_scoped3A_165, %dma_wait3A_179] : memref<1x128xi32, #tpu.memory_space<vmem>> -> memref<1x128xi32, #tpu.memory_space<vmem>>
        %dma_wait3A_181 = tpu.memref_squeeze %dma_wait3A_180 : memref<1x128xi32, #tpu.memory_space<vmem>> -> memref<128xi32, #tpu.memory_space<vmem>>
        %dma_wait3A_182 = arith.constant 0 : i32
        %dma_wait3A_183 = arith.constant 0 : i32
        %dma_wait3A_184 = tpu.memref_slice %arg12[%dma_wait3A_182, %dma_wait3A_183] : memref<10240x128xf32, #tpu.memory_space<vmem_shared>> -> memref<10240x128xf32, #tpu.memory_space<vmem_shared>>
        tpu.wait_indirect_dma semaphore(%run_scoped3A_172 : memref<!tpu.dma_semaphore, #tpu.memory_space<semaphore_mem>>) src(%arg11 : memref<128x128xf32, #tpu.memory_space<vmem>>) dst(%dma_wait3A_184 : memref<10240x128xf32, #tpu.memory_space<vmem_shared>>)
        tpu.yield
      }) : () -> ()
      %sub3A_166 = arith.constant 1 : i32
      %sub3A_167 = arith.subi %select_n3A, %sub3A_166 : i32
      %lt3A_168 = arith.cmpi slt, %while3A_125, %sub3A_167 : i32
      %convert_element_type3A_169 = arith.extui %lt3A_168 : i1 to i32
      %cond3A_170 = arith.constant 0 : i32
      %cond3A_171 = arith.cmpi ne, %convert_element_type3A_169, %cond3A_170 : i32
      scf.if %cond3A_171 {
        %add3A_172 = arith.constant 2 : i32
        %add3A_173 = arith.addi %add3A_150, %add3A_172 : i32
        %dma_start3A_174 = arith.constant 0 : i32
        %dma_start3A_175 = tpu.memref_slice %arg4[%add3A, %add3A_173, %dma_start3A_174] : memref<32x80x128xi32, #tpu.memory_space<hbm>> -> memref<1x1x128xi32, #tpu.memory_space<hbm>>
        %dma_start3A_176 = tpu.memref_squeeze %dma_start3A_175 : memref<1x1x128xi32, #tpu.memory_space<hbm>> -> memref<1x128xi32, #tpu.memory_space<hbm>>
        %dma_start3A_177 = arith.constant 0 : i32
        %dma_start3A_178 = tpu.memref_slice %arg4[%add3A, %add3A_173, %dma_start3A_177] : memref<32x80x128xi32, #tpu.memory_space<hbm>> -> memref<1x1x128xi32, #tpu.memory_space<hbm>>
        %dma_start3A_179 = tpu.memref_squeeze %dma_start3A_178 : memref<1x1x128xi32, #tpu.memory_space<hbm>> -> memref<1x128xi32, #tpu.memory_space<hbm>>
        tpu.enqueue_dma source(%dma_start3A_179 : memref<1x128xi32, #tpu.memory_space<hbm>>) target(%arg9 : memref<1x128xi32, #tpu.memory_space<vmem>>) target_semaphore(%arg14 : memref<!tpu.dma_semaphore, #tpu.memory_space<semaphore_mem>>)
      } else {
      }
    }
    %while3A_63 = arith.constant 1 : i32
    scf.for %while3A_125 = %while3A_61 to %while3A_57 step %while3A_63  : i32 {
      %mul3A_126 = arith.constant 2 : i32
      %mul3A_127 = arith.muli %mul3A_126, %while3A_125 : i32
      %add3A_128 = arith.constant 0 : i32
      %add3A_129 = arith.addi %mul3A_127, %add3A_128 : i32
      %add3A_130 = arith.constant 1 : i32
      %add3A_131 = arith.addi %add3A_129, %add3A_130 : i32
      %dma_start3A_132 = arith.constant 0 : i32
      %dma_start3A_133 = tpu.memref_slice %arg7[%add3A_131, %dma_start3A_132] : memref<80x128xi32, #tpu.memory_space<vmem>> -> memref<1x128xi32, #tpu.memory_space<vmem>>
      %dma_start3A_134 = tpu.memref_squeeze %dma_start3A_133 : memref<1x128xi32, #tpu.memory_space<vmem>> -> memref<128xi32, #tpu.memory_space<vmem>>
      %dma_start3A_135 = arith.constant 0 : i32
      %dma_start3A_136 = arith.constant 0 : i32
      %dma_start3A_137 = tpu.memref_slice %arg2[%dma_start3A_135, %dma_start3A_136] : memref<10000x128xf32, #tpu.memory_space<hbm>> -> memref<10000x128xf32, #tpu.memory_space<hbm>>
      tpu.enqueue_indirect_dma source(%dma_start3A_137 : memref<10000x128xf32, #tpu.memory_space<hbm>>) target(%arg11 : memref<128x128xf32, #tpu.memory_space<vmem>>) offsets(%dma_start3A_134 : memref<128xi32, #tpu.memory_space<vmem>>) semaphore(%arg16 : memref<!tpu.dma_semaphore, #tpu.memory_space<semaphore_mem>>)
      tpu.wait_dma2 semaphore(%arg15 : memref<!tpu.dma_semaphore, #tpu.memory_space<semaphore_mem>>) src(%arg5 : memref<128x128xf32, #tpu.memory_space<hbm>>) dst(%arg10 : memref<128x128xf32, #tpu.memory_space<vmem>>)
      %dma_wait3A = arith.constant 0 : i32
      %dma_wait3A_138 = arith.constant 0 : i32
      %dma_wait3A_139 = tpu.memref_slice %arg4[%add3A, %dma_wait3A, %dma_wait3A_138] : memref<32x80x128xi32, #tpu.memory_space<hbm>> -> memref<1x1x128xi32, #tpu.memory_space<hbm>>
      %dma_wait3A_140 = tpu.memref_squeeze %dma_wait3A_139 : memref<1x1x128xi32, #tpu.memory_space<hbm>> -> memref<1x128xi32, #tpu.memory_space<hbm>>
      %dma_wait3A_141 = arith.constant 0 : i32
      %dma_wait3A_142 = arith.constant 0 : i32
      %dma_wait3A_143 = tpu.memref_slice %arg4[%add3A, %dma_wait3A_141, %dma_wait3A_142] : memref<32x80x128xi32, #tpu.memory_space<hbm>> -> memref<1x1x128xi32, #tpu.memory_space<hbm>>
      %dma_wait3A_144 = tpu.memref_squeeze %dma_wait3A_143 : memref<1x1x128xi32, #tpu.memory_space<hbm>> -> memref<1x128xi32, #tpu.memory_space<hbm>>
      tpu.wait_dma2 semaphore(%arg13 : memref<!tpu.dma_semaphore, #tpu.memory_space<semaphore_mem>>) src(%dma_wait3A_144 : memref<1x128xi32, #tpu.memory_space<hbm>>) dst(%arg8 : memref<1x128xi32, #tpu.memory_space<vmem>>)
      %run_scoped3A = arith.constant 0 : i32
      "tpu.region"() ({
        %run_scoped3A_172 = tpu.sem_alloc : memref<!tpu.dma_semaphore, #tpu.memory_space<semaphore_mem>>
        %dma_start3A_173 = arith.constant 0 : i32
        %dma_start3A_174 = tpu.memref_slice %arg8[%run_scoped3A, %dma_start3A_173] : memref<1x128xi32, #tpu.memory_space<vmem>> -> memref<1x128xi32, #tpu.memory_space<vmem>>
        %dma_start3A_175 = tpu.memref_squeeze %dma_start3A_174 : memref<1x128xi32, #tpu.memory_space<vmem>> -> memref<128xi32, #tpu.memory_space<vmem>>
        %dma_start3A_176 = arith.constant 0 : i32
        %dma_start3A_177 = arith.constant 0 : i32
        %dma_start3A_178 = tpu.memref_slice %arg12[%dma_start3A_176, %dma_start3A_177] : memref<10240x128xf32, #tpu.memory_space<vmem_shared>> -> memref<10240x128xf32, #tpu.memory_space<vmem_shared>>
        tpu.enqueue_indirect_dma source(%arg10 : memref<128x128xf32, #tpu.memory_space<vmem>>) target(%dma_start3A_178 : memref<10240x128xf32, #tpu.memory_space<vmem_shared>>) offsets(%dma_start3A_175 : memref<128xi32, #tpu.memory_space<vmem>>) semaphore(%run_scoped3A_172 : memref<!tpu.dma_semaphore, #tpu.memory_space<semaphore_mem>>) {add = true}
        %dma_wait3A_179 = arith.constant 0 : i32
        %dma_wait3A_180 = tpu.memref_slice %arg8[%run_scoped3A, %dma_wait3A_179] : memref<1x128xi32, #tpu.memory_space<vmem>> -> memref<1x128xi32, #tpu.memory_space<vmem>>
        %dma_wait3A_181 = tpu.memref_squeeze %dma_wait3A_180 : memref<1x128xi32, #tpu.memory_space<vmem>> -> memref<128xi32, #tpu.memory_space<vmem>>
        %dma_wait3A_182 = arith.constant 0 : i32
        %dma_wait3A_183 = arith.constant 0 : i32
        %dma_wait3A_184 = tpu.memref_slice %arg12[%dma_wait3A_182, %dma_wait3A_183] : memref<10240x128xf32, #tpu.memory_space<vmem_shared>> -> memref<10240x128xf32, #tpu.memory_space<vmem_shared>>
        tpu.wait_indirect_dma semaphore(%run_scoped3A_172 : memref<!tpu.dma_semaphore, #tpu.memory_space<semaphore_mem>>) src(%arg10 : memref<128x128xf32, #tpu.memory_space<vmem>>) dst(%dma_wait3A_184 : memref<10240x128xf32, #tpu.memory_space<vmem_shared>>)
        tpu.yield
      }) : () -> ()
      %sub3A = arith.constant 1 : i32
      %sub3A_145 = arith.subi %select_n3A, %sub3A : i32
      %lt3A = arith.cmpi slt, %while3A_125, %sub3A_145 : i32
      %convert_element_type3A = arith.extui %lt3A : i1 to i32
      %cond3A = arith.constant 0 : i32
      %cond3A_146 = arith.cmpi ne, %convert_element_type3A, %cond3A : i32
      scf.if %cond3A_146 {
        %add3A_172 = arith.constant 2 : i32
        %add3A_173 = arith.addi %add3A_129, %add3A_172 : i32
        %dma_start3A_174 = arith.constant 0 : i32
        %dma_start3A_175 = tpu.memref_slice %arg4[%add3A, %add3A_173, %dma_start3A_174] : memref<32x80x128xi32, #tpu.memory_space<hbm>> -> memref<1x1x128xi32, #tpu.memory_space<hbm>>
        %dma_start3A_176 = tpu.memref_squeeze %dma_start3A_175 : memref<1x1x128xi32, #tpu.memory_space<hbm>> -> memref<1x128xi32, #tpu.memory_space<hbm>>
        %dma_start3A_177 = arith.constant 0 : i32
        %dma_start3A_178 = tpu.memref_slice %arg4[%add3A, %add3A_173, %dma_start3A_177] : memref<32x80x128xi32, #tpu.memory_space<hbm>> -> memref<1x1x128xi32, #tpu.memory_space<hbm>>
        %dma_start3A_179 = tpu.memref_squeeze %dma_start3A_178 : memref<1x1x128xi32, #tpu.memory_space<hbm>> -> memref<1x128xi32, #tpu.memory_space<hbm>>
        tpu.enqueue_dma source(%dma_start3A_179 : memref<1x128xi32, #tpu.memory_space<hbm>>) target(%arg8 : memref<1x128xi32, #tpu.memory_space<vmem>>) target_semaphore(%arg13 : memref<!tpu.dma_semaphore, #tpu.memory_space<semaphore_mem>>)
      } else {
      }
      %mul3A_147 = arith.constant 2 : i32
      %mul3A_148 = arith.muli %mul3A_147, %while3A_125 : i32
      %add3A_149 = arith.constant 1 : i32
      %add3A_150 = arith.addi %mul3A_148, %add3A_149 : i32
      %sub3A_151 = arith.constant 1 : i32
      %sub3A_152 = arith.subi %select_n3A, %sub3A_151 : i32
      %lt3A_153 = arith.cmpi slt, %while3A_125, %sub3A_152 : i32
      %convert_element_type3A_154 = arith.extui %lt3A_153 : i1 to i32
      %cond3A_155 = arith.constant 0 : i32
      %cond3A_156 = arith.cmpi ne, %convert_element_type3A_154, %cond3A_155 : i32
      scf.if %cond3A_156 {
        %add3A_172 = arith.constant 1 : i32
        %add3A_173 = arith.addi %add3A_150, %add3A_172 : i32
        %dma_start3A_174 = arith.constant 0 : i32
        %dma_start3A_175 = tpu.memref_slice %arg7[%add3A_173, %dma_start3A_174] : memref<80x128xi32, #tpu.memory_space<vmem>> -> memref<1x128xi32, #tpu.memory_space<vmem>>
        %dma_start3A_176 = tpu.memref_squeeze %dma_start3A_175 : memref<1x128xi32, #tpu.memory_space<vmem>> -> memref<128xi32, #tpu.memory_space<vmem>>
        %dma_start3A_177 = arith.constant 0 : i32
        %dma_start3A_178 = arith.constant 0 : i32
        %dma_start3A_179 = tpu.memref_slice %arg2[%dma_start3A_177, %dma_start3A_178] : memref<10000x128xf32, #tpu.memory_space<hbm>> -> memref<10000x128xf32, #tpu.memory_space<hbm>>
        tpu.enqueue_indirect_dma source(%dma_start3A_179 : memref<10000x128xf32, #tpu.memory_space<hbm>>) target(%arg10 : memref<128x128xf32, #tpu.memory_space<vmem>>) offsets(%dma_start3A_176 : memref<128xi32, #tpu.memory_space<vmem>>) semaphore(%arg15 : memref<!tpu.dma_semaphore, #tpu.memory_space<semaphore_mem>>)
      } else {
      }
      tpu.wait_dma2 semaphore(%arg16 : memref<!tpu.dma_semaphore, #tpu.memory_space<semaphore_mem>>) src(%arg5 : memref<128x128xf32, #tpu.memory_space<hbm>>) dst(%arg11 : memref<128x128xf32, #tpu.memory_space<vmem>>)
      %dma_wait3A_157 = arith.constant 0 : i32
      %dma_wait3A_158 = arith.constant 0 : i32
      %dma_wait3A_159 = tpu.memref_slice %arg4[%add3A, %dma_wait3A_157, %dma_wait3A_158] : memref<32x80x128xi32, #tpu.memory_space<hbm>> -> memref<1x1x128xi32, #tpu.memory_space<hbm>>
      %dma_wait3A_160 = tpu.memref_squeeze %dma_wait3A_159 : memref<1x1x128xi32, #tpu.memory_space<hbm>> -> memref<1x128xi32, #tpu.memory_space<hbm>>
      %dma_wait3A_161 = arith.constant 0 : i32
      %dma_wait3A_162 = arith.constant 0 : i32
      %dma_wait3A_163 = tpu.memref_slice %arg4[%add3A, %dma_wait3A_161, %dma_wait3A_162] : memref<32x80x128xi32, #tpu.memory_space<hbm>> -> memref<1x1x128xi32, #tpu.memory_space<hbm>>
      %dma_wait3A_164 = tpu.memref_squeeze %dma_wait3A_163 : memref<1x1x128xi32, #tpu.memory_space<hbm>> -> memref<1x128xi32, #tpu.memory_space<hbm>>
      tpu.wait_dma2 semaphore(%arg14 : memref<!tpu.dma_semaphore, #tpu.memory_space<semaphore_mem>>) src(%dma_wait3A_164 : memref<1x128xi32, #tpu.memory_space<hbm>>) dst(%arg9 : memref<1x128xi32, #tpu.memory_space<vmem>>)
      %run_scoped3A_165 = arith.constant 0 : i32
      "tpu.region"() ({
        %run_scoped3A_172 = tpu.sem_alloc : memref<!tpu.dma_semaphore, #tpu.memory_space<semaphore_mem>>
        %dma_start3A_173 = arith.constant 0 : i32
        %dma_start3A_174 = tpu.memref_slice %arg9[%run_scoped3A_165, %dma_start3A_173] : memref<1x128xi32, #tpu.memory_space<vmem>> -> memref<1x128xi32, #tpu.memory_space<vmem>>
        %dma_start3A_175 = tpu.memref_squeeze %dma_start3A_174 : memref<1x128xi32, #tpu.memory_space<vmem>> -> memref<128xi32, #tpu.memory_space<vmem>>
        %dma_start3A_176 = arith.constant 0 : i32
        %dma_start3A_177 = arith.constant 0 : i32
        %dma_start3A_178 = tpu.memref_slice %arg12[%dma_start3A_176, %dma_start3A_177] : memref<10240x128xf32, #tpu.memory_space<vmem_shared>> -> memref<10240x128xf32, #tpu.memory_space<vmem_shared>>
        tpu.enqueue_indirect_dma source(%arg11 : memref<128x128xf32, #tpu.memory_space<vmem>>) target(%dma_start3A_178 : memref<10240x128xf32, #tpu.memory_space<vmem_shared>>) offsets(%dma_start3A_175 : memref<128xi32, #tpu.memory_space<vmem>>) semaphore(%run_scoped3A_172 : memref<!tpu.dma_semaphore, #tpu.memory_space<semaphore_mem>>) {add = true}
        %dma_wait3A_179 = arith.constant 0 : i32
        %dma_wait3A_180 = tpu.memref_slice %arg9[%run_scoped3A_165, %dma_wait3A_179] : memref<1x128xi32, #tpu.memory_space<vmem>> -> memref<1x128xi32, #tpu.memory_space<vmem>>
        %dma_wait3A_181 = tpu.memref_squeeze %dma_wait3A_180 : memref<1x128xi32, #tpu.memory_space<vmem>> -> memref<128xi32, #tpu.memory_space<vmem>>
        %dma_wait3A_182 = arith.constant 0 : i32
        %dma_wait3A_183 = arith.constant 0 : i32
        %dma_wait3A_184 = tpu.memref_slice %arg12[%dma_wait3A_182, %dma_wait3A_183] : memref<10240x128xf32, #tpu.memory_space<vmem_shared>> -> memref<10240x128xf32, #tpu.memory_space<vmem_shared>>
        tpu.wait_indirect_dma semaphore(%run_scoped3A_172 : memref<!tpu.dma_semaphore, #tpu.memory_space<semaphore_mem>>) src(%arg11 : memref<128x128xf32, #tpu.memory_space<vmem>>) dst(%dma_wait3A_184 : memref<10240x128xf32, #tpu.memory_space<vmem_shared>>)
        tpu.yield
      }) : () -> ()
      %sub3A_166 = arith.constant 1 : i32
      %sub3A_167 = arith.subi %select_n3A, %sub3A_166 : i32
      %lt3A_168 = arith.cmpi slt, %while3A_125, %sub3A_167 : i32
      %convert_element_type3A_169 = arith.extui %lt3A_168 : i1 to i32
      %cond3A_170 = arith.constant 0 : i32
      %cond3A_171 = arith.cmpi ne, %convert_element_type3A_169, %cond3A_170 : i32
      scf.if %cond3A_171 {
        %add3A_172 = arith.constant 2 : i32
        %add3A_173 = arith.addi %add3A_150, %add3A_172 : i32
        %dma_start3A_174 = arith.constant 0 : i32
        %dma_start3A_175 = tpu.memref_slice %arg4[%add3A, %add3A_173, %dma_start3A_174] : memref<32x80x128xi32, #tpu.memory_space<hbm>> -> memref<1x1x128xi32, #tpu.memory_space<hbm>>
        %dma_start3A_176 = tpu.memref_squeeze %dma_start3A_175 : memref<1x1x128xi32, #tpu.memory_space<hbm>> -> memref<1x128xi32, #tpu.memory_space<hbm>>
        %dma_start3A_177 = arith.constant 0 : i32
        %dma_start3A_178 = tpu.memref_slice %arg4[%add3A, %add3A_173, %dma_start3A_177] : memref<32x80x128xi32, #tpu.memory_space<hbm>> -> memref<1x1x128xi32, #tpu.memory_space<hbm>>
        %dma_start3A_179 = tpu.memref_squeeze %dma_start3A_178 : memref<1x1x128xi32, #tpu.memory_space<hbm>> -> memref<1x128xi32, #tpu.memory_space<hbm>>
        tpu.enqueue_dma source(%dma_start3A_179 : memref<1x128xi32, #tpu.memory_space<hbm>>) target(%arg9 : memref<1x128xi32, #tpu.memory_space<vmem>>) target_semaphore(%arg14 : memref<!tpu.dma_semaphore, #tpu.memory_space<semaphore_mem>>)
      } else {
      }
    }
    %barrier3A_64 = arith.constant 0 : index
    tpu.barrier barrier_id(%barrier3A_64)
    %mul3A_65 = arith.constant 5 : i32
    %mul3A_66 = arith.muli %arg1, %mul3A_65 : i32
    %add3A_67 = arith.constant 0 : i32
    %add3A_68 = arith.addi %mul3A_66, %add3A_67 : i32
    %mul3A_69 = arith.constant 128 : i32
    %mul3A_70 = arith.muli %add3A_68, %mul3A_69 : i32
    "tpu.region"() ({
      %run_scoped3A = tpu.sem_alloc : memref<!tpu.dma_semaphore, #tpu.memory_space<semaphore_mem>>
      %dma_start3A_125 = arith.constant 0 : i32
      %dma_start3A_126 = tpu.memref_slice %arg12[%mul3A_70, %dma_start3A_125] : memref<10240x128xf32, #tpu.memory_space<vmem_shared>> -> memref<128x128xf32, #tpu.memory_space<vmem_shared>>
      %dma_start3A_127 = arith.constant 0 : i32
      %dma_start3A_128 = tpu.memref_slice %arg12[%mul3A_70, %dma_start3A_127] : memref<10240x128xf32, #tpu.memory_space<vmem_shared>> -> memref<128x128xf32, #tpu.memory_space<vmem_shared>>
      tpu.enqueue_dma source(%dma_start3A_128 : memref<128x128xf32, #tpu.memory_space<vmem_shared>>) target(%arg10 : memref<128x128xf32, #tpu.memory_space<vmem>>) target_semaphore(%run_scoped3A : memref<!tpu.dma_semaphore, #tpu.memory_space<semaphore_mem>>)
      %dma_wait3A = arith.constant 0 : i32
      %dma_wait3A_129 = tpu.memref_slice %arg12[%mul3A_70, %dma_wait3A] : memref<10240x128xf32, #tpu.memory_space<vmem_shared>> -> memref<128x128xf32, #tpu.memory_space<vmem_shared>>
      %dma_wait3A_130 = arith.constant 0 : i32
      %dma_wait3A_131 = tpu.memref_slice %arg12[%mul3A_70, %dma_wait3A_130] : memref<10240x128xf32, #tpu.memory_space<vmem_shared>> -> memref<128x128xf32, #tpu.memory_space<vmem_shared>>
      tpu.wait_dma2 semaphore(%run_scoped3A : memref<!tpu.dma_semaphore, #tpu.memory_space<semaphore_mem>>) src(%dma_wait3A_131 : memref<128x128xf32, #tpu.memory_space<vmem_shared>>) dst(%arg10 : memref<128x128xf32, #tpu.memory_space<vmem>>)
      tpu.yield
    }) : () -> ()
    %dma_start3A_71 = arith.constant 0 : i32
    %dma_start3A_72 = tpu.memref_slice %arg6[%arg0, %mul3A_70, %dma_start3A_71] : memref<2x10240x128xf32, #tpu.memory_space<hbm>> -> memref<1x128x128xf32, #tpu.memory_space<hbm>>
    %dma_start3A_73 = tpu.memref_squeeze %dma_start3A_72 : memref<1x128x128xf32, #tpu.memory_space<hbm>> -> memref<128x128xf32, #tpu.memory_space<hbm>>
    %dma_start3A_74 = arith.constant 0 : i32
    %dma_start3A_75 = tpu.memref_slice %arg6[%arg0, %mul3A_70, %dma_start3A_74] : memref<2x10240x128xf32, #tpu.memory_space<hbm>> -> memref<1x128x128xf32, #tpu.memory_space<hbm>>
    %dma_start3A_76 = tpu.memref_squeeze %dma_start3A_75 : memref<1x128x128xf32, #tpu.memory_space<hbm>> -> memref<128x128xf32, #tpu.memory_space<hbm>>
    tpu.enqueue_dma source(%arg10 : memref<128x128xf32, #tpu.memory_space<vmem>>) target(%dma_start3A_76 : memref<128x128xf32, #tpu.memory_space<hbm>>) target_semaphore(%arg15 : memref<!tpu.dma_semaphore, #tpu.memory_space<semaphore_mem>>)
    %mul3A_77 = arith.constant 5 : i32
    %mul3A_78 = arith.muli %arg1, %mul3A_77 : i32
    %add3A_79 = arith.constant 1 : i32
    %add3A_80 = arith.addi %mul3A_78, %add3A_79 : i32
    %mul3A_81 = arith.constant 128 : i32
    %mul3A_82 = arith.muli %add3A_80, %mul3A_81 : i32
    "tpu.region"() ({
      %run_scoped3A = tpu.sem_alloc : memref<!tpu.dma_semaphore, #tpu.memory_space<semaphore_mem>>
      %dma_start3A_125 = arith.constant 0 : i32
      %dma_start3A_126 = tpu.memref_slice %arg12[%mul3A_82, %dma_start3A_125] : memref<10240x128xf32, #tpu.memory_space<vmem_shared>> -> memref<128x128xf32, #tpu.memory_space<vmem_shared>>
      %dma_start3A_127 = arith.constant 0 : i32
      %dma_start3A_128 = tpu.memref_slice %arg12[%mul3A_82, %dma_start3A_127] : memref<10240x128xf32, #tpu.memory_space<vmem_shared>> -> memref<128x128xf32, #tpu.memory_space<vmem_shared>>
      tpu.enqueue_dma source(%dma_start3A_128 : memref<128x128xf32, #tpu.memory_space<vmem_shared>>) target(%arg11 : memref<128x128xf32, #tpu.memory_space<vmem>>) target_semaphore(%run_scoped3A : memref<!tpu.dma_semaphore, #tpu.memory_space<semaphore_mem>>)
      %dma_wait3A = arith.constant 0 : i32
      %dma_wait3A_129 = tpu.memref_slice %arg12[%mul3A_82, %dma_wait3A] : memref<10240x128xf32, #tpu.memory_space<vmem_shared>> -> memref<128x128xf32, #tpu.memory_space<vmem_shared>>
      %dma_wait3A_130 = arith.constant 0 : i32
      %dma_wait3A_131 = tpu.memref_slice %arg12[%mul3A_82, %dma_wait3A_130] : memref<10240x128xf32, #tpu.memory_space<vmem_shared>> -> memref<128x128xf32, #tpu.memory_space<vmem_shared>>
      tpu.wait_dma2 semaphore(%run_scoped3A : memref<!tpu.dma_semaphore, #tpu.memory_space<semaphore_mem>>) src(%dma_wait3A_131 : memref<128x128xf32, #tpu.memory_space<vmem_shared>>) dst(%arg11 : memref<128x128xf32, #tpu.memory_space<vmem>>)
      tpu.yield
    }) : () -> ()
    %dma_start3A_83 = arith.constant 0 : i32
    %dma_start3A_84 = tpu.memref_slice %arg6[%arg0, %mul3A_82, %dma_start3A_83] : memref<2x10240x128xf32, #tpu.memory_space<hbm>> -> memref<1x128x128xf32, #tpu.memory_space<hbm>>
    %dma_start3A_85 = tpu.memref_squeeze %dma_start3A_84 : memref<1x128x128xf32, #tpu.memory_space<hbm>> -> memref<128x128xf32, #tpu.memory_space<hbm>>
    %dma_start3A_86 = arith.constant 0 : i32
    %dma_start3A_87 = tpu.memref_slice %arg6[%arg0, %mul3A_82, %dma_start3A_86] : memref<2x10240x128xf32, #tpu.memory_space<hbm>> -> memref<1x128x128xf32, #tpu.memory_space<hbm>>
    %dma_start3A_88 = tpu.memref_squeeze %dma_start3A_87 : memref<1x128x128xf32, #tpu.memory_space<hbm>> -> memref<128x128xf32, #tpu.memory_space<hbm>>
    tpu.enqueue_dma source(%arg11 : memref<128x128xf32, #tpu.memory_space<vmem>>) target(%dma_start3A_88 : memref<128x128xf32, #tpu.memory_space<hbm>>) target_semaphore(%arg16 : memref<!tpu.dma_semaphore, #tpu.memory_space<semaphore_mem>>)
    tpu.wait_dma2 semaphore(%arg15 : memref<!tpu.dma_semaphore, #tpu.memory_space<semaphore_mem>>) src(%arg5 : memref<128x128xf32, #tpu.memory_space<hbm>>) dst(%arg10 : memref<128x128xf32, #tpu.memory_space<vmem>>)
    %mul3A_89 = arith.constant 5 : i32
    %mul3A_90 = arith.muli %arg1, %mul3A_89 : i32
    %add3A_91 = arith.constant 2 : i32
    %add3A_92 = arith.addi %mul3A_90, %add3A_91 : i32
    %mul3A_93 = arith.constant 128 : i32
    %mul3A_94 = arith.muli %add3A_92, %mul3A_93 : i32
    "tpu.region"() ({
      %run_scoped3A = tpu.sem_alloc : memref<!tpu.dma_semaphore, #tpu.memory_space<semaphore_mem>>
      %dma_start3A_125 = arith.constant 0 : i32
      %dma_start3A_126 = tpu.memref_slice %arg12[%mul3A_94, %dma_start3A_125] : memref<10240x128xf32, #tpu.memory_space<vmem_shared>> -> memref<128x128xf32, #tpu.memory_space<vmem_shared>>
      %dma_start3A_127 = arith.constant 0 : i32
      %dma_start3A_128 = tpu.memref_slice %arg12[%mul3A_94, %dma_start3A_127] : memref<10240x128xf32, #tpu.memory_space<vmem_shared>> -> memref<128x128xf32, #tpu.memory_space<vmem_shared>>
      tpu.enqueue_dma source(%dma_start3A_128 : memref<128x128xf32, #tpu.memory_space<vmem_shared>>) target(%arg10 : memref<128x128xf32, #tpu.memory_space<vmem>>) target_semaphore(%run_scoped3A : memref<!tpu.dma_semaphore, #tpu.memory_space<semaphore_mem>>)
      %dma_wait3A = arith.constant 0 : i32
      %dma_wait3A_129 = tpu.memref_slice %arg12[%mul3A_94, %dma_wait3A] : memref<10240x128xf32, #tpu.memory_space<vmem_shared>> -> memref<128x128xf32, #tpu.memory_space<vmem_shared>>
      %dma_wait3A_130 = arith.constant 0 : i32
      %dma_wait3A_131 = tpu.memref_slice %arg12[%mul3A_94, %dma_wait3A_130] : memref<10240x128xf32, #tpu.memory_space<vmem_shared>> -> memref<128x128xf32, #tpu.memory_space<vmem_shared>>
      tpu.wait_dma2 semaphore(%run_scoped3A : memref<!tpu.dma_semaphore, #tpu.memory_space<semaphore_mem>>) src(%dma_wait3A_131 : memref<128x128xf32, #tpu.memory_space<vmem_shared>>) dst(%arg10 : memref<128x128xf32, #tpu.memory_space<vmem>>)
      tpu.yield
    }) : () -> ()
    %dma_start3A_95 = arith.constant 0 : i32
    %dma_start3A_96 = tpu.memref_slice %arg6[%arg0, %mul3A_94, %dma_start3A_95] : memref<2x10240x128xf32, #tpu.memory_space<hbm>> -> memref<1x128x128xf32, #tpu.memory_space<hbm>>
    %dma_start3A_97 = tpu.memref_squeeze %dma_start3A_96 : memref<1x128x128xf32, #tpu.memory_space<hbm>> -> memref<128x128xf32, #tpu.memory_space<hbm>>
    %dma_start3A_98 = arith.constant 0 : i32
    %dma_start3A_99 = tpu.memref_slice %arg6[%arg0, %mul3A_94, %dma_start3A_98] : memref<2x10240x128xf32, #tpu.memory_space<hbm>> -> memref<1x128x128xf32, #tpu.memory_space<hbm>>
    %dma_start3A_100 = tpu.memref_squeeze %dma_start3A_99 : memref<1x128x128xf32, #tpu.memory_space<hbm>> -> memref<128x128xf32, #tpu.memory_space<hbm>>
    tpu.enqueue_dma source(%arg10 : memref<128x128xf32, #tpu.memory_space<vmem>>) target(%dma_start3A_100 : memref<128x128xf32, #tpu.memory_space<hbm>>) target_semaphore(%arg15 : memref<!tpu.dma_semaphore, #tpu.memory_space<semaphore_mem>>)
    tpu.wait_dma2 semaphore(%arg16 : memref<!tpu.dma_semaphore, #tpu.memory_space<semaphore_mem>>) src(%arg5 : memref<128x128xf32, #tpu.memory_space<hbm>>) dst(%arg11 : memref<128x128xf32, #tpu.memory_space<vmem>>)
    %mul3A_101 = arith.constant 5 : i32
    %mul3A_102 = arith.muli %arg1, %mul3A_101 : i32
    %add3A_103 = arith.constant 3 : i32
    %add3A_104 = arith.addi %mul3A_102, %add3A_103 : i32
    %mul3A_105 = arith.constant 128 : i32
    %mul3A_106 = arith.muli %add3A_104, %mul3A_105 : i32
    "tpu.region"() ({
      %run_scoped3A = tpu.sem_alloc : memref<!tpu.dma_semaphore, #tpu.memory_space<semaphore_mem>>
      %dma_start3A_125 = arith.constant 0 : i32
      %dma_start3A_126 = tpu.memref_slice %arg12[%mul3A_106, %dma_start3A_125] : memref<10240x128xf32, #tpu.memory_space<vmem_shared>> -> memref<128x128xf32, #tpu.memory_space<vmem_shared>>
      %dma_start3A_127 = arith.constant 0 : i32
      %dma_start3A_128 = tpu.memref_slice %arg12[%mul3A_106, %dma_start3A_127] : memref<10240x128xf32, #tpu.memory_space<vmem_shared>> -> memref<128x128xf32, #tpu.memory_space<vmem_shared>>
      tpu.enqueue_dma source(%dma_start3A_128 : memref<128x128xf32, #tpu.memory_space<vmem_shared>>) target(%arg11 : memref<128x128xf32, #tpu.memory_space<vmem>>) target_semaphore(%run_scoped3A : memref<!tpu.dma_semaphore, #tpu.memory_space<semaphore_mem>>)
      %dma_wait3A = arith.constant 0 : i32
      %dma_wait3A_129 = tpu.memref_slice %arg12[%mul3A_106, %dma_wait3A] : memref<10240x128xf32, #tpu.memory_space<vmem_shared>> -> memref<128x128xf32, #tpu.memory_space<vmem_shared>>
      %dma_wait3A_130 = arith.constant 0 : i32
      %dma_wait3A_131 = tpu.memref_slice %arg12[%mul3A_106, %dma_wait3A_130] : memref<10240x128xf32, #tpu.memory_space<vmem_shared>> -> memref<128x128xf32, #tpu.memory_space<vmem_shared>>
      tpu.wait_dma2 semaphore(%run_scoped3A : memref<!tpu.dma_semaphore, #tpu.memory_space<semaphore_mem>>) src(%dma_wait3A_131 : memref<128x128xf32, #tpu.memory_space<vmem_shared>>) dst(%arg11 : memref<128x128xf32, #tpu.memory_space<vmem>>)
      tpu.yield
    }) : () -> ()
    %dma_start3A_107 = arith.constant 0 : i32
    %dma_start3A_108 = tpu.memref_slice %arg6[%arg0, %mul3A_106, %dma_start3A_107] : memref<2x10240x128xf32, #tpu.memory_space<hbm>> -> memref<1x128x128xf32, #tpu.memory_space<hbm>>
    %dma_start3A_109 = tpu.memref_squeeze %dma_start3A_108 : memref<1x128x128xf32, #tpu.memory_space<hbm>> -> memref<128x128xf32, #tpu.memory_space<hbm>>
    %dma_start3A_110 = arith.constant 0 : i32
    %dma_start3A_111 = tpu.memref_slice %arg6[%arg0, %mul3A_106, %dma_start3A_110] : memref<2x10240x128xf32, #tpu.memory_space<hbm>> -> memref<1x128x128xf32, #tpu.memory_space<hbm>>
    %dma_start3A_112 = tpu.memref_squeeze %dma_start3A_111 : memref<1x128x128xf32, #tpu.memory_space<hbm>> -> memref<128x128xf32, #tpu.memory_space<hbm>>
    tpu.enqueue_dma source(%arg11 : memref<128x128xf32, #tpu.memory_space<vmem>>) target(%dma_start3A_112 : memref<128x128xf32, #tpu.memory_space<hbm>>) target_semaphore(%arg16 : memref<!tpu.dma_semaphore, #tpu.memory_space<semaphore_mem>>)
    tpu.wait_dma2 semaphore(%arg15 : memref<!tpu.dma_semaphore, #tpu.memory_space<semaphore_mem>>) src(%arg5 : memref<128x128xf32, #tpu.memory_space<hbm>>) dst(%arg10 : memref<128x128xf32, #tpu.memory_space<vmem>>)
    %mul3A_113 = arith.constant 5 : i32
    %mul3A_114 = arith.muli %arg1, %mul3A_113 : i32
    %add3A_115 = arith.constant 4 : i32
    %add3A_116 = arith.addi %mul3A_114, %add3A_115 : i32
    %mul3A_117 = arith.constant 128 : i32
    %mul3A_118 = arith.muli %add3A_116, %mul3A_117 : i32
    "tpu.region"() ({
      %run_scoped3A = tpu.sem_alloc : memref<!tpu.dma_semaphore, #tpu.memory_space<semaphore_mem>>
      %dma_start3A_125 = arith.constant 0 : i32
      %dma_start3A_126 = tpu.memref_slice %arg12[%mul3A_118, %dma_start3A_125] : memref<10240x128xf32, #tpu.memory_space<vmem_shared>> -> memref<128x128xf32, #tpu.memory_space<vmem_shared>>
      %dma_start3A_127 = arith.constant 0 : i32
      %dma_start3A_128 = tpu.memref_slice %arg12[%mul3A_118, %dma_start3A_127] : memref<10240x128xf32, #tpu.memory_space<vmem_shared>> -> memref<128x128xf32, #tpu.memory_space<vmem_shared>>
      tpu.enqueue_dma source(%dma_start3A_128 : memref<128x128xf32, #tpu.memory_space<vmem_shared>>) target(%arg10 : memref<128x128xf32, #tpu.memory_space<vmem>>) target_semaphore(%run_scoped3A : memref<!tpu.dma_semaphore, #tpu.memory_space<semaphore_mem>>)
      %dma_wait3A = arith.constant 0 : i32
      %dma_wait3A_129 = tpu.memref_slice %arg12[%mul3A_118, %dma_wait3A] : memref<10240x128xf32, #tpu.memory_space<vmem_shared>> -> memref<128x128xf32, #tpu.memory_space<vmem_shared>>
      %dma_wait3A_130 = arith.constant 0 : i32
      %dma_wait3A_131 = tpu.memref_slice %arg12[%mul3A_118, %dma_wait3A_130] : memref<10240x128xf32, #tpu.memory_space<vmem_shared>> -> memref<128x128xf32, #tpu.memory_space<vmem_shared>>
      tpu.wait_dma2 semaphore(%run_scoped3A : memref<!tpu.dma_semaphore, #tpu.memory_space<semaphore_mem>>) src(%dma_wait3A_131 : memref<128x128xf32, #tpu.memory_space<vmem_shared>>) dst(%arg10 : memref<128x128xf32, #tpu.memory_space<vmem>>)
      tpu.yield
    }) : () -> ()
    %dma_start3A_119 = arith.constant 0 : i32
    %dma_start3A_120 = tpu.memref_slice %arg6[%arg0, %mul3A_118, %dma_start3A_119] : memref<2x10240x128xf32, #tpu.memory_space<hbm>> -> memref<1x128x128xf32, #tpu.memory_space<hbm>>
    %dma_start3A_121 = tpu.memref_squeeze %dma_start3A_120 : memref<1x128x128xf32, #tpu.memory_space<hbm>> -> memref<128x128xf32, #tpu.memory_space<hbm>>
    %dma_start3A_122 = arith.constant 0 : i32
    %dma_start3A_123 = tpu.memref_slice %arg6[%arg0, %mul3A_118, %dma_start3A_122] : memref<2x10240x128xf32, #tpu.memory_space<hbm>> -> memref<1x128x128xf32, #tpu.memory_space<hbm>>
    %dma_start3A_124 = tpu.memref_squeeze %dma_start3A_123 : memref<1x128x128xf32, #tpu.memory_space<hbm>> -> memref<128x128xf32, #tpu.memory_space<hbm>>
    tpu.enqueue_dma source(%arg10 : memref<128x128xf32, #tpu.memory_space<vmem>>) target(%dma_start3A_124 : memref<128x128xf32, #tpu.memory_space<hbm>>) target_semaphore(%arg15 : memref<!tpu.dma_semaphore, #tpu.memory_space<semaphore_mem>>)
    tpu.wait_dma2 semaphore(%arg16 : memref<!tpu.dma_semaphore, #tpu.memory_space<semaphore_mem>>) src(%arg5 : memref<128x128xf32, #tpu.memory_space<hbm>>) dst(%arg11 : memref<128x128xf32, #tpu.memory_space<vmem>>)
    tpu.wait_dma2 semaphore(%arg15 : memref<!tpu.dma_semaphore, #tpu.memory_space<semaphore_mem>>) src(%arg5 : memref<128x128xf32, #tpu.memory_space<hbm>>) dst(%arg10 : memref<128x128xf32, #tpu.memory_space<vmem>>)
    return
  }
}

#map = affine_map<(d0, d1) -> (0, 0)>
#map1 = affine_map<(d0, d1) -> (0, 0, 0)>
module attributes {stable_mosaic.version = 14 : i64} {
  func.func @body(%arg0: i32, %arg1: i32, %arg2: memref<10000x128xf32, #tpu.memory_space<hbm>>, %arg3: memref<32x80x128xi32, #tpu.memory_space<hbm>>, %arg4: memref<32x80x128xi32, #tpu.memory_space<hbm>>, %arg5: memref<128x128xf32, #tpu.memory_space<hbm>>, %arg6: memref<2x10240x128xf32, #tpu.memory_space<hbm>>, %arg7: memref<80x128xi32, #tpu.memory_space<vmem>>, %arg8: memref<1x128xi32, #tpu.memory_space<vmem>>, %arg9: memref<1x128xi32, #tpu.memory_space<vmem>>, %arg10: memref<128x128xf32, #tpu.memory_space<vmem>>, %arg11: memref<128x128xf32, #tpu.memory_space<vmem>>, %arg12: memref<10240x128xf32, #tpu.memory_space<vmem_shared>>, %arg13: memref<!tpu.dma_semaphore, #tpu.memory_space<semaphore_mem>>, %arg14: memref<!tpu.dma_semaphore, #tpu.memory_space<semaphore_mem>>, %arg15: memref<!tpu.dma_semaphore, #tpu.memory_space<semaphore_mem>>, %arg16: memref<!tpu.dma_semaphore, #tpu.memory_space<semaphore_mem>>) attributes {dimension_semantics = [#tpu.dimension_semantics<core_parallel>, #tpu.dimension_semantics<subcore_parallel>], iteration_bounds = array<i64: 2, 16>, scalar_prefetch = 0 : i64, scratch_operands = 10 : i64, tpu.core_type = #tpu.core_type<sc_vector_subcore>, window_params = [{transform_indices = #map}, {transform_indices = #map1}, {transform_indices = #map1}, {transform_indices = #map}, {transform_indices = #map1}]} {
    %mul3A = arith.constant 16 : i32
    %mul3A_0 = arith.muli %arg0, %mul3A : i32
    %add3A = arith.addi %mul3A_0, %arg1 : i32
    %eq3A = arith.constant 0 : i32
    %eq3A_1 = arith.cmpi eq, %arg0, %eq3A : i32
    %jit3A = arith.constant 40 : i32
    %jit3A_2 = arith.constant 39 : i32
    %select_n3A = arith.select %eq3A_1, %jit3A, %jit3A_2 : i32
    "tpu.region"() ({
      %run_scoped3A = tpu.sem_alloc : memref<!tpu.dma_semaphore, #tpu.memory_space<semaphore_mem>>
      %dma_start3A_125 = arith.constant 0 : i32
      %dma_start3A_126 = arith.constant 0 : i32
      %dma_start3A_127 = tpu.memref_slice %arg3[%add3A, %dma_start3A_125, %dma_start3A_126] : memref<32x80x128xi32, #tpu.memory_space<hbm>> -> memref<1x80x128xi32, #tpu.memory_space<hbm>>
      %dma_start3A_128 = tpu.memref_squeeze %dma_start3A_127 : memref<1x80x128xi32, #tpu.memory_space<hbm>> -> memref<80x128xi32, #tpu.memory_space<hbm>>
      %dma_start3A_129 = arith.constant 0 : i32
      %dma_start3A_130 = arith.constant 0 : i32
      %dma_start3A_131 = tpu.memref_slice %arg3[%add3A, %dma_start3A_129, %dma_start3A_130] : memref<32x80x128xi32, #tpu.memory_space<hbm>> -> memref<1x80x128xi32, #tpu.memory_space<hbm>>
      %dma_start3A_132 = tpu.memref_squeeze %dma_start3A_131 : memref<1x80x128xi32, #tpu.memory_space<hbm>> -> memref<80x128xi32, #tpu.memory_space<hbm>>
      tpu.enqueue_dma source(%dma_start3A_132 : memref<80x128xi32, #tpu.memory_space<hbm>>) target(%arg7 : memref<80x128xi32, #tpu.memory_space<vmem>>) target_semaphore(%run_scoped3A : memref<!tpu.dma_semaphore, #tpu.memory_space<semaphore_mem>>)
      %dma_wait3A = arith.constant 0 : i32
      %dma_wait3A_133 = arith.constant 0 : i32
      %dma_wait3A_134 = tpu.memref_slice %arg3[%add3A, %dma_wait3A, %dma_wait3A_133] : memref<32x80x128xi32, #tpu.memory_space<hbm>> -> memref<1x80x128xi32, #tpu.memory_space<hbm>>
      %dma_wait3A_135 = tpu.memref_squeeze %dma_wait3A_134 : memref<1x80x128xi32, #tpu.memory_space<hbm>> -> memref<80x128xi32, #tpu.memory_space<hbm>>
      %dma_wait3A_136 = arith.constant 0 : i32
      %dma_wait3A_137 = arith.constant 0 : i32
      %dma_wait3A_138 = tpu.memref_slice %arg3[%add3A, %dma_wait3A_136, %dma_wait3A_137] : memref<32x80x128xi32, #tpu.memory_space<hbm>> -> memref<1x80x128xi32, #tpu.memory_space<hbm>>
      %dma_wait3A_139 = tpu.memref_squeeze %dma_wait3A_138 : memref<1x80x128xi32, #tpu.memory_space<hbm>> -> memref<80x128xi32, #tpu.memory_space<hbm>>
      tpu.wait_dma2 semaphore(%run_scoped3A : memref<!tpu.dma_semaphore, #tpu.memory_space<semaphore_mem>>) src(%dma_wait3A_139 : memref<80x128xi32, #tpu.memory_space<hbm>>) dst(%arg7 : memref<80x128xi32, #tpu.memory_space<vmem>>)
      tpu.yield
    }) : () -> ()
    "tpu.region"() ({
      %run_scoped3A = tpu.sem_alloc : memref<!tpu.dma_semaphore, #tpu.memory_space<semaphore_mem>>
      tpu.enqueue_dma source(%arg5 : memref<128x128xf32, #tpu.memory_space<hbm>>) target(%arg10 : memref<128x128xf32, #tpu.memory_space<vmem>>) target_semaphore(%run_scoped3A : memref<!tpu.dma_semaphore, #tpu.memory_space<semaphore_mem>>)
      tpu.wait_dma2 semaphore(%run_scoped3A : memref<!tpu.dma_semaphore, #tpu.memory_space<semaphore_mem>>) src(%arg5 : memref<128x128xf32, #tpu.memory_space<hbm>>) dst(%arg10 : memref<128x128xf32, #tpu.memory_space<vmem>>)
      tpu.yield
    }) : () -> ()
    %mul3A_3 = arith.constant 5 : i32
    %mul3A_4 = arith.muli %arg1, %mul3A_3 : i32
    %add3A_5 = arith.constant 0 : i32
    %add3A_6 = arith.addi %mul3A_4, %add3A_5 : i32
    %mul3A_7 = arith.constant 128 : i32
    %mul3A_8 = arith.muli %add3A_6, %mul3A_7 : i32
    "tpu.region"() ({
      %run_scoped3A = tpu.sem_alloc : memref<!tpu.dma_semaphore, #tpu.memory_space<semaphore_mem>>
      %dma_start3A_125 = arith.constant 0 : i32
      %dma_start3A_126 = tpu.memref_slice %arg12[%mul3A_8, %dma_start3A_125] : memref<10240x128xf32, #tpu.memory_space<vmem_shared>> -> memref<128x128xf32, #tpu.memory_space<vmem_shared>>
      %dma_start3A_127 = arith.constant 0 : i32
      %dma_start3A_128 = tpu.memref_slice %arg12[%mul3A_8, %dma_start3A_127] : memref<10240x128xf32, #tpu.memory_space<vmem_shared>> -> memref<128x128xf32, #tpu.memory_space<vmem_shared>>
      tpu.enqueue_dma source(%arg10 : memref<128x128xf32, #tpu.memory_space<vmem>>) target(%dma_start3A_128 : memref<128x128xf32, #tpu.memory_space<vmem_shared>>) target_semaphore(%run_scoped3A : memref<!tpu.dma_semaphore, #tpu.memory_space<semaphore_mem>>)
      %dma_wait3A = arith.constant 0 : i32
      %dma_wait3A_129 = tpu.memref_slice %arg12[%mul3A_8, %dma_wait3A] : memref<10240x128xf32, #tpu.memory_space<vmem_shared>> -> memref<128x128xf32, #tpu.memory_space<vmem_shared>>
      %dma_wait3A_130 = arith.constant 0 : i32
      %dma_wait3A_131 = tpu.memref_slice %arg12[%mul3A_8, %dma_wait3A_130] : memref<10240x128xf32, #tpu.memory_space<vmem_shared>> -> memref<128x128xf32, #tpu.memory_space<vmem_shared>>
      tpu.wait_dma2 semaphore(%run_scoped3A : memref<!tpu.dma_semaphore, #tpu.memory_space<semaphore_mem>>) src(%arg10 : memref<128x128xf32, #tpu.memory_space<vmem>>) dst(%dma_wait3A_131 : memref<128x128xf32, #tpu.memory_space<vmem_shared>>)
      tpu.yield
    }) : () -> ()
    %mul3A_9 = arith.constant 5 : i32
    %mul3A_10 = arith.muli %arg1, %mul3A_9 : i32
    %add3A_11 = arith.constant 1 : i32
    %add3A_12 = arith.addi %mul3A_10, %add3A_11 : i32
    %mul3A_13 = arith.constant 128 : i32
    %mul3A_14 = arith.muli %add3A_12, %mul3A_13 : i32
    "tpu.region"() ({
      %run_scoped3A = tpu.sem_alloc : memref<!tpu.dma_semaphore, #tpu.memory_space<semaphore_mem>>
      %dma_start3A_125 = arith.constant 0 : i32
      %dma_start3A_126 = tpu.memref_slice %arg12[%mul3A_14, %dma_start3A_125] : memref<10240x128xf32, #tpu.memory_space<vmem_shared>> -> memref<128x128xf32, #tpu.memory_space<vmem_shared>>
      %dma_start3A_127 = arith.constant 0 : i32
      %dma_start3A_128 = tpu.memref_slice %arg12[%mul3A_14, %dma_start3A_127] : memref<10240x128xf32, #tpu.memory_space<vmem_shared>> -> memref<128x128xf32, #tpu.memory_space<vmem_shared>>
      tpu.enqueue_dma source(%arg10 : memref<128x128xf32, #tpu.memory_space<vmem>>) target(%dma_start3A_128 : memref<128x128xf32, #tpu.memory_space<vmem_shared>>) target_semaphore(%run_scoped3A : memref<!tpu.dma_semaphore, #tpu.memory_space<semaphore_mem>>)
      %dma_wait3A = arith.constant 0 : i32
      %dma_wait3A_129 = tpu.memref_slice %arg12[%mul3A_14, %dma_wait3A] : memref<10240x128xf32, #tpu.memory_space<vmem_shared>> -> memref<128x128xf32, #tpu.memory_space<vmem_shared>>
      %dma_wait3A_130 = arith.constant 0 : i32
      %dma_wait3A_131 = tpu.memref_slice %arg12[%mul3A_14, %dma_wait3A_130] : memref<10240x128xf32, #tpu.memory_space<vmem_shared>> -> memref<128x128xf32, #tpu.memory_space<vmem_shared>>
      tpu.wait_dma2 semaphore(%run_scoped3A : memref<!tpu.dma_semaphore, #tpu.memory_space<semaphore_mem>>) src(%arg10 : memref<128x128xf32, #tpu.memory_space<vmem>>) dst(%dma_wait3A_131 : memref<128x128xf32, #tpu.memory_space<vmem_shared>>)
      tpu.yield
    }) : () -> ()
    %mul3A_15 = arith.constant 5 : i32
    %mul3A_16 = arith.muli %arg1, %mul3A_15 : i32
    %add3A_17 = arith.constant 2 : i32
    %add3A_18 = arith.addi %mul3A_16, %add3A_17 : i32
    %mul3A_19 = arith.constant 128 : i32
    %mul3A_20 = arith.muli %add3A_18, %mul3A_19 : i32
    "tpu.region"() ({
      %run_scoped3A = tpu.sem_alloc : memref<!tpu.dma_semaphore, #tpu.memory_space<semaphore_mem>>
      %dma_start3A_125 = arith.constant 0 : i32
      %dma_start3A_126 = tpu.memref_slice %arg12[%mul3A_20, %dma_start3A_125] : memref<10240x128xf32, #tpu.memory_space<vmem_shared>> -> memref<128x128xf32, #tpu.memory_space<vmem_shared>>
      %dma_start3A_127 = arith.constant 0 : i32
      %dma_start3A_128 = tpu.memref_slice %arg12[%mul3A_20, %dma_start3A_127] : memref<10240x128xf32, #tpu.memory_space<vmem_shared>> -> memref<128x128xf32, #tpu.memory_space<vmem_shared>>
      tpu.enqueue_dma source(%arg10 : memref<128x128xf32, #tpu.memory_space<vmem>>) target(%dma_start3A_128 : memref<128x128xf32, #tpu.memory_space<vmem_shared>>) target_semaphore(%run_scoped3A : memref<!tpu.dma_semaphore, #tpu.memory_space<semaphore_mem>>)
      %dma_wait3A = arith.constant 0 : i32
      %dma_wait3A_129 = tpu.memref_slice %arg12[%mul3A_20, %dma_wait3A] : memref<10240x128xf32, #tpu.memory_space<vmem_shared>> -> memref<128x128xf32, #tpu.memory_space<vmem_shared>>
      %dma_wait3A_130 = arith.constant 0 : i32
      %dma_wait3A_131 = tpu.memref_slice %arg12[%mul3A_20, %dma_wait3A_130] : memref<10240x128xf32, #tpu.memory_space<vmem_shared>> -> memref<128x128xf32, #tpu.memory_space<vmem_shared>>
      tpu.wait_dma2 semaphore(%run_scoped3A : memref<!tpu.dma_semaphore, #tpu.memory_space<semaphore_mem>>) src(%arg10 : memref<128x128xf32, #tpu.memory_space<vmem>>) dst(%dma_wait3A_131 : memref<128x128xf32, #tpu.memory_space<vmem_shared>>)
      tpu.yield
    }) : () -> ()
    %mul3A_21 = arith.constant 5 : i32
    %mul3A_22 = arith.muli %arg1, %mul3A_21 : i32
    %add3A_23 = arith.constant 3 : i32
    %add3A_24 = arith.addi %mul3A_22, %add3A_23 : i32
    %mul3A_25 = arith.constant 128 : i32
    %mul3A_26 = arith.muli %add3A_24, %mul3A_25 : i32
    "tpu.region"() ({
      %run_scoped3A = tpu.sem_alloc : memref<!tpu.dma_semaphore, #tpu.memory_space<semaphore_mem>>
      %dma_start3A_125 = arith.constant 0 : i32
      %dma_start3A_126 = tpu.memref_slice %arg12[%mul3A_26, %dma_start3A_125] : memref<10240x128xf32, #tpu.memory_space<vmem_shared>> -> memref<128x128xf32, #tpu.memory_space<vmem_shared>>
      %dma_start3A_127 = arith.constant 0 : i32
      %dma_start3A_128 = tpu.memref_slice %arg12[%mul3A_26, %dma_start3A_127] : memref<10240x128xf32, #tpu.memory_space<vmem_shared>> -> memref<128x128xf32, #tpu.memory_space<vmem_shared>>
      tpu.enqueue_dma source(%arg10 : memref<128x128xf32, #tpu.memory_space<vmem>>) target(%dma_start3A_128 : memref<128x128xf32, #tpu.memory_space<vmem_shared>>) target_semaphore(%run_scoped3A : memref<!tpu.dma_semaphore, #tpu.memory_space<semaphore_mem>>)
      %dma_wait3A = arith.constant 0 : i32
      %dma_wait3A_129 = tpu.memref_slice %arg12[%mul3A_26, %dma_wait3A] : memref<10240x128xf32, #tpu.memory_space<vmem_shared>> -> memref<128x128xf32, #tpu.memory_space<vmem_shared>>
      %dma_wait3A_130 = arith.constant 0 : i32
      %dma_wait3A_131 = tpu.memref_slice %arg12[%mul3A_26, %dma_wait3A_130] : memref<10240x128xf32, #tpu.memory_space<vmem_shared>> -> memref<128x128xf32, #tpu.memory_space<vmem_shared>>
      tpu.wait_dma2 semaphore(%run_scoped3A : memref<!tpu.dma_semaphore, #tpu.memory_space<semaphore_mem>>) src(%arg10 : memref<128x128xf32, #tpu.memory_space<vmem>>) dst(%dma_wait3A_131 : memref<128x128xf32, #tpu.memory_space<vmem_shared>>)
      tpu.yield
    }) : () -> ()
    %mul3A_27 = arith.constant 5 : i32
    %mul3A_28 = arith.muli %arg1, %mul3A_27 : i32
    %add3A_29 = arith.constant 4 : i32
    %add3A_30 = arith.addi %mul3A_28, %add3A_29 : i32
    %mul3A_31 = arith.constant 128 : i32
    %mul3A_32 = arith.muli %add3A_30, %mul3A_31 : i32
    "tpu.region"() ({
      %run_scoped3A = tpu.sem_alloc : memref<!tpu.dma_semaphore, #tpu.memory_space<semaphore_mem>>
      %dma_start3A_125 = arith.constant 0 : i32
      %dma_start3A_126 = tpu.memref_slice %arg12[%mul3A_32, %dma_start3A_125] : memref<10240x128xf32, #tpu.memory_space<vmem_shared>> -> memref<128x128xf32, #tpu.memory_space<vmem_shared>>
      %dma_start3A_127 = arith.constant 0 : i32
      %dma_start3A_128 = tpu.memref_slice %arg12[%mul3A_32, %dma_start3A_127] : memref<10240x128xf32, #tpu.memory_space<vmem_shared>> -> memref<128x128xf32, #tpu.memory_space<vmem_shared>>
      tpu.enqueue_dma source(%arg10 : memref<128x128xf32, #tpu.memory_space<vmem>>) target(%dma_start3A_128 : memref<128x128xf32, #tpu.memory_space<vmem_shared>>) target_semaphore(%run_scoped3A : memref<!tpu.dma_semaphore, #tpu.memory_space<semaphore_mem>>)
      %dma_wait3A = arith.constant 0 : i32
      %dma_wait3A_129 = tpu.memref_slice %arg12[%mul3A_32, %dma_wait3A] : memref<10240x128xf32, #tpu.memory_space<vmem_shared>> -> memref<128x128xf32, #tpu.memory_space<vmem_shared>>
      %dma_wait3A_130 = arith.constant 0 : i32
      %dma_wait3A_131 = tpu.memref_slice %arg12[%mul3A_32, %dma_wait3A_130] : memref<10240x128xf32, #tpu.memory_space<vmem_shared>> -> memref<128x128xf32, #tpu.memory_space<vmem_shared>>
      tpu.wait_dma2 semaphore(%run_scoped3A : memref<!tpu.dma_semaphore, #tpu.memory_space<semaphore_mem>>) src(%arg10 : memref<128x128xf32, #tpu.memory_space<vmem>>) dst(%dma_wait3A_131 : memref<128x128xf32, #tpu.memory_space<vmem_shared>>)
      tpu.yield
    }) : () -> ()
    %barrier3A = arith.constant 0 : index
    tpu.barrier barrier_id(%barrier3A)
    %dma_start3A = arith.constant 0 : i32
    %dma_start3A_33 = arith.constant 0 : i32
    %dma_start3A_34 = tpu.memref_slice %arg7[%dma_start3A, %dma_start3A_33] : memref<80x128xi32, #tpu.memory_space<vmem>> -> memref<1x128xi32, #tpu.memory_space<vmem>>
    %dma_start3A_35 = tpu.memref_squeeze %dma_start3A_34 : memref<1x128xi32, #tpu.memory_space<vmem>> -> memref<128xi32, #tpu.memory_space<vmem>>
    %dma_start3A_36 = arith.constant 0 : i32
    %dma_start3A_37 = arith.constant 0 : i32
    %dma_start3A_38 = tpu.memref_slice %arg2[%dma_start3A_36, %dma_start3A_37] : memref<10000x128xf32, #tpu.memory_space<hbm>> -> memref<10000x128xf32, #tpu.memory_space<hbm>>
    tpu.enqueue_indirect_dma source(%dma_start3A_38 : memref<10000x128xf32, #tpu.memory_space<hbm>>) target(%arg10 : memref<128x128xf32, #tpu.memory_space<vmem>>) offsets(%dma_start3A_35 : memref<128xi32, #tpu.memory_space<vmem>>) semaphore(%arg15 : memref<!tpu.dma_semaphore, #tpu.memory_space<semaphore_mem>>)
    %dma_start3A_39 = arith.constant 0 : i32
    %dma_start3A_40 = arith.constant 0 : i32
    %dma_start3A_41 = tpu.memref_slice %arg4[%add3A, %dma_start3A_39, %dma_start3A_40] : memref<32x80x128xi32, #tpu.memory_space<hbm>> -> memref<1x1x128xi32, #tpu.memory_space<hbm>>
    %dma_start3A_42 = tpu.memref_squeeze %dma_start3A_41 : memref<1x1x128xi32, #tpu.memory_space<hbm>> -> memref<1x128xi32, #tpu.memory_space<hbm>>
    %dma_start3A_43 = arith.constant 0 : i32
    %dma_start3A_44 = arith.constant 0 : i32
    %dma_start3A_45 = tpu.memref_slice %arg4[%add3A, %dma_start3A_43, %dma_start3A_44] : memref<32x80x128xi32, #tpu.memory_space<hbm>> -> memref<1x1x128xi32, #tpu.memory_space<hbm>>
    %dma_start3A_46 = tpu.memref_squeeze %dma_start3A_45 : memref<1x1x128xi32, #tpu.memory_space<hbm>> -> memref<1x128xi32, #tpu.memory_space<hbm>>
    tpu.enqueue_dma source(%dma_start3A_46 : memref<1x128xi32, #tpu.memory_space<hbm>>) target(%arg8 : memref<1x128xi32, #tpu.memory_space<vmem>>) target_semaphore(%arg13 : memref<!tpu.dma_semaphore, #tpu.memory_space<semaphore_mem>>)
    %dma_start3A_47 = arith.constant 1 : i32
    %dma_start3A_48 = arith.constant 0 : i32
    %dma_start3A_49 = tpu.memref_slice %arg4[%add3A, %dma_start3A_47, %dma_start3A_48] : memref<32x80x128xi32, #tpu.memory_space<hbm>> -> memref<1x1x128xi32, #tpu.memory_space<hbm>>
    %dma_start3A_50 = tpu.memref_squeeze %dma_start3A_49 : memref<1x1x128xi32, #tpu.memory_space<hbm>> -> memref<1x128xi32, #tpu.memory_space<hbm>>
    %dma_start3A_51 = arith.constant 1 : i32
    %dma_start3A_52 = arith.constant 0 : i32
    %dma_start3A_53 = tpu.memref_slice %arg4[%add3A, %dma_start3A_51, %dma_start3A_52] : memref<32x80x128xi32, #tpu.memory_space<hbm>> -> memref<1x1x128xi32, #tpu.memory_space<hbm>>
    %dma_start3A_54 = tpu.memref_squeeze %dma_start3A_53 : memref<1x1x128xi32, #tpu.memory_space<hbm>> -> memref<1x128xi32, #tpu.memory_space<hbm>>
    tpu.enqueue_dma source(%dma_start3A_54 : memref<1x128xi32, #tpu.memory_space<hbm>>) target(%arg9 : memref<1x128xi32, #tpu.memory_space<vmem>>) target_semaphore(%arg14 : memref<!tpu.dma_semaphore, #tpu.memory_space<semaphore_mem>>)
    %while3A = arith.constant 0 : i32
    %while3A_55 = arith.constant 0 : i32
    %while3A_56 = arith.subi %select_n3A, %while3A_55 : i32
    %while3A_57 = arith.addi %while3A_55, %while3A_56 : i32
    %while3A_58 = arith.constant 1 : i32
    %while3A_59 = arith.divsi %while3A_56, %while3A_58 : i32
    %while3A_60 = arith.muli %while3A_59, %while3A_58 : i32
    %while3A_61 = arith.addi %while3A_55, %while3A_60 : i32
    %while3A_62 = arith.constant 1 : i32
    scf.for %while3A_125 = %while3A_55 to %while3A_61 step %while3A_62  : i32 {
      %mul3A_126 = arith.constant 2 : i32
      %mul3A_127 = arith.muli %mul3A_126, %while3A_125 : i32
      %add3A_128 = arith.constant 0 : i32
      %add3A_129 = arith.addi %mul3A_127, %add3A_128 : i32
      %add3A_130 = arith.constant 1 : i32
      %add3A_131 = arith.addi %add3A_129, %add3A_130 : i32
      %dma_start3A_132 = arith.constant 0 : i32
      %dma_start3A_133 = tpu.memref_slice %arg7[%add3A_131, %dma_start3A_132] : memref<80x128xi32, #tpu.memory_space<vmem>> -> memref<1x128xi32, #tpu.memory_space<vmem>>
      %dma_start3A_134 = tpu.memref_squeeze %dma_start3A_133 : memref<1x128xi32, #tpu.memory_space<vmem>> -> memref<128xi32, #tpu.memory_space<vmem>>
      %dma_start3A_135 = arith.constant 0 : i32
      %dma_start3A_136 = arith.constant 0 : i32
      %dma_start3A_137 = tpu.memref_slice %arg2[%dma_start3A_135, %dma_start3A_136] : memref<10000x128xf32, #tpu.memory_space<hbm>> -> memref<10000x128xf32, #tpu.memory_space<hbm>>
      tpu.enqueue_indirect_dma source(%dma_start3A_137 : memref<10000x128xf32, #tpu.memory_space<hbm>>) target(%arg11 : memref<128x128xf32, #tpu.memory_space<vmem>>) offsets(%dma_start3A_134 : memref<128xi32, #tpu.memory_space<vmem>>) semaphore(%arg16 : memref<!tpu.dma_semaphore, #tpu.memory_space<semaphore_mem>>)
      tpu.wait_dma2 semaphore(%arg15 : memref<!tpu.dma_semaphore, #tpu.memory_space<semaphore_mem>>) src(%arg5 : memref<128x128xf32, #tpu.memory_space<hbm>>) dst(%arg10 : memref<128x128xf32, #tpu.memory_space<vmem>>)
      %dma_wait3A = arith.constant 0 : i32
      %dma_wait3A_138 = arith.constant 0 : i32
      %dma_wait3A_139 = tpu.memref_slice %arg4[%add3A, %dma_wait3A, %dma_wait3A_138] : memref<32x80x128xi32, #tpu.memory_space<hbm>> -> memref<1x1x128xi32, #tpu.memory_space<hbm>>
      %dma_wait3A_140 = tpu.memref_squeeze %dma_wait3A_139 : memref<1x1x128xi32, #tpu.memory_space<hbm>> -> memref<1x128xi32, #tpu.memory_space<hbm>>
      %dma_wait3A_141 = arith.constant 0 : i32
      %dma_wait3A_142 = arith.constant 0 : i32
      %dma_wait3A_143 = tpu.memref_slice %arg4[%add3A, %dma_wait3A_141, %dma_wait3A_142] : memref<32x80x128xi32, #tpu.memory_space<hbm>> -> memref<1x1x128xi32, #tpu.memory_space<hbm>>
      %dma_wait3A_144 = tpu.memref_squeeze %dma_wait3A_143 : memref<1x1x128xi32, #tpu.memory_space<hbm>> -> memref<1x128xi32, #tpu.memory_space<hbm>>
      tpu.wait_dma2 semaphore(%arg13 : memref<!tpu.dma_semaphore, #tpu.memory_space<semaphore_mem>>) src(%dma_wait3A_144 : memref<1x128xi32, #tpu.memory_space<hbm>>) dst(%arg8 : memref<1x128xi32, #tpu.memory_space<vmem>>)
      %run_scoped3A = arith.constant 0 : i32
      "tpu.region"() ({
        %run_scoped3A_172 = tpu.sem_alloc : memref<!tpu.dma_semaphore, #tpu.memory_space<semaphore_mem>>
        %dma_start3A_173 = arith.constant 0 : i32
        %dma_start3A_174 = tpu.memref_slice %arg8[%run_scoped3A, %dma_start3A_173] : memref<1x128xi32, #tpu.memory_space<vmem>> -> memref<1x128xi32, #tpu.memory_space<vmem>>
        %dma_start3A_175 = tpu.memref_squeeze %dma_start3A_174 : memref<1x128xi32, #tpu.memory_space<vmem>> -> memref<128xi32, #tpu.memory_space<vmem>>
        %dma_start3A_176 = arith.constant 0 : i32
        %dma_start3A_177 = arith.constant 0 : i32
        %dma_start3A_178 = tpu.memref_slice %arg12[%dma_start3A_176, %dma_start3A_177] : memref<10240x128xf32, #tpu.memory_space<vmem_shared>> -> memref<10240x128xf32, #tpu.memory_space<vmem_shared>>
        tpu.enqueue_indirect_dma source(%arg10 : memref<128x128xf32, #tpu.memory_space<vmem>>) target(%dma_start3A_178 : memref<10240x128xf32, #tpu.memory_space<vmem_shared>>) offsets(%dma_start3A_175 : memref<128xi32, #tpu.memory_space<vmem>>) semaphore(%run_scoped3A_172 : memref<!tpu.dma_semaphore, #tpu.memory_space<semaphore_mem>>) {add = true}
        %dma_wait3A_179 = arith.constant 0 : i32
        %dma_wait3A_180 = tpu.memref_slice %arg8[%run_scoped3A, %dma_wait3A_179] : memref<1x128xi32, #tpu.memory_space<vmem>> -> memref<1x128xi32, #tpu.memory_space<vmem>>
        %dma_wait3A_181 = tpu.memref_squeeze %dma_wait3A_180 : memref<1x128xi32, #tpu.memory_space<vmem>> -> memref<128xi32, #tpu.memory_space<vmem>>
        %dma_wait3A_182 = arith.constant 0 : i32
        %dma_wait3A_183 = arith.constant 0 : i32
        %dma_wait3A_184 = tpu.memref_slice %arg12[%dma_wait3A_182, %dma_wait3A_183] : memref<10240x128xf32, #tpu.memory_space<vmem_shared>> -> memref<10240x128xf32, #tpu.memory_space<vmem_shared>>
        tpu.wait_indirect_dma semaphore(%run_scoped3A_172 : memref<!tpu.dma_semaphore, #tpu.memory_space<semaphore_mem>>) src(%arg10 : memref<128x128xf32, #tpu.memory_space<vmem>>) dst(%dma_wait3A_184 : memref<10240x128xf32, #tpu.memory_space<vmem_shared>>)
        tpu.yield
      }) : () -> ()
      %sub3A = arith.constant 1 : i32
      %sub3A_145 = arith.subi %select_n3A, %sub3A : i32
      %lt3A = arith.cmpi slt, %while3A_125, %sub3A_145 : i32
      %convert_element_type3A = arith.extui %lt3A : i1 to i32
      %cond3A = arith.constant 0 : i32
      %cond3A_146 = arith.cmpi ne, %convert_element_type3A, %cond3A : i32
      scf.if %cond3A_146 {
        %add3A_172 = arith.constant 2 : i32
        %add3A_173 = arith.addi %add3A_129, %add3A_172 : i32
        %dma_start3A_174 = arith.constant 0 : i32
        %dma_start3A_175 = tpu.memref_slice %arg4[%add3A, %add3A_173, %dma_start3A_174] : memref<32x80x128xi32, #tpu.memory_space<hbm>> -> memref<1x1x128xi32, #tpu.memory_space<hbm>>
        %dma_start3A_176 = tpu.memref_squeeze %dma_start3A_175 : memref<1x1x128xi32, #tpu.memory_space<hbm>> -> memref<1x128xi32, #tpu.memory_space<hbm>>
        %dma_start3A_177 = arith.constant 0 : i32
        %dma_start3A_178 = tpu.memref_slice %arg4[%add3A, %add3A_173, %dma_start3A_177] : memref<32x80x128xi32, #tpu.memory_space<hbm>> -> memref<1x1x128xi32, #tpu.memory_space<hbm>>
        %dma_start3A_179 = tpu.memref_squeeze %dma_start3A_178 : memref<1x1x128xi32, #tpu.memory_space<hbm>> -> memref<1x128xi32, #tpu.memory_space<hbm>>
        tpu.enqueue_dma source(%dma_start3A_179 : memref<1x128xi32, #tpu.memory_space<hbm>>) target(%arg8 : memref<1x128xi32, #tpu.memory_space<vmem>>) target_semaphore(%arg13 : memref<!tpu.dma_semaphore, #tpu.memory_space<semaphore_mem>>)
      } else {
      }
      %mul3A_147 = arith.constant 2 : i32
      %mul3A_148 = arith.muli %mul3A_147, %while3A_125 : i32
      %add3A_149 = arith.constant 1 : i32
      %add3A_150 = arith.addi %mul3A_148, %add3A_149 : i32
      %sub3A_151 = arith.constant 1 : i32
      %sub3A_152 = arith.subi %select_n3A, %sub3A_151 : i32
      %lt3A_153 = arith.cmpi slt, %while3A_125, %sub3A_152 : i32
      %convert_element_type3A_154 = arith.extui %lt3A_153 : i1 to i32
      %cond3A_155 = arith.constant 0 : i32
      %cond3A_156 = arith.cmpi ne, %convert_element_type3A_154, %cond3A_155 : i32
      scf.if %cond3A_156 {
        %add3A_172 = arith.constant 1 : i32
        %add3A_173 = arith.addi %add3A_150, %add3A_172 : i32
        %dma_start3A_174 = arith.constant 0 : i32
        %dma_start3A_175 = tpu.memref_slice %arg7[%add3A_173, %dma_start3A_174] : memref<80x128xi32, #tpu.memory_space<vmem>> -> memref<1x128xi32, #tpu.memory_space<vmem>>
        %dma_start3A_176 = tpu.memref_squeeze %dma_start3A_175 : memref<1x128xi32, #tpu.memory_space<vmem>> -> memref<128xi32, #tpu.memory_space<vmem>>
        %dma_start3A_177 = arith.constant 0 : i32
        %dma_start3A_178 = arith.constant 0 : i32
        %dma_start3A_179 = tpu.memref_slice %arg2[%dma_start3A_177, %dma_start3A_178] : memref<10000x128xf32, #tpu.memory_space<hbm>> -> memref<10000x128xf32, #tpu.memory_space<hbm>>
        tpu.enqueue_indirect_dma source(%dma_start3A_179 : memref<10000x128xf32, #tpu.memory_space<hbm>>) target(%arg10 : memref<128x128xf32, #tpu.memory_space<vmem>>) offsets(%dma_start3A_176 : memref<128xi32, #tpu.memory_space<vmem>>) semaphore(%arg15 : memref<!tpu.dma_semaphore, #tpu.memory_space<semaphore_mem>>)
      } else {
      }
      tpu.wait_dma2 semaphore(%arg16 : memref<!tpu.dma_semaphore, #tpu.memory_space<semaphore_mem>>) src(%arg5 : memref<128x128xf32, #tpu.memory_space<hbm>>) dst(%arg11 : memref<128x128xf32, #tpu.memory_space<vmem>>)
      %dma_wait3A_157 = arith.constant 0 : i32
      %dma_wait3A_158 = arith.constant 0 : i32
      %dma_wait3A_159 = tpu.memref_slice %arg4[%add3A, %dma_wait3A_157, %dma_wait3A_158] : memref<32x80x128xi32, #tpu.memory_space<hbm>> -> memref<1x1x128xi32, #tpu.memory_space<hbm>>
      %dma_wait3A_160 = tpu.memref_squeeze %dma_wait3A_159 : memref<1x1x128xi32, #tpu.memory_space<hbm>> -> memref<1x128xi32, #tpu.memory_space<hbm>>
      %dma_wait3A_161 = arith.constant 0 : i32
      %dma_wait3A_162 = arith.constant 0 : i32
      %dma_wait3A_163 = tpu.memref_slice %arg4[%add3A, %dma_wait3A_161, %dma_wait3A_162] : memref<32x80x128xi32, #tpu.memory_space<hbm>> -> memref<1x1x128xi32, #tpu.memory_space<hbm>>
      %dma_wait3A_164 = tpu.memref_squeeze %dma_wait3A_163 : memref<1x1x128xi32, #tpu.memory_space<hbm>> -> memref<1x128xi32, #tpu.memory_space<hbm>>
      tpu.wait_dma2 semaphore(%arg14 : memref<!tpu.dma_semaphore, #tpu.memory_space<semaphore_mem>>) src(%dma_wait3A_164 : memref<1x128xi32, #tpu.memory_space<hbm>>) dst(%arg9 : memref<1x128xi32, #tpu.memory_space<vmem>>)
      %run_scoped3A_165 = arith.constant 0 : i32
      "tpu.region"() ({
        %run_scoped3A_172 = tpu.sem_alloc : memref<!tpu.dma_semaphore, #tpu.memory_space<semaphore_mem>>
        %dma_start3A_173 = arith.constant 0 : i32
        %dma_start3A_174 = tpu.memref_slice %arg9[%run_scoped3A_165, %dma_start3A_173] : memref<1x128xi32, #tpu.memory_space<vmem>> -> memref<1x128xi32, #tpu.memory_space<vmem>>
        %dma_start3A_175 = tpu.memref_squeeze %dma_start3A_174 : memref<1x128xi32, #tpu.memory_space<vmem>> -> memref<128xi32, #tpu.memory_space<vmem>>
        %dma_start3A_176 = arith.constant 0 : i32
        %dma_start3A_177 = arith.constant 0 : i32
        %dma_start3A_178 = tpu.memref_slice %arg12[%dma_start3A_176, %dma_start3A_177] : memref<10240x128xf32, #tpu.memory_space<vmem_shared>> -> memref<10240x128xf32, #tpu.memory_space<vmem_shared>>
        tpu.enqueue_indirect_dma source(%arg11 : memref<128x128xf32, #tpu.memory_space<vmem>>) target(%dma_start3A_178 : memref<10240x128xf32, #tpu.memory_space<vmem_shared>>) offsets(%dma_start3A_175 : memref<128xi32, #tpu.memory_space<vmem>>) semaphore(%run_scoped3A_172 : memref<!tpu.dma_semaphore, #tpu.memory_space<semaphore_mem>>) {add = true}
        %dma_wait3A_179 = arith.constant 0 : i32
        %dma_wait3A_180 = tpu.memref_slice %arg9[%run_scoped3A_165, %dma_wait3A_179] : memref<1x128xi32, #tpu.memory_space<vmem>> -> memref<1x128xi32, #tpu.memory_space<vmem>>
        %dma_wait3A_181 = tpu.memref_squeeze %dma_wait3A_180 : memref<1x128xi32, #tpu.memory_space<vmem>> -> memref<128xi32, #tpu.memory_space<vmem>>
        %dma_wait3A_182 = arith.constant 0 : i32
        %dma_wait3A_183 = arith.constant 0 : i32
        %dma_wait3A_184 = tpu.memref_slice %arg12[%dma_wait3A_182, %dma_wait3A_183] : memref<10240x128xf32, #tpu.memory_space<vmem_shared>> -> memref<10240x128xf32, #tpu.memory_space<vmem_shared>>
        tpu.wait_indirect_dma semaphore(%run_scoped3A_172 : memref<!tpu.dma_semaphore, #tpu.memory_space<semaphore_mem>>) src(%arg11 : memref<128x128xf32, #tpu.memory_space<vmem>>) dst(%dma_wait3A_184 : memref<10240x128xf32, #tpu.memory_space<vmem_shared>>)
        tpu.yield
      }) : () -> ()
      %sub3A_166 = arith.constant 1 : i32
      %sub3A_167 = arith.subi %select_n3A, %sub3A_166 : i32
      %lt3A_168 = arith.cmpi slt, %while3A_125, %sub3A_167 : i32
      %convert_element_type3A_169 = arith.extui %lt3A_168 : i1 to i32
      %cond3A_170 = arith.constant 0 : i32
      %cond3A_171 = arith.cmpi ne, %convert_element_type3A_169, %cond3A_170 : i32
      scf.if %cond3A_171 {
        %add3A_172 = arith.constant 2 : i32
        %add3A_173 = arith.addi %add3A_150, %add3A_172 : i32
        %dma_start3A_174 = arith.constant 0 : i32
        %dma_start3A_175 = tpu.memref_slice %arg4[%add3A, %add3A_173, %dma_start3A_174] : memref<32x80x128xi32, #tpu.memory_space<hbm>> -> memref<1x1x128xi32, #tpu.memory_space<hbm>>
        %dma_start3A_176 = tpu.memref_squeeze %dma_start3A_175 : memref<1x1x128xi32, #tpu.memory_space<hbm>> -> memref<1x128xi32, #tpu.memory_space<hbm>>
        %dma_start3A_177 = arith.constant 0 : i32
        %dma_start3A_178 = tpu.memref_slice %arg4[%add3A, %add3A_173, %dma_start3A_177] : memref<32x80x128xi32, #tpu.memory_space<hbm>> -> memref<1x1x128xi32, #tpu.memory_space<hbm>>
        %dma_start3A_179 = tpu.memref_squeeze %dma_start3A_178 : memref<1x1x128xi32, #tpu.memory_space<hbm>> -> memref<1x128xi32, #tpu.memory_space<hbm>>
        tpu.enqueue_dma source(%dma_start3A_179 : memref<1x128xi32, #tpu.memory_space<hbm>>) target(%arg9 : memref<1x128xi32, #tpu.memory_space<vmem>>) target_semaphore(%arg14 : memref<!tpu.dma_semaphore, #tpu.memory_space<semaphore_mem>>)
      } else {
      }
    }
    %while3A_63 = arith.constant 1 : i32
    scf.for %while3A_125 = %while3A_61 to %while3A_57 step %while3A_63  : i32 {
      %mul3A_126 = arith.constant 2 : i32
      %mul3A_127 = arith.muli %mul3A_126, %while3A_125 : i32
      %add3A_128 = arith.constant 0 : i32
      %add3A_129 = arith.addi %mul3A_127, %add3A_128 : i32
      %add3A_130 = arith.constant 1 : i32
      %add3A_131 = arith.addi %add3A_129, %add3A_130 : i32
      %dma_start3A_132 = arith.constant 0 : i32
      %dma_start3A_133 = tpu.memref_slice %arg7[%add3A_131, %dma_start3A_132] : memref<80x128xi32, #tpu.memory_space<vmem>> -> memref<1x128xi32, #tpu.memory_space<vmem>>
      %dma_start3A_134 = tpu.memref_squeeze %dma_start3A_133 : memref<1x128xi32, #tpu.memory_space<vmem>> -> memref<128xi32, #tpu.memory_space<vmem>>
      %dma_start3A_135 = arith.constant 0 : i32
      %dma_start3A_136 = arith.constant 0 : i32
      %dma_start3A_137 = tpu.memref_slice %arg2[%dma_start3A_135, %dma_start3A_136] : memref<10000x128xf32, #tpu.memory_space<hbm>> -> memref<10000x128xf32, #tpu.memory_space<hbm>>
      tpu.enqueue_indirect_dma source(%dma_start3A_137 : memref<10000x128xf32, #tpu.memory_space<hbm>>) target(%arg11 : memref<128x128xf32, #tpu.memory_space<vmem>>) offsets(%dma_start3A_134 : memref<128xi32, #tpu.memory_space<vmem>>) semaphore(%arg16 : memref<!tpu.dma_semaphore, #tpu.memory_space<semaphore_mem>>)
      tpu.wait_dma2 semaphore(%arg15 : memref<!tpu.dma_semaphore, #tpu.memory_space<semaphore_mem>>) src(%arg5 : memref<128x128xf32, #tpu.memory_space<hbm>>) dst(%arg10 : memref<128x128xf32, #tpu.memory_space<vmem>>)
      %dma_wait3A = arith.constant 0 : i32
      %dma_wait3A_138 = arith.constant 0 : i32
      %dma_wait3A_139 = tpu.memref_slice %arg4[%add3A, %dma_wait3A, %dma_wait3A_138] : memref<32x80x128xi32, #tpu.memory_space<hbm>> -> memref<1x1x128xi32, #tpu.memory_space<hbm>>
      %dma_wait3A_140 = tpu.memref_squeeze %dma_wait3A_139 : memref<1x1x128xi32, #tpu.memory_space<hbm>> -> memref<1x128xi32, #tpu.memory_space<hbm>>
      %dma_wait3A_141 = arith.constant 0 : i32
      %dma_wait3A_142 = arith.constant 0 : i32
      %dma_wait3A_143 = tpu.memref_slice %arg4[%add3A, %dma_wait3A_141, %dma_wait3A_142] : memref<32x80x128xi32, #tpu.memory_space<hbm>> -> memref<1x1x128xi32, #tpu.memory_space<hbm>>
      %dma_wait3A_144 = tpu.memref_squeeze %dma_wait3A_143 : memref<1x1x128xi32, #tpu.memory_space<hbm>> -> memref<1x128xi32, #tpu.memory_space<hbm>>
      tpu.wait_dma2 semaphore(%arg13 : memref<!tpu.dma_semaphore, #tpu.memory_space<semaphore_mem>>) src(%dma_wait3A_144 : memref<1x128xi32, #tpu.memory_space<hbm>>) dst(%arg8 : memref<1x128xi32, #tpu.memory_space<vmem>>)
      %run_scoped3A = arith.constant 0 : i32
      "tpu.region"() ({
        %run_scoped3A_172 = tpu.sem_alloc : memref<!tpu.dma_semaphore, #tpu.memory_space<semaphore_mem>>
        %dma_start3A_173 = arith.constant 0 : i32
        %dma_start3A_174 = tpu.memref_slice %arg8[%run_scoped3A, %dma_start3A_173] : memref<1x128xi32, #tpu.memory_space<vmem>> -> memref<1x128xi32, #tpu.memory_space<vmem>>
        %dma_start3A_175 = tpu.memref_squeeze %dma_start3A_174 : memref<1x128xi32, #tpu.memory_space<vmem>> -> memref<128xi32, #tpu.memory_space<vmem>>
        %dma_start3A_176 = arith.constant 0 : i32
        %dma_start3A_177 = arith.constant 0 : i32
        %dma_start3A_178 = tpu.memref_slice %arg12[%dma_start3A_176, %dma_start3A_177] : memref<10240x128xf32, #tpu.memory_space<vmem_shared>> -> memref<10240x128xf32, #tpu.memory_space<vmem_shared>>
        tpu.enqueue_indirect_dma source(%arg10 : memref<128x128xf32, #tpu.memory_space<vmem>>) target(%dma_start3A_178 : memref<10240x128xf32, #tpu.memory_space<vmem_shared>>) offsets(%dma_start3A_175 : memref<128xi32, #tpu.memory_space<vmem>>) semaphore(%run_scoped3A_172 : memref<!tpu.dma_semaphore, #tpu.memory_space<semaphore_mem>>) {add = true}
        %dma_wait3A_179 = arith.constant 0 : i32
        %dma_wait3A_180 = tpu.memref_slice %arg8[%run_scoped3A, %dma_wait3A_179] : memref<1x128xi32, #tpu.memory_space<vmem>> -> memref<1x128xi32, #tpu.memory_space<vmem>>
        %dma_wait3A_181 = tpu.memref_squeeze %dma_wait3A_180 : memref<1x128xi32, #tpu.memory_space<vmem>> -> memref<128xi32, #tpu.memory_space<vmem>>
        %dma_wait3A_182 = arith.constant 0 : i32
        %dma_wait3A_183 = arith.constant 0 : i32
        %dma_wait3A_184 = tpu.memref_slice %arg12[%dma_wait3A_182, %dma_wait3A_183] : memref<10240x128xf32, #tpu.memory_space<vmem_shared>> -> memref<10240x128xf32, #tpu.memory_space<vmem_shared>>
        tpu.wait_indirect_dma semaphore(%run_scoped3A_172 : memref<!tpu.dma_semaphore, #tpu.memory_space<semaphore_mem>>) src(%arg10 : memref<128x128xf32, #tpu.memory_space<vmem>>) dst(%dma_wait3A_184 : memref<10240x128xf32, #tpu.memory_space<vmem_shared>>)
        tpu.yield
      }) : () -> ()
      %sub3A = arith.constant 1 : i32
      %sub3A_145 = arith.subi %select_n3A, %sub3A : i32
      %lt3A = arith.cmpi slt, %while3A_125, %sub3A_145 : i32
      %convert_element_type3A = arith.extui %lt3A : i1 to i32
      %cond3A = arith.constant 0 : i32
      %cond3A_146 = arith.cmpi ne, %convert_element_type3A, %cond3A : i32
      scf.if %cond3A_146 {
        %add3A_172 = arith.constant 2 : i32
        %add3A_173 = arith.addi %add3A_129, %add3A_172 : i32
        %dma_start3A_174 = arith.constant 0 : i32
        %dma_start3A_175 = tpu.memref_slice %arg4[%add3A, %add3A_173, %dma_start3A_174] : memref<32x80x128xi32, #tpu.memory_space<hbm>> -> memref<1x1x128xi32, #tpu.memory_space<hbm>>
        %dma_start3A_176 = tpu.memref_squeeze %dma_start3A_175 : memref<1x1x128xi32, #tpu.memory_space<hbm>> -> memref<1x128xi32, #tpu.memory_space<hbm>>
        %dma_start3A_177 = arith.constant 0 : i32
        %dma_start3A_178 = tpu.memref_slice %arg4[%add3A, %add3A_173, %dma_start3A_177] : memref<32x80x128xi32, #tpu.memory_space<hbm>> -> memref<1x1x128xi32, #tpu.memory_space<hbm>>
        %dma_start3A_179 = tpu.memref_squeeze %dma_start3A_178 : memref<1x1x128xi32, #tpu.memory_space<hbm>> -> memref<1x128xi32, #tpu.memory_space<hbm>>
        tpu.enqueue_dma source(%dma_start3A_179 : memref<1x128xi32, #tpu.memory_space<hbm>>) target(%arg8 : memref<1x128xi32, #tpu.memory_space<vmem>>) target_semaphore(%arg13 : memref<!tpu.dma_semaphore, #tpu.memory_space<semaphore_mem>>)
      } else {
      }
      %mul3A_147 = arith.constant 2 : i32
      %mul3A_148 = arith.muli %mul3A_147, %while3A_125 : i32
      %add3A_149 = arith.constant 1 : i32
      %add3A_150 = arith.addi %mul3A_148, %add3A_149 : i32
      %sub3A_151 = arith.constant 1 : i32
      %sub3A_152 = arith.subi %select_n3A, %sub3A_151 : i32
      %lt3A_153 = arith.cmpi slt, %while3A_125, %sub3A_152 : i32
      %convert_element_type3A_154 = arith.extui %lt3A_153 : i1 to i32
      %cond3A_155 = arith.constant 0 : i32
      %cond3A_156 = arith.cmpi ne, %convert_element_type3A_154, %cond3A_155 : i32
      scf.if %cond3A_156 {
        %add3A_172 = arith.constant 1 : i32
        %add3A_173 = arith.addi %add3A_150, %add3A_172 : i32
        %dma_start3A_174 = arith.constant 0 : i32
        %dma_start3A_175 = tpu.memref_slice %arg7[%add3A_173, %dma_start3A_174] : memref<80x128xi32, #tpu.memory_space<vmem>> -> memref<1x128xi32, #tpu.memory_space<vmem>>
        %dma_start3A_176 = tpu.memref_squeeze %dma_start3A_175 : memref<1x128xi32, #tpu.memory_space<vmem>> -> memref<128xi32, #tpu.memory_space<vmem>>
        %dma_start3A_177 = arith.constant 0 : i32
        %dma_start3A_178 = arith.constant 0 : i32
        %dma_start3A_179 = tpu.memref_slice %arg2[%dma_start3A_177, %dma_start3A_178] : memref<10000x128xf32, #tpu.memory_space<hbm>> -> memref<10000x128xf32, #tpu.memory_space<hbm>>
        tpu.enqueue_indirect_dma source(%dma_start3A_179 : memref<10000x128xf32, #tpu.memory_space<hbm>>) target(%arg10 : memref<128x128xf32, #tpu.memory_space<vmem>>) offsets(%dma_start3A_176 : memref<128xi32, #tpu.memory_space<vmem>>) semaphore(%arg15 : memref<!tpu.dma_semaphore, #tpu.memory_space<semaphore_mem>>)
      } else {
      }
      tpu.wait_dma2 semaphore(%arg16 : memref<!tpu.dma_semaphore, #tpu.memory_space<semaphore_mem>>) src(%arg5 : memref<128x128xf32, #tpu.memory_space<hbm>>) dst(%arg11 : memref<128x128xf32, #tpu.memory_space<vmem>>)
      %dma_wait3A_157 = arith.constant 0 : i32
      %dma_wait3A_158 = arith.constant 0 : i32
      %dma_wait3A_159 = tpu.memref_slice %arg4[%add3A, %dma_wait3A_157, %dma_wait3A_158] : memref<32x80x128xi32, #tpu.memory_space<hbm>> -> memref<1x1x128xi32, #tpu.memory_space<hbm>>
      %dma_wait3A_160 = tpu.memref_squeeze %dma_wait3A_159 : memref<1x1x128xi32, #tpu.memory_space<hbm>> -> memref<1x128xi32, #tpu.memory_space<hbm>>
      %dma_wait3A_161 = arith.constant 0 : i32
      %dma_wait3A_162 = arith.constant 0 : i32
      %dma_wait3A_163 = tpu.memref_slice %arg4[%add3A, %dma_wait3A_161, %dma_wait3A_162] : memref<32x80x128xi32, #tpu.memory_space<hbm>> -> memref<1x1x128xi32, #tpu.memory_space<hbm>>
      %dma_wait3A_164 = tpu.memref_squeeze %dma_wait3A_163 : memref<1x1x128xi32, #tpu.memory_space<hbm>> -> memref<1x128xi32, #tpu.memory_space<hbm>>
      tpu.wait_dma2 semaphore(%arg14 : memref<!tpu.dma_semaphore, #tpu.memory_space<semaphore_mem>>) src(%dma_wait3A_164 : memref<1x128xi32, #tpu.memory_space<hbm>>) dst(%arg9 : memref<1x128xi32, #tpu.memory_space<vmem>>)
      %run_scoped3A_165 = arith.constant 0 : i32
      "tpu.region"() ({
        %run_scoped3A_172 = tpu.sem_alloc : memref<!tpu.dma_semaphore, #tpu.memory_space<semaphore_mem>>
        %dma_start3A_173 = arith.constant 0 : i32
        %dma_start3A_174 = tpu.memref_slice %arg9[%run_scoped3A_165, %dma_start3A_173] : memref<1x128xi32, #tpu.memory_space<vmem>> -> memref<1x128xi32, #tpu.memory_space<vmem>>
        %dma_start3A_175 = tpu.memref_squeeze %dma_start3A_174 : memref<1x128xi32, #tpu.memory_space<vmem>> -> memref<128xi32, #tpu.memory_space<vmem>>
        %dma_start3A_176 = arith.constant 0 : i32
        %dma_start3A_177 = arith.constant 0 : i32
        %dma_start3A_178 = tpu.memref_slice %arg12[%dma_start3A_176, %dma_start3A_177] : memref<10240x128xf32, #tpu.memory_space<vmem_shared>> -> memref<10240x128xf32, #tpu.memory_space<vmem_shared>>
        tpu.enqueue_indirect_dma source(%arg11 : memref<128x128xf32, #tpu.memory_space<vmem>>) target(%dma_start3A_178 : memref<10240x128xf32, #tpu.memory_space<vmem_shared>>) offsets(%dma_start3A_175 : memref<128xi32, #tpu.memory_space<vmem>>) semaphore(%run_scoped3A_172 : memref<!tpu.dma_semaphore, #tpu.memory_space<semaphore_mem>>) {add = true}
        %dma_wait3A_179 = arith.constant 0 : i32
        %dma_wait3A_180 = tpu.memref_slice %arg9[%run_scoped3A_165, %dma_wait3A_179] : memref<1x128xi32, #tpu.memory_space<vmem>> -> memref<1x128xi32, #tpu.memory_space<vmem>>
        %dma_wait3A_181 = tpu.memref_squeeze %dma_wait3A_180 : memref<1x128xi32, #tpu.memory_space<vmem>> -> memref<128xi32, #tpu.memory_space<vmem>>
        %dma_wait3A_182 = arith.constant 0 : i32
        %dma_wait3A_183 = arith.constant 0 : i32
        %dma_wait3A_184 = tpu.memref_slice %arg12[%dma_wait3A_182, %dma_wait3A_183] : memref<10240x128xf32, #tpu.memory_space<vmem_shared>> -> memref<10240x128xf32, #tpu.memory_space<vmem_shared>>
        tpu.wait_indirect_dma semaphore(%run_scoped3A_172 : memref<!tpu.dma_semaphore, #tpu.memory_space<semaphore_mem>>) src(%arg11 : memref<128x128xf32, #tpu.memory_space<vmem>>) dst(%dma_wait3A_184 : memref<10240x128xf32, #tpu.memory_space<vmem_shared>>)
        tpu.yield
      }) : () -> ()
      %sub3A_166 = arith.constant 1 : i32
      %sub3A_167 = arith.subi %select_n3A, %sub3A_166 : i32
      %lt3A_168 = arith.cmpi slt, %while3A_125, %sub3A_167 : i32
      %convert_element_type3A_169 = arith.extui %lt3A_168 : i1 to i32
      %cond3A_170 = arith.constant 0 : i32
      %cond3A_171 = arith.cmpi ne, %convert_element_type3A_169, %cond3A_170 : i32
      scf.if %cond3A_171 {
        %add3A_172 = arith.constant 2 : i32
        %add3A_173 = arith.addi %add3A_150, %add3A_172 : i32
        %dma_start3A_174 = arith.constant 0 : i32
        %dma_start3A_175 = tpu.memref_slice %arg4[%add3A, %add3A_173, %dma_start3A_174] : memref<32x80x128xi32, #tpu.memory_space<hbm>> -> memref<1x1x128xi32, #tpu.memory_space<hbm>>
        %dma_start3A_176 = tpu.memref_squeeze %dma_start3A_175 : memref<1x1x128xi32, #tpu.memory_space<hbm>> -> memref<1x128xi32, #tpu.memory_space<hbm>>
        %dma_start3A_177 = arith.constant 0 : i32
        %dma_start3A_178 = tpu.memref_slice %arg4[%add3A, %add3A_173, %dma_start3A_177] : memref<32x80x128xi32, #tpu.memory_space<hbm>> -> memref<1x1x128xi32, #tpu.memory_space<hbm>>
        %dma_start3A_179 = tpu.memref_squeeze %dma_start3A_178 : memref<1x1x128xi32, #tpu.memory_space<hbm>> -> memref<1x128xi32, #tpu.memory_space<hbm>>
        tpu.enqueue_dma source(%dma_start3A_179 : memref<1x128xi32, #tpu.memory_space<hbm>>) target(%arg9 : memref<1x128xi32, #tpu.memory_space<vmem>>) target_semaphore(%arg14 : memref<!tpu.dma_semaphore, #tpu.memory_space<semaphore_mem>>)
      } else {
      }
    }
    %barrier3A_64 = arith.constant 0 : index
    tpu.barrier barrier_id(%barrier3A_64)
    %mul3A_65 = arith.constant 5 : i32
    %mul3A_66 = arith.muli %arg1, %mul3A_65 : i32
    %add3A_67 = arith.constant 0 : i32
    %add3A_68 = arith.addi %mul3A_66, %add3A_67 : i32
    %mul3A_69 = arith.constant 128 : i32
    %mul3A_70 = arith.muli %add3A_68, %mul3A_69 : i32
    "tpu.region"() ({
      %run_scoped3A = tpu.sem_alloc : memref<!tpu.dma_semaphore, #tpu.memory_space<semaphore_mem>>
      %dma_start3A_125 = arith.constant 0 : i32
      %dma_start3A_126 = tpu.memref_slice %arg12[%mul3A_70, %dma_start3A_125] : memref<10240x128xf32, #tpu.memory_space<vmem_shared>> -> memref<128x128xf32, #tpu.memory_space<vmem_shared>>
      %dma_start3A_127 = arith.constant 0 : i32
      %dma_start3A_128 = tpu.memref_slice %arg12[%mul3A_70, %dma_start3A_127] : memref<10240x128xf32, #tpu.memory_space<vmem_shared>> -> memref<128x128xf32, #tpu.memory_space<vmem_shared>>
      tpu.enqueue_dma source(%dma_start3A_128 : memref<128x128xf32, #tpu.memory_space<vmem_shared>>) target(%arg10 : memref<128x128xf32, #tpu.memory_space<vmem>>) target_semaphore(%run_scoped3A : memref<!tpu.dma_semaphore, #tpu.memory_space<semaphore_mem>>)
      %dma_wait3A = arith.constant 0 : i32
      %dma_wait3A_129 = tpu.memref_slice %arg12[%mul3A_70, %dma_wait3A] : memref<10240x128xf32, #tpu.memory_space<vmem_shared>> -> memref<128x128xf32, #tpu.memory_space<vmem_shared>>
      %dma_wait3A_130 = arith.constant 0 : i32
      %dma_wait3A_131 = tpu.memref_slice %arg12[%mul3A_70, %dma_wait3A_130] : memref<10240x128xf32, #tpu.memory_space<vmem_shared>> -> memref<128x128xf32, #tpu.memory_space<vmem_shared>>
      tpu.wait_dma2 semaphore(%run_scoped3A : memref<!tpu.dma_semaphore, #tpu.memory_space<semaphore_mem>>) src(%dma_wait3A_131 : memref<128x128xf32, #tpu.memory_space<vmem_shared>>) dst(%arg10 : memref<128x128xf32, #tpu.memory_space<vmem>>)
      tpu.yield
    }) : () -> ()
    %dma_start3A_71 = arith.constant 0 : i32
    %dma_start3A_72 = tpu.memref_slice %arg6[%arg0, %mul3A_70, %dma_start3A_71] : memref<2x10240x128xf32, #tpu.memory_space<hbm>> -> memref<1x128x128xf32, #tpu.memory_space<hbm>>
    %dma_start3A_73 = tpu.memref_squeeze %dma_start3A_72 : memref<1x128x128xf32, #tpu.memory_space<hbm>> -> memref<128x128xf32, #tpu.memory_space<hbm>>
    %dma_start3A_74 = arith.constant 0 : i32
    %dma_start3A_75 = tpu.memref_slice %arg6[%arg0, %mul3A_70, %dma_start3A_74] : memref<2x10240x128xf32, #tpu.memory_space<hbm>> -> memref<1x128x128xf32, #tpu.memory_space<hbm>>
    %dma_start3A_76 = tpu.memref_squeeze %dma_start3A_75 : memref<1x128x128xf32, #tpu.memory_space<hbm>> -> memref<128x128xf32, #tpu.memory_space<hbm>>
    tpu.enqueue_dma source(%arg10 : memref<128x128xf32, #tpu.memory_space<vmem>>) target(%dma_start3A_76 : memref<128x128xf32, #tpu.memory_space<hbm>>) target_semaphore(%arg15 : memref<!tpu.dma_semaphore, #tpu.memory_space<semaphore_mem>>)
    %mul3A_77 = arith.constant 5 : i32
    %mul3A_78 = arith.muli %arg1, %mul3A_77 : i32
    %add3A_79 = arith.constant 1 : i32
    %add3A_80 = arith.addi %mul3A_78, %add3A_79 : i32
    %mul3A_81 = arith.constant 128 : i32
    %mul3A_82 = arith.muli %add3A_80, %mul3A_81 : i32
    "tpu.region"() ({
      %run_scoped3A = tpu.sem_alloc : memref<!tpu.dma_semaphore, #tpu.memory_space<semaphore_mem>>
      %dma_start3A_125 = arith.constant 0 : i32
      %dma_start3A_126 = tpu.memref_slice %arg12[%mul3A_82, %dma_start3A_125] : memref<10240x128xf32, #tpu.memory_space<vmem_shared>> -> memref<128x128xf32, #tpu.memory_space<vmem_shared>>
      %dma_start3A_127 = arith.constant 0 : i32
      %dma_start3A_128 = tpu.memref_slice %arg12[%mul3A_82, %dma_start3A_127] : memref<10240x128xf32, #tpu.memory_space<vmem_shared>> -> memref<128x128xf32, #tpu.memory_space<vmem_shared>>
      tpu.enqueue_dma source(%dma_start3A_128 : memref<128x128xf32, #tpu.memory_space<vmem_shared>>) target(%arg11 : memref<128x128xf32, #tpu.memory_space<vmem>>) target_semaphore(%run_scoped3A : memref<!tpu.dma_semaphore, #tpu.memory_space<semaphore_mem>>)
      %dma_wait3A = arith.constant 0 : i32
      %dma_wait3A_129 = tpu.memref_slice %arg12[%mul3A_82, %dma_wait3A] : memref<10240x128xf32, #tpu.memory_space<vmem_shared>> -> memref<128x128xf32, #tpu.memory_space<vmem_shared>>
      %dma_wait3A_130 = arith.constant 0 : i32
      %dma_wait3A_131 = tpu.memref_slice %arg12[%mul3A_82, %dma_wait3A_130] : memref<10240x128xf32, #tpu.memory_space<vmem_shared>> -> memref<128x128xf32, #tpu.memory_space<vmem_shared>>
      tpu.wait_dma2 semaphore(%run_scoped3A : memref<!tpu.dma_semaphore, #tpu.memory_space<semaphore_mem>>) src(%dma_wait3A_131 : memref<128x128xf32, #tpu.memory_space<vmem_shared>>) dst(%arg11 : memref<128x128xf32, #tpu.memory_space<vmem>>)
      tpu.yield
    }) : () -> ()
    %dma_start3A_83 = arith.constant 0 : i32
    %dma_start3A_84 = tpu.memref_slice %arg6[%arg0, %mul3A_82, %dma_start3A_83] : memref<2x10240x128xf32, #tpu.memory_space<hbm>> -> memref<1x128x128xf32, #tpu.memory_space<hbm>>
    %dma_start3A_85 = tpu.memref_squeeze %dma_start3A_84 : memref<1x128x128xf32, #tpu.memory_space<hbm>> -> memref<128x128xf32, #tpu.memory_space<hbm>>
    %dma_start3A_86 = arith.constant 0 : i32
    %dma_start3A_87 = tpu.memref_slice %arg6[%arg0, %mul3A_82, %dma_start3A_86] : memref<2x10240x128xf32, #tpu.memory_space<hbm>> -> memref<1x128x128xf32, #tpu.memory_space<hbm>>
    %dma_start3A_88 = tpu.memref_squeeze %dma_start3A_87 : memref<1x128x128xf32, #tpu.memory_space<hbm>> -> memref<128x128xf32, #tpu.memory_space<hbm>>
    tpu.enqueue_dma source(%arg11 : memref<128x128xf32, #tpu.memory_space<vmem>>) target(%dma_start3A_88 : memref<128x128xf32, #tpu.memory_space<hbm>>) target_semaphore(%arg16 : memref<!tpu.dma_semaphore, #tpu.memory_space<semaphore_mem>>)
    tpu.wait_dma2 semaphore(%arg15 : memref<!tpu.dma_semaphore, #tpu.memory_space<semaphore_mem>>) src(%arg5 : memref<128x128xf32, #tpu.memory_space<hbm>>) dst(%arg10 : memref<128x128xf32, #tpu.memory_space<vmem>>)
    %mul3A_89 = arith.constant 5 : i32
    %mul3A_90 = arith.muli %arg1, %mul3A_89 : i32
    %add3A_91 = arith.constant 2 : i32
    %add3A_92 = arith.addi %mul3A_90, %add3A_91 : i32
    %mul3A_93 = arith.constant 128 : i32
    %mul3A_94 = arith.muli %add3A_92, %mul3A_93 : i32
    "tpu.region"() ({
      %run_scoped3A = tpu.sem_alloc : memref<!tpu.dma_semaphore, #tpu.memory_space<semaphore_mem>>
      %dma_start3A_125 = arith.constant 0 : i32
      %dma_start3A_126 = tpu.memref_slice %arg12[%mul3A_94, %dma_start3A_125] : memref<10240x128xf32, #tpu.memory_space<vmem_shared>> -> memref<128x128xf32, #tpu.memory_space<vmem_shared>>
      %dma_start3A_127 = arith.constant 0 : i32
      %dma_start3A_128 = tpu.memref_slice %arg12[%mul3A_94, %dma_start3A_127] : memref<10240x128xf32, #tpu.memory_space<vmem_shared>> -> memref<128x128xf32, #tpu.memory_space<vmem_shared>>
      tpu.enqueue_dma source(%dma_start3A_128 : memref<128x128xf32, #tpu.memory_space<vmem_shared>>) target(%arg10 : memref<128x128xf32, #tpu.memory_space<vmem>>) target_semaphore(%run_scoped3A : memref<!tpu.dma_semaphore, #tpu.memory_space<semaphore_mem>>)
      %dma_wait3A = arith.constant 0 : i32
      %dma_wait3A_129 = tpu.memref_slice %arg12[%mul3A_94, %dma_wait3A] : memref<10240x128xf32, #tpu.memory_space<vmem_shared>> -> memref<128x128xf32, #tpu.memory_space<vmem_shared>>
      %dma_wait3A_130 = arith.constant 0 : i32
      %dma_wait3A_131 = tpu.memref_slice %arg12[%mul3A_94, %dma_wait3A_130] : memref<10240x128xf32, #tpu.memory_space<vmem_shared>> -> memref<128x128xf32, #tpu.memory_space<vmem_shared>>
      tpu.wait_dma2 semaphore(%run_scoped3A : memref<!tpu.dma_semaphore, #tpu.memory_space<semaphore_mem>>) src(%dma_wait3A_131 : memref<128x128xf32, #tpu.memory_space<vmem_shared>>) dst(%arg10 : memref<128x128xf32, #tpu.memory_space<vmem>>)
      tpu.yield
    }) : () -> ()
    %dma_start3A_95 = arith.constant 0 : i32
    %dma_start3A_96 = tpu.memref_slice %arg6[%arg0, %mul3A_94, %dma_start3A_95] : memref<2x10240x128xf32, #tpu.memory_space<hbm>> -> memref<1x128x128xf32, #tpu.memory_space<hbm>>
    %dma_start3A_97 = tpu.memref_squeeze %dma_start3A_96 : memref<1x128x128xf32, #tpu.memory_space<hbm>> -> memref<128x128xf32, #tpu.memory_space<hbm>>
    %dma_start3A_98 = arith.constant 0 : i32
    %dma_start3A_99 = tpu.memref_slice %arg6[%arg0, %mul3A_94, %dma_start3A_98] : memref<2x10240x128xf32, #tpu.memory_space<hbm>> -> memref<1x128x128xf32, #tpu.memory_space<hbm>>
    %dma_start3A_100 = tpu.memref_squeeze %dma_start3A_99 : memref<1x128x128xf32, #tpu.memory_space<hbm>> -> memref<128x128xf32, #tpu.memory_space<hbm>>
    tpu.enqueue_dma source(%arg10 : memref<128x128xf32, #tpu.memory_space<vmem>>) target(%dma_start3A_100 : memref<128x128xf32, #tpu.memory_space<hbm>>) target_semaphore(%arg15 : memref<!tpu.dma_semaphore, #tpu.memory_space<semaphore_mem>>)
    tpu.wait_dma2 semaphore(%arg16 : memref<!tpu.dma_semaphore, #tpu.memory_space<semaphore_mem>>) src(%arg5 : memref<128x128xf32, #tpu.memory_space<hbm>>) dst(%arg11 : memref<128x128xf32, #tpu.memory_space<vmem>>)
    %mul3A_101 = arith.constant 5 : i32
    %mul3A_102 = arith.muli %arg1, %mul3A_101 : i32
    %add3A_103 = arith.constant 3 : i32
    %add3A_104 = arith.addi %mul3A_102, %add3A_103 : i32
    %mul3A_105 = arith.constant 128 : i32
    %mul3A_106 = arith.muli %add3A_104, %mul3A_105 : i32
    "tpu.region"() ({
      %run_scoped3A = tpu.sem_alloc : memref<!tpu.dma_semaphore, #tpu.memory_space<semaphore_mem>>
      %dma_start3A_125 = arith.constant 0 : i32
      %dma_start3A_126 = tpu.memref_slice %arg12[%mul3A_106, %dma_start3A_125] : memref<10240x128xf32, #tpu.memory_space<vmem_shared>> -> memref<128x128xf32, #tpu.memory_space<vmem_shared>>
      %dma_start3A_127 = arith.constant 0 : i32
      %dma_start3A_128 = tpu.memref_slice %arg12[%mul3A_106, %dma_start3A_127] : memref<10240x128xf32, #tpu.memory_space<vmem_shared>> -> memref<128x128xf32, #tpu.memory_space<vmem_shared>>
      tpu.enqueue_dma source(%dma_start3A_128 : memref<128x128xf32, #tpu.memory_space<vmem_shared>>) target(%arg11 : memref<128x128xf32, #tpu.memory_space<vmem>>) target_semaphore(%run_scoped3A : memref<!tpu.dma_semaphore, #tpu.memory_space<semaphore_mem>>)
      %dma_wait3A = arith.constant 0 : i32
      %dma_wait3A_129 = tpu.memref_slice %arg12[%mul3A_106, %dma_wait3A] : memref<10240x128xf32, #tpu.memory_space<vmem_shared>> -> memref<128x128xf32, #tpu.memory_space<vmem_shared>>
      %dma_wait3A_130 = arith.constant 0 : i32
      %dma_wait3A_131 = tpu.memref_slice %arg12[%mul3A_106, %dma_wait3A_130] : memref<10240x128xf32, #tpu.memory_space<vmem_shared>> -> memref<128x128xf32, #tpu.memory_space<vmem_shared>>
      tpu.wait_dma2 semaphore(%run_scoped3A : memref<!tpu.dma_semaphore, #tpu.memory_space<semaphore_mem>>) src(%dma_wait3A_131 : memref<128x128xf32, #tpu.memory_space<vmem_shared>>) dst(%arg11 : memref<128x128xf32, #tpu.memory_space<vmem>>)
      tpu.yield
    }) : () -> ()
    %dma_start3A_107 = arith.constant 0 : i32
    %dma_start3A_108 = tpu.memref_slice %arg6[%arg0, %mul3A_106, %dma_start3A_107] : memref<2x10240x128xf32, #tpu.memory_space<hbm>> -> memref<1x128x128xf32, #tpu.memory_space<hbm>>
    %dma_start3A_109 = tpu.memref_squeeze %dma_start3A_108 : memref<1x128x128xf32, #tpu.memory_space<hbm>> -> memref<128x128xf32, #tpu.memory_space<hbm>>
    %dma_start3A_110 = arith.constant 0 : i32
    %dma_start3A_111 = tpu.memref_slice %arg6[%arg0, %mul3A_106, %dma_start3A_110] : memref<2x10240x128xf32, #tpu.memory_space<hbm>> -> memref<1x128x128xf32, #tpu.memory_space<hbm>>
    %dma_start3A_112 = tpu.memref_squeeze %dma_start3A_111 : memref<1x128x128xf32, #tpu.memory_space<hbm>> -> memref<128x128xf32, #tpu.memory_space<hbm>>
    tpu.enqueue_dma source(%arg11 : memref<128x128xf32, #tpu.memory_space<vmem>>) target(%dma_start3A_112 : memref<128x128xf32, #tpu.memory_space<hbm>>) target_semaphore(%arg16 : memref<!tpu.dma_semaphore, #tpu.memory_space<semaphore_mem>>)
    tpu.wait_dma2 semaphore(%arg15 : memref<!tpu.dma_semaphore, #tpu.memory_space<semaphore_mem>>) src(%arg5 : memref<128x128xf32, #tpu.memory_space<hbm>>) dst(%arg10 : memref<128x128xf32, #tpu.memory_space<vmem>>)
    %mul3A_113 = arith.constant 5 : i32
    %mul3A_114 = arith.muli %arg1, %mul3A_113 : i32
    %add3A_115 = arith.constant 4 : i32
    %add3A_116 = arith.addi %mul3A_114, %add3A_115 : i32
    %mul3A_117 = arith.constant 128 : i32
    %mul3A_118 = arith.muli %add3A_116, %mul3A_117 : i32
    "tpu.region"() ({
      %run_scoped3A = tpu.sem_alloc : memref<!tpu.dma_semaphore, #tpu.memory_space<semaphore_mem>>
      %dma_start3A_125 = arith.constant 0 : i32
      %dma_start3A_126 = tpu.memref_slice %arg12[%mul3A_118, %dma_start3A_125] : memref<10240x128xf32, #tpu.memory_space<vmem_shared>> -> memref<128x128xf32, #tpu.memory_space<vmem_shared>>
      %dma_start3A_127 = arith.constant 0 : i32
      %dma_start3A_128 = tpu.memref_slice %arg12[%mul3A_118, %dma_start3A_127] : memref<10240x128xf32, #tpu.memory_space<vmem_shared>> -> memref<128x128xf32, #tpu.memory_space<vmem_shared>>
      tpu.enqueue_dma source(%dma_start3A_128 : memref<128x128xf32, #tpu.memory_space<vmem_shared>>) target(%arg10 : memref<128x128xf32, #tpu.memory_space<vmem>>) target_semaphore(%run_scoped3A : memref<!tpu.dma_semaphore, #tpu.memory_space<semaphore_mem>>)
      %dma_wait3A = arith.constant 0 : i32
      %dma_wait3A_129 = tpu.memref_slice %arg12[%mul3A_118, %dma_wait3A] : memref<10240x128xf32, #tpu.memory_space<vmem_shared>> -> memref<128x128xf32, #tpu.memory_space<vmem_shared>>
      %dma_wait3A_130 = arith.constant 0 : i32
      %dma_wait3A_131 = tpu.memref_slice %arg12[%mul3A_118, %dma_wait3A_130] : memref<10240x128xf32, #tpu.memory_space<vmem_shared>> -> memref<128x128xf32, #tpu.memory_space<vmem_shared>>
      tpu.wait_dma2 semaphore(%run_scoped3A : memref<!tpu.dma_semaphore, #tpu.memory_space<semaphore_mem>>) src(%dma_wait3A_131 : memref<128x128xf32, #tpu.memory_space<vmem_shared>>) dst(%arg10 : memref<128x128xf32, #tpu.memory_space<vmem>>)
      tpu.yield
    }) : () -> ()
    %dma_start3A_119 = arith.constant 0 : i32
    %dma_start3A_120 = tpu.memref_slice %arg6[%arg0, %mul3A_118, %dma_start3A_119] : memref<2x10240x128xf32, #tpu.memory_space<hbm>> -> memref<1x128x128xf32, #tpu.memory_space<hbm>>
    %dma_start3A_121 = tpu.memref_squeeze %dma_start3A_120 : memref<1x128x128xf32, #tpu.memory_space<hbm>> -> memref<128x128xf32, #tpu.memory_space<hbm>>
    %dma_start3A_122 = arith.constant 0 : i32
    %dma_start3A_123 = tpu.memref_slice %arg6[%arg0, %mul3A_118, %dma_start3A_122] : memref<2x10240x128xf32, #tpu.memory_space<hbm>> -> memref<1x128x128xf32, #tpu.memory_space<hbm>>
    %dma_start3A_124 = tpu.memref_squeeze %dma_start3A_123 : memref<1x128x128xf32, #tpu.memory_space<hbm>> -> memref<128x128xf32, #tpu.memory_space<hbm>>
    tpu.enqueue_dma source(%arg10 : memref<128x128xf32, #tpu.memory_space<vmem>>) target(%dma_start3A_124 : memref<128x128xf32, #tpu.memory_space<hbm>>) target_semaphore(%arg15 : memref<!tpu.dma_semaphore, #tpu.memory_space<semaphore_mem>>)
    tpu.wait_dma2 semaphore(%arg16 : memref<!tpu.dma_semaphore, #tpu.memory_space<semaphore_mem>>) src(%arg5 : memref<128x128xf32, #tpu.memory_space<hbm>>) dst(%arg11 : memref<128x128xf32, #tpu.memory_space<vmem>>)
    tpu.wait_dma2 semaphore(%arg15 : memref<!tpu.dma_semaphore, #tpu.memory_space<semaphore_mem>>) src(%arg5 : memref<128x128xf32, #tpu.memory_space<hbm>>) dst(%arg10 : memref<128x128xf32, #tpu.memory_space<vmem>>)
    return
  }
}

module attributes {stable_mosaic.version = 14 : i64} {
  func.func @body(%arg0: memref<10000x128xf32, #tpu.memory_space<vmem>>, %arg1: memref<2x10240x128xf32, #tpu.memory_space<vmem>>, %arg2: memref<2x10240x128xf32, #tpu.memory_space<vmem>>, %arg3: memref<128x128xf32, #tpu.memory_space<vmem>>, %arg4: memref<128x128xf32, #tpu.memory_space<vmem>>, %arg5: memref<1x128xf32, #tpu.memory_space<vmem>>, %arg6: memref<1x128xf32, #tpu.memory_space<vmem>>, %arg7: memref<1x128xf32, #tpu.memory_space<vmem>>, %arg8: memref<10000x128xf32, #tpu.memory_space<vmem>>) attributes {dimension_semantics = [], scalar_prefetch = 0 : i64, scratch_operands = 0 : i64, tpu.core_type = #tpu.core_type<tc>} {
    %get3A = arith.constant 0 : index
    %get3A_0 = arith.constant 0 : index
    %get3A_1 = vector.load %arg0[%get3A, %get3A_0] : memref<10000x128xf32, #tpu.memory_space<vmem>>, vector<10000x128xf32>
    %get3A_2 = arith.constant 0 : index
    %get3A_3 = arith.constant 0 : index
    %get3A_4 = vector.load %arg3[%get3A_2, %get3A_3] : memref<128x128xf32, #tpu.memory_space<vmem>>, vector<128x128xf32>
    %get3A_5 = arith.constant 0 : index
    %get3A_6 = arith.constant 0 : index
    %get3A_7 = vector.load %arg4[%get3A_5, %get3A_6] : memref<128x128xf32, #tpu.memory_space<vmem>>, vector<128x128xf32>
    %get3A_8 = arith.constant 0 : index
    %get3A_9 = arith.constant 0 : index
    %get3A_10 = vector.load %arg5[%get3A_8, %get3A_9] : memref<1x128xf32, #tpu.memory_space<vmem>>, vector<1x128xf32>
    %get3A_11 = arith.constant 0 : index
    %get3A_12 = arith.constant 0 : index
    %get3A_13 = vector.load %arg6[%get3A_11, %get3A_12] : memref<1x128xf32, #tpu.memory_space<vmem>>, vector<1x128xf32>
    %get3A_14 = arith.constant 0 : index
    %get3A_15 = arith.constant 0 : index
    %get3A_16 = vector.load %arg7[%get3A_14, %get3A_15] : memref<1x128xf32, #tpu.memory_space<vmem>>, vector<1x128xf32>
    %get3A_17 = arith.constant 0 : index
    %get3A_18 = arith.constant 0 : index
    %get3A_19 = arith.constant 0 : index
    %get3A_20 = vector.load %arg1[%get3A_17, %get3A_18, %get3A_19] : memref<2x10240x128xf32, #tpu.memory_space<vmem>>, vector<1x10000x128xf32>
    %get3A_21 = vector.shape_cast %get3A_20 : vector<1x10000x128xf32> to vector<10000x128xf32>
    %get3A_22 = arith.constant 1 : index
    %get3A_23 = arith.constant 0 : index
    %get3A_24 = arith.constant 0 : index
    %get3A_25 = vector.load %arg1[%get3A_22, %get3A_23, %get3A_24] : memref<2x10240x128xf32, #tpu.memory_space<vmem>>, vector<1x10000x128xf32>
    %get3A_26 = vector.shape_cast %get3A_25 : vector<1x10000x128xf32> to vector<10000x128xf32>
    %add3A = arith.addf %get3A_21, %get3A_26 : vector<10000x128xf32>
    %get3A_27 = arith.constant 0 : index
    %get3A_28 = arith.constant 0 : index
    %get3A_29 = arith.constant 0 : index
    %get3A_30 = vector.load %arg2[%get3A_27, %get3A_28, %get3A_29] : memref<2x10240x128xf32, #tpu.memory_space<vmem>>, vector<1x10000x1xf32>
    %get3A_31 = vector.shape_cast %get3A_30 : vector<1x10000x1xf32> to vector<10000x1xf32>
    %get3A_32 = arith.constant 1 : index
    %get3A_33 = arith.constant 0 : index
    %get3A_34 = arith.constant 0 : index
    %get3A_35 = vector.load %arg2[%get3A_32, %get3A_33, %get3A_34] : memref<2x10240x128xf32, #tpu.memory_space<vmem>>, vector<1x10000x1xf32>
    %get3A_36 = vector.shape_cast %get3A_35 : vector<1x10000x1xf32> to vector<10000x1xf32>
    %add3A_37 = arith.addf %get3A_31, %get3A_36 : vector<10000x1xf32>
    %max3A = arith.constant 1.000000e+00 : f32
    %max3A_38 = vector.broadcast %max3A : f32 to vector<10000x1xf32>
    %max3A_39 = arith.maximumf %add3A_37, %max3A_38 : vector<10000x1xf32>
    %div3A = vector.broadcast %max3A_39 : vector<10000x1xf32> to vector<10000x128xf32>
    %div3A_40 = arith.divf %add3A, %div3A : vector<10000x128xf32>
    %dot_general3A = arith.constant dense<0.000000e+00> : vector<10000x128xf32>
    %dot_general3A_41 = tpu.matmul %get3A_1, %get3A_4, %dot_general3A {dimension_numbers = #tpu.dot_dimension_numbers<[1], [0], [0], [1], [0, 0, 1, 1], [], []>, transpose_lhs_hint = false} : vector<10000x128xf32>, vector<128x128xf32>, vector<10000x128xf32> -> vector<10000x128xf32>
    %dot_general3A_42 = arith.constant dense<0.000000e+00> : vector<10000x128xf32>
    %dot_general3A_43 = tpu.matmul %div3A_40, %get3A_7, %dot_general3A_42 {dimension_numbers = #tpu.dot_dimension_numbers<[1], [0], [0], [1], [0, 0, 1, 1], [], []>, transpose_lhs_hint = false} : vector<10000x128xf32>, vector<128x128xf32>, vector<10000x128xf32> -> vector<10000x128xf32>
    %add3A_44 = arith.addf %dot_general3A_41, %dot_general3A_43 : vector<10000x128xf32>
    %add3A_45 = vector.broadcast %get3A_10 : vector<1x128xf32> to vector<10000x128xf32>
    %add3A_46 = arith.addf %add3A_44, %add3A_45 : vector<10000x128xf32>
    %reduce_sum3A = arith.constant dense<0.000000e+00> : vector<128xf32>
    %reduce_sum3A_47 = vector.multi_reduction <add>, %add3A_46, %reduce_sum3A [0] : vector<10000x128xf32> to vector<128xf32>
    %broadcast_in_dim3A = vector.shape_cast %reduce_sum3A_47 : vector<128xf32> to vector<1x128xf32>
    %div3A_48 = arith.constant 1.000000e+04 : f32
    %div3A_49 = vector.broadcast %div3A_48 : f32 to vector<1x128xf32>
    %div3A_50 = arith.divf %broadcast_in_dim3A, %div3A_49 : vector<1x128xf32>
    %sub3A = vector.broadcast %div3A_50 : vector<1x128xf32> to vector<10000x128xf32>
    %sub3A_51 = arith.subf %add3A_46, %sub3A : vector<10000x128xf32>
    %mul3A = arith.mulf %sub3A_51, %sub3A_51 : vector<10000x128xf32>
    %reduce_sum3A_52 = arith.constant dense<0.000000e+00> : vector<128xf32>
    %reduce_sum3A_53 = vector.multi_reduction <add>, %mul3A, %reduce_sum3A_52 [0] : vector<10000x128xf32> to vector<128xf32>
    %broadcast_in_dim3A_54 = vector.shape_cast %reduce_sum3A_53 : vector<128xf32> to vector<1x128xf32>
    %div3A_55 = arith.constant 1.000000e+04 : f32
    %div3A_56 = vector.broadcast %div3A_55 : f32 to vector<1x128xf32>
    %div3A_57 = arith.divf %broadcast_in_dim3A_54, %div3A_56 : vector<1x128xf32>
    %mul3A_58 = vector.broadcast %get3A_13 : vector<1x128xf32> to vector<10000x128xf32>
    %mul3A_59 = arith.mulf %mul3A_58, %sub3A_51 : vector<10000x128xf32>
    %add3A_60 = arith.constant 9.99999974E-6 : f32
    %add3A_61 = vector.broadcast %add3A_60 : f32 to vector<1x128xf32>
    %add3A_62 = arith.addf %div3A_57, %add3A_61 : vector<1x128xf32>
    %rsqrt3A = math.rsqrt %add3A_62 : vector<1x128xf32>
    %mul3A_63 = vector.broadcast %rsqrt3A : vector<1x128xf32> to vector<10000x128xf32>
    %mul3A_64 = arith.mulf %mul3A_59, %mul3A_63 : vector<10000x128xf32>
    %add3A_65 = vector.broadcast %get3A_16 : vector<1x128xf32> to vector<10000x128xf32>
    %add3A_66 = arith.addf %mul3A_64, %add3A_65 : vector<10000x128xf32>
    %max3A_67 = arith.constant 0.000000e+00 : f32
    %max3A_68 = vector.broadcast %max3A_67 : f32 to vector<10000x128xf32>
    %max3A_69 = arith.maximumf %add3A_66, %max3A_68 : vector<10000x128xf32>
    %add3A_70 = arith.addf %get3A_1, %max3A_69 : vector<10000x128xf32>
    %swap3A = arith.constant 0 : index
    %swap3A_71 = arith.constant 0 : index
    %swap3A_72 = vector.load %arg8[%swap3A, %swap3A_71] : memref<10000x128xf32, #tpu.memory_space<vmem>>, vector<10000x128xf32>
    tpu.vector_store %arg8[%swap3A, %swap3A_71], %add3A_70 {strides = array<i32>} : memref<10000x128xf32, #tpu.memory_space<vmem>>, vector<10000x128xf32>,
    return
  }
}

module attributes {stable_mosaic.version = 14 : i64} {
  func.func @body(%arg0: memref<10000x128xf32, #tpu.memory_space<vmem>>, %arg1: memref<128x128xf32, #tpu.memory_space<vmem>>, %arg2: memref<1x128xf32, #tpu.memory_space<vmem>>, %arg3: memref<10000x128xf32, #tpu.memory_space<vmem>>) attributes {dimension_semantics = [], scalar_prefetch = 0 : i64, scratch_operands = 0 : i64, tpu.core_type = #tpu.core_type<tc>} {
    %get3A = arith.constant 0 : index
    %get3A_0 = arith.constant 0 : index
    %get3A_1 = vector.load %arg0[%get3A, %get3A_0] : memref<10000x128xf32, #tpu.memory_space<vmem>>, vector<10000x128xf32>
    %get3A_2 = arith.constant 0 : index
    %get3A_3 = arith.constant 0 : index
    %get3A_4 = vector.load %arg1[%get3A_2, %get3A_3] : memref<128x128xf32, #tpu.memory_space<vmem>>, vector<128x128xf32>
    %dot_general3A = arith.constant dense<0.000000e+00> : vector<10000x128xf32>
    %dot_general3A_5 = tpu.matmul %get3A_1, %get3A_4, %dot_general3A {dimension_numbers = #tpu.dot_dimension_numbers<[1], [0], [0], [1], [0, 0, 1, 1], [], []>, transpose_lhs_hint = false} : vector<10000x128xf32>, vector<128x128xf32>, vector<10000x128xf32> -> vector<10000x128xf32>
    %get3A_6 = arith.constant 0 : index
    %get3A_7 = arith.constant 0 : index
    %get3A_8 = vector.load %arg2[%get3A_6, %get3A_7] : memref<1x128xf32, #tpu.memory_space<vmem>>, vector<1x128xf32>
    %add3A = vector.broadcast %get3A_8 : vector<1x128xf32> to vector<10000x128xf32>
    %add3A_9 = arith.addf %dot_general3A_5, %add3A : vector<10000x128xf32>
    %swap3A = arith.constant 0 : index
    %swap3A_10 = arith.constant 0 : index
    %swap3A_11 = vector.load %arg3[%swap3A, %swap3A_10] : memref<10000x128xf32, #tpu.memory_space<vmem>>, vector<10000x128xf32>
    tpu.vector_store %arg3[%swap3A, %swap3A_10], %add3A_9 {strides = array<i32>} : memref<10000x128xf32, #tpu.memory_space<vmem>>, vector<10000x128xf32>,
    return
  }
}

module attributes {stable_mosaic.version = 14 : i64} {
  func.func @body(%arg0: memref<10000x128xf32, #tpu.memory_space<vmem>>, %arg1: memref<2x10240x128xf32, #tpu.memory_space<vmem>>, %arg2: memref<2x10240x128xf32, #tpu.memory_space<vmem>>, %arg3: memref<128x128xf32, #tpu.memory_space<vmem>>, %arg4: memref<128x128xf32, #tpu.memory_space<vmem>>, %arg5: memref<1x128xf32, #tpu.memory_space<vmem>>, %arg6: memref<1x128xf32, #tpu.memory_space<vmem>>, %arg7: memref<1x128xf32, #tpu.memory_space<vmem>>, %arg8: memref<1x10000xi32, #tpu.memory_space<vmem>>, %arg9: memref<128x64xf32, #tpu.memory_space<vmem>>, %arg10: memref<1x64xf32, #tpu.memory_space<vmem>>, %arg11: memref<64x32xf32, #tpu.memory_space<vmem>>, %arg12: memref<1x32xf32, #tpu.memory_space<vmem>>, %arg13: memref<32x40xf32, #tpu.memory_space<vmem>>, %arg14: memref<1x40xf32, #tpu.memory_space<vmem>>, %arg15: memref<64x40xf32, #tpu.memory_space<vmem>>) attributes {dimension_semantics = [], scalar_prefetch = 0 : i64, scratch_operands = 0 : i64, tpu.core_type = #tpu.core_type<tc>} {
    %get3A = arith.constant 0 : index
    %get3A_0 = arith.constant 0 : index
    %get3A_1 = vector.load %arg0[%get3A, %get3A_0] : memref<10000x128xf32, #tpu.memory_space<vmem>>, vector<10000x128xf32>
    %get3A_2 = arith.constant 0 : index
    %get3A_3 = arith.constant 0 : index
    %get3A_4 = vector.load %arg3[%get3A_2, %get3A_3] : memref<128x128xf32, #tpu.memory_space<vmem>>, vector<128x128xf32>
    %get3A_5 = arith.constant 0 : index
    %get3A_6 = arith.constant 0 : index
    %get3A_7 = vector.load %arg4[%get3A_5, %get3A_6] : memref<128x128xf32, #tpu.memory_space<vmem>>, vector<128x128xf32>
    %get3A_8 = arith.constant 0 : index
    %get3A_9 = arith.constant 0 : index
    %get3A_10 = vector.load %arg5[%get3A_8, %get3A_9] : memref<1x128xf32, #tpu.memory_space<vmem>>, vector<1x128xf32>
    %get3A_11 = arith.constant 0 : index
    %get3A_12 = arith.constant 0 : index
    %get3A_13 = vector.load %arg6[%get3A_11, %get3A_12] : memref<1x128xf32, #tpu.memory_space<vmem>>, vector<1x128xf32>
    %get3A_14 = arith.constant 0 : index
    %get3A_15 = arith.constant 0 : index
    %get3A_16 = vector.load %arg7[%get3A_14, %get3A_15] : memref<1x128xf32, #tpu.memory_space<vmem>>, vector<1x128xf32>
    %get3A_17 = arith.constant 0 : index
    %get3A_18 = arith.constant 0 : index
    %get3A_19 = arith.constant 0 : index
    %get3A_20 = vector.load %arg1[%get3A_17, %get3A_18, %get3A_19] : memref<2x10240x128xf32, #tpu.memory_space<vmem>>, vector<1x10000x128xf32>
    %get3A_21 = vector.shape_cast %get3A_20 : vector<1x10000x128xf32> to vector<10000x128xf32>
    %get3A_22 = arith.constant 1 : index
    %get3A_23 = arith.constant 0 : index
    %get3A_24 = arith.constant 0 : index
    %get3A_25 = vector.load %arg1[%get3A_22, %get3A_23, %get3A_24] : memref<2x10240x128xf32, #tpu.memory_space<vmem>>, vector<1x10000x128xf32>
    %get3A_26 = vector.shape_cast %get3A_25 : vector<1x10000x128xf32> to vector<10000x128xf32>
    %add3A = arith.addf %get3A_21, %get3A_26 : vector<10000x128xf32>
    %get3A_27 = arith.constant 0 : index
    %get3A_28 = arith.constant 0 : index
    %get3A_29 = arith.constant 0 : index
    %get3A_30 = vector.load %arg2[%get3A_27, %get3A_28, %get3A_29] : memref<2x10240x128xf32, #tpu.memory_space<vmem>>, vector<1x10000x1xf32>
    %get3A_31 = vector.shape_cast %get3A_30 : vector<1x10000x1xf32> to vector<10000x1xf32>
    %get3A_32 = arith.constant 1 : index
    %get3A_33 = arith.constant 0 : index
    %get3A_34 = arith.constant 0 : index
    %get3A_35 = vector.load %arg2[%get3A_32, %get3A_33, %get3A_34] : memref<2x10240x128xf32, #tpu.memory_space<vmem>>, vector<1x10000x1xf32>
    %get3A_36 = vector.shape_cast %get3A_35 : vector<1x10000x1xf32> to vector<10000x1xf32>
    %add3A_37 = arith.addf %get3A_31, %get3A_36 : vector<10000x1xf32>
    %max3A = arith.constant 1.000000e+00 : f32
    %max3A_38 = vector.broadcast %max3A : f32 to vector<10000x1xf32>
    %max3A_39 = arith.maximumf %add3A_37, %max3A_38 : vector<10000x1xf32>
    %div3A = vector.broadcast %max3A_39 : vector<10000x1xf32> to vector<10000x128xf32>
    %div3A_40 = arith.divf %add3A, %div3A : vector<10000x128xf32>
    %dot_general3A = arith.constant dense<0.000000e+00> : vector<10000x128xf32>
    %dot_general3A_41 = tpu.matmul %get3A_1, %get3A_4, %dot_general3A {dimension_numbers = #tpu.dot_dimension_numbers<[1], [0], [0], [1], [0, 0, 1, 1], [], []>, transpose_lhs_hint = false} : vector<10000x128xf32>, vector<128x128xf32>, vector<10000x128xf32> -> vector<10000x128xf32>
    %dot_general3A_42 = arith.constant dense<0.000000e+00> : vector<10000x128xf32>
    %dot_general3A_43 = tpu.matmul %div3A_40, %get3A_7, %dot_general3A_42 {dimension_numbers = #tpu.dot_dimension_numbers<[1], [0], [0], [1], [0, 0, 1, 1], [], []>, transpose_lhs_hint = false} : vector<10000x128xf32>, vector<128x128xf32>, vector<10000x128xf32> -> vector<10000x128xf32>
    %add3A_44 = arith.addf %dot_general3A_41, %dot_general3A_43 : vector<10000x128xf32>
    %add3A_45 = vector.broadcast %get3A_10 : vector<1x128xf32> to vector<10000x128xf32>
    %add3A_46 = arith.addf %add3A_44, %add3A_45 : vector<10000x128xf32>
    %reduce_sum3A = arith.constant dense<0.000000e+00> : vector<128xf32>
    %reduce_sum3A_47 = vector.multi_reduction <add>, %add3A_46, %reduce_sum3A [0] : vector<10000x128xf32> to vector<128xf32>
    %broadcast_in_dim3A = vector.shape_cast %reduce_sum3A_47 : vector<128xf32> to vector<1x128xf32>
    %div3A_48 = arith.constant 1.000000e+04 : f32
    %div3A_49 = vector.broadcast %div3A_48 : f32 to vector<1x128xf32>
    %div3A_50 = arith.divf %broadcast_in_dim3A, %div3A_49 : vector<1x128xf32>
    %sub3A = vector.broadcast %div3A_50 : vector<1x128xf32> to vector<10000x128xf32>
    %sub3A_51 = arith.subf %add3A_46, %sub3A : vector<10000x128xf32>
    %mul3A = arith.mulf %sub3A_51, %sub3A_51 : vector<10000x128xf32>
    %reduce_sum3A_52 = arith.constant dense<0.000000e+00> : vector<128xf32>
    %reduce_sum3A_53 = vector.multi_reduction <add>, %mul3A, %reduce_sum3A_52 [0] : vector<10000x128xf32> to vector<128xf32>
    %broadcast_in_dim3A_54 = vector.shape_cast %reduce_sum3A_53 : vector<128xf32> to vector<1x128xf32>
    %div3A_55 = arith.constant 1.000000e+04 : f32
    %div3A_56 = vector.broadcast %div3A_55 : f32 to vector<1x128xf32>
    %div3A_57 = arith.divf %broadcast_in_dim3A_54, %div3A_56 : vector<1x128xf32>
    %mul3A_58 = vector.broadcast %get3A_13 : vector<1x128xf32> to vector<10000x128xf32>
    %mul3A_59 = arith.mulf %mul3A_58, %sub3A_51 : vector<10000x128xf32>
    %add3A_60 = arith.constant 9.99999974E-6 : f32
    %add3A_61 = vector.broadcast %add3A_60 : f32 to vector<1x128xf32>
    %add3A_62 = arith.addf %div3A_57, %add3A_61 : vector<1x128xf32>
    %rsqrt3A = math.rsqrt %add3A_62 : vector<1x128xf32>
    %mul3A_63 = vector.broadcast %rsqrt3A : vector<1x128xf32> to vector<10000x128xf32>
    %mul3A_64 = arith.mulf %mul3A_59, %mul3A_63 : vector<10000x128xf32>
    %add3A_65 = vector.broadcast %get3A_16 : vector<1x128xf32> to vector<10000x128xf32>
    %add3A_66 = arith.addf %mul3A_64, %add3A_65 : vector<10000x128xf32>
    %max3A_67 = arith.constant 0.000000e+00 : f32
    %max3A_68 = vector.broadcast %max3A_67 : f32 to vector<10000x128xf32>
    %max3A_69 = arith.maximumf %add3A_66, %max3A_68 : vector<10000x128xf32>
    %add3A_70 = arith.addf %get3A_1, %max3A_69 : vector<10000x128xf32>
    %iota3A = tpu.iota {dimensions = array<i32: 0>} : vector<64x10000xi32>
    %get3A_71 = arith.constant 0 : index
    %get3A_72 = arith.constant 0 : index
    %get3A_73 = vector.load %arg8[%get3A_71, %get3A_72] : memref<1x10000xi32, #tpu.memory_space<vmem>>, vector<1x10000xi32>
    %eq3A = vector.broadcast %get3A_73 : vector<1x10000xi32> to vector<64x10000xi32>
    %eq3A_74 = arith.cmpi eq, %eq3A, %iota3A : vector<64x10000xi32>
    %convert_element_type3A = arith.extui %eq3A_74 : vector<64x10000xi1> to vector<64x10000xi32>
    %convert_element_type3A_75 = arith.sitofp %convert_element_type3A : vector<64x10000xi32> to vector<64x10000xf32>
    %dot_general3A_76 = arith.constant dense<0.000000e+00> : vector<64x128xf32>
    %dot_general3A_77 = tpu.matmul %convert_element_type3A_75, %add3A_70, %dot_general3A_76 {dimension_numbers = #tpu.dot_dimension_numbers<[1], [0], [0], [1], [0, 0, 1, 1], [], []>, transpose_lhs_hint = false} : vector<64x10000xf32>, vector<10000x128xf32>, vector<64x128xf32> -> vector<64x128xf32>
    %get3A_78 = arith.constant 0 : index
    %get3A_79 = arith.constant 0 : index
    %get3A_80 = vector.load %arg9[%get3A_78, %get3A_79] : memref<128x64xf32, #tpu.memory_space<vmem>>, vector<128x64xf32>
    %dot_general3A_81 = arith.constant dense<0.000000e+00> : vector<64x64xf32>
    %dot_general3A_82 = tpu.matmul %dot_general3A_77, %get3A_80, %dot_general3A_81 {dimension_numbers = #tpu.dot_dimension_numbers<[1], [0], [0], [1], [0, 0, 1, 1], [], []>, transpose_lhs_hint = false} : vector<64x128xf32>, vector<128x64xf32>, vector<64x64xf32> -> vector<64x64xf32>
    %get3A_83 = arith.constant 0 : index
    %get3A_84 = arith.constant 0 : index
    %get3A_85 = vector.load %arg10[%get3A_83, %get3A_84] : memref<1x64xf32, #tpu.memory_space<vmem>>, vector<1x64xf32>
    %add3A_86 = vector.broadcast %get3A_85 : vector<1x64xf32> to vector<64x64xf32>
    %add3A_87 = arith.addf %dot_general3A_82, %add3A_86 : vector<64x64xf32>
    %max3A_88 = arith.constant 0.000000e+00 : f32
    %max3A_89 = vector.broadcast %max3A_88 : f32 to vector<64x64xf32>
    %max3A_90 = arith.maximumf %add3A_87, %max3A_89 : vector<64x64xf32>
    %get3A_91 = arith.constant 0 : index
    %get3A_92 = arith.constant 0 : index
    %get3A_93 = vector.load %arg11[%get3A_91, %get3A_92] : memref<64x32xf32, #tpu.memory_space<vmem>>, vector<64x32xf32>
    %dot_general3A_94 = arith.constant dense<0.000000e+00> : vector<64x32xf32>
    %dot_general3A_95 = tpu.matmul %max3A_90, %get3A_93, %dot_general3A_94 {dimension_numbers = #tpu.dot_dimension_numbers<[1], [0], [0], [1], [0, 0, 1, 1], [], []>, transpose_lhs_hint = false} : vector<64x64xf32>, vector<64x32xf32>, vector<64x32xf32> -> vector<64x32xf32>
    %get3A_96 = arith.constant 0 : index
    %get3A_97 = arith.constant 0 : index
    %get3A_98 = vector.load %arg12[%get3A_96, %get3A_97] : memref<1x32xf32, #tpu.memory_space<vmem>>, vector<1x32xf32>
    %add3A_99 = vector.broadcast %get3A_98 : vector<1x32xf32> to vector<64x32xf32>
    %add3A_100 = arith.addf %dot_general3A_95, %add3A_99 : vector<64x32xf32>
    %max3A_101 = arith.constant 0.000000e+00 : f32
    %max3A_102 = vector.broadcast %max3A_101 : f32 to vector<64x32xf32>
    %max3A_103 = arith.maximumf %add3A_100, %max3A_102 : vector<64x32xf32>
    %get3A_104 = arith.constant 0 : index
    %get3A_105 = arith.constant 0 : index
    %get3A_106 = vector.load %arg13[%get3A_104, %get3A_105] : memref<32x40xf32, #tpu.memory_space<vmem>>, vector<32x40xf32>
    %dot_general3A_107 = arith.constant dense<0.000000e+00> : vector<64x40xf32>
    %dot_general3A_108 = tpu.matmul %max3A_103, %get3A_106, %dot_general3A_107 {dimension_numbers = #tpu.dot_dimension_numbers<[1], [0], [0], [1], [0, 0, 1, 1], [], []>, transpose_lhs_hint = false} : vector<64x32xf32>, vector<32x40xf32>, vector<64x40xf32> -> vector<64x40xf32>
    %get3A_109 = arith.constant 0 : index
    %get3A_110 = arith.constant 0 : index
    %get3A_111 = vector.load %arg14[%get3A_109, %get3A_110] : memref<1x40xf32, #tpu.memory_space<vmem>>, vector<1x40xf32>
    %add3A_112 = vector.broadcast %get3A_111 : vector<1x40xf32> to vector<64x40xf32>
    %add3A_113 = arith.addf %dot_general3A_108, %add3A_112 : vector<64x40xf32>
    %swap3A = arith.constant 0 : index
    %swap3A_114 = arith.constant 0 : index
    %swap3A_115 = vector.load %arg15[%swap3A, %swap3A_114] : memref<64x40xf32, #tpu.memory_space<vmem>>, vector<64x40xf32>
    tpu.vector_store %arg15[%swap3A, %swap3A_114], %add3A_113 {strides = array<i32>} : memref<64x40xf32, #tpu.memory_space<vmem>>, vector<64x40xf32>,
    return
  }
}

</mosaic_0001>

<sc_bundles>
// kernel: kernel.12.cloned.1.call-start
scs
__scs_entry_jumppad:
0x0: {  	(pc) =	sbr.rel $0x88, $3  }
0x1: {  	(tag) =	ssettag $0x0;
	lr =	simm.s32 $0x1  }
0x2: {  	[smem:$0x3F7E] =	sst lr;
	_ =	strace $0xD0000000  }
0x3: {  	_ = 	snop  }
0x4: {  	_ = 	snop  }
0x5: {  	_ = 	snop  }
0x6: {  	_ = 	snop  }
0x7: {  	_ = 	snop  }
__scs_overlays_trampoline_lowered:
0x8: {  	[smem:$0x3F8D] =	sst s0  }
0x9: {  	[smem:$0x3F8E] =	sst s1  }
0xa: {  	[smem:$0x3F8F] =	sst s2  }
0xb: {  	[smem:$0x3F90] =	sst s3  }
0xc: {  	[smem:$0x3F91] =	sst s4  }
0xd: {  	[smem:$0x3F92] =	sst s5  }
0xe: {  	[smem:$0x3F93] =	sst s6  }
0xf: {  	[smem:$0x3F94] =	sst s7  }
0x10: {  	[smem:$0x3F95] =	sst s8  }
0x11: {  	[smem:$0x3F96] =	sst s9;
	s0 =	simm.s32 @!p0 $0x0  }
0x12: {  	s1 =	sld [smem:$0x3F7C];
	s0 =	simm.s32 @p0 $0x1  }
0x13: {  	[smem:$0x3F97] =	sst s0;
	s0 =	simm.s32 @!p1 $0x0  }
0x14: {  	s2 =	sld [smem:$0x3F7B];
	s0 =	simm.s32 @p1 $0x1  }
0x15: {  	[smem:$0x3F98] =	sst s0;
	s0 =	simm.s32 @!p2 $0x0  }
0x16: {  	s3 =	sld [smem:$0x3FDB];
	s0 =	simm.s32 @p2 $0x1  }
0x17: {  	s4 =	simm.s32 $0x1BF5;
	[smem:$0x3F9A] =	sst s0  }
0x18: {  	s0 =	sld [smem:$0x3F7D];
	_ =	swait.ge [sflag:s4], $0x0  }
0x19: {  	s7 =	sld [smem:$0x3F7E]  }
0x1a: {  	s8 =	sadd.s32 $0xFFFFE003, lr  }
0x1b: {  	s9 =	sadd.s32 $0xFFFFFEF7, lr;
	s5 =	simm.s32 $0xFFFFFFFF;
	p2 =	slt.u32 s8, $0xFFFFF086  }
0x1c: {  	p1 =	slt.u32 s9, $0xF7A;
	s5 =	simm.s32 @!p2 $0x0  }
0x1d: {  	s5 =	simm.s32 @p1 $0x1;
	p0 =	seq.s32 s7, s2  }
0x1e: {  	s7 =	smul.u32 @!p0 $0xF7A, s2;
	p2 =	seq.s32 @!p0 s5, $0x0  }
0x1f: {  	s9 =	smul.u32 $0xF7A, s1;
	s8 =	simm.s32 @!p0 $0x1BF5;
	p2 =	por !p2, p0  }
0x20: {  	[sflag:s8] =	ssyncset.s32 @!p0 $0xFFFFF086;
	s6 =	sadd.s32 @!p0 s3, s7;
	s7 =	simm.s32 @!p0 $0x108  }
0x21: {  	s3 =	sadd.s32 s3, s9;
	s6 =	sadd.s32 @!p0 $0x88, s6;
	s7 =	simm.s32 @p2 $0x1082  }
0x22: {  	[simem:s7], [sflag:s8] =	dma.local @!p0 [hbm:s6], $0xF7A  }
0x23: {  	s9 =	sor.u32 $0xD0000000, s2;
	s6 =	simm.s32 $0x108;
	_ =	swait.ge @!p0 [sflag:s8], $0x0  }
0x24: {  	s3 =	sadd.s32 $0x88, s3;
	s6 =	simm.s32 @!p1 $0x1082;
	[sflag:s4] =	ssyncset.s32 $0xFFFFF086  }
0x25: {  	[simem:s6], [sflag:s4] =	dma.local [hbm:s3], $0xF7A  }
0x26: {  	[smem:$0x3F7E] =	sst s1;
	(tag) =	ssettag s2;
	_ =	strace s9  }
0x27: {  	s1 =	sld [smem:$0x3F8E]  }
0x28: {  	s2 =	sld [smem:$0x3F8F]  }
0x29: {  	s4 =	sld [smem:$0x3F91]  }
0x2a: {  	p0 =	seq.s32 s5, $0x0;
	s5 =	sld [smem:$0x3F92]  }
0x2b: {  	s6 =	sld [smem:$0x3F93]  }
0x2c: {  	s7 =	sld [smem:$0x3F94]  }
0x2d: {  	s3 =	simm.s32 $0x108;
	s8 =	sld [smem:$0x3F95]  }
0x2e: {  	s3 =	simm.s32 @!p0 $0x1082;
	s9 =	sld [smem:$0x3F96]  }
0x2f: {  	lr =	sadd.s32 s0, s3;
	s0 =	sld [smem:$0x3F8D]  }
0x30: {  	s3 =	sld [smem:$0x3F90]  }
0x31: {  	[smem:$0x3F99] =	sst s10  }
0x32: {  	s10 =	sld [smem:$0x3F97];
	_ =	sdelay $0x3  }
0x33: {  	p0 =	seq.s32 s10, $0x1;
	s10 =	sld [smem:$0x3F99];
	_ =	sdelay $0x3  }
0x34: {  	[smem:$0x3F99] =	sst s10  }
0x35: {  	s10 =	sld [smem:$0x3F98];
	_ =	sdelay $0x3  }
0x36: {  	p1 =	seq.s32 s10, $0x1;
	s10 =	sld [smem:$0x3F99];
	_ =	sdelay $0x3  }
0x37: {  	[smem:$0x3F99] =	sst s10  }
0x38: {  	s10 =	sld [smem:$0x3F9A]  }
0x39: {  	_ = 	snop;
	(pc) =	sbr.ind lr, $3  }
0x3a: {  	_ = 	snop  }
0x3b: {  	_ = 	snop  }
0x3c: {  	p2 =	seq.s32 s10, $0x1;
	s10 =	sld [smem:$0x3F99]  }
0x3d: {  	_ =	shalt  }
0x3e: {  	_ =	shalt  }
0x3f: {  	_ =	shalt  }
0x40: {  	_ =	shalt  }
0x41: {  	_ =	shalt  }
0x42: {  	_ =	shalt  }
0x43: {  	_ =	shalt  }
0x44: {  	_ =	shalt  }
0x45: {  	_ =	shalt  }
0x46: {  	_ =	shalt  }
0x47: {  	_ =	shalt  }
0x48: {  	_ =	shalt  }
0x49: {  	_ =	shalt  }
0x4a: {  	_ =	shalt  }
0x4b: {  	_ =	shalt  }
0x4c: {  	_ =	shalt  }
0x4d: {  	_ =	shalt  }
0x4e: {  	_ =	shalt  }
0x4f: {  	_ =	shalt  }
0x50: {  	_ =	shalt  }
0x51: {  	_ =	shalt  }
0x52: {  	_ =	shalt  }
0x53: {  	_ =	shalt  }
0x54: {  	_ =	shalt  }
0x55: {  	_ =	shalt  }
0x56: {  	_ =	shalt  }
0x57: {  	_ =	shalt  }
0x58: {  	_ =	shalt  }
0x59: {  	_ =	shalt  }
0x5a: {  	_ =	shalt  }
0x5b: {  	_ =	shalt  }
0x5c: {  	_ =	shalt  }
0x5d: {  	_ =	shalt  }
0x5e: {  	_ =	shalt  }
0x5f: {  	_ =	shalt  }
0x60: {  	_ =	shalt  }
0x61: {  	_ =	shalt  }
0x62: {  	_ =	shalt  }
0x63: {  	_ =	shalt  }
0x64: {  	_ =	shalt  }
0x65: {  	_ =	shalt  }
0x66: {  	_ =	shalt  }
0x67: {  	_ =	shalt  }
0x68: {  	_ =	shalt  }
0x69: {  	_ =	shalt  }
0x6a: {  	_ =	shalt  }
0x6b: {  	_ =	shalt  }
0x6c: {  	_ =	shalt  }
0x6d: {  	_ =	shalt  }
0x6e: {  	_ =	shalt  }
0x6f: {  	_ =	shalt  }
0x70: {  	_ =	shalt  }
0x71: {  	_ =	shalt  }
0x72: {  	_ =	shalt  }
0x73: {  	_ =	shalt  }
0x74: {  	_ =	shalt  }
0x75: {  	_ =	shalt  }
0x76: {  	_ =	shalt  }
0x77: {  	_ =	shalt  }
0x78: {  	_ =	shalt  }
0x79: {  	_ =	shalt  }
0x7a: {  	_ =	shalt  }
0x7b: {  	_ =	shalt  }
0x7c: {  	_ =	shalt  }
0x7d: {  	_ =	shalt  }
0x7e: {  	_ =	shalt  }
0x7f: {  	_ =	shalt  }
0x80: {  	_ =	shalt  }
0x81: {  	_ =	shalt  }
0x82: {  	_ =	shalt  }
0x83: {  	_ =	shalt  }
0x84: {  	_ =	shalt  }
0x85: {  	_ =	shalt  }
0x86: {  	_ =	shalt  }
0x87: {  	_ =	shalt  }
.Lfunc_end0:
.L_simem_size_0:
called_computation_lowered:
.L_overlay_start_0:
0x88: {  	s2 =	sld [smem:$0x3FD9]  }
0x89: {  	s3 =	sld [smem:$0x3FFE];
	_ =	sdelay $0x1  }
0x8a: {  	s1 =	srdreg.scid  }
0x8b: {  	s0 =	sand.u32 $0x1, s1  }
0x8c: {  	s17 =	sshll.u32 s0, $0xA;
	s2 =	sadd.s32 s3, s2  }
0x8d: {  	s2 =	sadd.s32 s2, s17  }
0x8e: {  	[smem:$0x3FA5] =	sst s2  }
0x8f: {  	_ = 	snop  }
0x90: {  	(tm) =	ssettm $0x1  }
0x91: {  	s18 =	sld [smem:$0x3FFB];
	_ =	sdelay $0x3  }
0x92: {  	_ =	strace s18  }
0x93: {  	s2 =	sld [smem:$0x3FFC];
	_ =	sdelay $0x3  }
0x94: {  	_ =	strace s2  }
0x95: {  	s2 =	sld [smem:$0x3FFD];
	_ =	sdelay $0x3  }
0x96: {  	_ =	strace s2  }
0x97: {  	_ =	strace $0x8FFFFFFF  }
0x98: {  	s19 =	sld [smem:$0x3FDB];
	_ =	sdelay $0x1  }
0x99: {  	s20 =	simm.s32 $_scs_section_size  }
0x9a: {  	s4 =	simm.s32 $_size__tile_overlayer_lowered;
	s5 =	simm.s32 $_tile_overlayer_lowered  }
0x9b: {  	s6 =	simm.s32 $0x1BFF;
	s21 =	sshll.u32 s5, $0x1;
	s3 =	sadd.s32 s20, s19  }
0x9c: {  	s22 =	simm.s32 $0x0;
	s4 =	sshll.u32 s4, $0x1;
	s5 =	sadd.s32 s21, s3  }
0x9d: {  	[timem:s22], [sflag:s6] =	dma.local [hbm:s5], s4  }
0x9e: {  	_ =	swait.ge [sflag:s6], s4  }
0x9f: {  	s4 =	ssub.s32 $0x0, s4;
	[sflag:s6] =	ssyncset.done $0x0  }
0xa0: {  	[sflag:s6] =	ssyncadd.s32 s4;
	_ =	sdelay $0x1  }
0xa1: {  	s23 =	simm.s32 $0x1B8B  }
0xa2: {  	_ =	swait.ge [sflag:s23], $0x1  }
0xa3: {  	[sflag:s23] =	ssyncset.done $0x0  }
0xa4: {  	[sflag:s23] =	ssyncadd.s32 $0xFFFFFFFF  }
0xa5: {  	s4 =	sld [smem:$0x0]  }
0xa6: {  	s5 =	sand.u32 $0xFFFFFFFE, s1  }
0xa7: {  	p0 =	sne.s32 s1, s5  }
0xa8: {  	s5 =	sshll.u32 @p0 s5, $0xE  }
0xa9: {  	s5 =	sadd.s32 @p0 $0x11B8D, s5;
	s6 =	sshll.u32 @p0 s4, $0x11  }
0xaa: {  	s5 =	sor.u32 @p0 s6, s5  }
0xab: {  	[sflag:s5] =	ssyncadd.remote.s32 @p0 $0x1;
	_ =	sdelay $0x1  }
0xac: {  	s5 =	simm.s32 @p0 $0x1B8D  }
0xad: {  	_ =	swait.eq @p0 [sflag:s5], $0x1  }
0xae: {  	[sflag:s5] =	ssyncadd.s32 @p0 $0xFFFFFFFF  }
0xaf: {  	s6 =	sshll.u32 @!p0 s1, $0xE  }
0xb0: {  	s6 =	sor.u32 @!p0 $0x4000, s6;
	s5 =	simm.s32 @!p0 $0x1B8D  }
0xb1: {  	s4 =	sshll.u32 @!p0 s4, $0x11;
	s6 =	sadd.s32 @!p0 $0x11B8D, s6;
	_ =	swait.eq @!p0 [sflag:s5], $0x1  }
0xb2: {  	s4 =	sor.u32 @!p0 s4, s6;
	[sflag:s5] =	ssyncadd.s32 @!p0 $0xFFFFFFFF  }
0xb3: {  	s25 =	simm.s32 $0x1B8E;
	s24 =	sld [smem:$0x3FFE];
	[sflag:s4] =	ssyncadd.remote.s32 @!p0 $0x1  }
0xb4: {  	s26 =	simm.s32 $execute0_lowered;
	[smem:$0x3FD2] =	sst s25  }
0xb5: {  	s5 =	sshll.u32 s26, $0x1;
	_ =	strace $0x80000049;
	[dreg:$0x1] =	wrdreg $0xFFFFFFFF  }
0xb6: {  	s28 =	simm.s32 $_size_execute0_lowered;
	s3 =	sadd.s32 s3, s5;
	[dreg:$0x0] =	wrdreg $0x0  }
0xb7: {  	s5 =	sshll.u32 s28, $0x1;
	[dreg:$0x2] =	wrdreg s3  }
0xb8: {  	[dreg:$0x3] =	wrdreg s5  }
0xb9: {  	[dreg:$0x4] =	wrdreg $0xC0  }
0xba: {  	_ =	task [dreg:s22], $0x5FFFF  }
0xbb: {  	[dreg:$0x1] =	wrdreg $0xFFFFFFFF  }
0xbc: {  	[dreg:$0x0] =	wrdreg $0x60  }
0xbd: {  	[dreg:$0x2] =	wrdreg s24  }
0xbe: {  	[dreg:$0x3] =	wrdreg $0xA8000  }
0xbf: {  	[dreg:$0x4] =	wrdreg $0x9  }
0xc0: {  	_ =	task.clear_ibuf [dreg:s22], $0x5FFFF;
	_ =	strace $0x90000049  }
0xc1: {  	s29 =	simm.s32 $0x9;
	_ =	strace $0x8000004B  }
0xc2: {  	_ =	swait.ge [sflag:s29], $0x1  }
0xc3: {  	[sflag:s29] =	ssyncadd.s32 $0xFFFFFFFF  }
0xc4: {  	_ =	strace $0x9000004B  }
0xc5: {  	_ =	sfence  }
0xc6: {  	s30 =	sld [smem:$0x0];
	_ =	sdelay $0x2  }
0xc7: {  	s31 =	sshll.u32 s1, $0xD;
	s1 =	sshrl.u32 s1, $0x2  }
0xc8: {  	s4 =	sand.u32 $0x4000, s31;
	s1 =	sadd.s32 s1, s30  }
0xc9: {  	s0 =	sor.u32 s4, s0;
	s1 =	sshll.u32 s1, $0x11  }
0xca: {  	s0 =	sor.u32 s1, s0  }
0xcb: {  	s0 =	sadd.s32 $0x8F2B, s0  }
0xcc: {  	[sflag:s0] =	ssyncadd.remote.s32 $0x1  }
0xcd: {  	_ =	sfence.sel $0xFFFF  }
0xce: {  	[dreg:$0x0] =	wrdreg $0xFFFFFFFF;
	(pc) =	sbr.abs _section_cstart, $3  }
0xcf: {  	[dreg:$0x1] =	wrdreg $0xFFFFFFFF  }
0xd0: {  	_ =	task.clear_ibuf [dreg:s22], $0x2FFFF;
	_ =	strace $0x9FFFFFFF  }
0xd1: {  	(tm) =	ssettm $0x7FFFFFFF  }
tec
execute0_lowered:
.L_overlay_start_1:
0x0: {  	(tag) =	ssettag $0x1  }
0x1: {  	s6 =	rddreg [dreg:$0x0]  }
0x2: {  	s0 =	srdreg.scid;
	s2 =	rddreg [dreg:$0x1]  }
0x3: {  	s1 =	stileid.u32;
	s3 =	simm.s32 $0x0;
	s22 =	simm.s32 $0x80  }
0x4: {  	s23 =	simm.s32 $0x0;
	s9 =	sand.u32 $0x1, s0;
	s0 =	rddreg [dreg:$0x2]  }
0x5: {  	[smem:$0x7FF] =	sst s3;
	s5 =	sadd.s32 $0x8E200, s6;
	s11 =	smul.u32 $0x50000, s1  }
0x6: {  	s17 =	sadd.s32 $0x8EA00, s6;
	s12 =	smul.u32 $0x14000, s1;
	s4 =	sshll.u32 s9, $0x4  }
0x7: {  	_ =	strace $0x8000004A;
	s8 =	ssub.s32 $0x2, s9;
	p0 =	seq.s32 s9, $0x0  }
0x8: {  	s16 =	smul.u32 $0x140000, s9;
	s4 =	sor.u32 s1, s4;
	s10 =	sshrl.u32 s8, $0x1  }
0x9: {  	s31 =	sshrl.u32 s11, $0x2;
	s13 =	sadd.s32 $0x4000, s12;
	s15 =	sadd.s32 $0x8000, s12  }
0xa: {  	s19 =	sadd.s32 $0xC000, s12;
	s20 =	sadd.s32 $0x10000, s12;
	s4 =	smul.u32 $0x500, s4  }
0xb: {  	s18 =	ssub.s32 s8, s10;
	s8 =	sadd.s32 s31, s2;
	s9 =	sadd.s32 s13, s2  }
0xc: {  	s10 =	sadd.s32 s15, s2;
	s11 =	sadd.s32 s19, s2;
	s14 =	sadd.s32 s12, s16  }
0xd: {  	s13 =	sadd.s32 s16, s13;
	s12 =	sadd.s32 s20, s2;
	s15 =	sadd.s32 s16, s15  }
0xe: {  	s19 =	sadd.s32 s16, s19;
	s16 =	sadd.s32 s16, s20;
	s14 =	sshrl.u32 s14, $0x3  }
0xf: {  	s21 =	sshrl.u32 s13, $0x3;
	s15 =	sshrl.u32 s15, $0x3;
	s19 =	sshrl.u32 s19, $0x3  }
0x10: {  	s20 =	sshrl.u32 s16, $0x3;
	s18 =	smax.u32 s18, $0x1;
	s7 =	sadd.s32 s4, s6  }
0x11: {  	s4 =	sadd.s32 $0x3DA00, s6;
	s6 =	simm.s32 $0x50;
	s13 =	sadd.s32 s17, s14  }
0x12: {  	s14 =	sadd.s32 s17, s21;
	s15 =	sadd.s32 s17, s15;
	s16 =	sadd.s32 s17, s19  }
0x13: {  	s17 =	sadd.s32 s17, s20;
	s19 =	simm.s32 $0x1;
	s20 =	simm.s32 $0x6800  }
0x14: {  	s21 =	simm.s32 $0x2800;
	s6 =	simm.s32 @!p0 $0x4E;
	s7 =	sadd.s32 $0x2800, s7  }
.LBB2_1:
0x15: {  	[tilespmem:s3], [sflag:$0x1] =	stream.linear.gather [hbm4b:s7+s3], $0x2800, $0x38;
	[tilespmem:$0x1E800] =	vst v63  }
0x16: {  	_ =	swait.ge [sflag:s19], $0x2800  }
0x17: {  	[sflag:s19] =	ssyncset.done $0x0  }
0x18: {  	[sflag:s19] =	ssyncadd.s32 $0xFFFFD800  }
0x19: {  	[tilespmem:s20], [sflag:$0x1] =	stream.linear.gather [hbm4b:s4+s3], $0x4000, $0x38;
	[tilespmem:$0x1E800] =	vst v63  }
0x1a: {  	_ =	swait.ge [sflag:s19], $0x4000  }
0x1b: {  	[sflag:s19] =	ssyncset.done $0x0  }
0x1c: {  	[sflag:s19] =	ssyncadd.s32 $0xFFFFC000  }
0x1d: {  	[spmem:s8] =	stream.linear.scatter [tilespmem:s20], [sflag:$0x1], $0x4000, $0x38;
	[tilespmem:$0x1E800] =	vst v63  }
0x1e: {  	_ =	swait.ge [sflag:s19], $0x4000  }
0x1f: {  	[sflag:s19] =	ssyncset.done $0x0  }
0x20: {  	[sflag:s19] =	ssyncadd.s32 $0xFFFFC000  }
0x21: {  	[spmem:s9] =	stream.linear.scatter [tilespmem:s20], [sflag:$0x1], $0x4000, $0x38;
	[tilespmem:$0x1E800] =	vst v63  }
0x22: {  	_ =	swait.ge [sflag:s19], $0x4000  }
0x23: {  	[sflag:s19] =	ssyncset.done $0x0  }
0x24: {  	[sflag:s19] =	ssyncadd.s32 $0xFFFFC000  }
0x25: {  	[spmem:s10] =	stream.linear.scatter [tilespmem:s20], [sflag:$0x1], $0x4000, $0x38;
	[tilespmem:$0x1E800] =	vst v63  }
0x26: {  	_ =	swait.ge [sflag:s19], $0x4000  }
0x27: {  	[sflag:s19] =	ssyncset.done $0x0  }
0x28: {  	[sflag:s19] =	ssyncadd.s32 $0xFFFFC000  }
0x29: {  	[spmem:s11] =	stream.linear.scatter [tilespmem:s20], [sflag:$0x1], $0x4000, $0x38;
	[tilespmem:$0x1E800] =	vst v63  }
0x2a: {  	_ =	swait.ge [sflag:s19], $0x4000  }
0x2b: {  	[sflag:s19] =	ssyncset.done $0x0  }
0x2c: {  	[sflag:s19] =	ssyncadd.s32 $0xFFFFC000  }
0x2d: {  	[spmem:s12] =	stream.linear.scatter [tilespmem:s20], [sflag:$0x1], $0x4000, $0x38;
	[tilespmem:$0x1E800] =	vst v63  }
0x2e: {  	_ =	swait.ge [sflag:s19], $0x4000  }
0x2f: {  	[sflag:s19] =	ssyncset.done $0x0  }
0x30: {  	[sflag:s19] =	ssyncadd.s32 $0xFFFFC000  }
0x31: {  	[tilespmem:s21], [sflag:$0x1] =	stream.linear.gather [hbm4b:s5+s3], $0x4000, $0x38;
	[tilespmem:$0x1E800] =	vst v63  }
0x32: {  	_ =	swait.ge [sflag:s19], $0x4000  }
0x33: {  	p0 =	sne.s32 s6, $0x1;
	[sflag:s19] =	ssyncset.done $0x0  }
.Ltmp0:
0x34: {  	[sflag:s19] =	ssyncadd.s32 $0xFFFFC000;
	(pc) =	sbr.rel @!p0 .LBB2_3-.Ltmp0, $4  }
0x35: {  	[bflag:$0x0] =	sbarrier.arrive $0xFFFF  }
0x36: {  	[spmem:s2] =	stream.indirect.scatter.add.f32 [tilespmem:s21], [sflag:$0x1], $0x80, s3, s22, $0xb8;
	[tilespmem:$0x1E800] =	vst v63  }
0x37: {  	_ =	swait.ge [sflag:s19], $0x4000  }
0x38: {  	s24 =	sadd.s32 $0xFFFFFFFF, s6;
	s25 =	simm.s32 $0x0;
	[sflag:s19] =	ssyncset.done $0x0  }
.LBB2_2:
0x39: {  	p0 =	sne.s32 s24, $0x1;
	[sflag:s19] =	ssyncadd.s32 $0xFFFFC000;
	s25 =	sadd.s32 $0x80, s25  }
.Ltmp1:
0x3a: {  	s24 =	sadd.s32 $0xFFFFFFFF, s24;
	(pc) =	sbr.rel @p0 .LBB2_2-.Ltmp1, $4  }
0x3b: {  	_ = 	snop  }
0x3c: {  	[spmem:s2] =	stream.indirect.scatter.add.f32 [tilespmem:s21], [sflag:$0x1], $0x80, s25, s22, $0xb8;
	[tilespmem:$0x1E800] =	vst v63  }
0x3d: {  	_ =	swait.ge [sflag:s19], $0x4000  }
0x3e: {  	[sflag:s19] =	ssyncset.done $0x0  }
.LBB2_3:
0x3f: {  	[sflag:s19] =	ssyncadd.s32 $0xFFFFC000  }
0x40: {  	[bflag:$0x0] =	sbarrier.arrive $0xFFFF  }
0x41: {  	[tilespmem:s20], [sflag:$0x1] =	stream.linear.gather [spmem:s8], $0x4000, $0x38;
	[tilespmem:$0x1E800] =	vst v63  }
0x42: {  	_ =	swait.ge [sflag:s19], $0x4000  }
0x43: {  	[sflag:s19] =	ssyncset.done $0x0  }
0x44: {  	[sflag:s19] =	ssyncadd.s32 $0xFFFFC000  }
0x45: {  	[hbm4b:s13+s3] =	stream.linear.scatter [tilespmem:s20], [sflag:$0x1], $0x4000, $0x38;
	[tilespmem:$0x1E800] =	vst v63  }
0x46: {  	_ =	swait.ge [sflag:s19], $0x4000  }
0x47: {  	[sflag:s19] =	ssyncset.done $0x0  }
0x48: {  	[sflag:s19] =	ssyncadd.s32 $0xFFFFC000  }
0x49: {  	[tilespmem:s20], [sflag:$0x1] =	stream.linear.gather [spmem:s9], $0x4000, $0x38;
	[tilespmem:$0x1E800] =	vst v63  }
0x4a: {  	_ =	swait.ge [sflag:s19], $0x4000  }
0x4b: {  	[sflag:s19] =	ssyncset.done $0x0  }
0x4c: {  	[sflag:s19] =	ssyncadd.s32 $0xFFFFC000  }
0x4d: {  	[hbm4b:s14+s3] =	stream.linear.scatter [tilespmem:s20], [sflag:$0x1], $0x4000, $0x38;
	[tilespmem:$0x1E800] =	vst v63  }
0x4e: {  	_ =	swait.ge [sflag:s19], $0x4000  }
0x4f: {  	[sflag:s19] =	ssyncset.done $0x0  }
0x50: {  	[sflag:s19] =	ssyncadd.s32 $0xFFFFC000  }
0x51: {  	[tilespmem:s20], [sflag:$0x1] =	stream.linear.gather [spmem:s10], $0x4000, $0x38;
	[tilespmem:$0x1E800] =	vst v63  }
0x52: {  	_ =	swait.ge [sflag:s19], $0x4000  }
0x53: {  	[sflag:s19] =	ssyncset.done $0x0  }
0x54: {  	[sflag:s19] =	ssyncadd.s32 $0xFFFFC000  }
0x55: {  	[hbm4b:s15+s3] =	stream.linear.scatter [tilespmem:s20], [sflag:$0x1], $0x4000, $0x38;
	[tilespmem:$0x1E800] =	vst v63  }
0x56: {  	_ =	swait.ge [sflag:s19], $0x4000  }
0x57: {  	[sflag:s19] =	ssyncset.done $0x0  }
0x58: {  	[sflag:s19] =	ssyncadd.s32 $0xFFFFC000  }
0x59: {  	[tilespmem:s20], [sflag:$0x1] =	stream.linear.gather [spmem:s11], $0x4000, $0x38;
	[tilespmem:$0x1E800] =	vst v63  }
0x5a: {  	_ =	swait.ge [sflag:s19], $0x4000  }
0x5b: {  	[sflag:s19] =	ssyncset.done $0x0  }
0x5c: {  	[sflag:s19] =	ssyncadd.s32 $0xFFFFC000  }
0x5d: {  	[hbm4b:s16+s3] =	stream.linear.scatter [tilespmem:s20], [sflag:$0x1], $0x4000, $0x38;
	[tilespmem:$0x1E800] =	vst v63  }
0x5e: {  	_ =	swait.ge [sflag:s19], $0x4000  }
0x5f: {  	[sflag:s19] =	ssyncset.done $0x0  }
0x60: {  	[sflag:s19] =	ssyncadd.s32 $0xFFFFC000  }
0x61: {  	[tilespmem:s20], [sflag:$0x1] =	stream.linear.gather [spmem:s12], $0x4000, $0x38;
	[tilespmem:$0x1E800] =	vst v63  }
0x62: {  	s23 =	sadd.s32 $0x1, s23;
	_ =	swait.ge [sflag:s19], $0x4000  }
0x63: {  	p0 =	sne.s32 s23, s18;
	[sflag:s19] =	ssyncset.done $0x0  }
.Ltmp2:
0x64: {  	[sflag:s19] =	ssyncadd.s32 $0xFFFFC000;
	(pc) =	sbr.rel @p0 .LBB2_1-.Ltmp2, $4  }
0x65: {  	[hbm4b:s17+s3] =	stream.linear.scatter [tilespmem:s20], [sflag:$0x1], $0x4000, $0x38;
	[tilespmem:$0x1E800] =	vst v63  }
0x66: {  	_ =	swait.ge [sflag:s19], $0x4000  }
0x67: {  	[sflag:s19] =	ssyncset.done $0x0  }
0x68: {  	[sflag:s19] =	ssyncadd.s32 $0xFFFFC000  }
0x69: {  	_ =	sfence.sel $0x180000  }
0x6a: {  	[bflag:$0x0] =	sbarrier.arrive $0xFFFF  }
0x6b: {  	p0 =	sne.s32 s1, $0x0;
	_ =	strace $0x9000004A  }
0x6c: {  	s0 =	sadd.s32 @!p0 $0x100000, s0;
	[bflag:$0x2] =	sbarrier.arrive $0xFFFF  }
0x6d: {  	[sflag:s0] =	ssyncadd.tile.s32 @!p0 $0x1;
	_ =	shalt  }
.Lfunc_end2:
_tile_overlayer_lowered:
.L_overlay_start_2:
0x6e: {  	(tag) =	ssettag $0x2  }
0x6f: {  	s0 =	rddreg [dreg:$0x0];
	s2 =	stileid.u32  }
0x70: {  	s1 =	rddreg [dreg:$0x1];
	p0 =	sne.s32 s2, $0x0  }
0x71: {  	s3 =	rddreg [dreg:$0x2];
	[bflag:$0x3] =	sbarrier.arrive $0xFFFF;
	s2 =	simm.s32 @!p0 $0x1C01  }
0x72: {  	[timem:s3], [sflag:s2] =	dma.local @!p0 [hbm:s0], s1  }
0x73: {  	s0 =	simm.s32 @!p0 $0x1  }
0x74: {  	_ =	swait.ge @!p0 [sflag:s0], s1  }
0x75: {  	s1 =	ssub.s32 @!p0 $0x0, s1;
	[sflag:s0] =	ssyncset.done @!p0 $0x0  }
0x76: {  	[sflag:s0] =	ssyncadd.s32 @!p0 s1  }
0x77: {  	[bflag:$0x3] =	sbarrier.arrive $0xFFFF  }
0x78: {  	_ =	shalt  }

// kernel: kernel.15.cloned.1.call-start
scs
__scs_entry_jumppad:
0x0: {  	(pc) =	sbr.rel $0x88, $3  }
0x1: {  	(tag) =	ssettag $0x0;
	lr =	simm.s32 $0x1  }
0x2: {  	[smem:$0x3F7E] =	sst lr;
	_ =	strace $0xD0000000  }
0x3: {  	_ = 	snop  }
0x4: {  	_ = 	snop  }
0x5: {  	_ = 	snop  }
0x6: {  	_ = 	snop  }
0x7: {  	_ = 	snop  }
__scs_overlays_trampoline_lowered:
0x8: {  	[smem:$0x3F8D] =	sst s0  }
0x9: {  	[smem:$0x3F8E] =	sst s1  }
0xa: {  	[smem:$0x3F8F] =	sst s2  }
0xb: {  	[smem:$0x3F90] =	sst s3  }
0xc: {  	[smem:$0x3F91] =	sst s4  }
0xd: {  	[smem:$0x3F92] =	sst s5  }
0xe: {  	[smem:$0x3F93] =	sst s6  }
0xf: {  	[smem:$0x3F94] =	sst s7  }
0x10: {  	[smem:$0x3F95] =	sst s8  }
0x11: {  	[smem:$0x3F96] =	sst s9;
	s0 =	simm.s32 @!p0 $0x0  }
0x12: {  	s1 =	sld [smem:$0x3F7C];
	s0 =	simm.s32 @p0 $0x1  }
0x13: {  	[smem:$0x3F97] =	sst s0;
	s0 =	simm.s32 @!p1 $0x0  }
0x14: {  	s2 =	sld [smem:$0x3F7B];
	s0 =	simm.s32 @p1 $0x1  }
0x15: {  	[smem:$0x3F98] =	sst s0;
	s0 =	simm.s32 @!p2 $0x0  }
0x16: {  	s3 =	sld [smem:$0x3FDB];
	s0 =	simm.s32 @p2 $0x1  }
0x17: {  	s4 =	simm.s32 $0x1BF5;
	[smem:$0x3F9A] =	sst s0  }
0x18: {  	s0 =	sld [smem:$0x3F7D];
	_ =	swait.ge [sflag:s4], $0x0  }
0x19: {  	s7 =	sld [smem:$0x3F7E]  }
0x1a: {  	s8 =	sadd.s32 $0xFFFFE003, lr  }
0x1b: {  	s9 =	sadd.s32 $0xFFFFFEF7, lr;
	s5 =	simm.s32 $0xFFFFFFFF;
	p2 =	slt.u32 s8, $0xFFFFF086  }
0x1c: {  	p1 =	slt.u32 s9, $0xF7A;
	s5 =	simm.s32 @!p2 $0x0  }
0x1d: {  	s5 =	simm.s32 @p1 $0x1;
	p0 =	seq.s32 s7, s2  }
0x1e: {  	s7 =	smul.u32 @!p0 $0xF7A, s2;
	p2 =	seq.s32 @!p0 s5, $0x0  }
0x1f: {  	s9 =	smul.u32 $0xF7A, s1;
	s8 =	simm.s32 @!p0 $0x1BF5;
	p2 =	por !p2, p0  }
0x20: {  	[sflag:s8] =	ssyncset.s32 @!p0 $0xFFFFF086;
	s6 =	sadd.s32 @!p0 s3, s7;
	s7 =	simm.s32 @!p0 $0x108  }
0x21: {  	s3 =	sadd.s32 s3, s9;
	s6 =	sadd.s32 @!p0 $0x88, s6;
	s7 =	simm.s32 @p2 $0x1082  }
0x22: {  	[simem:s7], [sflag:s8] =	dma.local @!p0 [hbm:s6], $0xF7A  }
0x23: {  	s9 =	sor.u32 $0xD0000000, s2;
	s6 =	simm.s32 $0x108;
	_ =	swait.ge @!p0 [sflag:s8], $0x0  }
0x24: {  	s3 =	sadd.s32 $0x88, s3;
	s6 =	simm.s32 @!p1 $0x1082;
	[sflag:s4] =	ssyncset.s32 $0xFFFFF086  }
0x25: {  	[simem:s6], [sflag:s4] =	dma.local [hbm:s3], $0xF7A  }
0x26: {  	[smem:$0x3F7E] =	sst s1;
	(tag) =	ssettag s2;
	_ =	strace s9  }
0x27: {  	s1 =	sld [smem:$0x3F8E]  }
0x28: {  	s2 =	sld [smem:$0x3F8F]  }
0x29: {  	s4 =	sld [smem:$0x3F91]  }
0x2a: {  	p0 =	seq.s32 s5, $0x0;
	s5 =	sld [smem:$0x3F92]  }
0x2b: {  	s6 =	sld [smem:$0x3F93]  }
0x2c: {  	s7 =	sld [smem:$0x3F94]  }
0x2d: {  	s3 =	simm.s32 $0x108;
	s8 =	sld [smem:$0x3F95]  }
0x2e: {  	s3 =	simm.s32 @!p0 $0x1082;
	s9 =	sld [smem:$0x3F96]  }
0x2f: {  	lr =	sadd.s32 s0, s3;
	s0 =	sld [smem:$0x3F8D]  }
0x30: {  	s3 =	sld [smem:$0x3F90]  }
0x31: {  	[smem:$0x3F99] =	sst s10  }
0x32: {  	s10 =	sld [smem:$0x3F97];
	_ =	sdelay $0x3  }
0x33: {  	p0 =	seq.s32 s10, $0x1;
	s10 =	sld [smem:$0x3F99];
	_ =	sdelay $0x3  }
0x34: {  	[smem:$0x3F99] =	sst s10  }
0x35: {  	s10 =	sld [smem:$0x3F98];
	_ =	sdelay $0x3  }
0x36: {  	p1 =	seq.s32 s10, $0x1;
	s10 =	sld [smem:$0x3F99];
	_ =	sdelay $0x3  }
0x37: {  	[smem:$0x3F99] =	sst s10  }
0x38: {  	s10 =	sld [smem:$0x3F9A]  }
0x39: {  	_ = 	snop;
	(pc) =	sbr.ind lr, $3  }
0x3a: {  	_ = 	snop  }
0x3b: {  	_ = 	snop  }
0x3c: {  	p2 =	seq.s32 s10, $0x1;
	s10 =	sld [smem:$0x3F99]  }
0x3d: {  	_ =	shalt  }
0x3e: {  	_ =	shalt  }
0x3f: {  	_ =	shalt  }
0x40: {  	_ =	shalt  }
0x41: {  	_ =	shalt  }
0x42: {  	_ =	shalt  }
0x43: {  	_ =	shalt  }
0x44: {  	_ =	shalt  }
0x45: {  	_ =	shalt  }
0x46: {  	_ =	shalt  }
0x47: {  	_ =	shalt  }
0x48: {  	_ =	shalt  }
0x49: {  	_ =	shalt  }
0x4a: {  	_ =	shalt  }
0x4b: {  	_ =	shalt  }
0x4c: {  	_ =	shalt  }
0x4d: {  	_ =	shalt  }
0x4e: {  	_ =	shalt  }
0x4f: {  	_ =	shalt  }
0x50: {  	_ =	shalt  }
0x51: {  	_ =	shalt  }
0x52: {  	_ =	shalt  }
0x53: {  	_ =	shalt  }
0x54: {  	_ =	shalt  }
0x55: {  	_ =	shalt  }
0x56: {  	_ =	shalt  }
0x57: {  	_ =	shalt  }
0x58: {  	_ =	shalt  }
0x59: {  	_ =	shalt  }
0x5a: {  	_ =	shalt  }
0x5b: {  	_ =	shalt  }
0x5c: {  	_ =	shalt  }
0x5d: {  	_ =	shalt  }
0x5e: {  	_ =	shalt  }
0x5f: {  	_ =	shalt  }
0x60: {  	_ =	shalt  }
0x61: {  	_ =	shalt  }
0x62: {  	_ =	shalt  }
0x63: {  	_ =	shalt  }
0x64: {  	_ =	shalt  }
0x65: {  	_ =	shalt  }
0x66: {  	_ =	shalt  }
0x67: {  	_ =	shalt  }
0x68: {  	_ =	shalt  }
0x69: {  	_ =	shalt  }
0x6a: {  	_ =	shalt  }
0x6b: {  	_ =	shalt  }
0x6c: {  	_ =	shalt  }
0x6d: {  	_ =	shalt  }
0x6e: {  	_ =	shalt  }
0x6f: {  	_ =	shalt  }
0x70: {  	_ =	shalt  }
0x71: {  	_ =	shalt  }
0x72: {  	_ =	shalt  }
0x73: {  	_ =	shalt  }
0x74: {  	_ =	shalt  }
0x75: {  	_ =	shalt  }
0x76: {  	_ =	shalt  }
0x77: {  	_ =	shalt  }
0x78: {  	_ =	shalt  }
0x79: {  	_ =	shalt  }
0x7a: {  	_ =	shalt  }
0x7b: {  	_ =	shalt  }
0x7c: {  	_ =	shalt  }
0x7d: {  	_ =	shalt  }
0x7e: {  	_ =	shalt  }
0x7f: {  	_ =	shalt  }
0x80: {  	_ =	shalt  }
0x81: {  	_ =	shalt  }
0x82: {  	_ =	shalt  }
0x83: {  	_ =	shalt  }
0x84: {  	_ =	shalt  }
0x85: {  	_ =	shalt  }
0x86: {  	_ =	shalt  }
0x87: {  	_ =	shalt  }
.Lfunc_end0:
.L_simem_size_0:
called_computation.1_lowered:
.L_overlay_start_0:
0x88: {  	s2 =	sld [smem:$0x3FD9]  }
0x89: {  	s3 =	sld [smem:$0x3FFE];
	_ =	sdelay $0x1  }
0x8a: {  	s1 =	srdreg.scid  }
0x8b: {  	s0 =	sand.u32 $0x1, s1  }
0x8c: {  	s16 =	sshll.u32 s0, $0xA;
	s2 =	sadd.s32 s3, s2  }
0x8d: {  	s2 =	sadd.s32 s2, s16  }
0x8e: {  	[smem:$0x3FA5] =	sst s2  }
0x8f: {  	_ = 	snop  }
0x90: {  	(tm) =	ssettm $0x1  }
0x91: {  	s17 =	sld [smem:$0x3FFB];
	_ =	sdelay $0x3  }
0x92: {  	_ =	strace s17  }
0x93: {  	s2 =	sld [smem:$0x3FFC];
	_ =	sdelay $0x3  }
0x94: {  	_ =	strace s2  }
0x95: {  	s2 =	sld [smem:$0x3FFD];
	_ =	sdelay $0x3  }
0x96: {  	_ =	strace s2  }
0x97: {  	_ =	strace $0x8FFFFFFF  }
0x98: {  	s18 =	sld [smem:$0x3FDB];
	_ =	sdelay $0x1  }
0x99: {  	s19 =	simm.s32 $_scs_section_size  }
0x9a: {  	s4 =	simm.s32 $_size__tile_overlayer_lowered;
	s5 =	simm.s32 $_tile_overlayer_lowered  }
0x9b: {  	s22 =	simm.s32 $0x1BFF;
	s21 =	sshll.u32 s5, $0x1;
	s2 =	sadd.s32 s19, s18  }
0x9c: {  	s6 =	simm.s32 $0x0;
	s20 =	sshll.u32 s4, $0x1;
	s4 =	sadd.s32 s21, s2  }
0x9d: {  	[timem:s6], [sflag:s22] =	dma.local [hbm:s4], s20  }
0x9e: {  	_ =	swait.ge [sflag:s22], s20  }
0x9f: {  	s3 =	ssub.s32 $0x0, s20;
	[sflag:s22] =	ssyncset.done $0x0  }
0xa0: {  	[sflag:s22] =	ssyncadd.s32 s3;
	_ =	sdelay $0x1  }
0xa1: {  	s23 =	simm.s32 $0x1B8B  }
0xa2: {  	_ =	swait.ge [sflag:s23], $0x1  }
0xa3: {  	[sflag:s23] =	ssyncset.done $0x0  }
0xa4: {  	s25 =	simm.s32 $0x1B8E;
	s24 =	sld [smem:$0x3FFE];
	[sflag:s23] =	ssyncadd.s32 $0xFFFFFFFF  }
0xa5: {  	s26 =	simm.s32 $execute0_lowered;
	[smem:$0x3FD2] =	sst s25  }
0xa6: {  	s4 =	sshll.u32 s26, $0x1;
	_ =	strace $0x80000046;
	[dreg:$0x1] =	wrdreg $0xFFFFFFFF  }
0xa7: {  	s28 =	simm.s32 $_size_execute0_lowered;
	s2 =	sadd.s32 s2, s4;
	[dreg:$0x0] =	wrdreg $0x0  }
0xa8: {  	s4 =	sshll.u32 s28, $0x1;
	[dreg:$0x2] =	wrdreg s2  }
0xa9: {  	[dreg:$0x3] =	wrdreg s4  }
0xaa: {  	[dreg:$0x4] =	wrdreg $0xC0  }
0xab: {  	_ =	task [dreg:s6], $0x5FFFF  }
0xac: {  	[dreg:$0x1] =	wrdreg $0xFFFFFFFF  }
0xad: {  	[dreg:$0x0] =	wrdreg $0x60  }
0xae: {  	[dreg:$0x2] =	wrdreg s24  }
0xaf: {  	[dreg:$0x3] =	wrdreg $0xA9000  }
0xb0: {  	[dreg:$0x4] =	wrdreg $0xA  }
0xb1: {  	_ =	task.clear_ibuf [dreg:s6], $0x5FFFF;
	_ =	strace $0x90000046  }
0xb2: {  	s29 =	simm.s32 $0xA;
	_ =	strace $0x80000048  }
0xb3: {  	_ =	swait.ge [sflag:s29], $0x1  }
0xb4: {  	[sflag:s29] =	ssyncadd.s32 $0xFFFFFFFF  }
0xb5: {  	_ =	strace $0x90000048  }
0xb6: {  	_ =	sfence  }
0xb7: {  	s30 =	sld [smem:$0x0];
	_ =	sdelay $0x2  }
0xb8: {  	s31 =	sshll.u32 s1, $0xD;
	s1 =	sshrl.u32 s1, $0x2  }
0xb9: {  	s3 =	sand.u32 $0x4000, s31;
	s1 =	sadd.s32 s1, s30  }
0xba: {  	s0 =	sor.u32 s3, s0;
	s1 =	sshll.u32 s1, $0x11  }
0xbb: {  	s0 =	sor.u32 s1, s0  }
0xbc: {  	s0 =	sadd.s32 $0x8F2B, s0  }
0xbd: {  	[sflag:s0] =	ssyncadd.remote.s32 $0x1  }
0xbe: {  	_ =	sfence.sel $0xFFFF  }
0xbf: {  	[dreg:$0x0] =	wrdreg $0xFFFFFFFF;
	(pc) =	sbr.abs _section_cstart, $3  }
0xc0: {  	[dreg:$0x1] =	wrdreg $0xFFFFFFFF  }
0xc1: {  	_ =	task.clear_ibuf [dreg:s6], $0x2FFFF;
	_ =	strace $0x9FFFFFFF  }
0xc2: {  	(tm) =	ssettm $0x7FFFFFFF  }
0xc3: {  	_ =	shalt  }
tec
execute0_lowered:
.L_overlay_start_1:
0x0: {  	(tag) =	ssettag $0x1  }
0x1: {  	s0 =	srdreg.scid;
	s1 =	rddreg [dreg:$0x0]  }
0x2: {  	s11 =	stileid.u32;
	s2 =	rddreg [dreg:$0x1]  }
0x3: {  	s28 =	simm.s32 $0x6900;
	s29 =	simm.s32 $0x3;
	s30 =	simm.s32 $0x1  }
0x4: {  	s31 =	simm.s32 $0x4;
	s0 =	sand.u32 $0x1, s0;
	s9 =	smul.u32 $0x50000, s11  }
0x5: {  	s5 =	sadd.s32 $0x16800, s1;
	s6 =	sadd.s32 $0x2800, s1;
	s15 =	smul.u32 $0x14000, s11  }
0x6: {  	s22 =	sadd.s32 $0x3DA00, s1;
	s3 =	sshll.u32 s0, $0x4;
	s10 =	ssub.s32 $0x2, s0  }
0x7: {  	s19 =	smul.u32 $0x140000, s0;
	s0 =	sshll.u32 s0, $0x8;
	s4 =	sor.u32 s11, s3  }
0x8: {  	s3 =	simm.s32 $0x0;
	s23 =	sshrl.u32 s10, $0x1;
	s9 =	sshrl.u32 s9, $0x2  }
0x9: {  	s16 =	sadd.s32 $0x4000, s15;
	s24 =	sadd.s32 $0x8000, s15;
	s18 =	sadd.s32 $0xC000, s15  }
0xa: {  	s20 =	sadd.s32 $0x10000, s15;
	s0 =	sadd.s32 $0xFFFFD900, s0;
	s4 =	smul.u32 $0x2800, s4  }
0xb: {  	[smem:$0x7FF] =	sst s3;
	s21 =	ssub.s32 s10, s23;
	s9 =	sadd.s32 s9, s2  }
0xc: {  	s10 =	sadd.s32 s16, s2;
	s11 =	sadd.s32 s24, s2;
	s12 =	sadd.s32 s18, s2  }
0xd: {  	s13 =	sadd.s32 s20, s2;
	s25 =	sadd.s32 s15, s19;
	s17 =	sadd.s32 s19, s16  }
0xe: {  	s23 =	sadd.s32 s19, s18;
	_ =	strace $0x80000047;
	[dreg:$0x4] =	wrdreg s22  }
0xf: {  	s17 =	sshrl.u32 s17, $0x3;
	s21 =	smax.u32 s21, $0x1;
	s7 =	sshrl.u32 s4, $0x3  }
0x10: {  	[dreg:$0x3] =	wrdreg s0;
	s0 =	simm.s32 $0x0;
	s8 =	sadd.s32 s7, s1  }
0x11: {  	s1 =	sadd.s32 $0x3E200, s1;
	s14 =	sadd.s32 s6, s7;
	s8 =	sadd.s32 $0xC800, s8  }
0x12: {  	s7 =	sshrl.u32 s25, $0x3;
	s26 =	sadd.s32 $0x10, s14;
	[dreg:$0x5] =	wrdreg s8  }
0x13: {  	s25 =	sadd.s32 s19, s20;
	s7 =	sadd.s32 s1, s7;
	[dreg:$0x6] =	wrdreg s26  }
0x14: {  	s17 =	sadd.s32 s1, s17;
	[dreg:$0x7] =	wrdreg s7;
	s8 =	sadd.s32 s19, s24  }
0x15: {  	s24 =	sshrl.u32 s23, $0x3;
	s26 =	sshrl.u32 s25, $0x3;
	s23 =	simm.s32 $0x2900  }
0x16: {  	s25 =	simm.s32 $0x2880;
	s22 =	sshrl.u32 s8, $0x3;
	s19 =	sadd.s32 s1, s24  }
0x17: {  	s20 =	sadd.s32 s1, s26;
	s24 =	simm.s32 $0x2800;
	s26 =	simm.s32 $0x80  }
0x18: {  	s18 =	sadd.s32 s1, s22;
	s22 =	simm.s32 $0x5;
	s1 =	simm.s32 $0x2  }
.LBB2_1:
0x19: {  	s7 =	rddreg [dreg:$0x5]  }
0x1a: {  	[tilespmem:s3], [sflag:$0x5] =	stream.linear.gather [hbm4b:s7+s3], $0x2800, $0x38;
	[tilespmem:$0x1E900] =	vst v63  }
0x1b: {  	_ =	swait.ge [sflag:s22], $0x2800  }
0x1c: {  	[sflag:s22] =	ssyncset.done $0x0  }
0x1d: {  	s15 =	rddreg [dreg:$0x4];
	[sflag:s22] =	ssyncadd.s32 $0xFFFFD800  }
0x1e: {  	[tilespmem:s23], [sflag:$0x5] =	stream.linear.gather [hbm4b:s15+s3], $0x4000, $0x38;
	[tilespmem:$0x1E900] =	vst v63  }
0x1f: {  	_ =	swait.ge [sflag:s22], $0x4000  }
0x20: {  	[sflag:s22] =	ssyncset.done $0x0  }
0x21: {  	[sflag:s22] =	ssyncadd.s32 $0xFFFFC000  }
0x22: {  	[spmem:s9] =	stream.linear.scatter [tilespmem:s23], [sflag:$0x5], $0x4000, $0x38;
	[tilespmem:$0x1E900] =	vst v63  }
0x23: {  	_ =	swait.ge [sflag:s22], $0x4000  }
0x24: {  	[sflag:s22] =	ssyncset.done $0x0  }
0x25: {  	[sflag:s22] =	ssyncadd.s32 $0xFFFFC000  }
0x26: {  	[spmem:s10] =	stream.linear.scatter [tilespmem:s23], [sflag:$0x5], $0x4000, $0x38;
	[tilespmem:$0x1E900] =	vst v63  }
0x27: {  	_ =	swait.ge [sflag:s22], $0x4000  }
0x28: {  	[sflag:s22] =	ssyncset.done $0x0  }
0x29: {  	[sflag:s22] =	ssyncadd.s32 $0xFFFFC000  }
0x2a: {  	[spmem:s11] =	stream.linear.scatter [tilespmem:s23], [sflag:$0x5], $0x4000, $0x38;
	[tilespmem:$0x1E900] =	vst v63  }
0x2b: {  	_ =	swait.ge [sflag:s22], $0x4000  }
0x2c: {  	[sflag:s22] =	ssyncset.done $0x0  }
0x2d: {  	[sflag:s22] =	ssyncadd.s32 $0xFFFFC000  }
0x2e: {  	[spmem:s12] =	stream.linear.scatter [tilespmem:s23], [sflag:$0x5], $0x4000, $0x38;
	[tilespmem:$0x1E900] =	vst v63  }
0x2f: {  	_ =	swait.ge [sflag:s22], $0x4000  }
0x30: {  	[sflag:s22] =	ssyncset.done $0x0  }
0x31: {  	[sflag:s22] =	ssyncadd.s32 $0xFFFFC000  }
0x32: {  	[spmem:s13] =	stream.linear.scatter [tilespmem:s23], [sflag:$0x5], $0x4000, $0x38;
	[tilespmem:$0x1E900] =	vst v63  }
0x33: {  	_ =	swait.ge [sflag:s22], $0x4000  }
0x34: {  	[sflag:s22] =	ssyncset.done $0x0  }
0x35: {  	[sflag:s22] =	ssyncadd.s32 $0xFFFFC000  }
0x36: {  	[bflag:$0x0] =	sbarrier.arrive $0xFFFF  }
0x37: {  	[tilespmem:s23], [sflag:$0x3] =	stream.indirect.gather [hbm4b:s5+s26], $0x80, s3, s26, $0xb8;
	[tilespmem:$0x1E900] =	vst v63  }
0x38: {  	_ = 	snop  }
0x39: {  	[tilespmem:s24], [sflag:$0x1] =	stream.linear.gather [hbm4b:s14+s3], $0x80, $0x38;
	[tilespmem:$0x1E900] =	vst v63  }
0x3a: {  	s8 =	simm.s32 $0x180;
	s7 =	simm.s32 $0x80;
	s16 =	rddreg [dreg:$0x6]  }
0x3b: {  	[tilespmem:s25], [sflag:$0x2] =	stream.linear.gather [hbm4b:s16+s3], $0x80, $0x38;
	[tilespmem:$0x1E900] =	vst v63  }
.LBB2_2:
0x3c: {  	[tilespmem:s28], [sflag:$0x4] =	stream.indirect.gather [hbm4b:s5+s26], $0x80, s7, s26, $0xb8;
	[tilespmem:$0x1E900] =	vst v63  }
0x3d: {  	_ =	swait.ge [sflag:s29], $0x4000  }
0x3e: {  	[sflag:s29] =	ssyncset.done $0x0  }
0x3f: {  	[sflag:s29] =	ssyncadd.s32 $0xFFFFC000  }
0x40: {  	s15 =	sadd.s32 $0xFFFFFF80, s8;
	_ =	swait.ge [sflag:s30], $0x80  }
0x41: {  	s16 =	sand.u32 $0xFFFFFC00, s15;
	[sflag:s30] =	ssyncset.done $0x0  }
0x42: {  	s15 =	sand.u32 $0x300, s15;
	s16 =	sadd.s32 s4, s16;
	[sflag:s30] =	ssyncadd.s32 $0xFFFFFF80  }
0x43: {  	[spmem:s2] =	stream.indirect.scatter.add.f32 [tilespmem:s23], [sflag:$0x5], $0x80, s24, s26, $0xb8;
	[tilespmem:$0x1E900] =	vst v63  }
0x44: {  	s15 =	sor.u32 s15, s16;
	_ =	swait.ge [sflag:s22], $0x4000  }
0x45: {  	s15 =	sshrl.u32 s15, $0x3;
	[sflag:s22] =	ssyncset.done $0x0  }
0x46: {  	s15 =	sadd.s32 s6, s15;
	[sflag:s22] =	ssyncadd.s32 $0xFFFFC000  }
0x47: {  	[tilespmem:s24], [sflag:$0x1] =	stream.linear.gather [hbm4b:s15+s3], $0x80, $0x38;
	[tilespmem:$0x1E900] =	vst v63  }
0x48: {  	s16 =	sadd.s32 $0x80, s7  }
0x49: {  	[tilespmem:s23], [sflag:$0x3] =	stream.indirect.gather [hbm4b:s5+s26], $0x80, s16, s26, $0xb8;
	[tilespmem:$0x1E900] =	vst v63  }
0x4a: {  	_ =	swait.ge [sflag:s31], $0x4000  }
0x4b: {  	[sflag:s31] =	ssyncset.done $0x0  }
0x4c: {  	[sflag:s31] =	ssyncadd.s32 $0xFFFFC000  }
0x4d: {  	_ =	swait.ge [sflag:s1], $0x80  }
0x4e: {  	[sflag:s1] =	ssyncset.done $0x0  }
0x4f: {  	s16 =	sand.u32 $0xFFFFFC00, s8;
	[sflag:s1] =	ssyncadd.s32 $0xFFFFFF80  }
0x50: {  	[spmem:s2] =	stream.indirect.scatter.add.f32 [tilespmem:s28], [sflag:$0x5], $0x80, s25, s26, $0xb8;
	[tilespmem:$0x1E900] =	vst v63  }
0x51: {  	s15 =	sadd.s32 s4, s16;
	s16 =	sand.u32 $0x380, s8;
	_ =	swait.ge [sflag:s22], $0x4000  }
0x52: {  	s8 =	sadd.s32 $0x100, s8;
	s15 =	sor.u32 s16, s15;
	s16 =	rddreg [dreg:$0x3]  }
0x53: {  	s16 =	sadd.s32 s8, s16  }
0x54: {  	p0 =	sne.s32 s16, $0x180  }
.Ltmp0:
0x55: {  	_ = 	snop;
	(pc) =	sbr.rel @p0 .LBB2_2-.Ltmp0, $4  }
0x56: {  	_ = 	snop  }
0x57: {  	s15 =	sshrl.u32 s15, $0x3;
	[sflag:s22] =	ssyncset.done $0x0  }
0x58: {  	s7 =	sadd.s32 $0x100, s7;
	s15 =	sadd.s32 s6, s15;
	[sflag:s22] =	ssyncadd.s32 $0xFFFFC000  }
0x59: {  	[tilespmem:s25], [sflag:$0x2] =	stream.linear.gather [hbm4b:s15+s3], $0x80, $0x38;
	[tilespmem:$0x1E900] =	vst v63  }
0x5a: {  	[tilespmem:s28], [sflag:$0x4] =	stream.indirect.gather [hbm4b:s5+s26], $0x80, s7, s26, $0xb8;
	[tilespmem:$0x1E900] =	vst v63  }
0x5b: {  	_ =	swait.ge [sflag:s29], $0x4000  }
0x5c: {  	[sflag:s29] =	ssyncset.done $0x0  }
0x5d: {  	[sflag:s29] =	ssyncadd.s32 $0xFFFFC000  }
0x5e: {  	_ =	swait.ge [sflag:s30], $0x80  }
0x5f: {  	[sflag:s30] =	ssyncset.done $0x0  }
0x60: {  	[sflag:s30] =	ssyncadd.s32 $0xFFFFFF80  }
0x61: {  	[spmem:s2] =	stream.indirect.scatter.add.f32 [tilespmem:s23], [sflag:$0x5], $0x80, s24, s26, $0xb8;
	[tilespmem:$0x1E900] =	vst v63  }
0x62: {  	_ =	swait.ge [sflag:s22], $0x4000  }
0x63: {  	[sflag:s22] =	ssyncset.done $0x0  }
0x64: {  	[sflag:s22] =	ssyncadd.s32 $0xFFFFC000  }
0x65: {  	_ =	swait.ge [sflag:s31], $0x4000  }
0x66: {  	[sflag:s31] =	ssyncset.done $0x0  }
0x67: {  	[sflag:s31] =	ssyncadd.s32 $0xFFFFC000  }
0x68: {  	_ =	swait.ge [sflag:s1], $0x80  }
0x69: {  	[sflag:s1] =	ssyncset.done $0x0  }
0x6a: {  	[sflag:s1] =	ssyncadd.s32 $0xFFFFFF80  }
0x6b: {  	[spmem:s2] =	stream.indirect.scatter.add.f32 [tilespmem:s28], [sflag:$0x5], $0x80, s25, s26, $0xb8;
	[tilespmem:$0x1E900] =	vst v63  }
0x6c: {  	_ =	swait.ge [sflag:s22], $0x4000  }
0x6d: {  	[sflag:s22] =	ssyncset.done $0x0  }
0x6e: {  	[sflag:s22] =	ssyncadd.s32 $0xFFFFC000  }
0x6f: {  	[bflag:$0x0] =	sbarrier.arrive $0xFFFF  }
0x70: {  	[tilespmem:s23], [sflag:$0x5] =	stream.linear.gather [spmem:s9], $0x4000, $0x38;
	[tilespmem:$0x1E900] =	vst v63  }
0x71: {  	_ =	swait.ge [sflag:s22], $0x4000  }
0x72: {  	[sflag:s22] =	ssyncset.done $0x0  }
0x73: {  	s16 =	rddreg [dreg:$0x7];
	[sflag:s22] =	ssyncadd.s32 $0xFFFFC000  }
0x74: {  	[hbm4b:s16+s3] =	stream.linear.scatter [tilespmem:s23], [sflag:$0x3], $0x4000, $0x38;
	[tilespmem:$0x1E900] =	vst v63  }
0x75: {  	_ = 	snop  }
0x76: {  	[tilespmem:s28], [sflag:$0x5] =	stream.linear.gather [spmem:s10], $0x4000, $0x38;
	[tilespmem:$0x1E900] =	vst v63  }
0x77: {  	_ =	swait.ge [sflag:s22], $0x4000  }
0x78: {  	[sflag:s22] =	ssyncset.done $0x0  }
0x79: {  	[sflag:s22] =	ssyncadd.s32 $0xFFFFC000  }
0x7a: {  	[hbm4b:s17+s3] =	stream.linear.scatter [tilespmem:s28], [sflag:$0x4], $0x4000, $0x38;
	[tilespmem:$0x1E900] =	vst v63  }
0x7b: {  	_ =	swait.ge [sflag:s29], $0x4000  }
0x7c: {  	[sflag:s29] =	ssyncset.done $0x0  }
0x7d: {  	[sflag:s29] =	ssyncadd.s32 $0xFFFFC000  }
0x7e: {  	[tilespmem:s23], [sflag:$0x5] =	stream.linear.gather [spmem:s11], $0x4000, $0x38;
	[tilespmem:$0x1E900] =	vst v63  }
0x7f: {  	_ =	swait.ge [sflag:s22], $0x4000  }
0x80: {  	[sflag:s22] =	ssyncset.done $0x0  }
0x81: {  	[sflag:s22] =	ssyncadd.s32 $0xFFFFC000  }
0x82: {  	[hbm4b:s18+s3] =	stream.linear.scatter [tilespmem:s23], [sflag:$0x3], $0x4000, $0x38;
	[tilespmem:$0x1E900] =	vst v63  }
0x83: {  	_ =	swait.ge [sflag:s31], $0x4000  }
0x84: {  	[sflag:s31] =	ssyncset.done $0x0  }
0x85: {  	[sflag:s31] =	ssyncadd.s32 $0xFFFFC000  }
0x86: {  	[tilespmem:s28], [sflag:$0x5] =	stream.linear.gather [spmem:s12], $0x4000, $0x38;
	[tilespmem:$0x1E900] =	vst v63  }
0x87: {  	_ =	swait.ge [sflag:s22], $0x4000  }
0x88: {  	[sflag:s22] =	ssyncset.done $0x0  }
0x89: {  	[sflag:s22] =	ssyncadd.s32 $0xFFFFC000  }
0x8a: {  	[hbm4b:s19+s3] =	stream.linear.scatter [tilespmem:s28], [sflag:$0x4], $0x4000, $0x38;
	[tilespmem:$0x1E900] =	vst v63  }
0x8b: {  	_ =	swait.ge [sflag:s29], $0x4000  }
0x8c: {  	[sflag:s29] =	ssyncset.done $0x0  }
0x8d: {  	[sflag:s29] =	ssyncadd.s32 $0xFFFFC000  }
0x8e: {  	[tilespmem:s23], [sflag:$0x5] =	stream.linear.gather [spmem:s13], $0x4000, $0x38;
	[tilespmem:$0x1E900] =	vst v63  }
0x8f: {  	_ =	swait.ge [sflag:s22], $0x4000  }
0x90: {  	[sflag:s22] =	ssyncset.done $0x0  }
0x91: {  	s0 =	sadd.s32 $0x1, s0;
	[sflag:s22] =	ssyncadd.s32 $0xFFFFC000  }
0x92: {  	[hbm4b:s20+s3] =	stream.linear.scatter [tilespmem:s23], [sflag:$0x3], $0x4000, $0x38;
	[tilespmem:$0x1E900] =	vst v63  }
0x93: {  	p0 =	sne.s32 s0, s21;
	_ =	swait.ge [sflag:s31], $0x4000  }
.Ltmp1:
0x94: {  	[sflag:s31] =	ssyncset.done $0x0;
	(pc) =	sbr.rel @p0 .LBB2_1-.Ltmp1, $4  }
0x95: {  	[sflag:s31] =	ssyncadd.s32 $0xFFFFC000  }
0x96: {  	_ =	swait.ge [sflag:s29], $0x4000  }
0x97: {  	[sflag:s29] =	ssyncset.done $0x0  }
0x98: {  	[sflag:s29] =	ssyncadd.s32 $0xFFFFC000  }
0x99: {  	_ =	sfence.sel $0x180000  }
0x9a: {  	[bflag:$0x0] =	sbarrier.arrive $0xFFFF  }
0x9b: {  	_ =	strace $0x90000047  }
0x9c: {  	s0 =	stileid.u32;
	[bflag:$0x2] =	sbarrier.arrive $0xFFFF  }
0x9d: {  	p0 =	sne.s32 s0, $0x0;
	s0 =	rddreg [dreg:$0x2]  }
0x9e: {  	s0 =	sadd.s32 @!p0 $0x100000, s0  }
0x9f: {  	[sflag:s0] =	ssyncadd.tile.s32 @!p0 $0x1;
	_ =	shalt  }
.Lfunc_end2:
_tile_overlayer_lowered:
.L_overlay_start_2:
0xa0: {  	(tag) =	ssettag $0x2  }
0xa1: {  	s0 =	rddreg [dreg:$0x0];
	s2 =	stileid.u32  }
0xa2: {  	s1 =	rddreg [dreg:$0x1];
	p0 =	sne.s32 s2, $0x0  }
0xa3: {  	s3 =	rddreg [dreg:$0x2];
	[bflag:$0x3] =	sbarrier.arrive $0xFFFF;
	s2 =	simm.s32 @!p0 $0x1C05  }
0xa4: {  	[timem:s3], [sflag:s2] =	dma.local @!p0 [hbm:s0], s1  }
0xa5: {  	s0 =	simm.s32 @!p0 $0x5  }
0xa6: {  	_ =	swait.ge @!p0 [sflag:s0], s1  }
0xa7: {  	s1 =	ssub.s32 @!p0 $0x0, s1;
	[sflag:s0] =	ssyncset.done @!p0 $0x0  }
0xa8: {  	[sflag:s0] =	ssyncadd.s32 @!p0 s1  }
0xa9: {  	[bflag:$0x3] =	sbarrier.arrive $0xFFFF  }
0xaa: {  	_ =	shalt  }

// kernel: kernel.18.cloned.1.call-start
scs
__scs_entry_jumppad:
0x0: {  	(pc) =	sbr.rel $0x88, $3  }
0x1: {  	(tag) =	ssettag $0x0;
	lr =	simm.s32 $0x1  }
0x2: {  	[smem:$0x3F7E] =	sst lr;
	_ =	strace $0xD0000000  }
0x3: {  	_ = 	snop  }
0x4: {  	_ = 	snop  }
0x5: {  	_ = 	snop  }
0x6: {  	_ = 	snop  }
0x7: {  	_ = 	snop  }
__scs_overlays_trampoline_lowered:
0x8: {  	[smem:$0x3F8D] =	sst s0  }
0x9: {  	[smem:$0x3F8E] =	sst s1  }
0xa: {  	[smem:$0x3F8F] =	sst s2  }
0xb: {  	[smem:$0x3F90] =	sst s3  }
0xc: {  	[smem:$0x3F91] =	sst s4  }
0xd: {  	[smem:$0x3F92] =	sst s5  }
0xe: {  	[smem:$0x3F93] =	sst s6  }
0xf: {  	[smem:$0x3F94] =	sst s7  }
0x10: {  	[smem:$0x3F95] =	sst s8  }
0x11: {  	[smem:$0x3F96] =	sst s9;
	s0 =	simm.s32 @!p0 $0x0  }
0x12: {  	s1 =	sld [smem:$0x3F7C];
	s0 =	simm.s32 @p0 $0x1  }
0x13: {  	[smem:$0x3F97] =	sst s0;
	s0 =	simm.s32 @!p1 $0x0  }
0x14: {  	s2 =	sld [smem:$0x3F7B];
	s0 =	simm.s32 @p1 $0x1  }
0x15: {  	[smem:$0x3F98] =	sst s0;
	s0 =	simm.s32 @!p2 $0x0  }
0x16: {  	s3 =	sld [smem:$0x3FDB];
	s0 =	simm.s32 @p2 $0x1  }
0x17: {  	s4 =	simm.s32 $0x1BF5;
	[smem:$0x3F9A] =	sst s0  }
0x18: {  	s0 =	sld [smem:$0x3F7D];
	_ =	swait.ge [sflag:s4], $0x0  }
0x19: {  	s7 =	sld [smem:$0x3F7E]  }
0x1a: {  	s8 =	sadd.s32 $0xFFFFE003, lr  }
0x1b: {  	s9 =	sadd.s32 $0xFFFFFEF7, lr;
	s5 =	simm.s32 $0xFFFFFFFF;
	p2 =	slt.u32 s8, $0xFFFFF086  }
0x1c: {  	p1 =	slt.u32 s9, $0xF7A;
	s5 =	simm.s32 @!p2 $0x0  }
0x1d: {  	s5 =	simm.s32 @p1 $0x1;
	p0 =	seq.s32 s7, s2  }
0x1e: {  	s7 =	smul.u32 @!p0 $0xF7A, s2;
	p2 =	seq.s32 @!p0 s5, $0x0  }
0x1f: {  	s9 =	smul.u32 $0xF7A, s1;
	s8 =	simm.s32 @!p0 $0x1BF5;
	p2 =	por !p2, p0  }
0x20: {  	[sflag:s8] =	ssyncset.s32 @!p0 $0xFFFFF086;
	s6 =	sadd.s32 @!p0 s3, s7;
	s7 =	simm.s32 @!p0 $0x108  }
0x21: {  	s3 =	sadd.s32 s3, s9;
	s6 =	sadd.s32 @!p0 $0x88, s6;
	s7 =	simm.s32 @p2 $0x1082  }
0x22: {  	[simem:s7], [sflag:s8] =	dma.local @!p0 [hbm:s6], $0xF7A  }
0x23: {  	s9 =	sor.u32 $0xD0000000, s2;
	s6 =	simm.s32 $0x108;
	_ =	swait.ge @!p0 [sflag:s8], $0x0  }
0x24: {  	s3 =	sadd.s32 $0x88, s3;
	s6 =	simm.s32 @!p1 $0x1082;
	[sflag:s4] =	ssyncset.s32 $0xFFFFF086  }
0x25: {  	[simem:s6], [sflag:s4] =	dma.local [hbm:s3], $0xF7A  }
0x26: {  	[smem:$0x3F7E] =	sst s1;
	(tag) =	ssettag s2;
	_ =	strace s9  }
0x27: {  	s1 =	sld [smem:$0x3F8E]  }
0x28: {  	s2 =	sld [smem:$0x3F8F]  }
0x29: {  	s4 =	sld [smem:$0x3F91]  }
0x2a: {  	p0 =	seq.s32 s5, $0x0;
	s5 =	sld [smem:$0x3F92]  }
0x2b: {  	s6 =	sld [smem:$0x3F93]  }
0x2c: {  	s7 =	sld [smem:$0x3F94]  }
0x2d: {  	s3 =	simm.s32 $0x108;
	s8 =	sld [smem:$0x3F95]  }
0x2e: {  	s3 =	simm.s32 @!p0 $0x1082;
	s9 =	sld [smem:$0x3F96]  }
0x2f: {  	lr =	sadd.s32 s0, s3;
	s0 =	sld [smem:$0x3F8D]  }
0x30: {  	s3 =	sld [smem:$0x3F90]  }
0x31: {  	[smem:$0x3F99] =	sst s10  }
0x32: {  	s10 =	sld [smem:$0x3F97];
	_ =	sdelay $0x3  }
0x33: {  	p0 =	seq.s32 s10, $0x1;
	s10 =	sld [smem:$0x3F99];
	_ =	sdelay $0x3  }
0x34: {  	[smem:$0x3F99] =	sst s10  }
0x35: {  	s10 =	sld [smem:$0x3F98];
	_ =	sdelay $0x3  }
0x36: {  	p1 =	seq.s32 s10, $0x1;
	s10 =	sld [smem:$0x3F99];
	_ =	sdelay $0x3  }
0x37: {  	[smem:$0x3F99] =	sst s10  }
0x38: {  	s10 =	sld [smem:$0x3F9A]  }
0x39: {  	_ = 	snop;
	(pc) =	sbr.ind lr, $3  }
0x3a: {  	_ = 	snop  }
0x3b: {  	_ = 	snop  }
0x3c: {  	p2 =	seq.s32 s10, $0x1;
	s10 =	sld [smem:$0x3F99]  }
0x3d: {  	_ =	shalt  }
0x3e: {  	_ =	shalt  }
0x3f: {  	_ =	shalt  }
0x40: {  	_ =	shalt  }
0x41: {  	_ =	shalt  }
0x42: {  	_ =	shalt  }
0x43: {  	_ =	shalt  }
0x44: {  	_ =	shalt  }
0x45: {  	_ =	shalt  }
0x46: {  	_ =	shalt  }
0x47: {  	_ =	shalt  }
0x48: {  	_ =	shalt  }
0x49: {  	_ =	shalt  }
0x4a: {  	_ =	shalt  }
0x4b: {  	_ =	shalt  }
0x4c: {  	_ =	shalt  }
0x4d: {  	_ =	shalt  }
0x4e: {  	_ =	shalt  }
0x4f: {  	_ =	shalt  }
0x50: {  	_ =	shalt  }
0x51: {  	_ =	shalt  }
0x52: {  	_ =	shalt  }
0x53: {  	_ =	shalt  }
0x54: {  	_ =	shalt  }
0x55: {  	_ =	shalt  }
0x56: {  	_ =	shalt  }
0x57: {  	_ =	shalt  }
0x58: {  	_ =	shalt  }
0x59: {  	_ =	shalt  }
0x5a: {  	_ =	shalt  }
0x5b: {  	_ =	shalt  }
0x5c: {  	_ =	shalt  }
0x5d: {  	_ =	shalt  }
0x5e: {  	_ =	shalt  }
0x5f: {  	_ =	shalt  }
0x60: {  	_ =	shalt  }
0x61: {  	_ =	shalt  }
0x62: {  	_ =	shalt  }
0x63: {  	_ =	shalt  }
0x64: {  	_ =	shalt  }
0x65: {  	_ =	shalt  }
0x66: {  	_ =	shalt  }
0x67: {  	_ =	shalt  }
0x68: {  	_ =	shalt  }
0x69: {  	_ =	shalt  }
0x6a: {  	_ =	shalt  }
0x6b: {  	_ =	shalt  }
0x6c: {  	_ =	shalt  }
0x6d: {  	_ =	shalt  }
0x6e: {  	_ =	shalt  }
0x6f: {  	_ =	shalt  }
0x70: {  	_ =	shalt  }
0x71: {  	_ =	shalt  }
0x72: {  	_ =	shalt  }
0x73: {  	_ =	shalt  }
0x74: {  	_ =	shalt  }
0x75: {  	_ =	shalt  }
0x76: {  	_ =	shalt  }
0x77: {  	_ =	shalt  }
0x78: {  	_ =	shalt  }
0x79: {  	_ =	shalt  }
0x7a: {  	_ =	shalt  }
0x7b: {  	_ =	shalt  }
0x7c: {  	_ =	shalt  }
0x7d: {  	_ =	shalt  }
0x7e: {  	_ =	shalt  }
0x7f: {  	_ =	shalt  }
0x80: {  	_ =	shalt  }
0x81: {  	_ =	shalt  }
0x82: {  	_ =	shalt  }
0x83: {  	_ =	shalt  }
0x84: {  	_ =	shalt  }
0x85: {  	_ =	shalt  }
0x86: {  	_ =	shalt  }
0x87: {  	_ =	shalt  }
.Lfunc_end0:
.L_simem_size_0:
called_computation.2_lowered:
.L_overlay_start_0:
0x88: {  	s2 =	sld [smem:$0x3FD9]  }
0x89: {  	s3 =	sld [smem:$0x3FFE];
	_ =	sdelay $0x1  }
0x8a: {  	s1 =	srdreg.scid  }
0x8b: {  	s0 =	sand.u32 $0x1, s1  }
0x8c: {  	s16 =	sshll.u32 s0, $0xA;
	s2 =	sadd.s32 s3, s2  }
0x8d: {  	s2 =	sadd.s32 s2, s16  }
0x8e: {  	[smem:$0x3FA5] =	sst s2  }
0x8f: {  	_ = 	snop  }
0x90: {  	(tm) =	ssettm $0x1  }
0x91: {  	s17 =	sld [smem:$0x3FFB];
	_ =	sdelay $0x3  }
0x92: {  	_ =	strace s17  }
0x93: {  	s2 =	sld [smem:$0x3FFC];
	_ =	sdelay $0x3  }
0x94: {  	_ =	strace s2  }
0x95: {  	s2 =	sld [smem:$0x3FFD];
	_ =	sdelay $0x3  }
0x96: {  	_ =	strace s2  }
0x97: {  	_ =	strace $0x8FFFFFFF  }
0x98: {  	s18 =	sld [smem:$0x3FDB];
	_ =	sdelay $0x1  }
0x99: {  	s19 =	simm.s32 $_scs_section_size  }
0x9a: {  	s4 =	simm.s32 $_size__tile_overlayer_lowered;
	s5 =	simm.s32 $_tile_overlayer_lowered  }
0x9b: {  	s22 =	simm.s32 $0x1BFF;
	s21 =	sshll.u32 s5, $0x1;
	s2 =	sadd.s32 s19, s18  }
0x9c: {  	s6 =	simm.s32 $0x0;
	s20 =	sshll.u32 s4, $0x1;
	s4 =	sadd.s32 s21, s2  }
0x9d: {  	[timem:s6], [sflag:s22] =	dma.local [hbm:s4], s20  }
0x9e: {  	_ =	swait.ge [sflag:s22], s20  }
0x9f: {  	s3 =	ssub.s32 $0x0, s20;
	[sflag:s22] =	ssyncset.done $0x0  }
0xa0: {  	[sflag:s22] =	ssyncadd.s32 s3;
	_ =	sdelay $0x1  }
0xa1: {  	s23 =	simm.s32 $0x1B8B  }
0xa2: {  	_ =	swait.ge [sflag:s23], $0x1  }
0xa3: {  	[sflag:s23] =	ssyncset.done $0x0  }
0xa4: {  	s25 =	simm.s32 $0x1B8E;
	s24 =	sld [smem:$0x3FFE];
	[sflag:s23] =	ssyncadd.s32 $0xFFFFFFFF  }
0xa5: {  	s26 =	simm.s32 $execute0_lowered;
	[smem:$0x3FD2] =	sst s25  }
0xa6: {  	s4 =	sshll.u32 s26, $0x1;
	_ =	strace $0x8000004C;
	[dreg:$0x1] =	wrdreg $0xFFFFFFFF  }
0xa7: {  	s28 =	simm.s32 $_size_execute0_lowered;
	s2 =	sadd.s32 s2, s4;
	[dreg:$0x0] =	wrdreg $0x0  }
0xa8: {  	s4 =	sshll.u32 s28, $0x1;
	[dreg:$0x2] =	wrdreg s2  }
0xa9: {  	[dreg:$0x3] =	wrdreg s4  }
0xaa: {  	[dreg:$0x4] =	wrdreg $0xC0  }
0xab: {  	_ =	task [dreg:s6], $0x5FFFF  }
0xac: {  	[dreg:$0x1] =	wrdreg $0xFFFFFFFF  }
0xad: {  	[dreg:$0x0] =	wrdreg $0x60  }
0xae: {  	[dreg:$0x2] =	wrdreg s24  }
0xaf: {  	[dreg:$0x3] =	wrdreg $0xA9000  }
0xb0: {  	[dreg:$0x4] =	wrdreg $0x9  }
0xb1: {  	_ =	task.clear_ibuf [dreg:s6], $0x5FFFF;
	_ =	strace $0x9000004C  }
0xb2: {  	s29 =	simm.s32 $0x9;
	_ =	strace $0x8000004E  }
0xb3: {  	_ =	swait.ge [sflag:s29], $0x1  }
0xb4: {  	[sflag:s29] =	ssyncadd.s32 $0xFFFFFFFF  }
0xb5: {  	_ =	strace $0x9000004E  }
0xb6: {  	_ =	sfence  }
0xb7: {  	s30 =	sld [smem:$0x0];
	_ =	sdelay $0x2  }
0xb8: {  	s31 =	sshll.u32 s1, $0xD;
	s1 =	sshrl.u32 s1, $0x2  }
0xb9: {  	s3 =	sand.u32 $0x4000, s31;
	s1 =	sadd.s32 s1, s30  }
0xba: {  	s0 =	sor.u32 s3, s0;
	s1 =	sshll.u32 s1, $0x11  }
0xbb: {  	s0 =	sor.u32 s1, s0  }
0xbc: {  	s0 =	sadd.s32 $0x8F2B, s0  }
0xbd: {  	[sflag:s0] =	ssyncadd.remote.s32 $0x1  }
0xbe: {  	_ =	sfence.sel $0xFFFF  }
0xbf: {  	[dreg:$0x0] =	wrdreg $0xFFFFFFFF;
	(pc) =	sbr.abs _section_cstart, $3  }
0xc0: {  	[dreg:$0x1] =	wrdreg $0xFFFFFFFF  }
0xc1: {  	_ =	task.clear_ibuf [dreg:s6], $0x2FFFF;
	_ =	strace $0x9FFFFFFF  }
0xc2: {  	(tm) =	ssettm $0x7FFFFFFF  }
0xc3: {  	_ =	shalt  }
tec
execute0_lowered:
.L_overlay_start_1:
0x0: {  	(tag) =	ssettag $0x1  }
0x1: {  	s0 =	srdreg.scid;
	s1 =	rddreg [dreg:$0x0]  }
0x2: {  	s11 =	stileid.u32;
	s2 =	rddreg [dreg:$0x1]  }
0x3: {  	s28 =	simm.s32 $0x6900;
	s29 =	simm.s32 $0x3;
	s30 =	simm.s32 $0x1  }
0x4: {  	s31 =	simm.s32 $0x4;
	s0 =	sand.u32 $0x1, s0;
	s9 =	smul.u32 $0x50000, s11  }
0x5: {  	s5 =	sadd.s32 $0xDEA00, s1;
	s6 =	sadd.s32 $0x2800, s1;
	s15 =	smul.u32 $0x14000, s11  }
0x6: {  	s22 =	sadd.s32 $0x3DA00, s1;
	s3 =	sshll.u32 s0, $0x4;
	s10 =	ssub.s32 $0x2, s0  }
0x7: {  	s19 =	smul.u32 $0x140000, s0;
	s0 =	sshll.u32 s0, $0x8;
	s4 =	sor.u32 s11, s3  }
0x8: {  	s3 =	simm.s32 $0x0;
	s23 =	sshrl.u32 s10, $0x1;
	s9 =	sshrl.u32 s9, $0x2  }
0x9: {  	s16 =	sadd.s32 $0x4000, s15;
	s24 =	sadd.s32 $0x8000, s15;
	s18 =	sadd.s32 $0xC000, s15  }
0xa: {  	s20 =	sadd.s32 $0x10000, s15;
	s0 =	sadd.s32 $0xFFFFD900, s0;
	s4 =	smul.u32 $0x2800, s4  }
0xb: {  	[smem:$0x7FF] =	sst s3;
	s21 =	ssub.s32 s10, s23;
	s9 =	sadd.s32 s9, s2  }
0xc: {  	s10 =	sadd.s32 s16, s2;
	s11 =	sadd.s32 s24, s2;
	s12 =	sadd.s32 s18, s2  }
0xd: {  	s13 =	sadd.s32 s20, s2;
	s25 =	sadd.s32 s15, s19;
	s17 =	sadd.s32 s19, s16  }
0xe: {  	s23 =	sadd.s32 s19, s18;
	_ =	strace $0x8000004D;
	[dreg:$0x4] =	wrdreg s22  }
0xf: {  	s17 =	sshrl.u32 s17, $0x3;
	s21 =	smax.u32 s21, $0x1;
	s7 =	sshrl.u32 s4, $0x3  }
0x10: {  	[dreg:$0x3] =	wrdreg s0;
	s0 =	simm.s32 $0x0;
	s8 =	sadd.s32 s7, s1  }
0x11: {  	s1 =	sadd.s32 $0x3E200, s1;
	s14 =	sadd.s32 s6, s7;
	s8 =	sadd.s32 $0xC800, s8  }
0x12: {  	s7 =	sshrl.u32 s25, $0x3;
	s26 =	sadd.s32 $0x10, s14;
	[dreg:$0x5] =	wrdreg s8  }
0x13: {  	s25 =	sadd.s32 s19, s20;
	s7 =	sadd.s32 s1, s7;
	[dreg:$0x6] =	wrdreg s26  }
0x14: {  	s17 =	sadd.s32 s1, s17;
	[dreg:$0x7] =	wrdreg s7;
	s8 =	sadd.s32 s19, s24  }
0x15: {  	s24 =	sshrl.u32 s23, $0x3;
	s26 =	sshrl.u32 s25, $0x3;
	s23 =	simm.s32 $0x2900  }
0x16: {  	s25 =	simm.s32 $0x2880;
	s22 =	sshrl.u32 s8, $0x3;
	s19 =	sadd.s32 s1, s24  }
0x17: {  	s20 =	sadd.s32 s1, s26;
	s24 =	simm.s32 $0x2800;
	s26 =	simm.s32 $0x80  }
0x18: {  	s18 =	sadd.s32 s1, s22;
	s22 =	simm.s32 $0x5;
	s1 =	simm.s32 $0x2  }
.LBB2_1:
0x19: {  	s7 =	rddreg [dreg:$0x5]  }
0x1a: {  	[tilespmem:s3], [sflag:$0x5] =	stream.linear.gather [hbm4b:s7+s3], $0x2800, $0x38;
	[tilespmem:$0x1E900] =	vst v63  }
0x1b: {  	_ =	swait.ge [sflag:s22], $0x2800  }
0x1c: {  	[sflag:s22] =	ssyncset.done $0x0  }
0x1d: {  	s15 =	rddreg [dreg:$0x4];
	[sflag:s22] =	ssyncadd.s32 $0xFFFFD800  }
0x1e: {  	[tilespmem:s23], [sflag:$0x5] =	stream.linear.gather [hbm4b:s15+s3], $0x4000, $0x38;
	[tilespmem:$0x1E900] =	vst v63  }
0x1f: {  	_ =	swait.ge [sflag:s22], $0x4000  }
0x20: {  	[sflag:s22] =	ssyncset.done $0x0  }
0x21: {  	[sflag:s22] =	ssyncadd.s32 $0xFFFFC000  }
0x22: {  	[spmem:s9] =	stream.linear.scatter [tilespmem:s23], [sflag:$0x5], $0x4000, $0x38;
	[tilespmem:$0x1E900] =	vst v63  }
0x23: {  	_ =	swait.ge [sflag:s22], $0x4000  }
0x24: {  	[sflag:s22] =	ssyncset.done $0x0  }
0x25: {  	[sflag:s22] =	ssyncadd.s32 $0xFFFFC000  }
0x26: {  	[spmem:s10] =	stream.linear.scatter [tilespmem:s23], [sflag:$0x5], $0x4000, $0x38;
	[tilespmem:$0x1E900] =	vst v63  }
0x27: {  	_ =	swait.ge [sflag:s22], $0x4000  }
0x28: {  	[sflag:s22] =	ssyncset.done $0x0  }
0x29: {  	[sflag:s22] =	ssyncadd.s32 $0xFFFFC000  }
0x2a: {  	[spmem:s11] =	stream.linear.scatter [tilespmem:s23], [sflag:$0x5], $0x4000, $0x38;
	[tilespmem:$0x1E900] =	vst v63  }
0x2b: {  	_ =	swait.ge [sflag:s22], $0x4000  }
0x2c: {  	[sflag:s22] =	ssyncset.done $0x0  }
0x2d: {  	[sflag:s22] =	ssyncadd.s32 $0xFFFFC000  }
0x2e: {  	[spmem:s12] =	stream.linear.scatter [tilespmem:s23], [sflag:$0x5], $0x4000, $0x38;
	[tilespmem:$0x1E900] =	vst v63  }
0x2f: {  	_ =	swait.ge [sflag:s22], $0x4000  }
0x30: {  	[sflag:s22] =	ssyncset.done $0x0  }
0x31: {  	[sflag:s22] =	ssyncadd.s32 $0xFFFFC000  }
0x32: {  	[spmem:s13] =	stream.linear.scatter [tilespmem:s23], [sflag:$0x5], $0x4000, $0x38;
	[tilespmem:$0x1E900] =	vst v63  }
0x33: {  	_ =	swait.ge [sflag:s22], $0x4000  }
0x34: {  	[sflag:s22] =	ssyncset.done $0x0  }
0x35: {  	[sflag:s22] =	ssyncadd.s32 $0xFFFFC000  }
0x36: {  	[bflag:$0x0] =	sbarrier.arrive $0xFFFF  }
0x37: {  	[tilespmem:s23], [sflag:$0x3] =	stream.indirect.gather [hbm4b:s5+s26], $0x80, s3, s26, $0xb8;
	[tilespmem:$0x1E900] =	vst v63  }
0x38: {  	_ = 	snop  }
0x39: {  	[tilespmem:s24], [sflag:$0x1] =	stream.linear.gather [hbm4b:s14+s3], $0x80, $0x38;
	[tilespmem:$0x1E900] =	vst v63  }
0x3a: {  	s8 =	simm.s32 $0x180;
	s7 =	simm.s32 $0x80;
	s16 =	rddreg [dreg:$0x6]  }
0x3b: {  	[tilespmem:s25], [sflag:$0x2] =	stream.linear.gather [hbm4b:s16+s3], $0x80, $0x38;
	[tilespmem:$0x1E900] =	vst v63  }
.LBB2_2:
0x3c: {  	[tilespmem:s28], [sflag:$0x4] =	stream.indirect.gather [hbm4b:s5+s26], $0x80, s7, s26, $0xb8;
	[tilespmem:$0x1E900] =	vst v63  }
0x3d: {  	_ =	swait.ge [sflag:s29], $0x4000  }
0x3e: {  	[sflag:s29] =	ssyncset.done $0x0  }
0x3f: {  	[sflag:s29] =	ssyncadd.s32 $0xFFFFC000  }
0x40: {  	s15 =	sadd.s32 $0xFFFFFF80, s8;
	_ =	swait.ge [sflag:s30], $0x80  }
0x41: {  	s16 =	sand.u32 $0xFFFFFC00, s15;
	[sflag:s30] =	ssyncset.done $0x0  }
0x42: {  	s15 =	sand.u32 $0x300, s15;
	s16 =	sadd.s32 s4, s16;
	[sflag:s30] =	ssyncadd.s32 $0xFFFFFF80  }
0x43: {  	[spmem:s2] =	stream.indirect.scatter.add.f32 [tilespmem:s23], [sflag:$0x5], $0x80, s24, s26, $0xb8;
	[tilespmem:$0x1E900] =	vst v63  }
0x44: {  	s15 =	sor.u32 s15, s16;
	_ =	swait.ge [sflag:s22], $0x4000  }
0x45: {  	s15 =	sshrl.u32 s15, $0x3;
	[sflag:s22] =	ssyncset.done $0x0  }
0x46: {  	s15 =	sadd.s32 s6, s15;
	[sflag:s22] =	ssyncadd.s32 $0xFFFFC000  }
0x47: {  	[tilespmem:s24], [sflag:$0x1] =	stream.linear.gather [hbm4b:s15+s3], $0x80, $0x38;
	[tilespmem:$0x1E900] =	vst v63  }
0x48: {  	s16 =	sadd.s32 $0x80, s7  }
0x49: {  	[tilespmem:s23], [sflag:$0x3] =	stream.indirect.gather [hbm4b:s5+s26], $0x80, s16, s26, $0xb8;
	[tilespmem:$0x1E900] =	vst v63  }
0x4a: {  	_ =	swait.ge [sflag:s31], $0x4000  }
0x4b: {  	[sflag:s31] =	ssyncset.done $0x0  }
0x4c: {  	[sflag:s31] =	ssyncadd.s32 $0xFFFFC000  }
0x4d: {  	_ =	swait.ge [sflag:s1], $0x80  }
0x4e: {  	[sflag:s1] =	ssyncset.done $0x0  }
0x4f: {  	s16 =	sand.u32 $0xFFFFFC00, s8;
	[sflag:s1] =	ssyncadd.s32 $0xFFFFFF80  }
0x50: {  	[spmem:s2] =	stream.indirect.scatter.add.f32 [tilespmem:s28], [sflag:$0x5], $0x80, s25, s26, $0xb8;
	[tilespmem:$0x1E900] =	vst v63  }
0x51: {  	s15 =	sadd.s32 s4, s16;
	s16 =	sand.u32 $0x380, s8;
	_ =	swait.ge [sflag:s22], $0x4000  }
0x52: {  	s8 =	sadd.s32 $0x100, s8;
	s15 =	sor.u32 s16, s15;
	s16 =	rddreg [dreg:$0x3]  }
0x53: {  	s16 =	sadd.s32 s8, s16  }
0x54: {  	p0 =	sne.s32 s16, $0x180  }
.Ltmp0:
0x55: {  	_ = 	snop;
	(pc) =	sbr.rel @p0 .LBB2_2-.Ltmp0, $4  }
0x56: {  	_ = 	snop  }
0x57: {  	s15 =	sshrl.u32 s15, $0x3;
	[sflag:s22] =	ssyncset.done $0x0  }
0x58: {  	s7 =	sadd.s32 $0x100, s7;
	s15 =	sadd.s32 s6, s15;
	[sflag:s22] =	ssyncadd.s32 $0xFFFFC000  }
0x59: {  	[tilespmem:s25], [sflag:$0x2] =	stream.linear.gather [hbm4b:s15+s3], $0x80, $0x38;
	[tilespmem:$0x1E900] =	vst v63  }
0x5a: {  	[tilespmem:s28], [sflag:$0x4] =	stream.indirect.gather [hbm4b:s5+s26], $0x80, s7, s26, $0xb8;
	[tilespmem:$0x1E900] =	vst v63  }
0x5b: {  	_ =	swait.ge [sflag:s29], $0x4000  }
0x5c: {  	[sflag:s29] =	ssyncset.done $0x0  }
0x5d: {  	[sflag:s29] =	ssyncadd.s32 $0xFFFFC000  }
0x5e: {  	_ =	swait.ge [sflag:s30], $0x80  }
0x5f: {  	[sflag:s30] =	ssyncset.done $0x0  }
0x60: {  	[sflag:s30] =	ssyncadd.s32 $0xFFFFFF80  }
0x61: {  	[spmem:s2] =	stream.indirect.scatter.add.f32 [tilespmem:s23], [sflag:$0x5], $0x80, s24, s26, $0xb8;
	[tilespmem:$0x1E900] =	vst v63  }
0x62: {  	_ =	swait.ge [sflag:s22], $0x4000  }
0x63: {  	[sflag:s22] =	ssyncset.done $0x0  }
0x64: {  	[sflag:s22] =	ssyncadd.s32 $0xFFFFC000  }
0x65: {  	_ =	swait.ge [sflag:s31], $0x4000  }
0x66: {  	[sflag:s31] =	ssyncset.done $0x0  }
0x67: {  	[sflag:s31] =	ssyncadd.s32 $0xFFFFC000  }
0x68: {  	_ =	swait.ge [sflag:s1], $0x80  }
0x69: {  	[sflag:s1] =	ssyncset.done $0x0  }
0x6a: {  	[sflag:s1] =	ssyncadd.s32 $0xFFFFFF80  }
0x6b: {  	[spmem:s2] =	stream.indirect.scatter.add.f32 [tilespmem:s28], [sflag:$0x5], $0x80, s25, s26, $0xb8;
	[tilespmem:$0x1E900] =	vst v63  }
0x6c: {  	_ =	swait.ge [sflag:s22], $0x4000  }
0x6d: {  	[sflag:s22] =	ssyncset.done $0x0  }
0x6e: {  	[sflag:s22] =	ssyncadd.s32 $0xFFFFC000  }
0x6f: {  	[bflag:$0x0] =	sbarrier.arrive $0xFFFF  }
0x70: {  	[tilespmem:s23], [sflag:$0x5] =	stream.linear.gather [spmem:s9], $0x4000, $0x38;
	[tilespmem:$0x1E900] =	vst v63  }
0x71: {  	_ =	swait.ge [sflag:s22], $0x4000  }
0x72: {  	[sflag:s22] =	ssyncset.done $0x0  }
0x73: {  	s16 =	rddreg [dreg:$0x7];
	[sflag:s22] =	ssyncadd.s32 $0xFFFFC000  }
0x74: {  	[hbm4b:s16+s3] =	stream.linear.scatter [tilespmem:s23], [sflag:$0x3], $0x4000, $0x38;
	[tilespmem:$0x1E900] =	vst v63  }
0x75: {  	_ = 	snop  }
0x76: {  	[tilespmem:s28], [sflag:$0x5] =	stream.linear.gather [spmem:s10], $0x4000, $0x38;
	[tilespmem:$0x1E900] =	vst v63  }
0x77: {  	_ =	swait.ge [sflag:s22], $0x4000  }
0x78: {  	[sflag:s22] =	ssyncset.done $0x0  }
0x79: {  	[sflag:s22] =	ssyncadd.s32 $0xFFFFC000  }
0x7a: {  	[hbm4b:s17+s3] =	stream.linear.scatter [tilespmem:s28], [sflag:$0x4], $0x4000, $0x38;
	[tilespmem:$0x1E900] =	vst v63  }
0x7b: {  	_ =	swait.ge [sflag:s29], $0x4000  }
0x7c: {  	[sflag:s29] =	ssyncset.done $0x0  }
0x7d: {  	[sflag:s29] =	ssyncadd.s32 $0xFFFFC000  }
0x7e: {  	[tilespmem:s23], [sflag:$0x5] =	stream.linear.gather [spmem:s11], $0x4000, $0x38;
	[tilespmem:$0x1E900] =	vst v63  }
0x7f: {  	_ =	swait.ge [sflag:s22], $0x4000  }
0x80: {  	[sflag:s22] =	ssyncset.done $0x0  }
0x81: {  	[sflag:s22] =	ssyncadd.s32 $0xFFFFC000  }
0x82: {  	[hbm4b:s18+s3] =	stream.linear.scatter [tilespmem:s23], [sflag:$0x3], $0x4000, $0x38;
	[tilespmem:$0x1E900] =	vst v63  }
0x83: {  	_ =	swait.ge [sflag:s31], $0x4000  }
0x84: {  	[sflag:s31] =	ssyncset.done $0x0  }
0x85: {  	[sflag:s31] =	ssyncadd.s32 $0xFFFFC000  }
0x86: {  	[tilespmem:s28], [sflag:$0x5] =	stream.linear.gather [spmem:s12], $0x4000, $0x38;
	[tilespmem:$0x1E900] =	vst v63  }
0x87: {  	_ =	swait.ge [sflag:s22], $0x4000  }
0x88: {  	[sflag:s22] =	ssyncset.done $0x0  }
0x89: {  	[sflag:s22] =	ssyncadd.s32 $0xFFFFC000  }
0x8a: {  	[hbm4b:s19+s3] =	stream.linear.scatter [tilespmem:s28], [sflag:$0x4], $0x4000, $0x38;
	[tilespmem:$0x1E900] =	vst v63  }
0x8b: {  	_ =	swait.ge [sflag:s29], $0x4000  }
0x8c: {  	[sflag:s29] =	ssyncset.done $0x0  }
0x8d: {  	[sflag:s29] =	ssyncadd.s32 $0xFFFFC000  }
0x8e: {  	[tilespmem:s23], [sflag:$0x5] =	stream.linear.gather [spmem:s13], $0x4000, $0x38;
	[tilespmem:$0x1E900] =	vst v63  }
0x8f: {  	_ =	swait.ge [sflag:s22], $0x4000  }
0x90: {  	[sflag:s22] =	ssyncset.done $0x0  }
0x91: {  	s0 =	sadd.s32 $0x1, s0;
	[sflag:s22] =	ssyncadd.s32 $0xFFFFC000  }
0x92: {  	[hbm4b:s20+s3] =	stream.linear.scatter [tilespmem:s23], [sflag:$0x3], $0x4000, $0x38;
	[tilespmem:$0x1E900] =	vst v63  }
0x93: {  	p0 =	sne.s32 s0, s21;
	_ =	swait.ge [sflag:s31], $0x4000  }
.Ltmp1:
0x94: {  	[sflag:s31] =	ssyncset.done $0x0;
	(pc) =	sbr.rel @p0 .LBB2_1-.Ltmp1, $4  }
0x95: {  	[sflag:s31] =	ssyncadd.s32 $0xFFFFC000  }
0x96: {  	_ =	swait.ge [sflag:s29], $0x4000  }
0x97: {  	[sflag:s29] =	ssyncset.done $0x0  }
0x98: {  	[sflag:s29] =	ssyncadd.s32 $0xFFFFC000  }
0x99: {  	_ =	sfence.sel $0x180000  }
0x9a: {  	[bflag:$0x0] =	sbarrier.arrive $0xFFFF  }
0x9b: {  	_ =	strace $0x9000004D  }
0x9c: {  	s0 =	stileid.u32;
	[bflag:$0x2] =	sbarrier.arrive $0xFFFF  }
0x9d: {  	p0 =	sne.s32 s0, $0x0;
	s0 =	rddreg [dreg:$0x2]  }
0x9e: {  	s0 =	sadd.s32 @!p0 $0x100000, s0  }
0x9f: {  	[sflag:s0] =	ssyncadd.tile.s32 @!p0 $0x1;
	_ =	shalt  }
.Lfunc_end2:
_tile_overlayer_lowered:
.L_overlay_start_2:
0xa0: {  	(tag) =	ssettag $0x2  }
0xa1: {  	s0 =	rddreg [dreg:$0x0];
	s2 =	stileid.u32  }
0xa2: {  	s1 =	rddreg [dreg:$0x1];
	p0 =	sne.s32 s2, $0x0  }
0xa3: {  	s3 =	rddreg [dreg:$0x2];
	[bflag:$0x3] =	sbarrier.arrive $0xFFFF;
	s2 =	simm.s32 @!p0 $0x1C05  }
0xa4: {  	[timem:s3], [sflag:s2] =	dma.local @!p0 [hbm:s0], s1  }
0xa5: {  	s0 =	simm.s32 @!p0 $0x5  }
0xa6: {  	_ =	swait.ge @!p0 [sflag:s0], s1  }
0xa7: {  	s1 =	ssub.s32 @!p0 $0x0, s1;
	[sflag:s0] =	ssyncset.done @!p0 $0x0  }
0xa8: {  	[sflag:s0] =	ssyncadd.s32 @!p0 s1  }
0xa9: {  	[bflag:$0x3] =	sbarrier.arrive $0xFFFF  }
0xaa: {  	_ =	shalt  }

// kernel: kernel.21.cloned.1.call-start
scs
__scs_entry_jumppad:
0x0: {  	(pc) =	sbr.rel $0x88, $3  }
0x1: {  	(tag) =	ssettag $0x0;
	lr =	simm.s32 $0x1  }
0x2: {  	[smem:$0x3F7E] =	sst lr;
	_ =	strace $0xD0000000  }
0x3: {  	_ = 	snop  }
0x4: {  	_ = 	snop  }
0x5: {  	_ = 	snop  }
0x6: {  	_ = 	snop  }
0x7: {  	_ = 	snop  }
__scs_overlays_trampoline_lowered:
0x8: {  	[smem:$0x3F8D] =	sst s0  }
0x9: {  	[smem:$0x3F8E] =	sst s1  }
0xa: {  	[smem:$0x3F8F] =	sst s2  }
0xb: {  	[smem:$0x3F90] =	sst s3  }
0xc: {  	[smem:$0x3F91] =	sst s4  }
0xd: {  	[smem:$0x3F92] =	sst s5  }
0xe: {  	[smem:$0x3F93] =	sst s6  }
0xf: {  	[smem:$0x3F94] =	sst s7  }
0x10: {  	[smem:$0x3F95] =	sst s8  }
0x11: {  	[smem:$0x3F96] =	sst s9;
	s0 =	simm.s32 @!p0 $0x0  }
0x12: {  	s1 =	sld [smem:$0x3F7C];
	s0 =	simm.s32 @p0 $0x1  }
0x13: {  	[smem:$0x3F97] =	sst s0;
	s0 =	simm.s32 @!p1 $0x0  }
0x14: {  	s2 =	sld [smem:$0x3F7B];
	s0 =	simm.s32 @p1 $0x1  }
0x15: {  	[smem:$0x3F98] =	sst s0;
	s0 =	simm.s32 @!p2 $0x0  }
0x16: {  	s3 =	sld [smem:$0x3FDB];
	s0 =	simm.s32 @p2 $0x1  }
0x17: {  	s4 =	simm.s32 $0x1BF5;
	[smem:$0x3F9A] =	sst s0  }
0x18: {  	s0 =	sld [smem:$0x3F7D];
	_ =	swait.ge [sflag:s4], $0x0  }
0x19: {  	s7 =	sld [smem:$0x3F7E]  }
0x1a: {  	s8 =	sadd.s32 $0xFFFFE003, lr  }
0x1b: {  	s9 =	sadd.s32 $0xFFFFFEF7, lr;
	s5 =	simm.s32 $0xFFFFFFFF;
	p2 =	slt.u32 s8, $0xFFFFF086  }
0x1c: {  	p1 =	slt.u32 s9, $0xF7A;
	s5 =	simm.s32 @!p2 $0x0  }
0x1d: {  	s5 =	simm.s32 @p1 $0x1;
	p0 =	seq.s32 s7, s2  }
0x1e: {  	s7 =	smul.u32 @!p0 $0xF7A, s2;
	p2 =	seq.s32 @!p0 s5, $0x0  }
0x1f: {  	s9 =	smul.u32 $0xF7A, s1;
	s8 =	simm.s32 @!p0 $0x1BF5;
	p2 =	por !p2, p0  }
0x20: {  	[sflag:s8] =	ssyncset.s32 @!p0 $0xFFFFF086;
	s6 =	sadd.s32 @!p0 s3, s7;
	s7 =	simm.s32 @!p0 $0x108  }
0x21: {  	s3 =	sadd.s32 s3, s9;
	s6 =	sadd.s32 @!p0 $0x88, s6;
	s7 =	simm.s32 @p2 $0x1082  }
0x22: {  	[simem:s7], [sflag:s8] =	dma.local @!p0 [hbm:s6], $0xF7A  }
0x23: {  	s9 =	sor.u32 $0xD0000000, s2;
	s6 =	simm.s32 $0x108;
	_ =	swait.ge @!p0 [sflag:s8], $0x0  }
0x24: {  	s3 =	sadd.s32 $0x88, s3;
	s6 =	simm.s32 @!p1 $0x1082;
	[sflag:s4] =	ssyncset.s32 $0xFFFFF086  }
0x25: {  	[simem:s6], [sflag:s4] =	dma.local [hbm:s3], $0xF7A  }
0x26: {  	[smem:$0x3F7E] =	sst s1;
	(tag) =	ssettag s2;
	_ =	strace s9  }
0x27: {  	s1 =	sld [smem:$0x3F8E]  }
0x28: {  	s2 =	sld [smem:$0x3F8F]  }
0x29: {  	s4 =	sld [smem:$0x3F91]  }
0x2a: {  	p0 =	seq.s32 s5, $0x0;
	s5 =	sld [smem:$0x3F92]  }
0x2b: {  	s6 =	sld [smem:$0x3F93]  }
0x2c: {  	s7 =	sld [smem:$0x3F94]  }
0x2d: {  	s3 =	simm.s32 $0x108;
	s8 =	sld [smem:$0x3F95]  }
0x2e: {  	s3 =	simm.s32 @!p0 $0x1082;
	s9 =	sld [smem:$0x3F96]  }
0x2f: {  	lr =	sadd.s32 s0, s3;
	s0 =	sld [smem:$0x3F8D]  }
0x30: {  	s3 =	sld [smem:$0x3F90]  }
0x31: {  	[smem:$0x3F99] =	sst s10  }
0x32: {  	s10 =	sld [smem:$0x3F97];
	_ =	sdelay $0x3  }
0x33: {  	p0 =	seq.s32 s10, $0x1;
	s10 =	sld [smem:$0x3F99];
	_ =	sdelay $0x3  }
0x34: {  	[smem:$0x3F99] =	sst s10  }
0x35: {  	s10 =	sld [smem:$0x3F98];
	_ =	sdelay $0x3  }
0x36: {  	p1 =	seq.s32 s10, $0x1;
	s10 =	sld [smem:$0x3F99];
	_ =	sdelay $0x3  }
0x37: {  	[smem:$0x3F99] =	sst s10  }
0x38: {  	s10 =	sld [smem:$0x3F9A]  }
0x39: {  	_ = 	snop;
	(pc) =	sbr.ind lr, $3  }
0x3a: {  	_ = 	snop  }
0x3b: {  	_ = 	snop  }
0x3c: {  	p2 =	seq.s32 s10, $0x1;
	s10 =	sld [smem:$0x3F99]  }
0x3d: {  	_ =	shalt  }
0x3e: {  	_ =	shalt  }
0x3f: {  	_ =	shalt  }
0x40: {  	_ =	shalt  }
0x41: {  	_ =	shalt  }
0x42: {  	_ =	shalt  }
0x43: {  	_ =	shalt  }
0x44: {  	_ =	shalt  }
0x45: {  	_ =	shalt  }
0x46: {  	_ =	shalt  }
0x47: {  	_ =	shalt  }
0x48: {  	_ =	shalt  }
0x49: {  	_ =	shalt  }
0x4a: {  	_ =	shalt  }
0x4b: {  	_ =	shalt  }
0x4c: {  	_ =	shalt  }
0x4d: {  	_ =	shalt  }
0x4e: {  	_ =	shalt  }
0x4f: {  	_ =	shalt  }
0x50: {  	_ =	shalt  }
0x51: {  	_ =	shalt  }
0x52: {  	_ =	shalt  }
0x53: {  	_ =	shalt  }
0x54: {  	_ =	shalt  }
0x55: {  	_ =	shalt  }
0x56: {  	_ =	shalt  }
0x57: {  	_ =	shalt  }
0x58: {  	_ =	shalt  }
0x59: {  	_ =	shalt  }
0x5a: {  	_ =	shalt  }
0x5b: {  	_ =	shalt  }
0x5c: {  	_ =	shalt  }
0x5d: {  	_ =	shalt  }
0x5e: {  	_ =	shalt  }
0x5f: {  	_ =	shalt  }
0x60: {  	_ =	shalt  }
0x61: {  	_ =	shalt  }
0x62: {  	_ =	shalt  }
0x63: {  	_ =	shalt  }
0x64: {  	_ =	shalt  }
0x65: {  	_ =	shalt  }
0x66: {  	_ =	shalt  }
0x67: {  	_ =	shalt  }
0x68: {  	_ =	shalt  }
0x69: {  	_ =	shalt  }
0x6a: {  	_ =	shalt  }
0x6b: {  	_ =	shalt  }
0x6c: {  	_ =	shalt  }
0x6d: {  	_ =	shalt  }
0x6e: {  	_ =	shalt  }
0x6f: {  	_ =	shalt  }
0x70: {  	_ =	shalt  }
0x71: {  	_ =	shalt  }
0x72: {  	_ =	shalt  }
0x73: {  	_ =	shalt  }
0x74: {  	_ =	shalt  }
0x75: {  	_ =	shalt  }
0x76: {  	_ =	shalt  }
0x77: {  	_ =	shalt  }
0x78: {  	_ =	shalt  }
0x79: {  	_ =	shalt  }
0x7a: {  	_ =	shalt  }
0x7b: {  	_ =	shalt  }
0x7c: {  	_ =	shalt  }
0x7d: {  	_ =	shalt  }
0x7e: {  	_ =	shalt  }
0x7f: {  	_ =	shalt  }
0x80: {  	_ =	shalt  }
0x81: {  	_ =	shalt  }
0x82: {  	_ =	shalt  }
0x83: {  	_ =	shalt  }
0x84: {  	_ =	shalt  }
0x85: {  	_ =	shalt  }
0x86: {  	_ =	shalt  }
0x87: {  	_ =	shalt  }
.Lfunc_end0:
.L_simem_size_0:
called_computation.3_lowered:
.L_overlay_start_0:
0x88: {  	s2 =	sld [smem:$0x3FD9]  }
0x89: {  	s3 =	sld [smem:$0x3FFE];
	_ =	sdelay $0x1  }
0x8a: {  	s1 =	srdreg.scid  }
0x8b: {  	s0 =	sand.u32 $0x1, s1  }
0x8c: {  	s16 =	sshll.u32 s0, $0xA;
	s2 =	sadd.s32 s3, s2  }
0x8d: {  	s2 =	sadd.s32 s2, s16  }
0x8e: {  	[smem:$0x3FA5] =	sst s2  }
0x8f: {  	_ = 	snop  }
0x90: {  	(tm) =	ssettm $0x1  }
0x91: {  	s17 =	sld [smem:$0x3FFB];
	_ =	sdelay $0x3  }
0x92: {  	_ =	strace s17  }
0x93: {  	s2 =	sld [smem:$0x3FFC];
	_ =	sdelay $0x3  }
0x94: {  	_ =	strace s2  }
0x95: {  	s2 =	sld [smem:$0x3FFD];
	_ =	sdelay $0x3  }
0x96: {  	_ =	strace s2  }
0x97: {  	_ =	strace $0x8FFFFFFF  }
0x98: {  	s18 =	sld [smem:$0x3FDB];
	_ =	sdelay $0x1  }
0x99: {  	s19 =	simm.s32 $_scs_section_size  }
0x9a: {  	s4 =	simm.s32 $_size__tile_overlayer_lowered;
	s5 =	simm.s32 $_tile_overlayer_lowered  }
0x9b: {  	s22 =	simm.s32 $0x1BFF;
	s21 =	sshll.u32 s5, $0x1;
	s2 =	sadd.s32 s19, s18  }
0x9c: {  	s6 =	simm.s32 $0x0;
	s20 =	sshll.u32 s4, $0x1;
	s4 =	sadd.s32 s21, s2  }
0x9d: {  	[timem:s6], [sflag:s22] =	dma.local [hbm:s4], s20  }
0x9e: {  	_ =	swait.ge [sflag:s22], s20  }
0x9f: {  	s3 =	ssub.s32 $0x0, s20;
	[sflag:s22] =	ssyncset.done $0x0  }
0xa0: {  	[sflag:s22] =	ssyncadd.s32 s3;
	_ =	sdelay $0x1  }
0xa1: {  	s23 =	simm.s32 $0x1B8B  }
0xa2: {  	_ =	swait.ge [sflag:s23], $0x1  }
0xa3: {  	[sflag:s23] =	ssyncset.done $0x0  }
0xa4: {  	s25 =	simm.s32 $0x1B8E;
	s24 =	sld [smem:$0x3FFE];
	[sflag:s23] =	ssyncadd.s32 $0xFFFFFFFF  }
0xa5: {  	s26 =	simm.s32 $execute0_lowered;
	[smem:$0x3FD2] =	sst s25  }
0xa6: {  	s4 =	sshll.u32 s26, $0x1;
	_ =	strace $0x8000004F;
	[dreg:$0x1] =	wrdreg $0xFFFFFFFF  }
0xa7: {  	s28 =	simm.s32 $_size_execute0_lowered;
	s2 =	sadd.s32 s2, s4;
	[dreg:$0x0] =	wrdreg $0x0  }
0xa8: {  	s4 =	sshll.u32 s28, $0x1;
	[dreg:$0x2] =	wrdreg s2  }
0xa9: {  	[dreg:$0x3] =	wrdreg s4  }
0xaa: {  	[dreg:$0x4] =	wrdreg $0xC0  }
0xab: {  	_ =	task [dreg:s6], $0x5FFFF  }
0xac: {  	[dreg:$0x1] =	wrdreg $0xFFFFFFFF  }
0xad: {  	[dreg:$0x0] =	wrdreg $0x60  }
0xae: {  	[dreg:$0x2] =	wrdreg s24  }
0xaf: {  	[dreg:$0x3] =	wrdreg $0xA9000  }
0xb0: {  	[dreg:$0x4] =	wrdreg $0x9  }
0xb1: {  	_ =	task.clear_ibuf [dreg:s6], $0x5FFFF;
	_ =	strace $0x9000004F  }
0xb2: {  	s29 =	simm.s32 $0x9;
	_ =	strace $0x80000051  }
0xb3: {  	_ =	swait.ge [sflag:s29], $0x1  }
0xb4: {  	[sflag:s29] =	ssyncadd.s32 $0xFFFFFFFF  }
0xb5: {  	_ =	strace $0x90000051  }
0xb6: {  	_ =	sfence  }
0xb7: {  	s30 =	sld [smem:$0x0];
	_ =	sdelay $0x2  }
0xb8: {  	s31 =	sshll.u32 s1, $0xD;
	s1 =	sshrl.u32 s1, $0x2  }
0xb9: {  	s3 =	sand.u32 $0x4000, s31;
	s1 =	sadd.s32 s1, s30  }
0xba: {  	s0 =	sor.u32 s3, s0;
	s1 =	sshll.u32 s1, $0x11  }
0xbb: {  	s0 =	sor.u32 s1, s0  }
0xbc: {  	s0 =	sadd.s32 $0x8F2B, s0  }
0xbd: {  	[sflag:s0] =	ssyncadd.remote.s32 $0x1  }
0xbe: {  	_ =	sfence.sel $0xFFFF  }
0xbf: {  	[dreg:$0x0] =	wrdreg $0xFFFFFFFF;
	(pc) =	sbr.abs _section_cstart, $3  }
0xc0: {  	[dreg:$0x1] =	wrdreg $0xFFFFFFFF  }
0xc1: {  	_ =	task.clear_ibuf [dreg:s6], $0x2FFFF;
	_ =	strace $0x9FFFFFFF  }
0xc2: {  	(tm) =	ssettm $0x7FFFFFFF  }
0xc3: {  	_ =	shalt  }
tec
execute0_lowered:
.L_overlay_start_1:
0x0: {  	(tag) =	ssettag $0x1  }
0x1: {  	s0 =	srdreg.scid;
	s1 =	rddreg [dreg:$0x0]  }
0x2: {  	s11 =	stileid.u32;
	s2 =	rddreg [dreg:$0x1]  }
0x3: {  	s28 =	simm.s32 $0x6900;
	s29 =	simm.s32 $0x3;
	s30 =	simm.s32 $0x1  }
0x4: {  	s31 =	simm.s32 $0x4;
	s0 =	sand.u32 $0x1, s0;
	s9 =	smul.u32 $0x50000, s11  }
0x5: {  	s5 =	sadd.s32 $0x16800, s1;
	s6 =	sadd.s32 $0x2800, s1;
	s15 =	smul.u32 $0x14000, s11  }
0x6: {  	s22 =	sadd.s32 $0x3DA00, s1;
	s3 =	sshll.u32 s0, $0x4;
	s10 =	ssub.s32 $0x2, s0  }
0x7: {  	s19 =	smul.u32 $0x140000, s0;
	s0 =	sshll.u32 s0, $0x8;
	s4 =	sor.u32 s11, s3  }
0x8: {  	s3 =	simm.s32 $0x0;
	s23 =	sshrl.u32 s10, $0x1;
	s9 =	sshrl.u32 s9, $0x2  }
0x9: {  	s16 =	sadd.s32 $0x4000, s15;
	s24 =	sadd.s32 $0x8000, s15;
	s18 =	sadd.s32 $0xC000, s15  }
0xa: {  	s20 =	sadd.s32 $0x10000, s15;
	s0 =	sadd.s32 $0xFFFFD900, s0;
	s4 =	smul.u32 $0x2800, s4  }
0xb: {  	[smem:$0x7FF] =	sst s3;
	s21 =	ssub.s32 s10, s23;
	s9 =	sadd.s32 s9, s2  }
0xc: {  	s10 =	sadd.s32 s16, s2;
	s11 =	sadd.s32 s24, s2;
	s12 =	sadd.s32 s18, s2  }
0xd: {  	s13 =	sadd.s32 s20, s2;
	s25 =	sadd.s32 s15, s19;
	s17 =	sadd.s32 s19, s16  }
0xe: {  	s23 =	sadd.s32 s19, s18;
	_ =	strace $0x80000050;
	[dreg:$0x4] =	wrdreg s22  }
0xf: {  	s17 =	sshrl.u32 s17, $0x3;
	s21 =	smax.u32 s21, $0x1;
	s7 =	sshrl.u32 s4, $0x3  }
0x10: {  	[dreg:$0x3] =	wrdreg s0;
	s0 =	simm.s32 $0x0;
	s8 =	sadd.s32 s7, s1  }
0x11: {  	s1 =	sadd.s32 $0x3E200, s1;
	s14 =	sadd.s32 s6, s7;
	s8 =	sadd.s32 $0xC800, s8  }
0x12: {  	s7 =	sshrl.u32 s25, $0x3;
	s26 =	sadd.s32 $0x10, s14;
	[dreg:$0x5] =	wrdreg s8  }
0x13: {  	s25 =	sadd.s32 s19, s20;
	s7 =	sadd.s32 s1, s7;
	[dreg:$0x6] =	wrdreg s26  }
0x14: {  	s17 =	sadd.s32 s1, s17;
	[dreg:$0x7] =	wrdreg s7;
	s8 =	sadd.s32 s19, s24  }
0x15: {  	s24 =	sshrl.u32 s23, $0x3;
	s26 =	sshrl.u32 s25, $0x3;
	s23 =	simm.s32 $0x2900  }
0x16: {  	s25 =	simm.s32 $0x2880;
	s22 =	sshrl.u32 s8, $0x3;
	s19 =	sadd.s32 s1, s24  }
0x17: {  	s20 =	sadd.s32 s1, s26;
	s24 =	simm.s32 $0x2800;
	s26 =	simm.s32 $0x80  }
0x18: {  	s18 =	sadd.s32 s1, s22;
	s22 =	simm.s32 $0x5;
	s1 =	simm.s32 $0x2  }
.LBB2_1:
0x19: {  	s7 =	rddreg [dreg:$0x5]  }
0x1a: {  	[tilespmem:s3], [sflag:$0x5] =	stream.linear.gather [hbm4b:s7+s3], $0x2800, $0x38;
	[tilespmem:$0x1E900] =	vst v63  }
0x1b: {  	_ =	swait.ge [sflag:s22], $0x2800  }
0x1c: {  	[sflag:s22] =	ssyncset.done $0x0  }
0x1d: {  	s15 =	rddreg [dreg:$0x4];
	[sflag:s22] =	ssyncadd.s32 $0xFFFFD800  }
0x1e: {  	[tilespmem:s23], [sflag:$0x5] =	stream.linear.gather [hbm4b:s15+s3], $0x4000, $0x38;
	[tilespmem:$0x1E900] =	vst v63  }
0x1f: {  	_ =	swait.ge [sflag:s22], $0x4000  }
0x20: {  	[sflag:s22] =	ssyncset.done $0x0  }
0x21: {  	[sflag:s22] =	ssyncadd.s32 $0xFFFFC000  }
0x22: {  	[spmem:s9] =	stream.linear.scatter [tilespmem:s23], [sflag:$0x5], $0x4000, $0x38;
	[tilespmem:$0x1E900] =	vst v63  }
0x23: {  	_ =	swait.ge [sflag:s22], $0x4000  }
0x24: {  	[sflag:s22] =	ssyncset.done $0x0  }
0x25: {  	[sflag:s22] =	ssyncadd.s32 $0xFFFFC000  }
0x26: {  	[spmem:s10] =	stream.linear.scatter [tilespmem:s23], [sflag:$0x5], $0x4000, $0x38;
	[tilespmem:$0x1E900] =	vst v63  }
0x27: {  	_ =	swait.ge [sflag:s22], $0x4000  }
0x28: {  	[sflag:s22] =	ssyncset.done $0x0  }
0x29: {  	[sflag:s22] =	ssyncadd.s32 $0xFFFFC000  }
0x2a: {  	[spmem:s11] =	stream.linear.scatter [tilespmem:s23], [sflag:$0x5], $0x4000, $0x38;
	[tilespmem:$0x1E900] =	vst v63  }
0x2b: {  	_ =	swait.ge [sflag:s22], $0x4000  }
0x2c: {  	[sflag:s22] =	ssyncset.done $0x0  }
0x2d: {  	[sflag:s22] =	ssyncadd.s32 $0xFFFFC000  }
0x2e: {  	[spmem:s12] =	stream.linear.scatter [tilespmem:s23], [sflag:$0x5], $0x4000, $0x38;
	[tilespmem:$0x1E900] =	vst v63  }
0x2f: {  	_ =	swait.ge [sflag:s22], $0x4000  }
0x30: {  	[sflag:s22] =	ssyncset.done $0x0  }
0x31: {  	[sflag:s22] =	ssyncadd.s32 $0xFFFFC000  }
0x32: {  	[spmem:s13] =	stream.linear.scatter [tilespmem:s23], [sflag:$0x5], $0x4000, $0x38;
	[tilespmem:$0x1E900] =	vst v63  }
0x33: {  	_ =	swait.ge [sflag:s22], $0x4000  }
0x34: {  	[sflag:s22] =	ssyncset.done $0x0  }
0x35: {  	[sflag:s22] =	ssyncadd.s32 $0xFFFFC000  }
0x36: {  	[bflag:$0x0] =	sbarrier.arrive $0xFFFF  }
0x37: {  	[tilespmem:s23], [sflag:$0x3] =	stream.indirect.gather [hbm4b:s5+s26], $0x80, s3, s26, $0xb8;
	[tilespmem:$0x1E900] =	vst v63  }
0x38: {  	_ = 	snop  }
0x39: {  	[tilespmem:s24], [sflag:$0x1] =	stream.linear.gather [hbm4b:s14+s3], $0x80, $0x38;
	[tilespmem:$0x1E900] =	vst v63  }
0x3a: {  	s8 =	simm.s32 $0x180;
	s7 =	simm.s32 $0x80;
	s16 =	rddreg [dreg:$0x6]  }
0x3b: {  	[tilespmem:s25], [sflag:$0x2] =	stream.linear.gather [hbm4b:s16+s3], $0x80, $0x38;
	[tilespmem:$0x1E900] =	vst v63  }
.LBB2_2:
0x3c: {  	[tilespmem:s28], [sflag:$0x4] =	stream.indirect.gather [hbm4b:s5+s26], $0x80, s7, s26, $0xb8;
	[tilespmem:$0x1E900] =	vst v63  }
0x3d: {  	_ =	swait.ge [sflag:s29], $0x4000  }
0x3e: {  	[sflag:s29] =	ssyncset.done $0x0  }
0x3f: {  	[sflag:s29] =	ssyncadd.s32 $0xFFFFC000  }
0x40: {  	s15 =	sadd.s32 $0xFFFFFF80, s8;
	_ =	swait.ge [sflag:s30], $0x80  }
0x41: {  	s16 =	sand.u32 $0xFFFFFC00, s15;
	[sflag:s30] =	ssyncset.done $0x0  }
0x42: {  	s15 =	sand.u32 $0x300, s15;
	s16 =	sadd.s32 s4, s16;
	[sflag:s30] =	ssyncadd.s32 $0xFFFFFF80  }
0x43: {  	[spmem:s2] =	stream.indirect.scatter.add.f32 [tilespmem:s23], [sflag:$0x5], $0x80, s24, s26, $0xb8;
	[tilespmem:$0x1E900] =	vst v63  }
0x44: {  	s15 =	sor.u32 s15, s16;
	_ =	swait.ge [sflag:s22], $0x4000  }
0x45: {  	s15 =	sshrl.u32 s15, $0x3;
	[sflag:s22] =	ssyncset.done $0x0  }
0x46: {  	s15 =	sadd.s32 s6, s15;
	[sflag:s22] =	ssyncadd.s32 $0xFFFFC000  }
0x47: {  	[tilespmem:s24], [sflag:$0x1] =	stream.linear.gather [hbm4b:s15+s3], $0x80, $0x38;
	[tilespmem:$0x1E900] =	vst v63  }
0x48: {  	s16 =	sadd.s32 $0x80, s7  }
0x49: {  	[tilespmem:s23], [sflag:$0x3] =	stream.indirect.gather [hbm4b:s5+s26], $0x80, s16, s26, $0xb8;
	[tilespmem:$0x1E900] =	vst v63  }
0x4a: {  	_ =	swait.ge [sflag:s31], $0x4000  }
0x4b: {  	[sflag:s31] =	ssyncset.done $0x0  }
0x4c: {  	[sflag:s31] =	ssyncadd.s32 $0xFFFFC000  }
0x4d: {  	_ =	swait.ge [sflag:s1], $0x80  }
0x4e: {  	[sflag:s1] =	ssyncset.done $0x0  }
0x4f: {  	s16 =	sand.u32 $0xFFFFFC00, s8;
	[sflag:s1] =	ssyncadd.s32 $0xFFFFFF80  }
0x50: {  	[spmem:s2] =	stream.indirect.scatter.add.f32 [tilespmem:s28], [sflag:$0x5], $0x80, s25, s26, $0xb8;
	[tilespmem:$0x1E900] =	vst v63  }
0x51: {  	s15 =	sadd.s32 s4, s16;
	s16 =	sand.u32 $0x380, s8;
	_ =	swait.ge [sflag:s22], $0x4000  }
0x52: {  	s8 =	sadd.s32 $0x100, s8;
	s15 =	sor.u32 s16, s15;
	s16 =	rddreg [dreg:$0x3]  }
0x53: {  	s16 =	sadd.s32 s8, s16  }
0x54: {  	p0 =	sne.s32 s16, $0x180  }
.Ltmp0:
0x55: {  	_ = 	snop;
	(pc) =	sbr.rel @p0 .LBB2_2-.Ltmp0, $4  }
0x56: {  	_ = 	snop  }
0x57: {  	s15 =	sshrl.u32 s15, $0x3;
	[sflag:s22] =	ssyncset.done $0x0  }
0x58: {  	s7 =	sadd.s32 $0x100, s7;
	s15 =	sadd.s32 s6, s15;
	[sflag:s22] =	ssyncadd.s32 $0xFFFFC000  }
0x59: {  	[tilespmem:s25], [sflag:$0x2] =	stream.linear.gather [hbm4b:s15+s3], $0x80, $0x38;
	[tilespmem:$0x1E900] =	vst v63  }
0x5a: {  	[tilespmem:s28], [sflag:$0x4] =	stream.indirect.gather [hbm4b:s5+s26], $0x80, s7, s26, $0xb8;
	[tilespmem:$0x1E900] =	vst v63  }
0x5b: {  	_ =	swait.ge [sflag:s29], $0x4000  }
0x5c: {  	[sflag:s29] =	ssyncset.done $0x0  }
0x5d: {  	[sflag:s29] =	ssyncadd.s32 $0xFFFFC000  }
0x5e: {  	_ =	swait.ge [sflag:s30], $0x80  }
0x5f: {  	[sflag:s30] =	ssyncset.done $0x0  }
0x60: {  	[sflag:s30] =	ssyncadd.s32 $0xFFFFFF80  }
0x61: {  	[spmem:s2] =	stream.indirect.scatter.add.f32 [tilespmem:s23], [sflag:$0x5], $0x80, s24, s26, $0xb8;
	[tilespmem:$0x1E900] =	vst v63  }
0x62: {  	_ =	swait.ge [sflag:s22], $0x4000  }
0x63: {  	[sflag:s22] =	ssyncset.done $0x0  }
0x64: {  	[sflag:s22] =	ssyncadd.s32 $0xFFFFC000  }
0x65: {  	_ =	swait.ge [sflag:s31], $0x4000  }
0x66: {  	[sflag:s31] =	ssyncset.done $0x0  }
0x67: {  	[sflag:s31] =	ssyncadd.s32 $0xFFFFC000  }
0x68: {  	_ =	swait.ge [sflag:s1], $0x80  }
0x69: {  	[sflag:s1] =	ssyncset.done $0x0  }
0x6a: {  	[sflag:s1] =	ssyncadd.s32 $0xFFFFFF80  }
0x6b: {  	[spmem:s2] =	stream.indirect.scatter.add.f32 [tilespmem:s28], [sflag:$0x5], $0x80, s25, s26, $0xb8;
	[tilespmem:$0x1E900] =	vst v63  }
0x6c: {  	_ =	swait.ge [sflag:s22], $0x4000  }
0x6d: {  	[sflag:s22] =	ssyncset.done $0x0  }
0x6e: {  	[sflag:s22] =	ssyncadd.s32 $0xFFFFC000  }
0x6f: {  	[bflag:$0x0] =	sbarrier.arrive $0xFFFF  }
0x70: {  	[tilespmem:s23], [sflag:$0x5] =	stream.linear.gather [spmem:s9], $0x4000, $0x38;
	[tilespmem:$0x1E900] =	vst v63  }
0x71: {  	_ =	swait.ge [sflag:s22], $0x4000  }
0x72: {  	[sflag:s22] =	ssyncset.done $0x0  }
0x73: {  	s16 =	rddreg [dreg:$0x7];
	[sflag:s22] =	ssyncadd.s32 $0xFFFFC000  }
0x74: {  	[hbm4b:s16+s3] =	stream.linear.scatter [tilespmem:s23], [sflag:$0x3], $0x4000, $0x38;
	[tilespmem:$0x1E900] =	vst v63  }
0x75: {  	_ = 	snop  }
0x76: {  	[tilespmem:s28], [sflag:$0x5] =	stream.linear.gather [spmem:s10], $0x4000, $0x38;
	[tilespmem:$0x1E900] =	vst v63  }
0x77: {  	_ =	swait.ge [sflag:s22], $0x4000  }
0x78: {  	[sflag:s22] =	ssyncset.done $0x0  }
0x79: {  	[sflag:s22] =	ssyncadd.s32 $0xFFFFC000  }
0x7a: {  	[hbm4b:s17+s3] =	stream.linear.scatter [tilespmem:s28], [sflag:$0x4], $0x4000, $0x38;
	[tilespmem:$0x1E900] =	vst v63  }
0x7b: {  	_ =	swait.ge [sflag:s29], $0x4000  }
0x7c: {  	[sflag:s29] =	ssyncset.done $0x0  }
0x7d: {  	[sflag:s29] =	ssyncadd.s32 $0xFFFFC000  }
0x7e: {  	[tilespmem:s23], [sflag:$0x5] =	stream.linear.gather [spmem:s11], $0x4000, $0x38;
	[tilespmem:$0x1E900] =	vst v63  }
0x7f: {  	_ =	swait.ge [sflag:s22], $0x4000  }
0x80: {  	[sflag:s22] =	ssyncset.done $0x0  }
0x81: {  	[sflag:s22] =	ssyncadd.s32 $0xFFFFC000  }
0x82: {  	[hbm4b:s18+s3] =	stream.linear.scatter [tilespmem:s23], [sflag:$0x3], $0x4000, $0x38;
	[tilespmem:$0x1E900] =	vst v63  }
0x83: {  	_ =	swait.ge [sflag:s31], $0x4000  }
0x84: {  	[sflag:s31] =	ssyncset.done $0x0  }
0x85: {  	[sflag:s31] =	ssyncadd.s32 $0xFFFFC000  }
0x86: {  	[tilespmem:s28], [sflag:$0x5] =	stream.linear.gather [spmem:s12], $0x4000, $0x38;
	[tilespmem:$0x1E900] =	vst v63  }
0x87: {  	_ =	swait.ge [sflag:s22], $0x4000  }
0x88: {  	[sflag:s22] =	ssyncset.done $0x0  }
0x89: {  	[sflag:s22] =	ssyncadd.s32 $0xFFFFC000  }
0x8a: {  	[hbm4b:s19+s3] =	stream.linear.scatter [tilespmem:s28], [sflag:$0x4], $0x4000, $0x38;
	[tilespmem:$0x1E900] =	vst v63  }
0x8b: {  	_ =	swait.ge [sflag:s29], $0x4000  }
0x8c: {  	[sflag:s29] =	ssyncset.done $0x0  }
0x8d: {  	[sflag:s29] =	ssyncadd.s32 $0xFFFFC000  }
0x8e: {  	[tilespmem:s23], [sflag:$0x5] =	stream.linear.gather [spmem:s13], $0x4000, $0x38;
	[tilespmem:$0x1E900] =	vst v63  }
0x8f: {  	_ =	swait.ge [sflag:s22], $0x4000  }
0x90: {  	[sflag:s22] =	ssyncset.done $0x0  }
0x91: {  	s0 =	sadd.s32 $0x1, s0;
	[sflag:s22] =	ssyncadd.s32 $0xFFFFC000  }
0x92: {  	[hbm4b:s20+s3] =	stream.linear.scatter [tilespmem:s23], [sflag:$0x3], $0x4000, $0x38;
	[tilespmem:$0x1E900] =	vst v63  }
0x93: {  	p0 =	sne.s32 s0, s21;
	_ =	swait.ge [sflag:s31], $0x4000  }
.Ltmp1:
0x94: {  	[sflag:s31] =	ssyncset.done $0x0;
	(pc) =	sbr.rel @p0 .LBB2_1-.Ltmp1, $4  }
0x95: {  	[sflag:s31] =	ssyncadd.s32 $0xFFFFC000  }
0x96: {  	_ =	swait.ge [sflag:s29], $0x4000  }
0x97: {  	[sflag:s29] =	ssyncset.done $0x0  }
0x98: {  	[sflag:s29] =	ssyncadd.s32 $0xFFFFC000  }
0x99: {  	_ =	sfence.sel $0x180000  }
0x9a: {  	[bflag:$0x0] =	sbarrier.arrive $0xFFFF  }
0x9b: {  	_ =	strace $0x90000050  }
0x9c: {  	s0 =	stileid.u32;
	[bflag:$0x2] =	sbarrier.arrive $0xFFFF  }
0x9d: {  	p0 =	sne.s32 s0, $0x0;
	s0 =	rddreg [dreg:$0x2]  }
0x9e: {  	s0 =	sadd.s32 @!p0 $0x100000, s0  }
0x9f: {  	[sflag:s0] =	ssyncadd.tile.s32 @!p0 $0x1;
	_ =	shalt  }
.Lfunc_end2:
_tile_overlayer_lowered:
.L_overlay_start_2:
0xa0: {  	(tag) =	ssettag $0x2  }
0xa1: {  	s0 =	rddreg [dreg:$0x0];
	s2 =	stileid.u32  }
0xa2: {  	s1 =	rddreg [dreg:$0x1];
	p0 =	sne.s32 s2, $0x0  }
0xa3: {  	s3 =	rddreg [dreg:$0x2];
	[bflag:$0x3] =	sbarrier.arrive $0xFFFF;
	s2 =	simm.s32 @!p0 $0x1C05  }
0xa4: {  	[timem:s3], [sflag:s2] =	dma.local @!p0 [hbm:s0], s1  }
0xa5: {  	s0 =	simm.s32 @!p0 $0x5  }
0xa6: {  	_ =	swait.ge @!p0 [sflag:s0], s1  }
0xa7: {  	s1 =	ssub.s32 @!p0 $0x0, s1;
	[sflag:s0] =	ssyncset.done @!p0 $0x0  }
0xa8: {  	[sflag:s0] =	ssyncadd.s32 @!p0 s1  }
0xa9: {  	[bflag:$0x3] =	sbarrier.arrive $0xFFFF  }
0xaa: {  	_ =	shalt  }

// kernel: kernel.24.cloned.1.call-start
scs
__scs_entry_jumppad:
0x0: {  	(pc) =	sbr.rel $0x88, $3  }
0x1: {  	(tag) =	ssettag $0x0;
	lr =	simm.s32 $0x1  }
0x2: {  	[smem:$0x3F7E] =	sst lr;
	_ =	strace $0xD0000000  }
0x3: {  	_ = 	snop  }
0x4: {  	_ = 	snop  }
0x5: {  	_ = 	snop  }
0x6: {  	_ = 	snop  }
0x7: {  	_ = 	snop  }
__scs_overlays_trampoline_lowered:
0x8: {  	[smem:$0x3F8D] =	sst s0  }
0x9: {  	[smem:$0x3F8E] =	sst s1  }
0xa: {  	[smem:$0x3F8F] =	sst s2  }
0xb: {  	[smem:$0x3F90] =	sst s3  }
0xc: {  	[smem:$0x3F91] =	sst s4  }
0xd: {  	[smem:$0x3F92] =	sst s5  }
0xe: {  	[smem:$0x3F93] =	sst s6  }
0xf: {  	[smem:$0x3F94] =	sst s7  }
0x10: {  	[smem:$0x3F95] =	sst s8  }
0x11: {  	[smem:$0x3F96] =	sst s9;
	s0 =	simm.s32 @!p0 $0x0  }
0x12: {  	s1 =	sld [smem:$0x3F7C];
	s0 =	simm.s32 @p0 $0x1  }
0x13: {  	[smem:$0x3F97] =	sst s0;
	s0 =	simm.s32 @!p1 $0x0  }
0x14: {  	s2 =	sld [smem:$0x3F7B];
	s0 =	simm.s32 @p1 $0x1  }
0x15: {  	[smem:$0x3F98] =	sst s0;
	s0 =	simm.s32 @!p2 $0x0  }
0x16: {  	s3 =	sld [smem:$0x3FDB];
	s0 =	simm.s32 @p2 $0x1  }
0x17: {  	s4 =	simm.s32 $0x1BF5;
	[smem:$0x3F9A] =	sst s0  }
0x18: {  	s0 =	sld [smem:$0x3F7D];
	_ =	swait.ge [sflag:s4], $0x0  }
0x19: {  	s7 =	sld [smem:$0x3F7E]  }
0x1a: {  	s8 =	sadd.s32 $0xFFFFE003, lr  }
0x1b: {  	s9 =	sadd.s32 $0xFFFFFEF7, lr;
	s5 =	simm.s32 $0xFFFFFFFF;
	p2 =	slt.u32 s8, $0xFFFFF086  }
0x1c: {  	p1 =	slt.u32 s9, $0xF7A;
	s5 =	simm.s32 @!p2 $0x0  }
0x1d: {  	s5 =	simm.s32 @p1 $0x1;
	p0 =	seq.s32 s7, s2  }
0x1e: {  	s7 =	smul.u32 @!p0 $0xF7A, s2;
	p2 =	seq.s32 @!p0 s5, $0x0  }
0x1f: {  	s9 =	smul.u32 $0xF7A, s1;
	s8 =	simm.s32 @!p0 $0x1BF5;
	p2 =	por !p2, p0  }
0x20: {  	[sflag:s8] =	ssyncset.s32 @!p0 $0xFFFFF086;
	s6 =	sadd.s32 @!p0 s3, s7;
	s7 =	simm.s32 @!p0 $0x108  }
0x21: {  	s3 =	sadd.s32 s3, s9;
	s6 =	sadd.s32 @!p0 $0x88, s6;
	s7 =	simm.s32 @p2 $0x1082  }
0x22: {  	[simem:s7], [sflag:s8] =	dma.local @!p0 [hbm:s6], $0xF7A  }
0x23: {  	s9 =	sor.u32 $0xD0000000, s2;
	s6 =	simm.s32 $0x108;
	_ =	swait.ge @!p0 [sflag:s8], $0x0  }
0x24: {  	s3 =	sadd.s32 $0x88, s3;
	s6 =	simm.s32 @!p1 $0x1082;
	[sflag:s4] =	ssyncset.s32 $0xFFFFF086  }
0x25: {  	[simem:s6], [sflag:s4] =	dma.local [hbm:s3], $0xF7A  }
0x26: {  	[smem:$0x3F7E] =	sst s1;
	(tag) =	ssettag s2;
	_ =	strace s9  }
0x27: {  	s1 =	sld [smem:$0x3F8E]  }
0x28: {  	s2 =	sld [smem:$0x3F8F]  }
0x29: {  	s4 =	sld [smem:$0x3F91]  }
0x2a: {  	p0 =	seq.s32 s5, $0x0;
	s5 =	sld [smem:$0x3F92]  }
0x2b: {  	s6 =	sld [smem:$0x3F93]  }
0x2c: {  	s7 =	sld [smem:$0x3F94]  }
0x2d: {  	s3 =	simm.s32 $0x108;
	s8 =	sld [smem:$0x3F95]  }
0x2e: {  	s3 =	simm.s32 @!p0 $0x1082;
	s9 =	sld [smem:$0x3F96]  }
0x2f: {  	lr =	sadd.s32 s0, s3;
	s0 =	sld [smem:$0x3F8D]  }
0x30: {  	s3 =	sld [smem:$0x3F90]  }
0x31: {  	[smem:$0x3F99] =	sst s10  }
0x32: {  	s10 =	sld [smem:$0x3F97];
	_ =	sdelay $0x3  }
0x33: {  	p0 =	seq.s32 s10, $0x1;
	s10 =	sld [smem:$0x3F99];
	_ =	sdelay $0x3  }
0x34: {  	[smem:$0x3F99] =	sst s10  }
0x35: {  	s10 =	sld [smem:$0x3F98];
	_ =	sdelay $0x3  }
0x36: {  	p1 =	seq.s32 s10, $0x1;
	s10 =	sld [smem:$0x3F99];
	_ =	sdelay $0x3  }
0x37: {  	[smem:$0x3F99] =	sst s10  }
0x38: {  	s10 =	sld [smem:$0x3F9A]  }
0x39: {  	_ = 	snop;
	(pc) =	sbr.ind lr, $3  }
0x3a: {  	_ = 	snop  }
0x3b: {  	_ = 	snop  }
0x3c: {  	p2 =	seq.s32 s10, $0x1;
	s10 =	sld [smem:$0x3F99]  }
0x3d: {  	_ =	shalt  }
0x3e: {  	_ =	shalt  }
0x3f: {  	_ =	shalt  }
0x40: {  	_ =	shalt  }
0x41: {  	_ =	shalt  }
0x42: {  	_ =	shalt  }
0x43: {  	_ =	shalt  }
0x44: {  	_ =	shalt  }
0x45: {  	_ =	shalt  }
0x46: {  	_ =	shalt  }
0x47: {  	_ =	shalt  }
0x48: {  	_ =	shalt  }
0x49: {  	_ =	shalt  }
0x4a: {  	_ =	shalt  }
0x4b: {  	_ =	shalt  }
0x4c: {  	_ =	shalt  }
0x4d: {  	_ =	shalt  }
0x4e: {  	_ =	shalt  }
0x4f: {  	_ =	shalt  }
0x50: {  	_ =	shalt  }
0x51: {  	_ =	shalt  }
0x52: {  	_ =	shalt  }
0x53: {  	_ =	shalt  }
0x54: {  	_ =	shalt  }
0x55: {  	_ =	shalt  }
0x56: {  	_ =	shalt  }
0x57: {  	_ =	shalt  }
0x58: {  	_ =	shalt  }
0x59: {  	_ =	shalt  }
0x5a: {  	_ =	shalt  }
0x5b: {  	_ =	shalt  }
0x5c: {  	_ =	shalt  }
0x5d: {  	_ =	shalt  }
0x5e: {  	_ =	shalt  }
0x5f: {  	_ =	shalt  }
0x60: {  	_ =	shalt  }
0x61: {  	_ =	shalt  }
0x62: {  	_ =	shalt  }
0x63: {  	_ =	shalt  }
0x64: {  	_ =	shalt  }
0x65: {  	_ =	shalt  }
0x66: {  	_ =	shalt  }
0x67: {  	_ =	shalt  }
0x68: {  	_ =	shalt  }
0x69: {  	_ =	shalt  }
0x6a: {  	_ =	shalt  }
0x6b: {  	_ =	shalt  }
0x6c: {  	_ =	shalt  }
0x6d: {  	_ =	shalt  }
0x6e: {  	_ =	shalt  }
0x6f: {  	_ =	shalt  }
0x70: {  	_ =	shalt  }
0x71: {  	_ =	shalt  }
0x72: {  	_ =	shalt  }
0x73: {  	_ =	shalt  }
0x74: {  	_ =	shalt  }
0x75: {  	_ =	shalt  }
0x76: {  	_ =	shalt  }
0x77: {  	_ =	shalt  }
0x78: {  	_ =	shalt  }
0x79: {  	_ =	shalt  }
0x7a: {  	_ =	shalt  }
0x7b: {  	_ =	shalt  }
0x7c: {  	_ =	shalt  }
0x7d: {  	_ =	shalt  }
0x7e: {  	_ =	shalt  }
0x7f: {  	_ =	shalt  }
0x80: {  	_ =	shalt  }
0x81: {  	_ =	shalt  }
0x82: {  	_ =	shalt  }
0x83: {  	_ =	shalt  }
0x84: {  	_ =	shalt  }
0x85: {  	_ =	shalt  }
0x86: {  	_ =	shalt  }
0x87: {  	_ =	shalt  }
.Lfunc_end0:
.L_simem_size_0:
called_computation.4_lowered:
.L_overlay_start_0:
0x88: {  	s2 =	sld [smem:$0x3FD9]  }
0x89: {  	s3 =	sld [smem:$0x3FFE];
	_ =	sdelay $0x1  }
0x8a: {  	s1 =	srdreg.scid  }
0x8b: {  	s0 =	sand.u32 $0x1, s1  }
0x8c: {  	s16 =	sshll.u32 s0, $0xA;
	s2 =	sadd.s32 s3, s2  }
0x8d: {  	s2 =	sadd.s32 s2, s16  }
0x8e: {  	[smem:$0x3FA5] =	sst s2  }
0x8f: {  	_ = 	snop  }
0x90: {  	(tm) =	ssettm $0x1  }
0x91: {  	s17 =	sld [smem:$0x3FFB];
	_ =	sdelay $0x3  }
0x92: {  	_ =	strace s17  }
0x93: {  	s2 =	sld [smem:$0x3FFC];
	_ =	sdelay $0x3  }
0x94: {  	_ =	strace s2  }
0x95: {  	s2 =	sld [smem:$0x3FFD];
	_ =	sdelay $0x3  }
0x96: {  	_ =	strace s2  }
0x97: {  	_ =	strace $0x8FFFFFFF  }
0x98: {  	s18 =	sld [smem:$0x3FDB];
	_ =	sdelay $0x1  }
0x99: {  	s19 =	simm.s32 $_scs_section_size  }
0x9a: {  	s4 =	simm.s32 $_size__tile_overlayer_lowered;
	s5 =	simm.s32 $_tile_overlayer_lowered  }
0x9b: {  	s22 =	simm.s32 $0x1BFF;
	s21 =	sshll.u32 s5, $0x1;
	s2 =	sadd.s32 s19, s18  }
0x9c: {  	s6 =	simm.s32 $0x0;
	s20 =	sshll.u32 s4, $0x1;
	s4 =	sadd.s32 s21, s2  }
0x9d: {  	[timem:s6], [sflag:s22] =	dma.local [hbm:s4], s20  }
0x9e: {  	_ =	swait.ge [sflag:s22], s20  }
0x9f: {  	s3 =	ssub.s32 $0x0, s20;
	[sflag:s22] =	ssyncset.done $0x0  }
0xa0: {  	[sflag:s22] =	ssyncadd.s32 s3;
	_ =	sdelay $0x1  }
0xa1: {  	s23 =	simm.s32 $0x1B8B  }
0xa2: {  	_ =	swait.ge [sflag:s23], $0x1  }
0xa3: {  	[sflag:s23] =	ssyncset.done $0x0  }
0xa4: {  	s25 =	simm.s32 $0x1B8E;
	s24 =	sld [smem:$0x3FFE];
	[sflag:s23] =	ssyncadd.s32 $0xFFFFFFFF  }
0xa5: {  	s26 =	simm.s32 $execute0_lowered;
	[smem:$0x3FD2] =	sst s25  }
0xa6: {  	s4 =	sshll.u32 s26, $0x1;
	_ =	strace $0x80000052;
	[dreg:$0x1] =	wrdreg $0xFFFFFFFF  }
0xa7: {  	s28 =	simm.s32 $_size_execute0_lowered;
	s2 =	sadd.s32 s2, s4;
	[dreg:$0x0] =	wrdreg $0x0  }
0xa8: {  	s4 =	sshll.u32 s28, $0x1;
	[dreg:$0x2] =	wrdreg s2  }
0xa9: {  	[dreg:$0x3] =	wrdreg s4  }
0xaa: {  	[dreg:$0x4] =	wrdreg $0xC0  }
0xab: {  	_ =	task [dreg:s6], $0x5FFFF  }
0xac: {  	[dreg:$0x1] =	wrdreg $0xFFFFFFFF  }
0xad: {  	[dreg:$0x0] =	wrdreg $0x60  }
0xae: {  	[dreg:$0x2] =	wrdreg s24  }
0xaf: {  	[dreg:$0x3] =	wrdreg $0xA9000  }
0xb0: {  	[dreg:$0x4] =	wrdreg $0x9  }
0xb1: {  	_ =	task.clear_ibuf [dreg:s6], $0x5FFFF;
	_ =	strace $0x90000052  }
0xb2: {  	s29 =	simm.s32 $0x9;
	_ =	strace $0x80000054  }
0xb3: {  	_ =	swait.ge [sflag:s29], $0x1  }
0xb4: {  	[sflag:s29] =	ssyncadd.s32 $0xFFFFFFFF  }
0xb5: {  	_ =	strace $0x90000054  }
0xb6: {  	_ =	sfence  }
0xb7: {  	s30 =	sld [smem:$0x0];
	_ =	sdelay $0x2  }
0xb8: {  	s31 =	sshll.u32 s1, $0xD;
	s1 =	sshrl.u32 s1, $0x2  }
0xb9: {  	s3 =	sand.u32 $0x4000, s31;
	s1 =	sadd.s32 s1, s30  }
0xba: {  	s0 =	sor.u32 s3, s0;
	s1 =	sshll.u32 s1, $0x11  }
0xbb: {  	s0 =	sor.u32 s1, s0  }
0xbc: {  	s0 =	sadd.s32 $0x8F2B, s0  }
0xbd: {  	[sflag:s0] =	ssyncadd.remote.s32 $0x1  }
0xbe: {  	_ =	sfence.sel $0xFFFF  }
0xbf: {  	[dreg:$0x0] =	wrdreg $0xFFFFFFFF;
	(pc) =	sbr.abs _section_cstart, $3  }
0xc0: {  	[dreg:$0x1] =	wrdreg $0xFFFFFFFF  }
0xc1: {  	_ =	task.clear_ibuf [dreg:s6], $0x2FFFF;
	_ =	strace $0x9FFFFFFF  }
0xc2: {  	(tm) =	ssettm $0x7FFFFFFF  }
0xc3: {  	_ =	shalt  }
tec
execute0_lowered:
.L_overlay_start_1:
0x0: {  	(tag) =	ssettag $0x1  }
0x1: {  	s0 =	srdreg.scid;
	s1 =	rddreg [dreg:$0x0]  }
0x2: {  	s11 =	stileid.u32;
	s2 =	rddreg [dreg:$0x1]  }
0x3: {  	s28 =	simm.s32 $0x6900;
	s29 =	simm.s32 $0x3;
	s30 =	simm.s32 $0x1  }
0x4: {  	s31 =	simm.s32 $0x4;
	s0 =	sand.u32 $0x1, s0;
	s9 =	smul.u32 $0x50000, s11  }
0x5: {  	s5 =	sadd.s32 $0xDEA00, s1;
	s6 =	sadd.s32 $0x2800, s1;
	s15 =	smul.u32 $0x14000, s11  }
0x6: {  	s22 =	sadd.s32 $0x3DA00, s1;
	s3 =	sshll.u32 s0, $0x4;
	s10 =	ssub.s32 $0x2, s0  }
0x7: {  	s19 =	smul.u32 $0x140000, s0;
	s0 =	sshll.u32 s0, $0x8;
	s4 =	sor.u32 s11, s3  }
0x8: {  	s3 =	simm.s32 $0x0;
	s23 =	sshrl.u32 s10, $0x1;
	s9 =	sshrl.u32 s9, $0x2  }
0x9: {  	s16 =	sadd.s32 $0x4000, s15;
	s24 =	sadd.s32 $0x8000, s15;
	s18 =	sadd.s32 $0xC000, s15  }
0xa: {  	s20 =	sadd.s32 $0x10000, s15;
	s0 =	sadd.s32 $0xFFFFD900, s0;
	s4 =	smul.u32 $0x2800, s4  }
0xb: {  	[smem:$0x7FF] =	sst s3;
	s21 =	ssub.s32 s10, s23;
	s9 =	sadd.s32 s9, s2  }
0xc: {  	s10 =	sadd.s32 s16, s2;
	s11 =	sadd.s32 s24, s2;
	s12 =	sadd.s32 s18, s2  }
0xd: {  	s13 =	sadd.s32 s20, s2;
	s25 =	sadd.s32 s15, s19;
	s17 =	sadd.s32 s19, s16  }
0xe: {  	s23 =	sadd.s32 s19, s18;
	_ =	strace $0x80000053;
	[dreg:$0x4] =	wrdreg s22  }
0xf: {  	s17 =	sshrl.u32 s17, $0x3;
	s21 =	smax.u32 s21, $0x1;
	s7 =	sshrl.u32 s4, $0x3  }
0x10: {  	[dreg:$0x3] =	wrdreg s0;
	s0 =	simm.s32 $0x0;
	s8 =	sadd.s32 s7, s1  }
0x11: {  	s1 =	sadd.s32 $0x3E200, s1;
	s14 =	sadd.s32 s6, s7;
	s8 =	sadd.s32 $0xC800, s8  }
0x12: {  	s7 =	sshrl.u32 s25, $0x3;
	s26 =	sadd.s32 $0x10, s14;
	[dreg:$0x5] =	wrdreg s8  }
0x13: {  	s25 =	sadd.s32 s19, s20;
	s7 =	sadd.s32 s1, s7;
	[dreg:$0x6] =	wrdreg s26  }
0x14: {  	s17 =	sadd.s32 s1, s17;
	[dreg:$0x7] =	wrdreg s7;
	s8 =	sadd.s32 s19, s24  }
0x15: {  	s24 =	sshrl.u32 s23, $0x3;
	s26 =	sshrl.u32 s25, $0x3;
	s23 =	simm.s32 $0x2900  }
0x16: {  	s25 =	simm.s32 $0x2880;
	s22 =	sshrl.u32 s8, $0x3;
	s19 =	sadd.s32 s1, s24  }
0x17: {  	s20 =	sadd.s32 s1, s26;
	s24 =	simm.s32 $0x2800;
	s26 =	simm.s32 $0x80  }
0x18: {  	s18 =	sadd.s32 s1, s22;
	s22 =	simm.s32 $0x5;
	s1 =	simm.s32 $0x2  }
.LBB2_1:
0x19: {  	s7 =	rddreg [dreg:$0x5]  }
0x1a: {  	[tilespmem:s3], [sflag:$0x5] =	stream.linear.gather [hbm4b:s7+s3], $0x2800, $0x38;
	[tilespmem:$0x1E900] =	vst v63  }
0x1b: {  	_ =	swait.ge [sflag:s22], $0x2800  }
0x1c: {  	[sflag:s22] =	ssyncset.done $0x0  }
0x1d: {  	s15 =	rddreg [dreg:$0x4];
	[sflag:s22] =	ssyncadd.s32 $0xFFFFD800  }
0x1e: {  	[tilespmem:s23], [sflag:$0x5] =	stream.linear.gather [hbm4b:s15+s3], $0x4000, $0x38;
	[tilespmem:$0x1E900] =	vst v63  }
0x1f: {  	_ =	swait.ge [sflag:s22], $0x4000  }
0x20: {  	[sflag:s22] =	ssyncset.done $0x0  }
0x21: {  	[sflag:s22] =	ssyncadd.s32 $0xFFFFC000  }
0x22: {  	[spmem:s9] =	stream.linear.scatter [tilespmem:s23], [sflag:$0x5], $0x4000, $0x38;
	[tilespmem:$0x1E900] =	vst v63  }
0x23: {  	_ =	swait.ge [sflag:s22], $0x4000  }
0x24: {  	[sflag:s22] =	ssyncset.done $0x0  }
0x25: {  	[sflag:s22] =	ssyncadd.s32 $0xFFFFC000  }
0x26: {  	[spmem:s10] =	stream.linear.scatter [tilespmem:s23], [sflag:$0x5], $0x4000, $0x38;
	[tilespmem:$0x1E900] =	vst v63  }
0x27: {  	_ =	swait.ge [sflag:s22], $0x4000  }
0x28: {  	[sflag:s22] =	ssyncset.done $0x0  }
0x29: {  	[sflag:s22] =	ssyncadd.s32 $0xFFFFC000  }
0x2a: {  	[spmem:s11] =	stream.linear.scatter [tilespmem:s23], [sflag:$0x5], $0x4000, $0x38;
	[tilespmem:$0x1E900] =	vst v63  }
0x2b: {  	_ =	swait.ge [sflag:s22], $0x4000  }
0x2c: {  	[sflag:s22] =	ssyncset.done $0x0  }
0x2d: {  	[sflag:s22] =	ssyncadd.s32 $0xFFFFC000  }
0x2e: {  	[spmem:s12] =	stream.linear.scatter [tilespmem:s23], [sflag:$0x5], $0x4000, $0x38;
	[tilespmem:$0x1E900] =	vst v63  }
0x2f: {  	_ =	swait.ge [sflag:s22], $0x4000  }
0x30: {  	[sflag:s22] =	ssyncset.done $0x0  }
0x31: {  	[sflag:s22] =	ssyncadd.s32 $0xFFFFC000  }
0x32: {  	[spmem:s13] =	stream.linear.scatter [tilespmem:s23], [sflag:$0x5], $0x4000, $0x38;
	[tilespmem:$0x1E900] =	vst v63  }
0x33: {  	_ =	swait.ge [sflag:s22], $0x4000  }
0x34: {  	[sflag:s22] =	ssyncset.done $0x0  }
0x35: {  	[sflag:s22] =	ssyncadd.s32 $0xFFFFC000  }
0x36: {  	[bflag:$0x0] =	sbarrier.arrive $0xFFFF  }
0x37: {  	[tilespmem:s23], [sflag:$0x3] =	stream.indirect.gather [hbm4b:s5+s26], $0x80, s3, s26, $0xb8;
	[tilespmem:$0x1E900] =	vst v63  }
0x38: {  	_ = 	snop  }
0x39: {  	[tilespmem:s24], [sflag:$0x1] =	stream.linear.gather [hbm4b:s14+s3], $0x80, $0x38;
	[tilespmem:$0x1E900] =	vst v63  }
0x3a: {  	s8 =	simm.s32 $0x180;
	s7 =	simm.s32 $0x80;
	s16 =	rddreg [dreg:$0x6]  }
0x3b: {  	[tilespmem:s25], [sflag:$0x2] =	stream.linear.gather [hbm4b:s16+s3], $0x80, $0x38;
	[tilespmem:$0x1E900] =	vst v63  }
.LBB2_2:
0x3c: {  	[tilespmem:s28], [sflag:$0x4] =	stream.indirect.gather [hbm4b:s5+s26], $0x80, s7, s26, $0xb8;
	[tilespmem:$0x1E900] =	vst v63  }
0x3d: {  	_ =	swait.ge [sflag:s29], $0x4000  }
0x3e: {  	[sflag:s29] =	ssyncset.done $0x0  }
0x3f: {  	[sflag:s29] =	ssyncadd.s32 $0xFFFFC000  }
0x40: {  	s15 =	sadd.s32 $0xFFFFFF80, s8;
	_ =	swait.ge [sflag:s30], $0x80  }
0x41: {  	s16 =	sand.u32 $0xFFFFFC00, s15;
	[sflag:s30] =	ssyncset.done $0x0  }
0x42: {  	s15 =	sand.u32 $0x300, s15;
	s16 =	sadd.s32 s4, s16;
	[sflag:s30] =	ssyncadd.s32 $0xFFFFFF80  }
0x43: {  	[spmem:s2] =	stream.indirect.scatter.add.f32 [tilespmem:s23], [sflag:$0x5], $0x80, s24, s26, $0xb8;
	[tilespmem:$0x1E900] =	vst v63  }
0x44: {  	s15 =	sor.u32 s15, s16;
	_ =	swait.ge [sflag:s22], $0x4000  }
0x45: {  	s15 =	sshrl.u32 s15, $0x3;
	[sflag:s22] =	ssyncset.done $0x0  }
0x46: {  	s15 =	sadd.s32 s6, s15;
	[sflag:s22] =	ssyncadd.s32 $0xFFFFC000  }
0x47: {  	[tilespmem:s24], [sflag:$0x1] =	stream.linear.gather [hbm4b:s15+s3], $0x80, $0x38;
	[tilespmem:$0x1E900] =	vst v63  }
0x48: {  	s16 =	sadd.s32 $0x80, s7  }
0x49: {  	[tilespmem:s23], [sflag:$0x3] =	stream.indirect.gather [hbm4b:s5+s26], $0x80, s16, s26, $0xb8;
	[tilespmem:$0x1E900] =	vst v63  }
0x4a: {  	_ =	swait.ge [sflag:s31], $0x4000  }
0x4b: {  	[sflag:s31] =	ssyncset.done $0x0  }
0x4c: {  	[sflag:s31] =	ssyncadd.s32 $0xFFFFC000  }
0x4d: {  	_ =	swait.ge [sflag:s1], $0x80  }
0x4e: {  	[sflag:s1] =	ssyncset.done $0x0  }
0x4f: {  	s16 =	sand.u32 $0xFFFFFC00, s8;
	[sflag:s1] =	ssyncadd.s32 $0xFFFFFF80  }
0x50: {  	[spmem:s2] =	stream.indirect.scatter.add.f32 [tilespmem:s28], [sflag:$0x5], $0x80, s25, s26, $0xb8;
	[tilespmem:$0x1E900] =	vst v63  }
0x51: {  	s15 =	sadd.s32 s4, s16;
	s16 =	sand.u32 $0x380, s8;
	_ =	swait.ge [sflag:s22], $0x4000  }
0x52: {  	s8 =	sadd.s32 $0x100, s8;
	s15 =	sor.u32 s16, s15;
	s16 =	rddreg [dreg:$0x3]  }
0x53: {  	s16 =	sadd.s32 s8, s16  }
0x54: {  	p0 =	sne.s32 s16, $0x180  }
.Ltmp0:
0x55: {  	_ = 	snop;
	(pc) =	sbr.rel @p0 .LBB2_2-.Ltmp0, $4  }
0x56: {  	_ = 	snop  }
0x57: {  	s15 =	sshrl.u32 s15, $0x3;
	[sflag:s22] =	ssyncset.done $0x0  }
0x58: {  	s7 =	sadd.s32 $0x100, s7;
	s15 =	sadd.s32 s6, s15;
	[sflag:s22] =	ssyncadd.s32 $0xFFFFC000  }
0x59: {  	[tilespmem:s25], [sflag:$0x2] =	stream.linear.gather [hbm4b:s15+s3], $0x80, $0x38;
	[tilespmem:$0x1E900] =	vst v63  }
0x5a: {  	[tilespmem:s28], [sflag:$0x4] =	stream.indirect.gather [hbm4b:s5+s26], $0x80, s7, s26, $0xb8;
	[tilespmem:$0x1E900] =	vst v63  }
0x5b: {  	_ =	swait.ge [sflag:s29], $0x4000  }
0x5c: {  	[sflag:s29] =	ssyncset.done $0x0  }
0x5d: {  	[sflag:s29] =	ssyncadd.s32 $0xFFFFC000  }
0x5e: {  	_ =	swait.ge [sflag:s30], $0x80  }
0x5f: {  	[sflag:s30] =	ssyncset.done $0x0  }
0x60: {  	[sflag:s30] =	ssyncadd.s32 $0xFFFFFF80  }
0x61: {  	[spmem:s2] =	stream.indirect.scatter.add.f32 [tilespmem:s23], [sflag:$0x5], $0x80, s24, s26, $0xb8;
	[tilespmem:$0x1E900] =	vst v63  }
0x62: {  	_ =	swait.ge [sflag:s22], $0x4000  }
0x63: {  	[sflag:s22] =	ssyncset.done $0x0  }
0x64: {  	[sflag:s22] =	ssyncadd.s32 $0xFFFFC000  }
0x65: {  	_ =	swait.ge [sflag:s31], $0x4000  }
0x66: {  	[sflag:s31] =	ssyncset.done $0x0  }
0x67: {  	[sflag:s31] =	ssyncadd.s32 $0xFFFFC000  }
0x68: {  	_ =	swait.ge [sflag:s1], $0x80  }
0x69: {  	[sflag:s1] =	ssyncset.done $0x0  }
0x6a: {  	[sflag:s1] =	ssyncadd.s32 $0xFFFFFF80  }
0x6b: {  	[spmem:s2] =	stream.indirect.scatter.add.f32 [tilespmem:s28], [sflag:$0x5], $0x80, s25, s26, $0xb8;
	[tilespmem:$0x1E900] =	vst v63  }
0x6c: {  	_ =	swait.ge [sflag:s22], $0x4000  }
0x6d: {  	[sflag:s22] =	ssyncset.done $0x0  }
0x6e: {  	[sflag:s22] =	ssyncadd.s32 $0xFFFFC000  }
0x6f: {  	[bflag:$0x0] =	sbarrier.arrive $0xFFFF  }
0x70: {  	[tilespmem:s23], [sflag:$0x5] =	stream.linear.gather [spmem:s9], $0x4000, $0x38;
	[tilespmem:$0x1E900] =	vst v63  }
0x71: {  	_ =	swait.ge [sflag:s22], $0x4000  }
0x72: {  	[sflag:s22] =	ssyncset.done $0x0  }
0x73: {  	s16 =	rddreg [dreg:$0x7];
	[sflag:s22] =	ssyncadd.s32 $0xFFFFC000  }
0x74: {  	[hbm4b:s16+s3] =	stream.linear.scatter [tilespmem:s23], [sflag:$0x3], $0x4000, $0x38;
	[tilespmem:$0x1E900] =	vst v63  }
0x75: {  	_ = 	snop  }
0x76: {  	[tilespmem:s28], [sflag:$0x5] =	stream.linear.gather [spmem:s10], $0x4000, $0x38;
	[tilespmem:$0x1E900] =	vst v63  }
0x77: {  	_ =	swait.ge [sflag:s22], $0x4000  }
0x78: {  	[sflag:s22] =	ssyncset.done $0x0  }
0x79: {  	[sflag:s22] =	ssyncadd.s32 $0xFFFFC000  }
0x7a: {  	[hbm4b:s17+s3] =	stream.linear.scatter [tilespmem:s28], [sflag:$0x4], $0x4000, $0x38;
	[tilespmem:$0x1E900] =	vst v63  }
0x7b: {  	_ =	swait.ge [sflag:s29], $0x4000  }
0x7c: {  	[sflag:s29] =	ssyncset.done $0x0  }
0x7d: {  	[sflag:s29] =	ssyncadd.s32 $0xFFFFC000  }
0x7e: {  	[tilespmem:s23], [sflag:$0x5] =	stream.linear.gather [spmem:s11], $0x4000, $0x38;
	[tilespmem:$0x1E900] =	vst v63  }
0x7f: {  	_ =	swait.ge [sflag:s22], $0x4000  }
0x80: {  	[sflag:s22] =	ssyncset.done $0x0  }
0x81: {  	[sflag:s22] =	ssyncadd.s32 $0xFFFFC000  }
0x82: {  	[hbm4b:s18+s3] =	stream.linear.scatter [tilespmem:s23], [sflag:$0x3], $0x4000, $0x38;
	[tilespmem:$0x1E900] =	vst v63  }
0x83: {  	_ =	swait.ge [sflag:s31], $0x4000  }
0x84: {  	[sflag:s31] =	ssyncset.done $0x0  }
0x85: {  	[sflag:s31] =	ssyncadd.s32 $0xFFFFC000  }
0x86: {  	[tilespmem:s28], [sflag:$0x5] =	stream.linear.gather [spmem:s12], $0x4000, $0x38;
	[tilespmem:$0x1E900] =	vst v63  }
0x87: {  	_ =	swait.ge [sflag:s22], $0x4000  }
0x88: {  	[sflag:s22] =	ssyncset.done $0x0  }
0x89: {  	[sflag:s22] =	ssyncadd.s32 $0xFFFFC000  }
0x8a: {  	[hbm4b:s19+s3] =	stream.linear.scatter [tilespmem:s28], [sflag:$0x4], $0x4000, $0x38;
	[tilespmem:$0x1E900] =	vst v63  }
0x8b: {  	_ =	swait.ge [sflag:s29], $0x4000  }
0x8c: {  	[sflag:s29] =	ssyncset.done $0x0  }
0x8d: {  	[sflag:s29] =	ssyncadd.s32 $0xFFFFC000  }
0x8e: {  	[tilespmem:s23], [sflag:$0x5] =	stream.linear.gather [spmem:s13], $0x4000, $0x38;
	[tilespmem:$0x1E900] =	vst v63  }
0x8f: {  	_ =	swait.ge [sflag:s22], $0x4000  }
0x90: {  	[sflag:s22] =	ssyncset.done $0x0  }
0x91: {  	s0 =	sadd.s32 $0x1, s0;
	[sflag:s22] =	ssyncadd.s32 $0xFFFFC000  }
0x92: {  	[hbm4b:s20+s3] =	stream.linear.scatter [tilespmem:s23], [sflag:$0x3], $0x4000, $0x38;
	[tilespmem:$0x1E900] =	vst v63  }
0x93: {  	p0 =	sne.s32 s0, s21;
	_ =	swait.ge [sflag:s31], $0x4000  }
.Ltmp1:
0x94: {  	[sflag:s31] =	ssyncset.done $0x0;
	(pc) =	sbr.rel @p0 .LBB2_1-.Ltmp1, $4  }
0x95: {  	[sflag:s31] =	ssyncadd.s32 $0xFFFFC000  }
0x96: {  	_ =	swait.ge [sflag:s29], $0x4000  }
0x97: {  	[sflag:s29] =	ssyncset.done $0x0  }
0x98: {  	[sflag:s29] =	ssyncadd.s32 $0xFFFFC000  }
0x99: {  	_ =	sfence.sel $0x180000  }
0x9a: {  	[bflag:$0x0] =	sbarrier.arrive $0xFFFF  }
0x9b: {  	_ =	strace $0x90000053  }
0x9c: {  	s0 =	stileid.u32;
	[bflag:$0x2] =	sbarrier.arrive $0xFFFF  }
0x9d: {  	p0 =	sne.s32 s0, $0x0;
	s0 =	rddreg [dreg:$0x2]  }
0x9e: {  	s0 =	sadd.s32 @!p0 $0x100000, s0  }
0x9f: {  	[sflag:s0] =	ssyncadd.tile.s32 @!p0 $0x1;
	_ =	shalt  }
.Lfunc_end2:
_tile_overlayer_lowered:
.L_overlay_start_2:
0xa0: {  	(tag) =	ssettag $0x2  }
0xa1: {  	s0 =	rddreg [dreg:$0x0];
	s2 =	stileid.u32  }
0xa2: {  	s1 =	rddreg [dreg:$0x1];
	p0 =	sne.s32 s2, $0x0  }
0xa3: {  	s3 =	rddreg [dreg:$0x2];
	[bflag:$0x3] =	sbarrier.arrive $0xFFFF;
	s2 =	simm.s32 @!p0 $0x1C05  }
0xa4: {  	[timem:s3], [sflag:s2] =	dma.local @!p0 [hbm:s0], s1  }
0xa5: {  	s0 =	simm.s32 @!p0 $0x5  }
0xa6: {  	_ =	swait.ge @!p0 [sflag:s0], s1  }
0xa7: {  	s1 =	ssub.s32 @!p0 $0x0, s1;
	[sflag:s0] =	ssyncset.done @!p0 $0x0  }
0xa8: {  	[sflag:s0] =	ssyncadd.s32 @!p0 s1  }
0xa9: {  	[bflag:$0x3] =	sbarrier.arrive $0xFFFF  }
0xaa: {  	_ =	shalt  }

</sc_bundles>
